<compile_context>
chip_gen: v7x
topology: tpu7x:2x2x1
jax: 0.10.2.dev20260603
libtpu: 0.0.44.dev20260713+nightly
codegen_flags: <defaults>
</compile_context>

<pallas_src>
import functools

import jax
import jax.numpy as jnp
from jax import lax
from jax.experimental import pallas as pl
from jax.experimental.pallas import tpu as pltpu
from jax.experimental.pallas import tpu_sc as plsc

N = 10000
E = 320000
D = 128
BN_EPS = 1e-5

NC = 2
NS = 16
NW = NC * NS
CHUNK = 128
SUP = 8
ESUP = SUP * CHUNK
SUP0 = 10
SUP1 = 10
TSUP = NS * (SUP0 + SUP1)
E_PAD = TSUP * ESUP
N_PAD = 10240
RPT = N_PAD // NS


def _sc_aggregate(h, src3, dst3):
    mesh = plsc.VectorSubcoreMesh(core_axis_name="c", subcore_axis_name="s")

    @functools.partial(
        pl.kernel,
        out_type=jax.ShapeDtypeStruct((NC, N_PAD, D), jnp.float32),
        mesh=mesh,
        scratch_types=[
            pltpu.MemorySpace.VMEM_SHARED((N_PAD, D), jnp.float32),
            pltpu.MemorySpace.VMEM((2, SUP, CHUNK), jnp.int32),
            pltpu.MemorySpace.VMEM((2, SUP, CHUNK), jnp.int32),
            pltpu.MemorySpace.VMEM((CHUNK, D), jnp.float32),
            pltpu.MemorySpace.VMEM((CHUNK, D), jnp.float32),
            pltpu.SemaphoreType.DMA,
            pltpu.SemaphoreType.DMA,
            pltpu.SemaphoreType.DMA,
            pltpu.SemaphoreType.DMA,
            pltpu.SemaphoreType.DMA,
        ],
    )
    def agg_kernel(h_hbm, src_hbm, dst_hbm, out_hbm, acc, src_v, dst_v,
                   rows0, rows1, sem0, sem1, ssem0, ssem1, isem):
        c = lax.axis_index("c")
        s = lax.axis_index("s")
        rows = (rows0, rows1)
        sems = (sem0, sem1)
        ssems = (ssem0, ssem1)

        base = jnp.where(c == 0, s * SUP0, NS * SUP0 + s * SUP1)
        nsup = jnp.where(c == 0, SUP0, SUP1)

        def gather(idx_slice, b):
            pltpu.async_copy(h_hbm.at[idx_slice], rows[b], sems[b])

        def wait_gather(b):
            pltpu.make_async_copy(h_hbm.at[src_v.at[0, 0]], rows[b],
                                  sems[b]).wait()

        def scatter(idx_slice, b):
            pltpu.async_copy(rows[b], acc.at[idx_slice], ssems[b], add=True)

        def wait_scatter(b):
            pltpu.make_async_copy(rows[b], acc.at[dst_v.at[0, 0]],
                                  ssems[b]).wait()

        def prefetch_idx(gsup, p):
            pltpu.async_copy(src_hbm.at[gsup], src_v.at[p], isem)
            pltpu.async_copy(dst_hbm.at[gsup], dst_v.at[p], isem)

        def wait_idx():
            d = pltpu.make_async_copy(src_hbm.at[0], src_v.at[0], isem)
            d.wait()
            d.wait()

        with jax.named_scope("prime"):
            pltpu.sync_copy(src_hbm.at[base], src_v.at[0])
            pltpu.sync_copy(dst_hbm.at[base], dst_v.at[0])
            prefetch_idx(base + 1, 1)
            gather(src_v.at[0, 0], 0)

        with jax.named_scope("zero_acc"):
            zero = jnp.zeros((16,), jnp.float32)

            def zrow(i, _):
                for j in range(D // 16):
                    rows1[i, pl.ds(j * 16, 16)] = zero
                return 0

            lax.fori_loop(0, CHUNK, zrow, 0)
            for r in range(RPT // CHUNK):
                pltpu.sync_copy(rows1, acc.at[pl.ds(s * RPT + r * CHUNK, CHUNK)])
            plsc.subcore_barrier()

        def substep(gather_slice, dst_slice, b, first):
            if not first:
                wait_scatter(1 - b)
            if gather_slice is not None:
                gather(gather_slice, 1 - b)
            wait_gather(b)
            scatter(dst_slice, b)

        def do_super(sup, p, first_super, last_super):
            for k in range(SUP):
                b = k % 2
                first = first_super and k == 0
                if k < SUP - 1:
                    substep(src_v.at[p, k + 1], dst_v.at[p, k], b, first)
                elif not last_super:
                    wait_idx()
                    substep(src_v.at[1 - p, 0], dst_v.at[p, k], b, first)
                    @pl.when(sup + 2 < nsup)
                    def _():
                        prefetch_idx(base + sup + 2, p)
                else:
                    substep(None, dst_v.at[p, k], b, first)

        with jax.named_scope("edges"):
            do_super(0, 0, True, False)

            def super_body(sup, _):
                do_super(sup, lax.rem(sup, 2), False, False)
                return 0

            lax.fori_loop(1, nsup - 1, super_body, 0)
            do_super(nsup - 1, 1, False, True)
            wait_scatter(1)
        with jax.named_scope("post_barrier"):
            plsc.subcore_barrier()

        with jax.named_scope("copy_out"):
            pltpu.sync_copy(acc.at[pl.ds(s * RPT, RPT)],
                            out_hbm.at[c, pl.ds(s * RPT, RPT)])

    return agg_kernel(h, src3, dst3)


def _tc_mlp(x, p, Wa, ba, g, be, Wb, bb):

    def body(x_ref, p_ref, wa_ref, ba_ref, g_ref, be_ref, wb_ref,
             bb_ref, o_ref):
        h = x_ref[...] + p_ref[0, :N, :] + p_ref[1, :N, :]
        t = lax.dot_general(h, wa_ref[...], (((1,), (1,)), ((), ())),
                            preferred_element_type=jnp.float32) + ba_ref[...]
        mu = jnp.mean(t, axis=0, keepdims=True)
        msq = jnp.mean(t * t, axis=0, keepdims=True)
        var = msq - mu * mu
        t = (t - mu) * lax.rsqrt(var + BN_EPS) * g_ref[...] + be_ref[...]
        t = jnp.maximum(t, 0.0)
        o_ref[...] = lax.dot_general(t, wb_ref[...], (((1,), (1,)), ((), ())),
                                     preferred_element_type=jnp.float32) + bb_ref[...]

    return pl.pallas_call(
        body,
        out_shape=jax.ShapeDtypeStruct((N, D), jnp.float32),
    )(x, p, Wa, ba.reshape(1, D), g.reshape(1, D), be.reshape(1, D),
      Wb, bb.reshape(1, D))


def _layer(h, src3, dst3, Wa, ba, g, be, Wb, bb):
    p = _sc_aggregate(h, src3, dst3)
    return _tc_mlp(h, p, Wa, ba, g, be, Wb, bb)


def kernel(x, edge_index, W1a, b1a, g1, be1, W1b, b1b,
           W2a, b2a, g2, be2, W2b, b2b):
    src = edge_index[0]
    dst = edge_index[1]
    pad = E_PAD - E
    ar = jnp.arange(pad, dtype=jnp.int32)
    pad_src = ar % N
    pad_dst = N + ar % (N_PAD - N)
    src3 = jnp.concatenate([src, pad_src]).reshape(TSUP, SUP, CHUNK)
    dst3 = jnp.concatenate([dst, pad_dst]).reshape(TSUP, SUP, CHUNK)

    h = _layer(x, src3, dst3, W1a, b1a, g1, be1, W1b, b1b)
    h = _layer(h, src3, dst3, W2a, b2a, g2, be2, W2b, b2b)
    return h

# --- scband reference (transcript-rebuilt; emitter-appended) ---
"""Pipeline reference for scband-ginencoder-3882650435628 (READ-ONLY COPY).

The authoritative reference and input builder live on the scoring server;
editing this copy changes nothing except your own understanding.
"""

import jax, jax.numpy as jnp
import numpy as np

N, E, D, H = 10000, 320000, 128, 128
BN_EPS = 1e-5

def _init_linear(key, out_f, in_f):
    k1, k2 = jax.random.split(key)
    bound = 1.0 / np.sqrt(in_f)
    W = jax.random.uniform(k1, (out_f, in_f), minval=-bound, maxval=bound, dtype=jnp.float32)
    b = jax.random.uniform(k2, (out_f,), minval=-bound, maxval=bound, dtype=jnp.float32)
    return W, b

def setup_inputs(seed: int = 0):
    key = jax.random.key(seed)
    ks = jax.random.split(key, 8)
    x = jax.random.normal(ks[0], (N, D), dtype=jnp.float32)
    edge_index = jax.random.randint(ks[1], (2, E), 0, N, dtype=jnp.int32)
    W1a, b1a = _init_linear(ks[2], H, D)
    W1b, b1b = _init_linear(ks[3], H, H)
    W2a, b2a = _init_linear(ks[4], H, H)
    W2b, b2b = _init_linear(ks[5], H, H)
    g1 = jnp.ones((H,), jnp.float32); be1 = jnp.zeros((H,), jnp.float32)
    g2 = jnp.ones((H,), jnp.float32); be2 = jnp.zeros((H,), jnp.float32)
    return {"x": x, "edge_index": edge_index,
            "W1a": W1a, "b1a": b1a, "g1": g1, "be1": be1, "W1b": W1b, "b1b": b1b,
            "W2a": W2a, "b2a": b2a, "g2": g2, "be2": be2, "W2b": W2b, "b2b": b2b}

def _mlp(h, Wa, ba, g, be, Wb, bb):
    h = h @ Wa.T + ba
    mu = jnp.mean(h, axis=0)
    var = jnp.var(h, axis=0)
    h = (h - mu) * jax.lax.rsqrt(var + BN_EPS) * g + be
    h = jax.nn.relu(h)
    return h @ Wb.T + bb

def _gin_conv(h, edge_index, Wa, ba, g, be, Wb, bb):
    src = edge_index[0]
    dst = edge_index[1]
    agg = jnp.zeros_like(h).at[dst].add(h[src])
    # GINConv with eps=0: nn((1+eps)*x + sum of neighbor messages)
    return _mlp(h + agg, Wa, ba, g, be, Wb, bb)

def reference(x, edge_index, W1a, b1a, g1, be1, W1b, b1b, W2a, b2a, g2, be2, W2b, b2b):
    h = _gin_conv(x, edge_index, W1a, b1a, g1, be1, W1b, b1b)
    h = _gin_conv(h, edge_index, W2a, b2a, g2, be2, W2b, b2b)
    return h

if __name__ == "__main__":
    import jax
    _d = setup_inputs()
    print(jax.jit(kernel)(*tuple(_d.values())))

</pallas_src>

<mosaic_0001>
#map = affine_map<(d0, d1) -> (0, 0)>
#map1 = affine_map<(d0, d1) -> (0, 0, 0)>
module attributes {stable_mosaic.version = 14 : i64} {
  func.func @agg_kernel(%arg0: i32, %arg1: i32, %arg2: memref<10000x128xf32, #tpu.memory_space<hbm>>, %arg3: memref<320x8x128xi32, #tpu.memory_space<hbm>>, %arg4: memref<320x8x128xi32, #tpu.memory_space<hbm>>, %arg5: memref<2x10240x128xf32, #tpu.memory_space<hbm>>, %arg6: memref<10240x128xf32, #tpu.memory_space<vmem_shared>>, %arg7: memref<2x8x128xi32, #tpu.memory_space<vmem>>, %arg8: memref<2x8x128xi32, #tpu.memory_space<vmem>>, %arg9: memref<128x128xf32, #tpu.memory_space<vmem>>, %arg10: memref<128x128xf32, #tpu.memory_space<vmem>>, %arg11: memref<!tpu.dma_semaphore, #tpu.memory_space<semaphore_mem>>, %arg12: memref<!tpu.dma_semaphore, #tpu.memory_space<semaphore_mem>>, %arg13: memref<!tpu.dma_semaphore, #tpu.memory_space<semaphore_mem>>, %arg14: memref<!tpu.dma_semaphore, #tpu.memory_space<semaphore_mem>>, %arg15: memref<!tpu.dma_semaphore, #tpu.memory_space<semaphore_mem>>) attributes {dimension_semantics = [#tpu.dimension_semantics<core_parallel>, #tpu.dimension_semantics<subcore_parallel>], iteration_bounds = array<i64: 2, 16>, scalar_prefetch = 0 : i64, scratch_operands = 10 : i64, tpu.core_type = #tpu.core_type<sc_vector_subcore>, window_params = [{transform_indices = #map}, {transform_indices = #map1}, {transform_indices = #map1}, {transform_indices = #map1}]} {
    %eq3A = arith.constant 0 : i32
    %eq3A_0 = arith.cmpi eq, %arg0, %eq3A : i32
    %mul3A = arith.constant 10 : i32
    %mul3A_1 = arith.muli %arg1, %mul3A : i32
    %mul3A_2 = arith.constant 10 : i32
    %mul3A_3 = arith.muli %arg1, %mul3A_2 : i32
    %add3A = arith.constant 160 : i32
    %add3A_4 = arith.addi %add3A, %mul3A_3 : i32
    %select_n3A = arith.select %eq3A_0, %mul3A_1, %add3A_4 : i32
    %eq3A_5 = arith.constant 0 : i32
    %eq3A_6 = arith.cmpi eq, %arg0, %eq3A_5 : i32
    %jit3A = arith.constant 10 : i32
    %jit3A_7 = arith.constant 10 : i32
    %select_n3A_8 = arith.select %eq3A_6, %jit3A, %jit3A_7 : i32
    %run_scoped3A = arith.constant 0 : i32
    "tpu.trace_start"() <{level = 10 : i32, message = "prime"}> : () -> ()
    "tpu.region"() ({
      %run_scoped3A_640 = tpu.sem_alloc : memref<!tpu.dma_semaphore, #tpu.memory_space<semaphore_mem>>
      %dma_start3A_641 = arith.constant 0 : i32
      %dma_start3A_642 = arith.constant 0 : i32
      %dma_start3A_643 = tpu.memref_slice %arg7[%run_scoped3A, %dma_start3A_641, %dma_start3A_642] : memref<2x8x128xi32, #tpu.memory_space<vmem>> -> memref<1x8x128xi32, #tpu.memory_space<vmem>>
      %dma_start3A_644 = tpu.memref_squeeze %dma_start3A_643 : memref<1x8x128xi32, #tpu.memory_space<vmem>> -> memref<8x128xi32, #tpu.memory_space<vmem>>
      %dma_start3A_645 = arith.constant 0 : i32
      %dma_start3A_646 = arith.constant 0 : i32
      %dma_start3A_647 = tpu.memref_slice %arg3[%select_n3A, %dma_start3A_645, %dma_start3A_646] : memref<320x8x128xi32, #tpu.memory_space<hbm>> -> memref<1x8x128xi32, #tpu.memory_space<hbm>>
      %dma_start3A_648 = tpu.memref_squeeze %dma_start3A_647 : memref<1x8x128xi32, #tpu.memory_space<hbm>> -> memref<8x128xi32, #tpu.memory_space<hbm>>
      %dma_start3A_649 = arith.constant 0 : i32
      %dma_start3A_650 = arith.constant 0 : i32
      %dma_start3A_651 = tpu.memref_slice %arg7[%run_scoped3A, %dma_start3A_649, %dma_start3A_650] : memref<2x8x128xi32, #tpu.memory_space<vmem>> -> memref<1x8x128xi32, #tpu.memory_space<vmem>>
      %dma_start3A_652 = tpu.memref_squeeze %dma_start3A_651 : memref<1x8x128xi32, #tpu.memory_space<vmem>> -> memref<8x128xi32, #tpu.memory_space<vmem>>
      %dma_start3A_653 = arith.constant 0 : i32
      %dma_start3A_654 = arith.constant 0 : i32
      %dma_start3A_655 = tpu.memref_slice %arg3[%select_n3A, %dma_start3A_653, %dma_start3A_654] : memref<320x8x128xi32, #tpu.memory_space<hbm>> -> memref<1x8x128xi32, #tpu.memory_space<hbm>>
      %dma_start3A_656 = tpu.memref_squeeze %dma_start3A_655 : memref<1x8x128xi32, #tpu.memory_space<hbm>> -> memref<8x128xi32, #tpu.memory_space<hbm>>
      tpu.enqueue_dma source(%dma_start3A_656 : memref<8x128xi32, #tpu.memory_space<hbm>>) target(%dma_start3A_652 : memref<8x128xi32, #tpu.memory_space<vmem>>) target_semaphore(%run_scoped3A_640 : memref<!tpu.dma_semaphore, #tpu.memory_space<semaphore_mem>>)
      %dma_wait3A_657 = arith.constant 0 : i32
      %dma_wait3A_658 = arith.constant 0 : i32
      %dma_wait3A_659 = tpu.memref_slice %arg7[%run_scoped3A, %dma_wait3A_657, %dma_wait3A_658] : memref<2x8x128xi32, #tpu.memory_space<vmem>> -> memref<1x8x128xi32, #tpu.memory_space<vmem>>
      %dma_wait3A_660 = tpu.memref_squeeze %dma_wait3A_659 : memref<1x8x128xi32, #tpu.memory_space<vmem>> -> memref<8x128xi32, #tpu.memory_space<vmem>>
      %dma_wait3A_661 = arith.constant 0 : i32
      %dma_wait3A_662 = arith.constant 0 : i32
      %dma_wait3A_663 = tpu.memref_slice %arg3[%select_n3A, %dma_wait3A_661, %dma_wait3A_662] : memref<320x8x128xi32, #tpu.memory_space<hbm>> -> memref<1x8x128xi32, #tpu.memory_space<hbm>>
      %dma_wait3A_664 = tpu.memref_squeeze %dma_wait3A_663 : memref<1x8x128xi32, #tpu.memory_space<hbm>> -> memref<8x128xi32, #tpu.memory_space<hbm>>
      %dma_wait3A_665 = arith.constant 0 : i32
      %dma_wait3A_666 = arith.constant 0 : i32
      %dma_wait3A_667 = tpu.memref_slice %arg7[%run_scoped3A, %dma_wait3A_665, %dma_wait3A_666] : memref<2x8x128xi32, #tpu.memory_space<vmem>> -> memref<1x8x128xi32, #tpu.memory_space<vmem>>
      %dma_wait3A_668 = tpu.memref_squeeze %dma_wait3A_667 : memref<1x8x128xi32, #tpu.memory_space<vmem>> -> memref<8x128xi32, #tpu.memory_space<vmem>>
      %dma_wait3A_669 = arith.constant 0 : i32
      %dma_wait3A_670 = arith.constant 0 : i32
      %dma_wait3A_671 = tpu.memref_slice %arg3[%select_n3A, %dma_wait3A_669, %dma_wait3A_670] : memref<320x8x128xi32, #tpu.memory_space<hbm>> -> memref<1x8x128xi32, #tpu.memory_space<hbm>>
      %dma_wait3A_672 = tpu.memref_squeeze %dma_wait3A_671 : memref<1x8x128xi32, #tpu.memory_space<hbm>> -> memref<8x128xi32, #tpu.memory_space<hbm>>
      tpu.wait_dma2 semaphore(%run_scoped3A_640 : memref<!tpu.dma_semaphore, #tpu.memory_space<semaphore_mem>>) src(%dma_wait3A_672 : memref<8x128xi32, #tpu.memory_space<hbm>>) dst(%dma_wait3A_668 : memref<8x128xi32, #tpu.memory_space<vmem>>)
      tpu.yield
    }) : () -> ()
    %run_scoped3A_9 = arith.constant 0 : i32
    "tpu.region"() ({
      %run_scoped3A_640 = tpu.sem_alloc : memref<!tpu.dma_semaphore, #tpu.memory_space<semaphore_mem>>
      %dma_start3A_641 = arith.constant 0 : i32
      %dma_start3A_642 = arith.constant 0 : i32
      %dma_start3A_643 = tpu.memref_slice %arg8[%run_scoped3A_9, %dma_start3A_641, %dma_start3A_642] : memref<2x8x128xi32, #tpu.memory_space<vmem>> -> memref<1x8x128xi32, #tpu.memory_space<vmem>>
      %dma_start3A_644 = tpu.memref_squeeze %dma_start3A_643 : memref<1x8x128xi32, #tpu.memory_space<vmem>> -> memref<8x128xi32, #tpu.memory_space<vmem>>
      %dma_start3A_645 = arith.constant 0 : i32
      %dma_start3A_646 = arith.constant 0 : i32
      %dma_start3A_647 = tpu.memref_slice %arg4[%select_n3A, %dma_start3A_645, %dma_start3A_646] : memref<320x8x128xi32, #tpu.memory_space<hbm>> -> memref<1x8x128xi32, #tpu.memory_space<hbm>>
      %dma_start3A_648 = tpu.memref_squeeze %dma_start3A_647 : memref<1x8x128xi32, #tpu.memory_space<hbm>> -> memref<8x128xi32, #tpu.memory_space<hbm>>
      %dma_start3A_649 = arith.constant 0 : i32
      %dma_start3A_650 = arith.constant 0 : i32
      %dma_start3A_651 = tpu.memref_slice %arg8[%run_scoped3A_9, %dma_start3A_649, %dma_start3A_650] : memref<2x8x128xi32, #tpu.memory_space<vmem>> -> memref<1x8x128xi32, #tpu.memory_space<vmem>>
      %dma_start3A_652 = tpu.memref_squeeze %dma_start3A_651 : memref<1x8x128xi32, #tpu.memory_space<vmem>> -> memref<8x128xi32, #tpu.memory_space<vmem>>
      %dma_start3A_653 = arith.constant 0 : i32
      %dma_start3A_654 = arith.constant 0 : i32
      %dma_start3A_655 = tpu.memref_slice %arg4[%select_n3A, %dma_start3A_653, %dma_start3A_654] : memref<320x8x128xi32, #tpu.memory_space<hbm>> -> memref<1x8x128xi32, #tpu.memory_space<hbm>>
      %dma_start3A_656 = tpu.memref_squeeze %dma_start3A_655 : memref<1x8x128xi32, #tpu.memory_space<hbm>> -> memref<8x128xi32, #tpu.memory_space<hbm>>
      tpu.enqueue_dma source(%dma_start3A_656 : memref<8x128xi32, #tpu.memory_space<hbm>>) target(%dma_start3A_652 : memref<8x128xi32, #tpu.memory_space<vmem>>) target_semaphore(%run_scoped3A_640 : memref<!tpu.dma_semaphore, #tpu.memory_space<semaphore_mem>>)
      %dma_wait3A_657 = arith.constant 0 : i32
      %dma_wait3A_658 = arith.constant 0 : i32
      %dma_wait3A_659 = tpu.memref_slice %arg8[%run_scoped3A_9, %dma_wait3A_657, %dma_wait3A_658] : memref<2x8x128xi32, #tpu.memory_space<vmem>> -> memref<1x8x128xi32, #tpu.memory_space<vmem>>
      %dma_wait3A_660 = tpu.memref_squeeze %dma_wait3A_659 : memref<1x8x128xi32, #tpu.memory_space<vmem>> -> memref<8x128xi32, #tpu.memory_space<vmem>>
      %dma_wait3A_661 = arith.constant 0 : i32
      %dma_wait3A_662 = arith.constant 0 : i32
      %dma_wait3A_663 = tpu.memref_slice %arg4[%select_n3A, %dma_wait3A_661, %dma_wait3A_662] : memref<320x8x128xi32, #tpu.memory_space<hbm>> -> memref<1x8x128xi32, #tpu.memory_space<hbm>>
      %dma_wait3A_664 = tpu.memref_squeeze %dma_wait3A_663 : memref<1x8x128xi32, #tpu.memory_space<hbm>> -> memref<8x128xi32, #tpu.memory_space<hbm>>
      %dma_wait3A_665 = arith.constant 0 : i32
      %dma_wait3A_666 = arith.constant 0 : i32
      %dma_wait3A_667 = tpu.memref_slice %arg8[%run_scoped3A_9, %dma_wait3A_665, %dma_wait3A_666] : memref<2x8x128xi32, #tpu.memory_space<vmem>> -> memref<1x8x128xi32, #tpu.memory_space<vmem>>
      %dma_wait3A_668 = tpu.memref_squeeze %dma_wait3A_667 : memref<1x8x128xi32, #tpu.memory_space<vmem>> -> memref<8x128xi32, #tpu.memory_space<vmem>>
      %dma_wait3A_669 = arith.constant 0 : i32
      %dma_wait3A_670 = arith.constant 0 : i32
      %dma_wait3A_671 = tpu.memref_slice %arg4[%select_n3A, %dma_wait3A_669, %dma_wait3A_670] : memref<320x8x128xi32, #tpu.memory_space<hbm>> -> memref<1x8x128xi32, #tpu.memory_space<hbm>>
      %dma_wait3A_672 = tpu.memref_squeeze %dma_wait3A_671 : memref<1x8x128xi32, #tpu.memory_space<hbm>> -> memref<8x128xi32, #tpu.memory_space<hbm>>
      tpu.wait_dma2 semaphore(%run_scoped3A_640 : memref<!tpu.dma_semaphore, #tpu.memory_space<semaphore_mem>>) src(%dma_wait3A_672 : memref<8x128xi32, #tpu.memory_space<hbm>>) dst(%dma_wait3A_668 : memref<8x128xi32, #tpu.memory_space<vmem>>)
      tpu.yield
    }) : () -> ()
    %add3A_10 = arith.constant 1 : i32
    %add3A_11 = arith.addi %select_n3A, %add3A_10 : i32
    %dma_start3A = arith.constant 1 : i32
    %dma_start3A_12 = arith.constant 0 : i32
    %dma_start3A_13 = arith.constant 0 : i32
    %dma_start3A_14 = tpu.memref_slice %arg7[%dma_start3A, %dma_start3A_12, %dma_start3A_13] : memref<2x8x128xi32, #tpu.memory_space<vmem>> -> memref<1x8x128xi32, #tpu.memory_space<vmem>>
    %dma_start3A_15 = tpu.memref_squeeze %dma_start3A_14 : memref<1x8x128xi32, #tpu.memory_space<vmem>> -> memref<8x128xi32, #tpu.memory_space<vmem>>
    %dma_start3A_16 = arith.constant 0 : i32
    %dma_start3A_17 = arith.constant 0 : i32
    %dma_start3A_18 = tpu.memref_slice %arg3[%add3A_11, %dma_start3A_16, %dma_start3A_17] : memref<320x8x128xi32, #tpu.memory_space<hbm>> -> memref<1x8x128xi32, #tpu.memory_space<hbm>>
    %dma_start3A_19 = tpu.memref_squeeze %dma_start3A_18 : memref<1x8x128xi32, #tpu.memory_space<hbm>> -> memref<8x128xi32, #tpu.memory_space<hbm>>
    %dma_start3A_20 = arith.constant 0 : i32
    %dma_start3A_21 = arith.constant 0 : i32
    %dma_start3A_22 = tpu.memref_slice %arg7[%dma_start3A, %dma_start3A_20, %dma_start3A_21] : memref<2x8x128xi32, #tpu.memory_space<vmem>> -> memref<1x8x128xi32, #tpu.memory_space<vmem>>
    %dma_start3A_23 = tpu.memref_squeeze %dma_start3A_22 : memref<1x8x128xi32, #tpu.memory_space<vmem>> -> memref<8x128xi32, #tpu.memory_space<vmem>>
    %dma_start3A_24 = arith.constant 0 : i32
    %dma_start3A_25 = arith.constant 0 : i32
    %dma_start3A_26 = tpu.memref_slice %arg3[%add3A_11, %dma_start3A_24, %dma_start3A_25] : memref<320x8x128xi32, #tpu.memory_space<hbm>> -> memref<1x8x128xi32, #tpu.memory_space<hbm>>
    %dma_start3A_27 = tpu.memref_squeeze %dma_start3A_26 : memref<1x8x128xi32, #tpu.memory_space<hbm>> -> memref<8x128xi32, #tpu.memory_space<hbm>>
    tpu.enqueue_dma source(%dma_start3A_27 : memref<8x128xi32, #tpu.memory_space<hbm>>) target(%dma_start3A_23 : memref<8x128xi32, #tpu.memory_space<vmem>>) target_semaphore(%arg15 : memref<!tpu.dma_semaphore, #tpu.memory_space<semaphore_mem>>)
    %dma_start3A_28 = arith.constant 1 : i32
    %dma_start3A_29 = arith.constant 0 : i32
    %dma_start3A_30 = arith.constant 0 : i32
    %dma_start3A_31 = tpu.memref_slice %arg8[%dma_start3A_28, %dma_start3A_29, %dma_start3A_30] : memref<2x8x128xi32, #tpu.memory_space<vmem>> -> memref<1x8x128xi32, #tpu.memory_space<vmem>>
    %dma_start3A_32 = tpu.memref_squeeze %dma_start3A_31 : memref<1x8x128xi32, #tpu.memory_space<vmem>> -> memref<8x128xi32, #tpu.memory_space<vmem>>
    %dma_start3A_33 = arith.constant 0 : i32
    %dma_start3A_34 = arith.constant 0 : i32
    %dma_start3A_35 = tpu.memref_slice %arg4[%add3A_11, %dma_start3A_33, %dma_start3A_34] : memref<320x8x128xi32, #tpu.memory_space<hbm>> -> memref<1x8x128xi32, #tpu.memory_space<hbm>>
    %dma_start3A_36 = tpu.memref_squeeze %dma_start3A_35 : memref<1x8x128xi32, #tpu.memory_space<hbm>> -> memref<8x128xi32, #tpu.memory_space<hbm>>
    %dma_start3A_37 = arith.constant 0 : i32
    %dma_start3A_38 = arith.constant 0 : i32
    %dma_start3A_39 = tpu.memref_slice %arg8[%dma_start3A_28, %dma_start3A_37, %dma_start3A_38] : memref<2x8x128xi32, #tpu.memory_space<vmem>> -> memref<1x8x128xi32, #tpu.memory_space<vmem>>
    %dma_start3A_40 = tpu.memref_squeeze %dma_start3A_39 : memref<1x8x128xi32, #tpu.memory_space<vmem>> -> memref<8x128xi32, #tpu.memory_space<vmem>>
    %dma_start3A_41 = arith.constant 0 : i32
    %dma_start3A_42 = arith.constant 0 : i32
    %dma_start3A_43 = tpu.memref_slice %arg4[%add3A_11, %dma_start3A_41, %dma_start3A_42] : memref<320x8x128xi32, #tpu.memory_space<hbm>> -> memref<1x8x128xi32, #tpu.memory_space<hbm>>
    %dma_start3A_44 = tpu.memref_squeeze %dma_start3A_43 : memref<1x8x128xi32, #tpu.memory_space<hbm>> -> memref<8x128xi32, #tpu.memory_space<hbm>>
    tpu.enqueue_dma source(%dma_start3A_44 : memref<8x128xi32, #tpu.memory_space<hbm>>) target(%dma_start3A_40 : memref<8x128xi32, #tpu.memory_space<vmem>>) target_semaphore(%arg15 : memref<!tpu.dma_semaphore, #tpu.memory_space<semaphore_mem>>)
    %dma_start3A_45 = arith.constant 0 : i32
    %dma_start3A_46 = arith.constant 0 : i32
    %dma_start3A_47 = arith.constant 0 : i32
    %dma_start3A_48 = tpu.memref_slice %arg7[%dma_start3A_45, %dma_start3A_46, %dma_start3A_47] : memref<2x8x128xi32, #tpu.memory_space<vmem>> -> memref<1x1x128xi32, #tpu.memory_space<vmem>>
    %dma_start3A_49 = tpu.memref_squeeze %dma_start3A_48 : memref<1x1x128xi32, #tpu.memory_space<vmem>> -> memref<128xi32, #tpu.memory_space<vmem>>
    %dma_start3A_50 = arith.constant 0 : i32
    %dma_start3A_51 = arith.constant 0 : i32
    %dma_start3A_52 = tpu.memref_slice %arg2[%dma_start3A_50, %dma_start3A_51] : memref<10000x128xf32, #tpu.memory_space<hbm>> -> memref<10000x128xf32, #tpu.memory_space<hbm>>
    tpu.enqueue_indirect_dma source(%dma_start3A_52 : memref<10000x128xf32, #tpu.memory_space<hbm>>) target(%arg9 : memref<128x128xf32, #tpu.memory_space<vmem>>) offsets(%dma_start3A_49 : memref<128xi32, #tpu.memory_space<vmem>>) semaphore(%arg11 : memref<!tpu.dma_semaphore, #tpu.memory_space<semaphore_mem>>)
    %broadcast_in_dim3A = arith.constant 0.000000e+00 : f32
    "tpu.trace_stop"() : () -> ()
    "tpu.trace_start"() <{level = 10 : i32, message = "zero_acc"}> : () -> ()
    %broadcast_in_dim3A_53 = vector.broadcast %broadcast_in_dim3A : f32 to vector<16xf32>
    %scan3A = arith.constant 0 : i32
    %scan3A_54 = arith.constant 0 : i32
    %scan3A_55 = arith.constant 128 : i32
    %scan3A_56 = arith.addi %scan3A_54, %scan3A_55 : i32
    %scan3A_57 = arith.constant 1 : i32
    %scan3A_58 = scf.for %scan3A_640 = %scan3A_54 to %scan3A_56 step %scan3A_57 iter_args(%scan3A_641 = %scan3A) -> (i32)  : i32 {
      %swap3A = arith.index_cast %scan3A_640 : i32 to index
      %swap3A_642 = arith.constant 0 : index
      %swap3A_643 = tpu.vector_load %arg10[%swap3A, %swap3A_642] {strides = array<i32>} : memref<128x128xf32, #tpu.memory_space<vmem>>, vector<1x16xf32>,
      %swap3A_644 = vector.shape_cast %swap3A_643 : vector<1x16xf32> to vector<16xf32>
      %swap3A_645 = vector.shape_cast %broadcast_in_dim3A_53 : vector<16xf32> to vector<1x16xf32>
      tpu.vector_store %arg10[%swap3A, %swap3A_642], %swap3A_645 {strides = array<i32>} : memref<128x128xf32, #tpu.memory_space<vmem>>, vector<1x16xf32>,
      %swap3A_646 = arith.index_cast %scan3A_640 : i32 to index
      %swap3A_647 = arith.constant 16 : index
      %swap3A_648 = tpu.vector_load %arg10[%swap3A_646, %swap3A_647] {strides = array<i32>} : memref<128x128xf32, #tpu.memory_space<vmem>>, vector<1x16xf32>,
      %swap3A_649 = vector.shape_cast %swap3A_648 : vector<1x16xf32> to vector<16xf32>
      %swap3A_650 = vector.shape_cast %broadcast_in_dim3A_53 : vector<16xf32> to vector<1x16xf32>
      tpu.vector_store %arg10[%swap3A_646, %swap3A_647], %swap3A_650 {strides = array<i32>} : memref<128x128xf32, #tpu.memory_space<vmem>>, vector<1x16xf32>,
      %swap3A_651 = arith.index_cast %scan3A_640 : i32 to index
      %swap3A_652 = arith.constant 32 : index
      %swap3A_653 = tpu.vector_load %arg10[%swap3A_651, %swap3A_652] {strides = array<i32>} : memref<128x128xf32, #tpu.memory_space<vmem>>, vector<1x16xf32>,
      %swap3A_654 = vector.shape_cast %swap3A_653 : vector<1x16xf32> to vector<16xf32>
      %swap3A_655 = vector.shape_cast %broadcast_in_dim3A_53 : vector<16xf32> to vector<1x16xf32>
      tpu.vector_store %arg10[%swap3A_651, %swap3A_652], %swap3A_655 {strides = array<i32>} : memref<128x128xf32, #tpu.memory_space<vmem>>, vector<1x16xf32>,
      %swap3A_656 = arith.index_cast %scan3A_640 : i32 to index
      %swap3A_657 = arith.constant 48 : index
      %swap3A_658 = tpu.vector_load %arg10[%swap3A_656, %swap3A_657] {strides = array<i32>} : memref<128x128xf32, #tpu.memory_space<vmem>>, vector<1x16xf32>,
      %swap3A_659 = vector.shape_cast %swap3A_658 : vector<1x16xf32> to vector<16xf32>
      %swap3A_660 = vector.shape_cast %broadcast_in_dim3A_53 : vector<16xf32> to vector<1x16xf32>
      tpu.vector_store %arg10[%swap3A_656, %swap3A_657], %swap3A_660 {strides = array<i32>} : memref<128x128xf32, #tpu.memory_space<vmem>>, vector<1x16xf32>,
      %swap3A_661 = arith.index_cast %scan3A_640 : i32 to index
      %swap3A_662 = arith.constant 64 : index
      %swap3A_663 = tpu.vector_load %arg10[%swap3A_661, %swap3A_662] {strides = array<i32>} : memref<128x128xf32, #tpu.memory_space<vmem>>, vector<1x16xf32>,
      %swap3A_664 = vector.shape_cast %swap3A_663 : vector<1x16xf32> to vector<16xf32>
      %swap3A_665 = vector.shape_cast %broadcast_in_dim3A_53 : vector<16xf32> to vector<1x16xf32>
      tpu.vector_store %arg10[%swap3A_661, %swap3A_662], %swap3A_665 {strides = array<i32>} : memref<128x128xf32, #tpu.memory_space<vmem>>, vector<1x16xf32>,
      %swap3A_666 = arith.index_cast %scan3A_640 : i32 to index
      %swap3A_667 = arith.constant 80 : index
      %swap3A_668 = tpu.vector_load %arg10[%swap3A_666, %swap3A_667] {strides = array<i32>} : memref<128x128xf32, #tpu.memory_space<vmem>>, vector<1x16xf32>,
      %swap3A_669 = vector.shape_cast %swap3A_668 : vector<1x16xf32> to vector<16xf32>
      %swap3A_670 = vector.shape_cast %broadcast_in_dim3A_53 : vector<16xf32> to vector<1x16xf32>
      tpu.vector_store %arg10[%swap3A_666, %swap3A_667], %swap3A_670 {strides = array<i32>} : memref<128x128xf32, #tpu.memory_space<vmem>>, vector<1x16xf32>,
      %swap3A_671 = arith.index_cast %scan3A_640 : i32 to index
      %swap3A_672 = arith.constant 96 : index
      %swap3A_673 = tpu.vector_load %arg10[%swap3A_671, %swap3A_672] {strides = array<i32>} : memref<128x128xf32, #tpu.memory_space<vmem>>, vector<1x16xf32>,
      %swap3A_674 = vector.shape_cast %swap3A_673 : vector<1x16xf32> to vector<16xf32>
      %swap3A_675 = vector.shape_cast %broadcast_in_dim3A_53 : vector<16xf32> to vector<1x16xf32>
      tpu.vector_store %arg10[%swap3A_671, %swap3A_672], %swap3A_675 {strides = array<i32>} : memref<128x128xf32, #tpu.memory_space<vmem>>, vector<1x16xf32>,
      %swap3A_676 = arith.index_cast %scan3A_640 : i32 to index
      %swap3A_677 = arith.constant 112 : index
      %swap3A_678 = tpu.vector_load %arg10[%swap3A_676, %swap3A_677] {strides = array<i32>} : memref<128x128xf32, #tpu.memory_space<vmem>>, vector<1x16xf32>,
      %swap3A_679 = vector.shape_cast %swap3A_678 : vector<1x16xf32> to vector<16xf32>
      %swap3A_680 = vector.shape_cast %broadcast_in_dim3A_53 : vector<16xf32> to vector<1x16xf32>
      tpu.vector_store %arg10[%swap3A_676, %swap3A_677], %swap3A_680 {strides = array<i32>} : memref<128x128xf32, #tpu.memory_space<vmem>>, vector<1x16xf32>,
      %scan3A_681 = arith.constant 0 : i32
      scf.yield %scan3A_681 : i32
    }
    %scan3A_59 = arith.constant 128 : i32
    %mul3A_60 = arith.constant 640 : i32
    %mul3A_61 = arith.muli %arg1, %mul3A_60 : i32
    %add3A_62 = arith.constant 0 : i32
    %add3A_63 = arith.addi %mul3A_61, %add3A_62 : i32
    "tpu.region"() ({
      %run_scoped3A_640 = tpu.sem_alloc : memref<!tpu.dma_semaphore, #tpu.memory_space<semaphore_mem>>
      %dma_start3A_641 = arith.constant 0 : i32
      %dma_start3A_642 = tpu.memref_slice %arg6[%add3A_63, %dma_start3A_641] : memref<10240x128xf32, #tpu.memory_space<vmem_shared>> -> memref<128x128xf32, #tpu.memory_space<vmem_shared>>
      %dma_start3A_643 = arith.constant 0 : i32
      %dma_start3A_644 = tpu.memref_slice %arg6[%add3A_63, %dma_start3A_643] : memref<10240x128xf32, #tpu.memory_space<vmem_shared>> -> memref<128x128xf32, #tpu.memory_space<vmem_shared>>
      tpu.enqueue_dma source(%arg10 : memref<128x128xf32, #tpu.memory_space<vmem>>) target(%dma_start3A_644 : memref<128x128xf32, #tpu.memory_space<vmem_shared>>) target_semaphore(%run_scoped3A_640 : memref<!tpu.dma_semaphore, #tpu.memory_space<semaphore_mem>>)
      %dma_wait3A_645 = arith.constant 0 : i32
      %dma_wait3A_646 = tpu.memref_slice %arg6[%add3A_63, %dma_wait3A_645] : memref<10240x128xf32, #tpu.memory_space<vmem_shared>> -> memref<128x128xf32, #tpu.memory_space<vmem_shared>>
      %dma_wait3A_647 = arith.constant 0 : i32
      %dma_wait3A_648 = tpu.memref_slice %arg6[%add3A_63, %dma_wait3A_647] : memref<10240x128xf32, #tpu.memory_space<vmem_shared>> -> memref<128x128xf32, #tpu.memory_space<vmem_shared>>
      tpu.wait_dma2 semaphore(%run_scoped3A_640 : memref<!tpu.dma_semaphore, #tpu.memory_space<semaphore_mem>>) src(%arg10 : memref<128x128xf32, #tpu.memory_space<vmem>>) dst(%dma_wait3A_648 : memref<128x128xf32, #tpu.memory_space<vmem_shared>>)
      tpu.yield
    }) : () -> ()
    %mul3A_64 = arith.constant 640 : i32
    %mul3A_65 = arith.muli %arg1, %mul3A_64 : i32
    %add3A_66 = arith.constant 128 : i32
    %add3A_67 = arith.addi %mul3A_65, %add3A_66 : i32
    "tpu.region"() ({
      %run_scoped3A_640 = tpu.sem_alloc : memref<!tpu.dma_semaphore, #tpu.memory_space<semaphore_mem>>
      %dma_start3A_641 = arith.constant 0 : i32
      %dma_start3A_642 = tpu.memref_slice %arg6[%add3A_67, %dma_start3A_641] : memref<10240x128xf32, #tpu.memory_space<vmem_shared>> -> memref<128x128xf32, #tpu.memory_space<vmem_shared>>
      %dma_start3A_643 = arith.constant 0 : i32
      %dma_start3A_644 = tpu.memref_slice %arg6[%add3A_67, %dma_start3A_643] : memref<10240x128xf32, #tpu.memory_space<vmem_shared>> -> memref<128x128xf32, #tpu.memory_space<vmem_shared>>
      tpu.enqueue_dma source(%arg10 : memref<128x128xf32, #tpu.memory_space<vmem>>) target(%dma_start3A_644 : memref<128x128xf32, #tpu.memory_space<vmem_shared>>) target_semaphore(%run_scoped3A_640 : memref<!tpu.dma_semaphore, #tpu.memory_space<semaphore_mem>>)
      %dma_wait3A_645 = arith.constant 0 : i32
      %dma_wait3A_646 = tpu.memref_slice %arg6[%add3A_67, %dma_wait3A_645] : memref<10240x128xf32, #tpu.memory_space<vmem_shared>> -> memref<128x128xf32, #tpu.memory_space<vmem_shared>>
      %dma_wait3A_647 = arith.constant 0 : i32
      %dma_wait3A_648 = tpu.memref_slice %arg6[%add3A_67, %dma_wait3A_647] : memref<10240x128xf32, #tpu.memory_space<vmem_shared>> -> memref<128x128xf32, #tpu.memory_space<vmem_shared>>
      tpu.wait_dma2 semaphore(%run_scoped3A_640 : memref<!tpu.dma_semaphore, #tpu.memory_space<semaphore_mem>>) src(%arg10 : memref<128x128xf32, #tpu.memory_space<vmem>>) dst(%dma_wait3A_648 : memref<128x128xf32, #tpu.memory_space<vmem_shared>>)
      tpu.yield
    }) : () -> ()
    %mul3A_68 = arith.constant 640 : i32
    %mul3A_69 = arith.muli %arg1, %mul3A_68 : i32
    %add3A_70 = arith.constant 256 : i32
    %add3A_71 = arith.addi %mul3A_69, %add3A_70 : i32
    "tpu.region"() ({
      %run_scoped3A_640 = tpu.sem_alloc : memref<!tpu.dma_semaphore, #tpu.memory_space<semaphore_mem>>
      %dma_start3A_641 = arith.constant 0 : i32
      %dma_start3A_642 = tpu.memref_slice %arg6[%add3A_71, %dma_start3A_641] : memref<10240x128xf32, #tpu.memory_space<vmem_shared>> -> memref<128x128xf32, #tpu.memory_space<vmem_shared>>
      %dma_start3A_643 = arith.constant 0 : i32
      %dma_start3A_644 = tpu.memref_slice %arg6[%add3A_71, %dma_start3A_643] : memref<10240x128xf32, #tpu.memory_space<vmem_shared>> -> memref<128x128xf32, #tpu.memory_space<vmem_shared>>
      tpu.enqueue_dma source(%arg10 : memref<128x128xf32, #tpu.memory_space<vmem>>) target(%dma_start3A_644 : memref<128x128xf32, #tpu.memory_space<vmem_shared>>) target_semaphore(%run_scoped3A_640 : memref<!tpu.dma_semaphore, #tpu.memory_space<semaphore_mem>>)
      %dma_wait3A_645 = arith.constant 0 : i32
      %dma_wait3A_646 = tpu.memref_slice %arg6[%add3A_71, %dma_wait3A_645] : memref<10240x128xf32, #tpu.memory_space<vmem_shared>> -> memref<128x128xf32, #tpu.memory_space<vmem_shared>>
      %dma_wait3A_647 = arith.constant 0 : i32
      %dma_wait3A_648 = tpu.memref_slice %arg6[%add3A_71, %dma_wait3A_647] : memref<10240x128xf32, #tpu.memory_space<vmem_shared>> -> memref<128x128xf32, #tpu.memory_space<vmem_shared>>
      tpu.wait_dma2 semaphore(%run_scoped3A_640 : memref<!tpu.dma_semaphore, #tpu.memory_space<semaphore_mem>>) src(%arg10 : memref<128x128xf32, #tpu.memory_space<vmem>>) dst(%dma_wait3A_648 : memref<128x128xf32, #tpu.memory_space<vmem_shared>>)
      tpu.yield
    }) : () -> ()
    %mul3A_72 = arith.constant 640 : i32
    %mul3A_73 = arith.muli %arg1, %mul3A_72 : i32
    %add3A_74 = arith.constant 384 : i32
    %add3A_75 = arith.addi %mul3A_73, %add3A_74 : i32
    "tpu.region"() ({
      %run_scoped3A_640 = tpu.sem_alloc : memref<!tpu.dma_semaphore, #tpu.memory_space<semaphore_mem>>
      %dma_start3A_641 = arith.constant 0 : i32
      %dma_start3A_642 = tpu.memref_slice %arg6[%add3A_75, %dma_start3A_641] : memref<10240x128xf32, #tpu.memory_space<vmem_shared>> -> memref<128x128xf32, #tpu.memory_space<vmem_shared>>
      %dma_start3A_643 = arith.constant 0 : i32
      %dma_start3A_644 = tpu.memref_slice %arg6[%add3A_75, %dma_start3A_643] : memref<10240x128xf32, #tpu.memory_space<vmem_shared>> -> memref<128x128xf32, #tpu.memory_space<vmem_shared>>
      tpu.enqueue_dma source(%arg10 : memref<128x128xf32, #tpu.memory_space<vmem>>) target(%dma_start3A_644 : memref<128x128xf32, #tpu.memory_space<vmem_shared>>) target_semaphore(%run_scoped3A_640 : memref<!tpu.dma_semaphore, #tpu.memory_space<semaphore_mem>>)
      %dma_wait3A_645 = arith.constant 0 : i32
      %dma_wait3A_646 = tpu.memref_slice %arg6[%add3A_75, %dma_wait3A_645] : memref<10240x128xf32, #tpu.memory_space<vmem_shared>> -> memref<128x128xf32, #tpu.memory_space<vmem_shared>>
      %dma_wait3A_647 = arith.constant 0 : i32
      %dma_wait3A_648 = tpu.memref_slice %arg6[%add3A_75, %dma_wait3A_647] : memref<10240x128xf32, #tpu.memory_space<vmem_shared>> -> memref<128x128xf32, #tpu.memory_space<vmem_shared>>
      tpu.wait_dma2 semaphore(%run_scoped3A_640 : memref<!tpu.dma_semaphore, #tpu.memory_space<semaphore_mem>>) src(%arg10 : memref<128x128xf32, #tpu.memory_space<vmem>>) dst(%dma_wait3A_648 : memref<128x128xf32, #tpu.memory_space<vmem_shared>>)
      tpu.yield
    }) : () -> ()
    %mul3A_76 = arith.constant 640 : i32
    %mul3A_77 = arith.muli %arg1, %mul3A_76 : i32
    %add3A_78 = arith.constant 512 : i32
    %add3A_79 = arith.addi %mul3A_77, %add3A_78 : i32
    "tpu.region"() ({
      %run_scoped3A_640 = tpu.sem_alloc : memref<!tpu.dma_semaphore, #tpu.memory_space<semaphore_mem>>
      %dma_start3A_641 = arith.constant 0 : i32
      %dma_start3A_642 = tpu.memref_slice %arg6[%add3A_79, %dma_start3A_641] : memref<10240x128xf32, #tpu.memory_space<vmem_shared>> -> memref<128x128xf32, #tpu.memory_space<vmem_shared>>
      %dma_start3A_643 = arith.constant 0 : i32
      %dma_start3A_644 = tpu.memref_slice %arg6[%add3A_79, %dma_start3A_643] : memref<10240x128xf32, #tpu.memory_space<vmem_shared>> -> memref<128x128xf32, #tpu.memory_space<vmem_shared>>
      tpu.enqueue_dma source(%arg10 : memref<128x128xf32, #tpu.memory_space<vmem>>) target(%dma_start3A_644 : memref<128x128xf32, #tpu.memory_space<vmem_shared>>) target_semaphore(%run_scoped3A_640 : memref<!tpu.dma_semaphore, #tpu.memory_space<semaphore_mem>>)
      %dma_wait3A_645 = arith.constant 0 : i32
      %dma_wait3A_646 = tpu.memref_slice %arg6[%add3A_79, %dma_wait3A_645] : memref<10240x128xf32, #tpu.memory_space<vmem_shared>> -> memref<128x128xf32, #tpu.memory_space<vmem_shared>>
      %dma_wait3A_647 = arith.constant 0 : i32
      %dma_wait3A_648 = tpu.memref_slice %arg6[%add3A_79, %dma_wait3A_647] : memref<10240x128xf32, #tpu.memory_space<vmem_shared>> -> memref<128x128xf32, #tpu.memory_space<vmem_shared>>
      tpu.wait_dma2 semaphore(%run_scoped3A_640 : memref<!tpu.dma_semaphore, #tpu.memory_space<semaphore_mem>>) src(%arg10 : memref<128x128xf32, #tpu.memory_space<vmem>>) dst(%dma_wait3A_648 : memref<128x128xf32, #tpu.memory_space<vmem_shared>>)
      tpu.yield
    }) : () -> ()
    %barrier3A = arith.constant 0 : index
    tpu.barrier barrier_id(%barrier3A)
    %dma_start3A_80 = arith.constant 0 : i32
    %dma_start3A_81 = arith.constant 1 : i32
    "tpu.trace_stop"() : () -> ()
    "tpu.trace_start"() <{level = 10 : i32, message = "edges"}> : () -> ()
    %dma_start3A_82 = arith.constant 0 : i32
    %dma_start3A_83 = tpu.memref_slice %arg7[%dma_start3A_80, %dma_start3A_81, %dma_start3A_82] : memref<2x8x128xi32, #tpu.memory_space<vmem>> -> memref<1x1x128xi32, #tpu.memory_space<vmem>>
    %dma_start3A_84 = tpu.memref_squeeze %dma_start3A_83 : memref<1x1x128xi32, #tpu.memory_space<vmem>> -> memref<128xi32, #tpu.memory_space<vmem>>
    %dma_start3A_85 = arith.constant 0 : i32
    %dma_start3A_86 = arith.constant 0 : i32
    %dma_start3A_87 = tpu.memref_slice %arg2[%dma_start3A_85, %dma_start3A_86] : memref<10000x128xf32, #tpu.memory_space<hbm>> -> memref<10000x128xf32, #tpu.memory_space<hbm>>
    tpu.enqueue_indirect_dma source(%dma_start3A_87 : memref<10000x128xf32, #tpu.memory_space<hbm>>) target(%arg10 : memref<128x128xf32, #tpu.memory_space<vmem>>) offsets(%dma_start3A_84 : memref<128xi32, #tpu.memory_space<vmem>>) semaphore(%arg12 : memref<!tpu.dma_semaphore, #tpu.memory_space<semaphore_mem>>)
    %dma_wait3A = arith.constant 0 : i32
    %dma_wait3A_88 = arith.constant 0 : i32
    %dma_wait3A_89 = arith.constant 0 : i32
    %dma_wait3A_90 = tpu.memref_slice %arg7[%dma_wait3A, %dma_wait3A_88, %dma_wait3A_89] : memref<2x8x128xi32, #tpu.memory_space<vmem>> -> memref<1x1x128xi32, #tpu.memory_space<vmem>>
    %dma_wait3A_91 = tpu.memref_squeeze %dma_wait3A_90 : memref<1x1x128xi32, #tpu.memory_space<vmem>> -> memref<128xi32, #tpu.memory_space<vmem>>
    %dma_wait3A_92 = arith.constant 0 : i32
    %dma_wait3A_93 = arith.constant 0 : i32
    %dma_wait3A_94 = tpu.memref_slice %arg2[%dma_wait3A_92, %dma_wait3A_93] : memref<10000x128xf32, #tpu.memory_space<hbm>> -> memref<10000x128xf32, #tpu.memory_space<hbm>>
    tpu.wait_indirect_dma semaphore(%arg11 : memref<!tpu.dma_semaphore, #tpu.memory_space<semaphore_mem>>) src(%dma_wait3A_94 : memref<10000x128xf32, #tpu.memory_space<hbm>>) dst(%arg9 : memref<128x128xf32, #tpu.memory_space<vmem>>)
    %dma_start3A_95 = arith.constant 0 : i32
    %dma_start3A_96 = arith.constant 0 : i32
    %dma_start3A_97 = arith.constant 0 : i32
    %dma_start3A_98 = tpu.memref_slice %arg8[%dma_start3A_95, %dma_start3A_96, %dma_start3A_97] : memref<2x8x128xi32, #tpu.memory_space<vmem>> -> memref<1x1x128xi32, #tpu.memory_space<vmem>>
    %dma_start3A_99 = tpu.memref_squeeze %dma_start3A_98 : memref<1x1x128xi32, #tpu.memory_space<vmem>> -> memref<128xi32, #tpu.memory_space<vmem>>
    %dma_start3A_100 = arith.constant 0 : i32
    %dma_start3A_101 = arith.constant 0 : i32
    %dma_start3A_102 = tpu.memref_slice %arg6[%dma_start3A_100, %dma_start3A_101] : memref<10240x128xf32, #tpu.memory_space<vmem_shared>> -> memref<10240x128xf32, #tpu.memory_space<vmem_shared>>
    tpu.enqueue_indirect_dma source(%arg9 : memref<128x128xf32, #tpu.memory_space<vmem>>) target(%dma_start3A_102 : memref<10240x128xf32, #tpu.memory_space<vmem_shared>>) offsets(%dma_start3A_99 : memref<128xi32, #tpu.memory_space<vmem>>) semaphore(%arg13 : memref<!tpu.dma_semaphore, #tpu.memory_space<semaphore_mem>>) {add = true}
    %dma_wait3A_103 = arith.constant 0 : i32
    %dma_wait3A_104 = arith.constant 0 : i32
    %dma_wait3A_105 = arith.constant 0 : i32
    %dma_wait3A_106 = tpu.memref_slice %arg8[%dma_wait3A_103, %dma_wait3A_104, %dma_wait3A_105] : memref<2x8x128xi32, #tpu.memory_space<vmem>> -> memref<1x1x128xi32, #tpu.memory_space<vmem>>
    %dma_wait3A_107 = tpu.memref_squeeze %dma_wait3A_106 : memref<1x1x128xi32, #tpu.memory_space<vmem>> -> memref<128xi32, #tpu.memory_space<vmem>>
    %dma_wait3A_108 = arith.constant 0 : i32
    %dma_wait3A_109 = arith.constant 0 : i32
    %dma_wait3A_110 = tpu.memref_slice %arg6[%dma_wait3A_108, %dma_wait3A_109] : memref<10240x128xf32, #tpu.memory_space<vmem_shared>> -> memref<10240x128xf32, #tpu.memory_space<vmem_shared>>
    tpu.wait_indirect_dma semaphore(%arg13 : memref<!tpu.dma_semaphore, #tpu.memory_space<semaphore_mem>>) src(%arg9 : memref<128x128xf32, #tpu.memory_space<vmem>>) dst(%dma_wait3A_110 : memref<10240x128xf32, #tpu.memory_space<vmem_shared>>)
    %dma_start3A_111 = arith.constant 0 : i32
    %dma_start3A_112 = arith.constant 2 : i32
    %dma_start3A_113 = arith.constant 0 : i32
    %dma_start3A_114 = tpu.memref_slice %arg7[%dma_start3A_111, %dma_start3A_112, %dma_start3A_113] : memref<2x8x128xi32, #tpu.memory_space<vmem>> -> memref<1x1x128xi32, #tpu.memory_space<vmem>>
    %dma_start3A_115 = tpu.memref_squeeze %dma_start3A_114 : memref<1x1x128xi32, #tpu.memory_space<vmem>> -> memref<128xi32, #tpu.memory_space<vmem>>
    %dma_start3A_116 = arith.constant 0 : i32
    %dma_start3A_117 = arith.constant 0 : i32
    %dma_start3A_118 = tpu.memref_slice %arg2[%dma_start3A_116, %dma_start3A_117] : memref<10000x128xf32, #tpu.memory_space<hbm>> -> memref<10000x128xf32, #tpu.memory_space<hbm>>
    tpu.enqueue_indirect_dma source(%dma_start3A_118 : memref<10000x128xf32, #tpu.memory_space<hbm>>) target(%arg9 : memref<128x128xf32, #tpu.memory_space<vmem>>) offsets(%dma_start3A_115 : memref<128xi32, #tpu.memory_space<vmem>>) semaphore(%arg11 : memref<!tpu.dma_semaphore, #tpu.memory_space<semaphore_mem>>)
    %dma_wait3A_119 = arith.constant 0 : i32
    %dma_wait3A_120 = arith.constant 0 : i32
    %dma_wait3A_121 = arith.constant 0 : i32
    %dma_wait3A_122 = tpu.memref_slice %arg7[%dma_wait3A_119, %dma_wait3A_120, %dma_wait3A_121] : memref<2x8x128xi32, #tpu.memory_space<vmem>> -> memref<1x1x128xi32, #tpu.memory_space<vmem>>
    %dma_wait3A_123 = tpu.memref_squeeze %dma_wait3A_122 : memref<1x1x128xi32, #tpu.memory_space<vmem>> -> memref<128xi32, #tpu.memory_space<vmem>>
    %dma_wait3A_124 = arith.constant 0 : i32
    %dma_wait3A_125 = arith.constant 0 : i32
    %dma_wait3A_126 = tpu.memref_slice %arg2[%dma_wait3A_124, %dma_wait3A_125] : memref<10000x128xf32, #tpu.memory_space<hbm>> -> memref<10000x128xf32, #tpu.memory_space<hbm>>
    tpu.wait_indirect_dma semaphore(%arg12 : memref<!tpu.dma_semaphore, #tpu.memory_space<semaphore_mem>>) src(%dma_wait3A_126 : memref<10000x128xf32, #tpu.memory_space<hbm>>) dst(%arg10 : memref<128x128xf32, #tpu.memory_space<vmem>>)
    %dma_start3A_127 = arith.constant 0 : i32
    %dma_start3A_128 = arith.constant 1 : i32
    %dma_start3A_129 = arith.constant 0 : i32
    %dma_start3A_130 = tpu.memref_slice %arg8[%dma_start3A_127, %dma_start3A_128, %dma_start3A_129] : memref<2x8x128xi32, #tpu.memory_space<vmem>> -> memref<1x1x128xi32, #tpu.memory_space<vmem>>
    %dma_start3A_131 = tpu.memref_squeeze %dma_start3A_130 : memref<1x1x128xi32, #tpu.memory_space<vmem>> -> memref<128xi32, #tpu.memory_space<vmem>>
    %dma_start3A_132 = arith.constant 0 : i32
    %dma_start3A_133 = arith.constant 0 : i32
    %dma_start3A_134 = tpu.memref_slice %arg6[%dma_start3A_132, %dma_start3A_133] : memref<10240x128xf32, #tpu.memory_space<vmem_shared>> -> memref<10240x128xf32, #tpu.memory_space<vmem_shared>>
    tpu.enqueue_indirect_dma source(%arg10 : memref<128x128xf32, #tpu.memory_space<vmem>>) target(%dma_start3A_134 : memref<10240x128xf32, #tpu.memory_space<vmem_shared>>) offsets(%dma_start3A_131 : memref<128xi32, #tpu.memory_space<vmem>>) semaphore(%arg14 : memref<!tpu.dma_semaphore, #tpu.memory_space<semaphore_mem>>) {add = true}
    %dma_wait3A_135 = arith.constant 0 : i32
    %dma_wait3A_136 = arith.constant 0 : i32
    %dma_wait3A_137 = arith.constant 0 : i32
    %dma_wait3A_138 = tpu.memref_slice %arg8[%dma_wait3A_135, %dma_wait3A_136, %dma_wait3A_137] : memref<2x8x128xi32, #tpu.memory_space<vmem>> -> memref<1x1x128xi32, #tpu.memory_space<vmem>>
    %dma_wait3A_139 = tpu.memref_squeeze %dma_wait3A_138 : memref<1x1x128xi32, #tpu.memory_space<vmem>> -> memref<128xi32, #tpu.memory_space<vmem>>
    %dma_wait3A_140 = arith.constant 0 : i32
    %dma_wait3A_141 = arith.constant 0 : i32
    %dma_wait3A_142 = tpu.memref_slice %arg6[%dma_wait3A_140, %dma_wait3A_141] : memref<10240x128xf32, #tpu.memory_space<vmem_shared>> -> memref<10240x128xf32, #tpu.memory_space<vmem_shared>>
    tpu.wait_indirect_dma semaphore(%arg14 : memref<!tpu.dma_semaphore, #tpu.memory_space<semaphore_mem>>) src(%arg10 : memref<128x128xf32, #tpu.memory_space<vmem>>) dst(%dma_wait3A_142 : memref<10240x128xf32, #tpu.memory_space<vmem_shared>>)
    %dma_start3A_143 = arith.constant 0 : i32
    %dma_start3A_144 = arith.constant 3 : i32
    %dma_start3A_145 = arith.constant 0 : i32
    %dma_start3A_146 = tpu.memref_slice %arg7[%dma_start3A_143, %dma_start3A_144, %dma_start3A_145] : memref<2x8x128xi32, #tpu.memory_space<vmem>> -> memref<1x1x128xi32, #tpu.memory_space<vmem>>
    %dma_start3A_147 = tpu.memref_squeeze %dma_start3A_146 : memref<1x1x128xi32, #tpu.memory_space<vmem>> -> memref<128xi32, #tpu.memory_space<vmem>>
    %dma_start3A_148 = arith.constant 0 : i32
    %dma_start3A_149 = arith.constant 0 : i32
    %dma_start3A_150 = tpu.memref_slice %arg2[%dma_start3A_148, %dma_start3A_149] : memref<10000x128xf32, #tpu.memory_space<hbm>> -> memref<10000x128xf32, #tpu.memory_space<hbm>>
    tpu.enqueue_indirect_dma source(%dma_start3A_150 : memref<10000x128xf32, #tpu.memory_space<hbm>>) target(%arg10 : memref<128x128xf32, #tpu.memory_space<vmem>>) offsets(%dma_start3A_147 : memref<128xi32, #tpu.memory_space<vmem>>) semaphore(%arg12 : memref<!tpu.dma_semaphore, #tpu.memory_space<semaphore_mem>>)
    %dma_wait3A_151 = arith.constant 0 : i32
    %dma_wait3A_152 = arith.constant 0 : i32
    %dma_wait3A_153 = arith.constant 0 : i32
    %dma_wait3A_154 = tpu.memref_slice %arg7[%dma_wait3A_151, %dma_wait3A_152, %dma_wait3A_153] : memref<2x8x128xi32, #tpu.memory_space<vmem>> -> memref<1x1x128xi32, #tpu.memory_space<vmem>>
    %dma_wait3A_155 = tpu.memref_squeeze %dma_wait3A_154 : memref<1x1x128xi32, #tpu.memory_space<vmem>> -> memref<128xi32, #tpu.memory_space<vmem>>
    %dma_wait3A_156 = arith.constant 0 : i32
    %dma_wait3A_157 = arith.constant 0 : i32
    %dma_wait3A_158 = tpu.memref_slice %arg2[%dma_wait3A_156, %dma_wait3A_157] : memref<10000x128xf32, #tpu.memory_space<hbm>> -> memref<10000x128xf32, #tpu.memory_space<hbm>>
    tpu.wait_indirect_dma semaphore(%arg11 : memref<!tpu.dma_semaphore, #tpu.memory_space<semaphore_mem>>) src(%dma_wait3A_158 : memref<10000x128xf32, #tpu.memory_space<hbm>>) dst(%arg9 : memref<128x128xf32, #tpu.memory_space<vmem>>)
    %dma_start3A_159 = arith.constant 0 : i32
    %dma_start3A_160 = arith.constant 2 : i32
    %dma_start3A_161 = arith.constant 0 : i32
    %dma_start3A_162 = tpu.memref_slice %arg8[%dma_start3A_159, %dma_start3A_160, %dma_start3A_161] : memref<2x8x128xi32, #tpu.memory_space<vmem>> -> memref<1x1x128xi32, #tpu.memory_space<vmem>>
    %dma_start3A_163 = tpu.memref_squeeze %dma_start3A_162 : memref<1x1x128xi32, #tpu.memory_space<vmem>> -> memref<128xi32, #tpu.memory_space<vmem>>
    %dma_start3A_164 = arith.constant 0 : i32
    %dma_start3A_165 = arith.constant 0 : i32
    %dma_start3A_166 = tpu.memref_slice %arg6[%dma_start3A_164, %dma_start3A_165] : memref<10240x128xf32, #tpu.memory_space<vmem_shared>> -> memref<10240x128xf32, #tpu.memory_space<vmem_shared>>
    tpu.enqueue_indirect_dma source(%arg9 : memref<128x128xf32, #tpu.memory_space<vmem>>) target(%dma_start3A_166 : memref<10240x128xf32, #tpu.memory_space<vmem_shared>>) offsets(%dma_start3A_163 : memref<128xi32, #tpu.memory_space<vmem>>) semaphore(%arg13 : memref<!tpu.dma_semaphore, #tpu.memory_space<semaphore_mem>>) {add = true}
    %dma_wait3A_167 = arith.constant 0 : i32
    %dma_wait3A_168 = arith.constant 0 : i32
    %dma_wait3A_169 = arith.constant 0 : i32
    %dma_wait3A_170 = tpu.memref_slice %arg8[%dma_wait3A_167, %dma_wait3A_168, %dma_wait3A_169] : memref<2x8x128xi32, #tpu.memory_space<vmem>> -> memref<1x1x128xi32, #tpu.memory_space<vmem>>
    %dma_wait3A_171 = tpu.memref_squeeze %dma_wait3A_170 : memref<1x1x128xi32, #tpu.memory_space<vmem>> -> memref<128xi32, #tpu.memory_space<vmem>>
    %dma_wait3A_172 = arith.constant 0 : i32
    %dma_wait3A_173 = arith.constant 0 : i32
    %dma_wait3A_174 = tpu.memref_slice %arg6[%dma_wait3A_172, %dma_wait3A_173] : memref<10240x128xf32, #tpu.memory_space<vmem_shared>> -> memref<10240x128xf32, #tpu.memory_space<vmem_shared>>
    tpu.wait_indirect_dma semaphore(%arg13 : memref<!tpu.dma_semaphore, #tpu.memory_space<semaphore_mem>>) src(%arg9 : memref<128x128xf32, #tpu.memory_space<vmem>>) dst(%dma_wait3A_174 : memref<10240x128xf32, #tpu.memory_space<vmem_shared>>)
    %dma_start3A_175 = arith.constant 0 : i32
    %dma_start3A_176 = arith.constant 4 : i32
    %dma_start3A_177 = arith.constant 0 : i32
    %dma_start3A_178 = tpu.memref_slice %arg7[%dma_start3A_175, %dma_start3A_176, %dma_start3A_177] : memref<2x8x128xi32, #tpu.memory_space<vmem>> -> memref<1x1x128xi32, #tpu.memory_space<vmem>>
    %dma_start3A_179 = tpu.memref_squeeze %dma_start3A_178 : memref<1x1x128xi32, #tpu.memory_space<vmem>> -> memref<128xi32, #tpu.memory_space<vmem>>
    %dma_start3A_180 = arith.constant 0 : i32
    %dma_start3A_181 = arith.constant 0 : i32
    %dma_start3A_182 = tpu.memref_slice %arg2[%dma_start3A_180, %dma_start3A_181] : memref<10000x128xf32, #tpu.memory_space<hbm>> -> memref<10000x128xf32, #tpu.memory_space<hbm>>
    tpu.enqueue_indirect_dma source(%dma_start3A_182 : memref<10000x128xf32, #tpu.memory_space<hbm>>) target(%arg9 : memref<128x128xf32, #tpu.memory_space<vmem>>) offsets(%dma_start3A_179 : memref<128xi32, #tpu.memory_space<vmem>>) semaphore(%arg11 : memref<!tpu.dma_semaphore, #tpu.memory_space<semaphore_mem>>)
    %dma_wait3A_183 = arith.constant 0 : i32
    %dma_wait3A_184 = arith.constant 0 : i32
    %dma_wait3A_185 = arith.constant 0 : i32
    %dma_wait3A_186 = tpu.memref_slice %arg7[%dma_wait3A_183, %dma_wait3A_184, %dma_wait3A_185] : memref<2x8x128xi32, #tpu.memory_space<vmem>> -> memref<1x1x128xi32, #tpu.memory_space<vmem>>
    %dma_wait3A_187 = tpu.memref_squeeze %dma_wait3A_186 : memref<1x1x128xi32, #tpu.memory_space<vmem>> -> memref<128xi32, #tpu.memory_space<vmem>>
    %dma_wait3A_188 = arith.constant 0 : i32
    %dma_wait3A_189 = arith.constant 0 : i32
    %dma_wait3A_190 = tpu.memref_slice %arg2[%dma_wait3A_188, %dma_wait3A_189] : memref<10000x128xf32, #tpu.memory_space<hbm>> -> memref<10000x128xf32, #tpu.memory_space<hbm>>
    tpu.wait_indirect_dma semaphore(%arg12 : memref<!tpu.dma_semaphore, #tpu.memory_space<semaphore_mem>>) src(%dma_wait3A_190 : memref<10000x128xf32, #tpu.memory_space<hbm>>) dst(%arg10 : memref<128x128xf32, #tpu.memory_space<vmem>>)
    %dma_start3A_191 = arith.constant 0 : i32
    %dma_start3A_192 = arith.constant 3 : i32
    %dma_start3A_193 = arith.constant 0 : i32
    %dma_start3A_194 = tpu.memref_slice %arg8[%dma_start3A_191, %dma_start3A_192, %dma_start3A_193] : memref<2x8x128xi32, #tpu.memory_space<vmem>> -> memref<1x1x128xi32, #tpu.memory_space<vmem>>
    %dma_start3A_195 = tpu.memref_squeeze %dma_start3A_194 : memref<1x1x128xi32, #tpu.memory_space<vmem>> -> memref<128xi32, #tpu.memory_space<vmem>>
    %dma_start3A_196 = arith.constant 0 : i32
    %dma_start3A_197 = arith.constant 0 : i32
    %dma_start3A_198 = tpu.memref_slice %arg6[%dma_start3A_196, %dma_start3A_197] : memref<10240x128xf32, #tpu.memory_space<vmem_shared>> -> memref<10240x128xf32, #tpu.memory_space<vmem_shared>>
    tpu.enqueue_indirect_dma source(%arg10 : memref<128x128xf32, #tpu.memory_space<vmem>>) target(%dma_start3A_198 : memref<10240x128xf32, #tpu.memory_space<vmem_shared>>) offsets(%dma_start3A_195 : memref<128xi32, #tpu.memory_space<vmem>>) semaphore(%arg14 : memref<!tpu.dma_semaphore, #tpu.memory_space<semaphore_mem>>) {add = true}
    %dma_wait3A_199 = arith.constant 0 : i32
    %dma_wait3A_200 = arith.constant 0 : i32
    %dma_wait3A_201 = arith.constant 0 : i32
    %dma_wait3A_202 = tpu.memref_slice %arg8[%dma_wait3A_199, %dma_wait3A_200, %dma_wait3A_201] : memref<2x8x128xi32, #tpu.memory_space<vmem>> -> memref<1x1x128xi32, #tpu.memory_space<vmem>>
    %dma_wait3A_203 = tpu.memref_squeeze %dma_wait3A_202 : memref<1x1x128xi32, #tpu.memory_space<vmem>> -> memref<128xi32, #tpu.memory_space<vmem>>
    %dma_wait3A_204 = arith.constant 0 : i32
    %dma_wait3A_205 = arith.constant 0 : i32
    %dma_wait3A_206 = tpu.memref_slice %arg6[%dma_wait3A_204, %dma_wait3A_205] : memref<10240x128xf32, #tpu.memory_space<vmem_shared>> -> memref<10240x128xf32, #tpu.memory_space<vmem_shared>>
    tpu.wait_indirect_dma semaphore(%arg14 : memref<!tpu.dma_semaphore, #tpu.memory_space<semaphore_mem>>) src(%arg10 : memref<128x128xf32, #tpu.memory_space<vmem>>) dst(%dma_wait3A_206 : memref<10240x128xf32, #tpu.memory_space<vmem_shared>>)
    %dma_start3A_207 = arith.constant 0 : i32
    %dma_start3A_208 = arith.constant 5 : i32
    %dma_start3A_209 = arith.constant 0 : i32
    %dma_start3A_210 = tpu.memref_slice %arg7[%dma_start3A_207, %dma_start3A_208, %dma_start3A_209] : memref<2x8x128xi32, #tpu.memory_space<vmem>> -> memref<1x1x128xi32, #tpu.memory_space<vmem>>
    %dma_start3A_211 = tpu.memref_squeeze %dma_start3A_210 : memref<1x1x128xi32, #tpu.memory_space<vmem>> -> memref<128xi32, #tpu.memory_space<vmem>>
    %dma_start3A_212 = arith.constant 0 : i32
    %dma_start3A_213 = arith.constant 0 : i32
    %dma_start3A_214 = tpu.memref_slice %arg2[%dma_start3A_212, %dma_start3A_213] : memref<10000x128xf32, #tpu.memory_space<hbm>> -> memref<10000x128xf32, #tpu.memory_space<hbm>>
    tpu.enqueue_indirect_dma source(%dma_start3A_214 : memref<10000x128xf32, #tpu.memory_space<hbm>>) target(%arg10 : memref<128x128xf32, #tpu.memory_space<vmem>>) offsets(%dma_start3A_211 : memref<128xi32, #tpu.memory_space<vmem>>) semaphore(%arg12 : memref<!tpu.dma_semaphore, #tpu.memory_space<semaphore_mem>>)
    %dma_wait3A_215 = arith.constant 0 : i32
    %dma_wait3A_216 = arith.constant 0 : i32
    %dma_wait3A_217 = arith.constant 0 : i32
    %dma_wait3A_218 = tpu.memref_slice %arg7[%dma_wait3A_215, %dma_wait3A_216, %dma_wait3A_217] : memref<2x8x128xi32, #tpu.memory_space<vmem>> -> memref<1x1x128xi32, #tpu.memory_space<vmem>>
    %dma_wait3A_219 = tpu.memref_squeeze %dma_wait3A_218 : memref<1x1x128xi32, #tpu.memory_space<vmem>> -> memref<128xi32, #tpu.memory_space<vmem>>
    %dma_wait3A_220 = arith.constant 0 : i32
    %dma_wait3A_221 = arith.constant 0 : i32
    %dma_wait3A_222 = tpu.memref_slice %arg2[%dma_wait3A_220, %dma_wait3A_221] : memref<10000x128xf32, #tpu.memory_space<hbm>> -> memref<10000x128xf32, #tpu.memory_space<hbm>>
    tpu.wait_indirect_dma semaphore(%arg11 : memref<!tpu.dma_semaphore, #tpu.memory_space<semaphore_mem>>) src(%dma_wait3A_222 : memref<10000x128xf32, #tpu.memory_space<hbm>>) dst(%arg9 : memref<128x128xf32, #tpu.memory_space<vmem>>)
    %dma_start3A_223 = arith.constant 0 : i32
    %dma_start3A_224 = arith.constant 4 : i32
    %dma_start3A_225 = arith.constant 0 : i32
    %dma_start3A_226 = tpu.memref_slice %arg8[%dma_start3A_223, %dma_start3A_224, %dma_start3A_225] : memref<2x8x128xi32, #tpu.memory_space<vmem>> -> memref<1x1x128xi32, #tpu.memory_space<vmem>>
    %dma_start3A_227 = tpu.memref_squeeze %dma_start3A_226 : memref<1x1x128xi32, #tpu.memory_space<vmem>> -> memref<128xi32, #tpu.memory_space<vmem>>
    %dma_start3A_228 = arith.constant 0 : i32
    %dma_start3A_229 = arith.constant 0 : i32
    %dma_start3A_230 = tpu.memref_slice %arg6[%dma_start3A_228, %dma_start3A_229] : memref<10240x128xf32, #tpu.memory_space<vmem_shared>> -> memref<10240x128xf32, #tpu.memory_space<vmem_shared>>
    tpu.enqueue_indirect_dma source(%arg9 : memref<128x128xf32, #tpu.memory_space<vmem>>) target(%dma_start3A_230 : memref<10240x128xf32, #tpu.memory_space<vmem_shared>>) offsets(%dma_start3A_227 : memref<128xi32, #tpu.memory_space<vmem>>) semaphore(%arg13 : memref<!tpu.dma_semaphore, #tpu.memory_space<semaphore_mem>>) {add = true}
    %dma_wait3A_231 = arith.constant 0 : i32
    %dma_wait3A_232 = arith.constant 0 : i32
    %dma_wait3A_233 = arith.constant 0 : i32
    %dma_wait3A_234 = tpu.memref_slice %arg8[%dma_wait3A_231, %dma_wait3A_232, %dma_wait3A_233] : memref<2x8x128xi32, #tpu.memory_space<vmem>> -> memref<1x1x128xi32, #tpu.memory_space<vmem>>
    %dma_wait3A_235 = tpu.memref_squeeze %dma_wait3A_234 : memref<1x1x128xi32, #tpu.memory_space<vmem>> -> memref<128xi32, #tpu.memory_space<vmem>>
    %dma_wait3A_236 = arith.constant 0 : i32
    %dma_wait3A_237 = arith.constant 0 : i32
    %dma_wait3A_238 = tpu.memref_slice %arg6[%dma_wait3A_236, %dma_wait3A_237] : memref<10240x128xf32, #tpu.memory_space<vmem_shared>> -> memref<10240x128xf32, #tpu.memory_space<vmem_shared>>
    tpu.wait_indirect_dma semaphore(%arg13 : memref<!tpu.dma_semaphore, #tpu.memory_space<semaphore_mem>>) src(%arg9 : memref<128x128xf32, #tpu.memory_space<vmem>>) dst(%dma_wait3A_238 : memref<10240x128xf32, #tpu.memory_space<vmem_shared>>)
    %dma_start3A_239 = arith.constant 0 : i32
    %dma_start3A_240 = arith.constant 6 : i32
    %dma_start3A_241 = arith.constant 0 : i32
    %dma_start3A_242 = tpu.memref_slice %arg7[%dma_start3A_239, %dma_start3A_240, %dma_start3A_241] : memref<2x8x128xi32, #tpu.memory_space<vmem>> -> memref<1x1x128xi32, #tpu.memory_space<vmem>>
    %dma_start3A_243 = tpu.memref_squeeze %dma_start3A_242 : memref<1x1x128xi32, #tpu.memory_space<vmem>> -> memref<128xi32, #tpu.memory_space<vmem>>
    %dma_start3A_244 = arith.constant 0 : i32
    %dma_start3A_245 = arith.constant 0 : i32
    %dma_start3A_246 = tpu.memref_slice %arg2[%dma_start3A_244, %dma_start3A_245] : memref<10000x128xf32, #tpu.memory_space<hbm>> -> memref<10000x128xf32, #tpu.memory_space<hbm>>
    tpu.enqueue_indirect_dma source(%dma_start3A_246 : memref<10000x128xf32, #tpu.memory_space<hbm>>) target(%arg9 : memref<128x128xf32, #tpu.memory_space<vmem>>) offsets(%dma_start3A_243 : memref<128xi32, #tpu.memory_space<vmem>>) semaphore(%arg11 : memref<!tpu.dma_semaphore, #tpu.memory_space<semaphore_mem>>)
    %dma_wait3A_247 = arith.constant 0 : i32
    %dma_wait3A_248 = arith.constant 0 : i32
    %dma_wait3A_249 = arith.constant 0 : i32
    %dma_wait3A_250 = tpu.memref_slice %arg7[%dma_wait3A_247, %dma_wait3A_248, %dma_wait3A_249] : memref<2x8x128xi32, #tpu.memory_space<vmem>> -> memref<1x1x128xi32, #tpu.memory_space<vmem>>
    %dma_wait3A_251 = tpu.memref_squeeze %dma_wait3A_250 : memref<1x1x128xi32, #tpu.memory_space<vmem>> -> memref<128xi32, #tpu.memory_space<vmem>>
    %dma_wait3A_252 = arith.constant 0 : i32
    %dma_wait3A_253 = arith.constant 0 : i32
    %dma_wait3A_254 = tpu.memref_slice %arg2[%dma_wait3A_252, %dma_wait3A_253] : memref<10000x128xf32, #tpu.memory_space<hbm>> -> memref<10000x128xf32, #tpu.memory_space<hbm>>
    tpu.wait_indirect_dma semaphore(%arg12 : memref<!tpu.dma_semaphore, #tpu.memory_space<semaphore_mem>>) src(%dma_wait3A_254 : memref<10000x128xf32, #tpu.memory_space<hbm>>) dst(%arg10 : memref<128x128xf32, #tpu.memory_space<vmem>>)
    %dma_start3A_255 = arith.constant 0 : i32
    %dma_start3A_256 = arith.constant 5 : i32
    %dma_start3A_257 = arith.constant 0 : i32
    %dma_start3A_258 = tpu.memref_slice %arg8[%dma_start3A_255, %dma_start3A_256, %dma_start3A_257] : memref<2x8x128xi32, #tpu.memory_space<vmem>> -> memref<1x1x128xi32, #tpu.memory_space<vmem>>
    %dma_start3A_259 = tpu.memref_squeeze %dma_start3A_258 : memref<1x1x128xi32, #tpu.memory_space<vmem>> -> memref<128xi32, #tpu.memory_space<vmem>>
    %dma_start3A_260 = arith.constant 0 : i32
    %dma_start3A_261 = arith.constant 0 : i32
    %dma_start3A_262 = tpu.memref_slice %arg6[%dma_start3A_260, %dma_start3A_261] : memref<10240x128xf32, #tpu.memory_space<vmem_shared>> -> memref<10240x128xf32, #tpu.memory_space<vmem_shared>>
    tpu.enqueue_indirect_dma source(%arg10 : memref<128x128xf32, #tpu.memory_space<vmem>>) target(%dma_start3A_262 : memref<10240x128xf32, #tpu.memory_space<vmem_shared>>) offsets(%dma_start3A_259 : memref<128xi32, #tpu.memory_space<vmem>>) semaphore(%arg14 : memref<!tpu.dma_semaphore, #tpu.memory_space<semaphore_mem>>) {add = true}
    %dma_wait3A_263 = arith.constant 0 : i32
    %dma_wait3A_264 = arith.constant 0 : i32
    %dma_wait3A_265 = arith.constant 0 : i32
    %dma_wait3A_266 = tpu.memref_slice %arg8[%dma_wait3A_263, %dma_wait3A_264, %dma_wait3A_265] : memref<2x8x128xi32, #tpu.memory_space<vmem>> -> memref<1x1x128xi32, #tpu.memory_space<vmem>>
    %dma_wait3A_267 = tpu.memref_squeeze %dma_wait3A_266 : memref<1x1x128xi32, #tpu.memory_space<vmem>> -> memref<128xi32, #tpu.memory_space<vmem>>
    %dma_wait3A_268 = arith.constant 0 : i32
    %dma_wait3A_269 = arith.constant 0 : i32
    %dma_wait3A_270 = tpu.memref_slice %arg6[%dma_wait3A_268, %dma_wait3A_269] : memref<10240x128xf32, #tpu.memory_space<vmem_shared>> -> memref<10240x128xf32, #tpu.memory_space<vmem_shared>>
    tpu.wait_indirect_dma semaphore(%arg14 : memref<!tpu.dma_semaphore, #tpu.memory_space<semaphore_mem>>) src(%arg10 : memref<128x128xf32, #tpu.memory_space<vmem>>) dst(%dma_wait3A_270 : memref<10240x128xf32, #tpu.memory_space<vmem_shared>>)
    %dma_start3A_271 = arith.constant 0 : i32
    %dma_start3A_272 = arith.constant 7 : i32
    %dma_start3A_273 = arith.constant 0 : i32
    %dma_start3A_274 = tpu.memref_slice %arg7[%dma_start3A_271, %dma_start3A_272, %dma_start3A_273] : memref<2x8x128xi32, #tpu.memory_space<vmem>> -> memref<1x1x128xi32, #tpu.memory_space<vmem>>
    %dma_start3A_275 = tpu.memref_squeeze %dma_start3A_274 : memref<1x1x128xi32, #tpu.memory_space<vmem>> -> memref<128xi32, #tpu.memory_space<vmem>>
    %dma_start3A_276 = arith.constant 0 : i32
    %dma_start3A_277 = arith.constant 0 : i32
    %dma_start3A_278 = tpu.memref_slice %arg2[%dma_start3A_276, %dma_start3A_277] : memref<10000x128xf32, #tpu.memory_space<hbm>> -> memref<10000x128xf32, #tpu.memory_space<hbm>>
    tpu.enqueue_indirect_dma source(%dma_start3A_278 : memref<10000x128xf32, #tpu.memory_space<hbm>>) target(%arg10 : memref<128x128xf32, #tpu.memory_space<vmem>>) offsets(%dma_start3A_275 : memref<128xi32, #tpu.memory_space<vmem>>) semaphore(%arg12 : memref<!tpu.dma_semaphore, #tpu.memory_space<semaphore_mem>>)
    %dma_wait3A_279 = arith.constant 0 : i32
    %dma_wait3A_280 = arith.constant 0 : i32
    %dma_wait3A_281 = arith.constant 0 : i32
    %dma_wait3A_282 = tpu.memref_slice %arg7[%dma_wait3A_279, %dma_wait3A_280, %dma_wait3A_281] : memref<2x8x128xi32, #tpu.memory_space<vmem>> -> memref<1x1x128xi32, #tpu.memory_space<vmem>>
    %dma_wait3A_283 = tpu.memref_squeeze %dma_wait3A_282 : memref<1x1x128xi32, #tpu.memory_space<vmem>> -> memref<128xi32, #tpu.memory_space<vmem>>
    %dma_wait3A_284 = arith.constant 0 : i32
    %dma_wait3A_285 = arith.constant 0 : i32
    %dma_wait3A_286 = tpu.memref_slice %arg2[%dma_wait3A_284, %dma_wait3A_285] : memref<10000x128xf32, #tpu.memory_space<hbm>> -> memref<10000x128xf32, #tpu.memory_space<hbm>>
    tpu.wait_indirect_dma semaphore(%arg11 : memref<!tpu.dma_semaphore, #tpu.memory_space<semaphore_mem>>) src(%dma_wait3A_286 : memref<10000x128xf32, #tpu.memory_space<hbm>>) dst(%arg9 : memref<128x128xf32, #tpu.memory_space<vmem>>)
    %dma_start3A_287 = arith.constant 0 : i32
    %dma_start3A_288 = arith.constant 6 : i32
    %dma_start3A_289 = arith.constant 0 : i32
    %dma_start3A_290 = tpu.memref_slice %arg8[%dma_start3A_287, %dma_start3A_288, %dma_start3A_289] : memref<2x8x128xi32, #tpu.memory_space<vmem>> -> memref<1x1x128xi32, #tpu.memory_space<vmem>>
    %dma_start3A_291 = tpu.memref_squeeze %dma_start3A_290 : memref<1x1x128xi32, #tpu.memory_space<vmem>> -> memref<128xi32, #tpu.memory_space<vmem>>
    %dma_start3A_292 = arith.constant 0 : i32
    %dma_start3A_293 = arith.constant 0 : i32
    %dma_start3A_294 = tpu.memref_slice %arg6[%dma_start3A_292, %dma_start3A_293] : memref<10240x128xf32, #tpu.memory_space<vmem_shared>> -> memref<10240x128xf32, #tpu.memory_space<vmem_shared>>
    tpu.enqueue_indirect_dma source(%arg9 : memref<128x128xf32, #tpu.memory_space<vmem>>) target(%dma_start3A_294 : memref<10240x128xf32, #tpu.memory_space<vmem_shared>>) offsets(%dma_start3A_291 : memref<128xi32, #tpu.memory_space<vmem>>) semaphore(%arg13 : memref<!tpu.dma_semaphore, #tpu.memory_space<semaphore_mem>>) {add = true}
    %dma_wait3A_295 = arith.constant 0 : i32
    %dma_wait3A_296 = arith.constant 0 : i32
    %dma_wait3A_297 = arith.constant 0 : i32
    %dma_wait3A_298 = arith.constant 0 : i32
    %dma_wait3A_299 = tpu.memref_slice %arg7[%dma_wait3A_296, %dma_wait3A_297, %dma_wait3A_298] : memref<2x8x128xi32, #tpu.memory_space<vmem>> -> memref<1x8x128xi32, #tpu.memory_space<vmem>>
    %dma_wait3A_300 = tpu.memref_squeeze %dma_wait3A_299 : memref<1x8x128xi32, #tpu.memory_space<vmem>> -> memref<8x128xi32, #tpu.memory_space<vmem>>
    %dma_wait3A_301 = arith.constant 0 : i32
    %dma_wait3A_302 = arith.constant 0 : i32
    %dma_wait3A_303 = tpu.memref_slice %arg3[%dma_wait3A_295, %dma_wait3A_301, %dma_wait3A_302] : memref<320x8x128xi32, #tpu.memory_space<hbm>> -> memref<1x8x128xi32, #tpu.memory_space<hbm>>
    %dma_wait3A_304 = tpu.memref_squeeze %dma_wait3A_303 : memref<1x8x128xi32, #tpu.memory_space<hbm>> -> memref<8x128xi32, #tpu.memory_space<hbm>>
    %dma_wait3A_305 = arith.constant 0 : i32
    %dma_wait3A_306 = arith.constant 0 : i32
    %dma_wait3A_307 = tpu.memref_slice %arg7[%dma_wait3A_296, %dma_wait3A_305, %dma_wait3A_306] : memref<2x8x128xi32, #tpu.memory_space<vmem>> -> memref<1x8x128xi32, #tpu.memory_space<vmem>>
    %dma_wait3A_308 = tpu.memref_squeeze %dma_wait3A_307 : memref<1x8x128xi32, #tpu.memory_space<vmem>> -> memref<8x128xi32, #tpu.memory_space<vmem>>
    %dma_wait3A_309 = arith.constant 0 : i32
    %dma_wait3A_310 = arith.constant 0 : i32
    %dma_wait3A_311 = tpu.memref_slice %arg3[%dma_wait3A_295, %dma_wait3A_309, %dma_wait3A_310] : memref<320x8x128xi32, #tpu.memory_space<hbm>> -> memref<1x8x128xi32, #tpu.memory_space<hbm>>
    %dma_wait3A_312 = tpu.memref_squeeze %dma_wait3A_311 : memref<1x8x128xi32, #tpu.memory_space<hbm>> -> memref<8x128xi32, #tpu.memory_space<hbm>>
    tpu.wait_dma2 semaphore(%arg15 : memref<!tpu.dma_semaphore, #tpu.memory_space<semaphore_mem>>) src(%dma_wait3A_312 : memref<8x128xi32, #tpu.memory_space<hbm>>) dst(%dma_wait3A_308 : memref<8x128xi32, #tpu.memory_space<vmem>>)
    %dma_wait3A_313 = arith.constant 0 : i32
    %dma_wait3A_314 = arith.constant 0 : i32
    %dma_wait3A_315 = arith.constant 0 : i32
    %dma_wait3A_316 = arith.constant 0 : i32
    %dma_wait3A_317 = tpu.memref_slice %arg7[%dma_wait3A_314, %dma_wait3A_315, %dma_wait3A_316] : memref<2x8x128xi32, #tpu.memory_space<vmem>> -> memref<1x8x128xi32, #tpu.memory_space<vmem>>
    %dma_wait3A_318 = tpu.memref_squeeze %dma_wait3A_317 : memref<1x8x128xi32, #tpu.memory_space<vmem>> -> memref<8x128xi32, #tpu.memory_space<vmem>>
    %dma_wait3A_319 = arith.constant 0 : i32
    %dma_wait3A_320 = arith.constant 0 : i32
    %dma_wait3A_321 = tpu.memref_slice %arg3[%dma_wait3A_313, %dma_wait3A_319, %dma_wait3A_320] : memref<320x8x128xi32, #tpu.memory_space<hbm>> -> memref<1x8x128xi32, #tpu.memory_space<hbm>>
    %dma_wait3A_322 = tpu.memref_squeeze %dma_wait3A_321 : memref<1x8x128xi32, #tpu.memory_space<hbm>> -> memref<8x128xi32, #tpu.memory_space<hbm>>
    %dma_wait3A_323 = arith.constant 0 : i32
    %dma_wait3A_324 = arith.constant 0 : i32
    %dma_wait3A_325 = tpu.memref_slice %arg7[%dma_wait3A_314, %dma_wait3A_323, %dma_wait3A_324] : memref<2x8x128xi32, #tpu.memory_space<vmem>> -> memref<1x8x128xi32, #tpu.memory_space<vmem>>
    %dma_wait3A_326 = tpu.memref_squeeze %dma_wait3A_325 : memref<1x8x128xi32, #tpu.memory_space<vmem>> -> memref<8x128xi32, #tpu.memory_space<vmem>>
    %dma_wait3A_327 = arith.constant 0 : i32
    %dma_wait3A_328 = arith.constant 0 : i32
    %dma_wait3A_329 = tpu.memref_slice %arg3[%dma_wait3A_313, %dma_wait3A_327, %dma_wait3A_328] : memref<320x8x128xi32, #tpu.memory_space<hbm>> -> memref<1x8x128xi32, #tpu.memory_space<hbm>>
    %dma_wait3A_330 = tpu.memref_squeeze %dma_wait3A_329 : memref<1x8x128xi32, #tpu.memory_space<hbm>> -> memref<8x128xi32, #tpu.memory_space<hbm>>
    tpu.wait_dma2 semaphore(%arg15 : memref<!tpu.dma_semaphore, #tpu.memory_space<semaphore_mem>>) src(%dma_wait3A_330 : memref<8x128xi32, #tpu.memory_space<hbm>>) dst(%dma_wait3A_326 : memref<8x128xi32, #tpu.memory_space<vmem>>)
    %dma_wait3A_331 = arith.constant 0 : i32
    %dma_wait3A_332 = arith.constant 0 : i32
    %dma_wait3A_333 = arith.constant 0 : i32
    %dma_wait3A_334 = tpu.memref_slice %arg8[%dma_wait3A_331, %dma_wait3A_332, %dma_wait3A_333] : memref<2x8x128xi32, #tpu.memory_space<vmem>> -> memref<1x1x128xi32, #tpu.memory_space<vmem>>
    %dma_wait3A_335 = tpu.memref_squeeze %dma_wait3A_334 : memref<1x1x128xi32, #tpu.memory_space<vmem>> -> memref<128xi32, #tpu.memory_space<vmem>>
    %dma_wait3A_336 = arith.constant 0 : i32
    %dma_wait3A_337 = arith.constant 0 : i32
    %dma_wait3A_338 = tpu.memref_slice %arg6[%dma_wait3A_336, %dma_wait3A_337] : memref<10240x128xf32, #tpu.memory_space<vmem_shared>> -> memref<10240x128xf32, #tpu.memory_space<vmem_shared>>
    tpu.wait_indirect_dma semaphore(%arg13 : memref<!tpu.dma_semaphore, #tpu.memory_space<semaphore_mem>>) src(%arg9 : memref<128x128xf32, #tpu.memory_space<vmem>>) dst(%dma_wait3A_338 : memref<10240x128xf32, #tpu.memory_space<vmem_shared>>)
    %dma_start3A_339 = arith.constant 1 : i32
    %dma_start3A_340 = arith.constant 0 : i32
    %dma_start3A_341 = arith.constant 0 : i32
    %dma_start3A_342 = tpu.memref_slice %arg7[%dma_start3A_339, %dma_start3A_340, %dma_start3A_341] : memref<2x8x128xi32, #tpu.memory_space<vmem>> -> memref<1x1x128xi32, #tpu.memory_space<vmem>>
    %dma_start3A_343 = tpu.memref_squeeze %dma_start3A_342 : memref<1x1x128xi32, #tpu.memory_space<vmem>> -> memref<128xi32, #tpu.memory_space<vmem>>
    %dma_start3A_344 = arith.constant 0 : i32
    %dma_start3A_345 = arith.constant 0 : i32
    %dma_start3A_346 = tpu.memref_slice %arg2[%dma_start3A_344, %dma_start3A_345] : memref<10000x128xf32, #tpu.memory_space<hbm>> -> memref<10000x128xf32, #tpu.memory_space<hbm>>
    tpu.enqueue_indirect_dma source(%dma_start3A_346 : memref<10000x128xf32, #tpu.memory_space<hbm>>) target(%arg9 : memref<128x128xf32, #tpu.memory_space<vmem>>) offsets(%dma_start3A_343 : memref<128xi32, #tpu.memory_space<vmem>>) semaphore(%arg11 : memref<!tpu.dma_semaphore, #tpu.memory_space<semaphore_mem>>)
    %dma_wait3A_347 = arith.constant 0 : i32
    %dma_wait3A_348 = arith.constant 0 : i32
    %dma_wait3A_349 = arith.constant 0 : i32
    %dma_wait3A_350 = tpu.memref_slice %arg7[%dma_wait3A_347, %dma_wait3A_348, %dma_wait3A_349] : memref<2x8x128xi32, #tpu.memory_space<vmem>> -> memref<1x1x128xi32, #tpu.memory_space<vmem>>
    %dma_wait3A_351 = tpu.memref_squeeze %dma_wait3A_350 : memref<1x1x128xi32, #tpu.memory_space<vmem>> -> memref<128xi32, #tpu.memory_space<vmem>>
    %dma_wait3A_352 = arith.constant 0 : i32
    %dma_wait3A_353 = arith.constant 0 : i32
    %dma_wait3A_354 = tpu.memref_slice %arg2[%dma_wait3A_352, %dma_wait3A_353] : memref<10000x128xf32, #tpu.memory_space<hbm>> -> memref<10000x128xf32, #tpu.memory_space<hbm>>
    tpu.wait_indirect_dma semaphore(%arg12 : memref<!tpu.dma_semaphore, #tpu.memory_space<semaphore_mem>>) src(%dma_wait3A_354 : memref<10000x128xf32, #tpu.memory_space<hbm>>) dst(%arg10 : memref<128x128xf32, #tpu.memory_space<vmem>>)
    %dma_start3A_355 = arith.constant 0 : i32
    %dma_start3A_356 = arith.constant 7 : i32
    %dma_start3A_357 = arith.constant 0 : i32
    %dma_start3A_358 = tpu.memref_slice %arg8[%dma_start3A_355, %dma_start3A_356, %dma_start3A_357] : memref<2x8x128xi32, #tpu.memory_space<vmem>> -> memref<1x1x128xi32, #tpu.memory_space<vmem>>
    %dma_start3A_359 = tpu.memref_squeeze %dma_start3A_358 : memref<1x1x128xi32, #tpu.memory_space<vmem>> -> memref<128xi32, #tpu.memory_space<vmem>>
    %dma_start3A_360 = arith.constant 0 : i32
    %dma_start3A_361 = arith.constant 0 : i32
    %dma_start3A_362 = tpu.memref_slice %arg6[%dma_start3A_360, %dma_start3A_361] : memref<10240x128xf32, #tpu.memory_space<vmem_shared>> -> memref<10240x128xf32, #tpu.memory_space<vmem_shared>>
    tpu.enqueue_indirect_dma source(%arg10 : memref<128x128xf32, #tpu.memory_space<vmem>>) target(%dma_start3A_362 : memref<10240x128xf32, #tpu.memory_space<vmem_shared>>) offsets(%dma_start3A_359 : memref<128xi32, #tpu.memory_space<vmem>>) semaphore(%arg14 : memref<!tpu.dma_semaphore, #tpu.memory_space<semaphore_mem>>) {add = true}
    %gt3A = arith.constant 2 : i32
    %gt3A_363 = arith.cmpi sgt, %select_n3A_8, %gt3A : i32
    %convert_element_type3A = arith.extui %gt3A_363 : i1 to i32
    %cond3A = arith.constant 0 : i32
    %cond3A_364 = arith.cmpi ne, %convert_element_type3A, %cond3A : i32
    scf.if %cond3A_364 {
      %add3A_640 = arith.constant 0 : i32
      %add3A_641 = arith.addi %select_n3A, %add3A_640 : i32
      %add3A_642 = arith.constant 2 : i32
      %add3A_643 = arith.addi %add3A_641, %add3A_642 : i32
      %dma_start3A_644 = arith.constant 0 : i32
      %dma_start3A_645 = arith.constant 0 : i32
      %dma_start3A_646 = arith.constant 0 : i32
      %dma_start3A_647 = tpu.memref_slice %arg7[%dma_start3A_644, %dma_start3A_645, %dma_start3A_646] : memref<2x8x128xi32, #tpu.memory_space<vmem>> -> memref<1x8x128xi32, #tpu.memory_space<vmem>>
      %dma_start3A_648 = tpu.memref_squeeze %dma_start3A_647 : memref<1x8x128xi32, #tpu.memory_space<vmem>> -> memref<8x128xi32, #tpu.memory_space<vmem>>
      %dma_start3A_649 = arith.constant 0 : i32
      %dma_start3A_650 = arith.constant 0 : i32
      %dma_start3A_651 = tpu.memref_slice %arg3[%add3A_643, %dma_start3A_649, %dma_start3A_650] : memref<320x8x128xi32, #tpu.memory_space<hbm>> -> memref<1x8x128xi32, #tpu.memory_space<hbm>>
      %dma_start3A_652 = tpu.memref_squeeze %dma_start3A_651 : memref<1x8x128xi32, #tpu.memory_space<hbm>> -> memref<8x128xi32, #tpu.memory_space<hbm>>
      %dma_start3A_653 = arith.constant 0 : i32
      %dma_start3A_654 = arith.constant 0 : i32
      %dma_start3A_655 = tpu.memref_slice %arg7[%dma_start3A_644, %dma_start3A_653, %dma_start3A_654] : memref<2x8x128xi32, #tpu.memory_space<vmem>> -> memref<1x8x128xi32, #tpu.memory_space<vmem>>
      %dma_start3A_656 = tpu.memref_squeeze %dma_start3A_655 : memref<1x8x128xi32, #tpu.memory_space<vmem>> -> memref<8x128xi32, #tpu.memory_space<vmem>>
      %dma_start3A_657 = arith.constant 0 : i32
      %dma_start3A_658 = arith.constant 0 : i32
      %dma_start3A_659 = tpu.memref_slice %arg3[%add3A_643, %dma_start3A_657, %dma_start3A_658] : memref<320x8x128xi32, #tpu.memory_space<hbm>> -> memref<1x8x128xi32, #tpu.memory_space<hbm>>
      %dma_start3A_660 = tpu.memref_squeeze %dma_start3A_659 : memref<1x8x128xi32, #tpu.memory_space<hbm>> -> memref<8x128xi32, #tpu.memory_space<hbm>>
      tpu.enqueue_dma source(%dma_start3A_660 : memref<8x128xi32, #tpu.memory_space<hbm>>) target(%dma_start3A_656 : memref<8x128xi32, #tpu.memory_space<vmem>>) target_semaphore(%arg15 : memref<!tpu.dma_semaphore, #tpu.memory_space<semaphore_mem>>)
      %dma_start3A_661 = arith.constant 0 : i32
      %dma_start3A_662 = arith.constant 0 : i32
      %dma_start3A_663 = arith.constant 0 : i32
      %dma_start3A_664 = tpu.memref_slice %arg8[%dma_start3A_661, %dma_start3A_662, %dma_start3A_663] : memref<2x8x128xi32, #tpu.memory_space<vmem>> -> memref<1x8x128xi32, #tpu.memory_space<vmem>>
      %dma_start3A_665 = tpu.memref_squeeze %dma_start3A_664 : memref<1x8x128xi32, #tpu.memory_space<vmem>> -> memref<8x128xi32, #tpu.memory_space<vmem>>
      %dma_start3A_666 = arith.constant 0 : i32
      %dma_start3A_667 = arith.constant 0 : i32
      %dma_start3A_668 = tpu.memref_slice %arg4[%add3A_643, %dma_start3A_666, %dma_start3A_667] : memref<320x8x128xi32, #tpu.memory_space<hbm>> -> memref<1x8x128xi32, #tpu.memory_space<hbm>>
      %dma_start3A_669 = tpu.memref_squeeze %dma_start3A_668 : memref<1x8x128xi32, #tpu.memory_space<hbm>> -> memref<8x128xi32, #tpu.memory_space<hbm>>
      %dma_start3A_670 = arith.constant 0 : i32
      %dma_start3A_671 = arith.constant 0 : i32
      %dma_start3A_672 = tpu.memref_slice %arg8[%dma_start3A_661, %dma_start3A_670, %dma_start3A_671] : memref<2x8x128xi32, #tpu.memory_space<vmem>> -> memref<1x8x128xi32, #tpu.memory_space<vmem>>
      %dma_start3A_673 = tpu.memref_squeeze %dma_start3A_672 : memref<1x8x128xi32, #tpu.memory_space<vmem>> -> memref<8x128xi32, #tpu.memory_space<vmem>>
      %dma_start3A_674 = arith.constant 0 : i32
      %dma_start3A_675 = arith.constant 0 : i32
      %dma_start3A_676 = tpu.memref_slice %arg4[%add3A_643, %dma_start3A_674, %dma_start3A_675] : memref<320x8x128xi32, #tpu.memory_space<hbm>> -> memref<1x8x128xi32, #tpu.memory_space<hbm>>
      %dma_start3A_677 = tpu.memref_squeeze %dma_start3A_676 : memref<1x8x128xi32, #tpu.memory_space<hbm>> -> memref<8x128xi32, #tpu.memory_space<hbm>>
      tpu.enqueue_dma source(%dma_start3A_677 : memref<8x128xi32, #tpu.memory_space<hbm>>) target(%dma_start3A_673 : memref<8x128xi32, #tpu.memory_space<vmem>>) target_semaphore(%arg15 : memref<!tpu.dma_semaphore, #tpu.memory_space<semaphore_mem>>)
    } else {
    }
    %sub3A = arith.constant 1 : i32
    %sub3A_365 = arith.subi %select_n3A_8, %sub3A : i32
    %while3A = arith.constant 1 : i32
    %while3A_366 = arith.constant 0 : i32
    %while3A_367 = arith.subi %sub3A_365, %while3A : i32
    %while3A_368 = arith.addi %while3A, %while3A_367 : i32
    %while3A_369 = arith.constant 1 : i32
    %while3A_370 = arith.divsi %while3A_367, %while3A_369 : i32
    %while3A_371 = arith.muli %while3A_370, %while3A_369 : i32
    %while3A_372 = arith.addi %while3A, %while3A_371 : i32
    %while3A_373 = arith.constant 1 : i32
    %while3A_374 = scf.for %while3A_640 = %while3A to %while3A_372 step %while3A_373 iter_args(%while3A_641 = %while3A_366) -> (i32)  : i32 {
      %rem3A = arith.constant 2 : i32
      %rem3A_642 = arith.remsi %while3A_640, %rem3A : i32
      %dma_wait3A_643 = arith.constant 0 : i32
      %dma_wait3A_644 = arith.constant 0 : i32
      %dma_wait3A_645 = arith.constant 0 : i32
      %dma_wait3A_646 = tpu.memref_slice %arg8[%dma_wait3A_643, %dma_wait3A_644, %dma_wait3A_645] : memref<2x8x128xi32, #tpu.memory_space<vmem>> -> memref<1x1x128xi32, #tpu.memory_space<vmem>>
      %dma_wait3A_647 = tpu.memref_squeeze %dma_wait3A_646 : memref<1x1x128xi32, #tpu.memory_space<vmem>> -> memref<128xi32, #tpu.memory_space<vmem>>
      %dma_wait3A_648 = arith.constant 0 : i32
      %dma_wait3A_649 = arith.constant 0 : i32
      %dma_wait3A_650 = tpu.memref_slice %arg6[%dma_wait3A_648, %dma_wait3A_649] : memref<10240x128xf32, #tpu.memory_space<vmem_shared>> -> memref<10240x128xf32, #tpu.memory_space<vmem_shared>>
      tpu.wait_indirect_dma semaphore(%arg14 : memref<!tpu.dma_semaphore, #tpu.memory_space<semaphore_mem>>) src(%arg10 : memref<128x128xf32, #tpu.memory_space<vmem>>) dst(%dma_wait3A_650 : memref<10240x128xf32, #tpu.memory_space<vmem_shared>>)
      %dma_start3A_651 = arith.constant 1 : i32
      %dma_start3A_652 = arith.constant 0 : i32
      %dma_start3A_653 = tpu.memref_slice %arg7[%rem3A_642, %dma_start3A_651, %dma_start3A_652] : memref<2x8x128xi32, #tpu.memory_space<vmem>> -> memref<1x1x128xi32, #tpu.memory_space<vmem>>
      %dma_start3A_654 = tpu.memref_squeeze %dma_start3A_653 : memref<1x1x128xi32, #tpu.memory_space<vmem>> -> memref<128xi32, #tpu.memory_space<vmem>>
      %dma_start3A_655 = arith.constant 0 : i32
      %dma_start3A_656 = arith.constant 0 : i32
      %dma_start3A_657 = tpu.memref_slice %arg2[%dma_start3A_655, %dma_start3A_656] : memref<10000x128xf32, #tpu.memory_space<hbm>> -> memref<10000x128xf32, #tpu.memory_space<hbm>>
      tpu.enqueue_indirect_dma source(%dma_start3A_657 : memref<10000x128xf32, #tpu.memory_space<hbm>>) target(%arg10 : memref<128x128xf32, #tpu.memory_space<vmem>>) offsets(%dma_start3A_654 : memref<128xi32, #tpu.memory_space<vmem>>) semaphore(%arg12 : memref<!tpu.dma_semaphore, #tpu.memory_space<semaphore_mem>>)
      %dma_wait3A_658 = arith.constant 0 : i32
      %dma_wait3A_659 = arith.constant 0 : i32
      %dma_wait3A_660 = arith.constant 0 : i32
      %dma_wait3A_661 = tpu.memref_slice %arg7[%dma_wait3A_658, %dma_wait3A_659, %dma_wait3A_660] : memref<2x8x128xi32, #tpu.memory_space<vmem>> -> memref<1x1x128xi32, #tpu.memory_space<vmem>>
      %dma_wait3A_662 = tpu.memref_squeeze %dma_wait3A_661 : memref<1x1x128xi32, #tpu.memory_space<vmem>> -> memref<128xi32, #tpu.memory_space<vmem>>
      %dma_wait3A_663 = arith.constant 0 : i32
      %dma_wait3A_664 = arith.constant 0 : i32
      %dma_wait3A_665 = tpu.memref_slice %arg2[%dma_wait3A_663, %dma_wait3A_664] : memref<10000x128xf32, #tpu.memory_space<hbm>> -> memref<10000x128xf32, #tpu.memory_space<hbm>>
      tpu.wait_indirect_dma semaphore(%arg11 : memref<!tpu.dma_semaphore, #tpu.memory_space<semaphore_mem>>) src(%dma_wait3A_665 : memref<10000x128xf32, #tpu.memory_space<hbm>>) dst(%arg9 : memref<128x128xf32, #tpu.memory_space<vmem>>)
      %dma_start3A_666 = arith.constant 0 : i32
      %dma_start3A_667 = arith.constant 0 : i32
      %dma_start3A_668 = tpu.memref_slice %arg8[%rem3A_642, %dma_start3A_666, %dma_start3A_667] : memref<2x8x128xi32, #tpu.memory_space<vmem>> -> memref<1x1x128xi32, #tpu.memory_space<vmem>>
      %dma_start3A_669 = tpu.memref_squeeze %dma_start3A_668 : memref<1x1x128xi32, #tpu.memory_space<vmem>> -> memref<128xi32, #tpu.memory_space<vmem>>
      %dma_start3A_670 = arith.constant 0 : i32
      %dma_start3A_671 = arith.constant 0 : i32
      %dma_start3A_672 = tpu.memref_slice %arg6[%dma_start3A_670, %dma_start3A_671] : memref<10240x128xf32, #tpu.memory_space<vmem_shared>> -> memref<10240x128xf32, #tpu.memory_space<vmem_shared>>
      tpu.enqueue_indirect_dma source(%arg9 : memref<128x128xf32, #tpu.memory_space<vmem>>) target(%dma_start3A_672 : memref<10240x128xf32, #tpu.memory_space<vmem_shared>>) offsets(%dma_start3A_669 : memref<128xi32, #tpu.memory_space<vmem>>) semaphore(%arg13 : memref<!tpu.dma_semaphore, #tpu.memory_space<semaphore_mem>>) {add = true}
      %dma_wait3A_673 = arith.constant 0 : i32
      %dma_wait3A_674 = arith.constant 0 : i32
      %dma_wait3A_675 = arith.constant 0 : i32
      %dma_wait3A_676 = tpu.memref_slice %arg8[%dma_wait3A_673, %dma_wait3A_674, %dma_wait3A_675] : memref<2x8x128xi32, #tpu.memory_space<vmem>> -> memref<1x1x128xi32, #tpu.memory_space<vmem>>
      %dma_wait3A_677 = tpu.memref_squeeze %dma_wait3A_676 : memref<1x1x128xi32, #tpu.memory_space<vmem>> -> memref<128xi32, #tpu.memory_space<vmem>>
      %dma_wait3A_678 = arith.constant 0 : i32
      %dma_wait3A_679 = arith.constant 0 : i32
      %dma_wait3A_680 = tpu.memref_slice %arg6[%dma_wait3A_678, %dma_wait3A_679] : memref<10240x128xf32, #tpu.memory_space<vmem_shared>> -> memref<10240x128xf32, #tpu.memory_space<vmem_shared>>
      tpu.wait_indirect_dma semaphore(%arg13 : memref<!tpu.dma_semaphore, #tpu.memory_space<semaphore_mem>>) src(%arg9 : memref<128x128xf32, #tpu.memory_space<vmem>>) dst(%dma_wait3A_680 : memref<10240x128xf32, #tpu.memory_space<vmem_shared>>)
      %dma_start3A_681 = arith.constant 2 : i32
      %dma_start3A_682 = arith.constant 0 : i32
      %dma_start3A_683 = tpu.memref_slice %arg7[%rem3A_642, %dma_start3A_681, %dma_start3A_682] : memref<2x8x128xi32, #tpu.memory_space<vmem>> -> memref<1x1x128xi32, #tpu.memory_space<vmem>>
      %dma_start3A_684 = tpu.memref_squeeze %dma_start3A_683 : memref<1x1x128xi32, #tpu.memory_space<vmem>> -> memref<128xi32, #tpu.memory_space<vmem>>
      %dma_start3A_685 = arith.constant 0 : i32
      %dma_start3A_686 = arith.constant 0 : i32
      %dma_start3A_687 = tpu.memref_slice %arg2[%dma_start3A_685, %dma_start3A_686] : memref<10000x128xf32, #tpu.memory_space<hbm>> -> memref<10000x128xf32, #tpu.memory_space<hbm>>
      tpu.enqueue_indirect_dma source(%dma_start3A_687 : memref<10000x128xf32, #tpu.memory_space<hbm>>) target(%arg9 : memref<128x128xf32, #tpu.memory_space<vmem>>) offsets(%dma_start3A_684 : memref<128xi32, #tpu.memory_space<vmem>>) semaphore(%arg11 : memref<!tpu.dma_semaphore, #tpu.memory_space<semaphore_mem>>)
      %dma_wait3A_688 = arith.constant 0 : i32
      %dma_wait3A_689 = arith.constant 0 : i32
      %dma_wait3A_690 = arith.constant 0 : i32
      %dma_wait3A_691 = tpu.memref_slice %arg7[%dma_wait3A_688, %dma_wait3A_689, %dma_wait3A_690] : memref<2x8x128xi32, #tpu.memory_space<vmem>> -> memref<1x1x128xi32, #tpu.memory_space<vmem>>
      %dma_wait3A_692 = tpu.memref_squeeze %dma_wait3A_691 : memref<1x1x128xi32, #tpu.memory_space<vmem>> -> memref<128xi32, #tpu.memory_space<vmem>>
      %dma_wait3A_693 = arith.constant 0 : i32
      %dma_wait3A_694 = arith.constant 0 : i32
      %dma_wait3A_695 = tpu.memref_slice %arg2[%dma_wait3A_693, %dma_wait3A_694] : memref<10000x128xf32, #tpu.memory_space<hbm>> -> memref<10000x128xf32, #tpu.memory_space<hbm>>
      tpu.wait_indirect_dma semaphore(%arg12 : memref<!tpu.dma_semaphore, #tpu.memory_space<semaphore_mem>>) src(%dma_wait3A_695 : memref<10000x128xf32, #tpu.memory_space<hbm>>) dst(%arg10 : memref<128x128xf32, #tpu.memory_space<vmem>>)
      %dma_start3A_696 = arith.constant 1 : i32
      %dma_start3A_697 = arith.constant 0 : i32
      %dma_start3A_698 = tpu.memref_slice %arg8[%rem3A_642, %dma_start3A_696, %dma_start3A_697] : memref<2x8x128xi32, #tpu.memory_space<vmem>> -> memref<1x1x128xi32, #tpu.memory_space<vmem>>
      %dma_start3A_699 = tpu.memref_squeeze %dma_start3A_698 : memref<1x1x128xi32, #tpu.memory_space<vmem>> -> memref<128xi32, #tpu.memory_space<vmem>>
      %dma_start3A_700 = arith.constant 0 : i32
      %dma_start3A_701 = arith.constant 0 : i32
      %dma_start3A_702 = tpu.memref_slice %arg6[%dma_start3A_700, %dma_start3A_701] : memref<10240x128xf32, #tpu.memory_space<vmem_shared>> -> memref<10240x128xf32, #tpu.memory_space<vmem_shared>>
      tpu.enqueue_indirect_dma source(%arg10 : memref<128x128xf32, #tpu.memory_space<vmem>>) target(%dma_start3A_702 : memref<10240x128xf32, #tpu.memory_space<vmem_shared>>) offsets(%dma_start3A_699 : memref<128xi32, #tpu.memory_space<vmem>>) semaphore(%arg14 : memref<!tpu.dma_semaphore, #tpu.memory_space<semaphore_mem>>) {add = true}
      %dma_wait3A_703 = arith.constant 0 : i32
      %dma_wait3A_704 = arith.constant 0 : i32
      %dma_wait3A_705 = arith.constant 0 : i32
      %dma_wait3A_706 = tpu.memref_slice %arg8[%dma_wait3A_703, %dma_wait3A_704, %dma_wait3A_705] : memref<2x8x128xi32, #tpu.memory_space<vmem>> -> memref<1x1x128xi32, #tpu.memory_space<vmem>>
      %dma_wait3A_707 = tpu.memref_squeeze %dma_wait3A_706 : memref<1x1x128xi32, #tpu.memory_space<vmem>> -> memref<128xi32, #tpu.memory_space<vmem>>
      %dma_wait3A_708 = arith.constant 0 : i32
      %dma_wait3A_709 = arith.constant 0 : i32
      %dma_wait3A_710 = tpu.memref_slice %arg6[%dma_wait3A_708, %dma_wait3A_709] : memref<10240x128xf32, #tpu.memory_space<vmem_shared>> -> memref<10240x128xf32, #tpu.memory_space<vmem_shared>>
      tpu.wait_indirect_dma semaphore(%arg14 : memref<!tpu.dma_semaphore, #tpu.memory_space<semaphore_mem>>) src(%arg10 : memref<128x128xf32, #tpu.memory_space<vmem>>) dst(%dma_wait3A_710 : memref<10240x128xf32, #tpu.memory_space<vmem_shared>>)
      %dma_start3A_711 = arith.constant 3 : i32
      %dma_start3A_712 = arith.constant 0 : i32
      %dma_start3A_713 = tpu.memref_slice %arg7[%rem3A_642, %dma_start3A_711, %dma_start3A_712] : memref<2x8x128xi32, #tpu.memory_space<vmem>> -> memref<1x1x128xi32, #tpu.memory_space<vmem>>
      %dma_start3A_714 = tpu.memref_squeeze %dma_start3A_713 : memref<1x1x128xi32, #tpu.memory_space<vmem>> -> memref<128xi32, #tpu.memory_space<vmem>>
      %dma_start3A_715 = arith.constant 0 : i32
      %dma_start3A_716 = arith.constant 0 : i32
      %dma_start3A_717 = tpu.memref_slice %arg2[%dma_start3A_715, %dma_start3A_716] : memref<10000x128xf32, #tpu.memory_space<hbm>> -> memref<10000x128xf32, #tpu.memory_space<hbm>>
      tpu.enqueue_indirect_dma source(%dma_start3A_717 : memref<10000x128xf32, #tpu.memory_space<hbm>>) target(%arg10 : memref<128x128xf32, #tpu.memory_space<vmem>>) offsets(%dma_start3A_714 : memref<128xi32, #tpu.memory_space<vmem>>) semaphore(%arg12 : memref<!tpu.dma_semaphore, #tpu.memory_space<semaphore_mem>>)
      %dma_wait3A_718 = arith.constant 0 : i32
      %dma_wait3A_719 = arith.constant 0 : i32
      %dma_wait3A_720 = arith.constant 0 : i32
      %dma_wait3A_721 = tpu.memref_slice %arg7[%dma_wait3A_718, %dma_wait3A_719, %dma_wait3A_720] : memref<2x8x128xi32, #tpu.memory_space<vmem>> -> memref<1x1x128xi32, #tpu.memory_space<vmem>>
      %dma_wait3A_722 = tpu.memref_squeeze %dma_wait3A_721 : memref<1x1x128xi32, #tpu.memory_space<vmem>> -> memref<128xi32, #tpu.memory_space<vmem>>
      %dma_wait3A_723 = arith.constant 0 : i32
      %dma_wait3A_724 = arith.constant 0 : i32
      %dma_wait3A_725 = tpu.memref_slice %arg2[%dma_wait3A_723, %dma_wait3A_724] : memref<10000x128xf32, #tpu.memory_space<hbm>> -> memref<10000x128xf32, #tpu.memory_space<hbm>>
      tpu.wait_indirect_dma semaphore(%arg11 : memref<!tpu.dma_semaphore, #tpu.memory_space<semaphore_mem>>) src(%dma_wait3A_725 : memref<10000x128xf32, #tpu.memory_space<hbm>>) dst(%arg9 : memref<128x128xf32, #tpu.memory_space<vmem>>)
      %dma_start3A_726 = arith.constant 2 : i32
      %dma_start3A_727 = arith.constant 0 : i32
      %dma_start3A_728 = tpu.memref_slice %arg8[%rem3A_642, %dma_start3A_726, %dma_start3A_727] : memref<2x8x128xi32, #tpu.memory_space<vmem>> -> memref<1x1x128xi32, #tpu.memory_space<vmem>>
      %dma_start3A_729 = tpu.memref_squeeze %dma_start3A_728 : memref<1x1x128xi32, #tpu.memory_space<vmem>> -> memref<128xi32, #tpu.memory_space<vmem>>
      %dma_start3A_730 = arith.constant 0 : i32
      %dma_start3A_731 = arith.constant 0 : i32
      %dma_start3A_732 = tpu.memref_slice %arg6[%dma_start3A_730, %dma_start3A_731] : memref<10240x128xf32, #tpu.memory_space<vmem_shared>> -> memref<10240x128xf32, #tpu.memory_space<vmem_shared>>
      tpu.enqueue_indirect_dma source(%arg9 : memref<128x128xf32, #tpu.memory_space<vmem>>) target(%dma_start3A_732 : memref<10240x128xf32, #tpu.memory_space<vmem_shared>>) offsets(%dma_start3A_729 : memref<128xi32, #tpu.memory_space<vmem>>) semaphore(%arg13 : memref<!tpu.dma_semaphore, #tpu.memory_space<semaphore_mem>>) {add = true}
      %dma_wait3A_733 = arith.constant 0 : i32
      %dma_wait3A_734 = arith.constant 0 : i32
      %dma_wait3A_735 = arith.constant 0 : i32
      %dma_wait3A_736 = tpu.memref_slice %arg8[%dma_wait3A_733, %dma_wait3A_734, %dma_wait3A_735] : memref<2x8x128xi32, #tpu.memory_space<vmem>> -> memref<1x1x128xi32, #tpu.memory_space<vmem>>
      %dma_wait3A_737 = tpu.memref_squeeze %dma_wait3A_736 : memref<1x1x128xi32, #tpu.memory_space<vmem>> -> memref<128xi32, #tpu.memory_space<vmem>>
      %dma_wait3A_738 = arith.constant 0 : i32
      %dma_wait3A_739 = arith.constant 0 : i32
      %dma_wait3A_740 = tpu.memref_slice %arg6[%dma_wait3A_738, %dma_wait3A_739] : memref<10240x128xf32, #tpu.memory_space<vmem_shared>> -> memref<10240x128xf32, #tpu.memory_space<vmem_shared>>
      tpu.wait_indirect_dma semaphore(%arg13 : memref<!tpu.dma_semaphore, #tpu.memory_space<semaphore_mem>>) src(%arg9 : memref<128x128xf32, #tpu.memory_space<vmem>>) dst(%dma_wait3A_740 : memref<10240x128xf32, #tpu.memory_space<vmem_shared>>)
      %dma_start3A_741 = arith.constant 4 : i32
      %dma_start3A_742 = arith.constant 0 : i32
      %dma_start3A_743 = tpu.memref_slice %arg7[%rem3A_642, %dma_start3A_741, %dma_start3A_742] : memref<2x8x128xi32, #tpu.memory_space<vmem>> -> memref<1x1x128xi32, #tpu.memory_space<vmem>>
      %dma_start3A_744 = tpu.memref_squeeze %dma_start3A_743 : memref<1x1x128xi32, #tpu.memory_space<vmem>> -> memref<128xi32, #tpu.memory_space<vmem>>
      %dma_start3A_745 = arith.constant 0 : i32
      %dma_start3A_746 = arith.constant 0 : i32
      %dma_start3A_747 = tpu.memref_slice %arg2[%dma_start3A_745, %dma_start3A_746] : memref<10000x128xf32, #tpu.memory_space<hbm>> -> memref<10000x128xf32, #tpu.memory_space<hbm>>
      tpu.enqueue_indirect_dma source(%dma_start3A_747 : memref<10000x128xf32, #tpu.memory_space<hbm>>) target(%arg9 : memref<128x128xf32, #tpu.memory_space<vmem>>) offsets(%dma_start3A_744 : memref<128xi32, #tpu.memory_space<vmem>>) semaphore(%arg11 : memref<!tpu.dma_semaphore, #tpu.memory_space<semaphore_mem>>)
      %dma_wait3A_748 = arith.constant 0 : i32
      %dma_wait3A_749 = arith.constant 0 : i32
      %dma_wait3A_750 = arith.constant 0 : i32
      %dma_wait3A_751 = tpu.memref_slice %arg7[%dma_wait3A_748, %dma_wait3A_749, %dma_wait3A_750] : memref<2x8x128xi32, #tpu.memory_space<vmem>> -> memref<1x1x128xi32, #tpu.memory_space<vmem>>
      %dma_wait3A_752 = tpu.memref_squeeze %dma_wait3A_751 : memref<1x1x128xi32, #tpu.memory_space<vmem>> -> memref<128xi32, #tpu.memory_space<vmem>>
      %dma_wait3A_753 = arith.constant 0 : i32
      %dma_wait3A_754 = arith.constant 0 : i32
      %dma_wait3A_755 = tpu.memref_slice %arg2[%dma_wait3A_753, %dma_wait3A_754] : memref<10000x128xf32, #tpu.memory_space<hbm>> -> memref<10000x128xf32, #tpu.memory_space<hbm>>
      tpu.wait_indirect_dma semaphore(%arg12 : memref<!tpu.dma_semaphore, #tpu.memory_space<semaphore_mem>>) src(%dma_wait3A_755 : memref<10000x128xf32, #tpu.memory_space<hbm>>) dst(%arg10 : memref<128x128xf32, #tpu.memory_space<vmem>>)
      %dma_start3A_756 = arith.constant 3 : i32
      %dma_start3A_757 = arith.constant 0 : i32
      %dma_start3A_758 = tpu.memref_slice %arg8[%rem3A_642, %dma_start3A_756, %dma_start3A_757] : memref<2x8x128xi32, #tpu.memory_space<vmem>> -> memref<1x1x128xi32, #tpu.memory_space<vmem>>
      %dma_start3A_759 = tpu.memref_squeeze %dma_start3A_758 : memref<1x1x128xi32, #tpu.memory_space<vmem>> -> memref<128xi32, #tpu.memory_space<vmem>>
      %dma_start3A_760 = arith.constant 0 : i32
      %dma_start3A_761 = arith.constant 0 : i32
      %dma_start3A_762 = tpu.memref_slice %arg6[%dma_start3A_760, %dma_start3A_761] : memref<10240x128xf32, #tpu.memory_space<vmem_shared>> -> memref<10240x128xf32, #tpu.memory_space<vmem_shared>>
      tpu.enqueue_indirect_dma source(%arg10 : memref<128x128xf32, #tpu.memory_space<vmem>>) target(%dma_start3A_762 : memref<10240x128xf32, #tpu.memory_space<vmem_shared>>) offsets(%dma_start3A_759 : memref<128xi32, #tpu.memory_space<vmem>>) semaphore(%arg14 : memref<!tpu.dma_semaphore, #tpu.memory_space<semaphore_mem>>) {add = true}
      %dma_wait3A_763 = arith.constant 0 : i32
      %dma_wait3A_764 = arith.constant 0 : i32
      %dma_wait3A_765 = arith.constant 0 : i32
      %dma_wait3A_766 = tpu.memref_slice %arg8[%dma_wait3A_763, %dma_wait3A_764, %dma_wait3A_765] : memref<2x8x128xi32, #tpu.memory_space<vmem>> -> memref<1x1x128xi32, #tpu.memory_space<vmem>>
      %dma_wait3A_767 = tpu.memref_squeeze %dma_wait3A_766 : memref<1x1x128xi32, #tpu.memory_space<vmem>> -> memref<128xi32, #tpu.memory_space<vmem>>
      %dma_wait3A_768 = arith.constant 0 : i32
      %dma_wait3A_769 = arith.constant 0 : i32
      %dma_wait3A_770 = tpu.memref_slice %arg6[%dma_wait3A_768, %dma_wait3A_769] : memref<10240x128xf32, #tpu.memory_space<vmem_shared>> -> memref<10240x128xf32, #tpu.memory_space<vmem_shared>>
      tpu.wait_indirect_dma semaphore(%arg14 : memref<!tpu.dma_semaphore, #tpu.memory_space<semaphore_mem>>) src(%arg10 : memref<128x128xf32, #tpu.memory_space<vmem>>) dst(%dma_wait3A_770 : memref<10240x128xf32, #tpu.memory_space<vmem_shared>>)
      %dma_start3A_771 = arith.constant 5 : i32
      %dma_start3A_772 = arith.constant 0 : i32
      %dma_start3A_773 = tpu.memref_slice %arg7[%rem3A_642, %dma_start3A_771, %dma_start3A_772] : memref<2x8x128xi32, #tpu.memory_space<vmem>> -> memref<1x1x128xi32, #tpu.memory_space<vmem>>
      %dma_start3A_774 = tpu.memref_squeeze %dma_start3A_773 : memref<1x1x128xi32, #tpu.memory_space<vmem>> -> memref<128xi32, #tpu.memory_space<vmem>>
      %dma_start3A_775 = arith.constant 0 : i32
      %dma_start3A_776 = arith.constant 0 : i32
      %dma_start3A_777 = tpu.memref_slice %arg2[%dma_start3A_775, %dma_start3A_776] : memref<10000x128xf32, #tpu.memory_space<hbm>> -> memref<10000x128xf32, #tpu.memory_space<hbm>>
      tpu.enqueue_indirect_dma source(%dma_start3A_777 : memref<10000x128xf32, #tpu.memory_space<hbm>>) target(%arg10 : memref<128x128xf32, #tpu.memory_space<vmem>>) offsets(%dma_start3A_774 : memref<128xi32, #tpu.memory_space<vmem>>) semaphore(%arg12 : memref<!tpu.dma_semaphore, #tpu.memory_space<semaphore_mem>>)
      %dma_wait3A_778 = arith.constant 0 : i32
      %dma_wait3A_779 = arith.constant 0 : i32
      %dma_wait3A_780 = arith.constant 0 : i32
      %dma_wait3A_781 = tpu.memref_slice %arg7[%dma_wait3A_778, %dma_wait3A_779, %dma_wait3A_780] : memref<2x8x128xi32, #tpu.memory_space<vmem>> -> memref<1x1x128xi32, #tpu.memory_space<vmem>>
      %dma_wait3A_782 = tpu.memref_squeeze %dma_wait3A_781 : memref<1x1x128xi32, #tpu.memory_space<vmem>> -> memref<128xi32, #tpu.memory_space<vmem>>
      %dma_wait3A_783 = arith.constant 0 : i32
      %dma_wait3A_784 = arith.constant 0 : i32
      %dma_wait3A_785 = tpu.memref_slice %arg2[%dma_wait3A_783, %dma_wait3A_784] : memref<10000x128xf32, #tpu.memory_space<hbm>> -> memref<10000x128xf32, #tpu.memory_space<hbm>>
      tpu.wait_indirect_dma semaphore(%arg11 : memref<!tpu.dma_semaphore, #tpu.memory_space<semaphore_mem>>) src(%dma_wait3A_785 : memref<10000x128xf32, #tpu.memory_space<hbm>>) dst(%arg9 : memref<128x128xf32, #tpu.memory_space<vmem>>)
      %dma_start3A_786 = arith.constant 4 : i32
      %dma_start3A_787 = arith.constant 0 : i32
      %dma_start3A_788 = tpu.memref_slice %arg8[%rem3A_642, %dma_start3A_786, %dma_start3A_787] : memref<2x8x128xi32, #tpu.memory_space<vmem>> -> memref<1x1x128xi32, #tpu.memory_space<vmem>>
      %dma_start3A_789 = tpu.memref_squeeze %dma_start3A_788 : memref<1x1x128xi32, #tpu.memory_space<vmem>> -> memref<128xi32, #tpu.memory_space<vmem>>
      %dma_start3A_790 = arith.constant 0 : i32
      %dma_start3A_791 = arith.constant 0 : i32
      %dma_start3A_792 = tpu.memref_slice %arg6[%dma_start3A_790, %dma_start3A_791] : memref<10240x128xf32, #tpu.memory_space<vmem_shared>> -> memref<10240x128xf32, #tpu.memory_space<vmem_shared>>
      tpu.enqueue_indirect_dma source(%arg9 : memref<128x128xf32, #tpu.memory_space<vmem>>) target(%dma_start3A_792 : memref<10240x128xf32, #tpu.memory_space<vmem_shared>>) offsets(%dma_start3A_789 : memref<128xi32, #tpu.memory_space<vmem>>) semaphore(%arg13 : memref<!tpu.dma_semaphore, #tpu.memory_space<semaphore_mem>>) {add = true}
      %dma_wait3A_793 = arith.constant 0 : i32
      %dma_wait3A_794 = arith.constant 0 : i32
      %dma_wait3A_795 = arith.constant 0 : i32
      %dma_wait3A_796 = tpu.memref_slice %arg8[%dma_wait3A_793, %dma_wait3A_794, %dma_wait3A_795] : memref<2x8x128xi32, #tpu.memory_space<vmem>> -> memref<1x1x128xi32, #tpu.memory_space<vmem>>
      %dma_wait3A_797 = tpu.memref_squeeze %dma_wait3A_796 : memref<1x1x128xi32, #tpu.memory_space<vmem>> -> memref<128xi32, #tpu.memory_space<vmem>>
      %dma_wait3A_798 = arith.constant 0 : i32
      %dma_wait3A_799 = arith.constant 0 : i32
      %dma_wait3A_800 = tpu.memref_slice %arg6[%dma_wait3A_798, %dma_wait3A_799] : memref<10240x128xf32, #tpu.memory_space<vmem_shared>> -> memref<10240x128xf32, #tpu.memory_space<vmem_shared>>
      tpu.wait_indirect_dma semaphore(%arg13 : memref<!tpu.dma_semaphore, #tpu.memory_space<semaphore_mem>>) src(%arg9 : memref<128x128xf32, #tpu.memory_space<vmem>>) dst(%dma_wait3A_800 : memref<10240x128xf32, #tpu.memory_space<vmem_shared>>)
      %dma_start3A_801 = arith.constant 6 : i32
      %dma_start3A_802 = arith.constant 0 : i32
      %dma_start3A_803 = tpu.memref_slice %arg7[%rem3A_642, %dma_start3A_801, %dma_start3A_802] : memref<2x8x128xi32, #tpu.memory_space<vmem>> -> memref<1x1x128xi32, #tpu.memory_space<vmem>>
      %dma_start3A_804 = tpu.memref_squeeze %dma_start3A_803 : memref<1x1x128xi32, #tpu.memory_space<vmem>> -> memref<128xi32, #tpu.memory_space<vmem>>
      %dma_start3A_805 = arith.constant 0 : i32
      %dma_start3A_806 = arith.constant 0 : i32
      %dma_start3A_807 = tpu.memref_slice %arg2[%dma_start3A_805, %dma_start3A_806] : memref<10000x128xf32, #tpu.memory_space<hbm>> -> memref<10000x128xf32, #tpu.memory_space<hbm>>
      tpu.enqueue_indirect_dma source(%dma_start3A_807 : memref<10000x128xf32, #tpu.memory_space<hbm>>) target(%arg9 : memref<128x128xf32, #tpu.memory_space<vmem>>) offsets(%dma_start3A_804 : memref<128xi32, #tpu.memory_space<vmem>>) semaphore(%arg11 : memref<!tpu.dma_semaphore, #tpu.memory_space<semaphore_mem>>)
      %dma_wait3A_808 = arith.constant 0 : i32
      %dma_wait3A_809 = arith.constant 0 : i32
      %dma_wait3A_810 = arith.constant 0 : i32
      %dma_wait3A_811 = tpu.memref_slice %arg7[%dma_wait3A_808, %dma_wait3A_809, %dma_wait3A_810] : memref<2x8x128xi32, #tpu.memory_space<vmem>> -> memref<1x1x128xi32, #tpu.memory_space<vmem>>
      %dma_wait3A_812 = tpu.memref_squeeze %dma_wait3A_811 : memref<1x1x128xi32, #tpu.memory_space<vmem>> -> memref<128xi32, #tpu.memory_space<vmem>>
      %dma_wait3A_813 = arith.constant 0 : i32
      %dma_wait3A_814 = arith.constant 0 : i32
      %dma_wait3A_815 = tpu.memref_slice %arg2[%dma_wait3A_813, %dma_wait3A_814] : memref<10000x128xf32, #tpu.memory_space<hbm>> -> memref<10000x128xf32, #tpu.memory_space<hbm>>
      tpu.wait_indirect_dma semaphore(%arg12 : memref<!tpu.dma_semaphore, #tpu.memory_space<semaphore_mem>>) src(%dma_wait3A_815 : memref<10000x128xf32, #tpu.memory_space<hbm>>) dst(%arg10 : memref<128x128xf32, #tpu.memory_space<vmem>>)
      %dma_start3A_816 = arith.constant 5 : i32
      %dma_start3A_817 = arith.constant 0 : i32
      %dma_start3A_818 = tpu.memref_slice %arg8[%rem3A_642, %dma_start3A_816, %dma_start3A_817] : memref<2x8x128xi32, #tpu.memory_space<vmem>> -> memref<1x1x128xi32, #tpu.memory_space<vmem>>
      %dma_start3A_819 = tpu.memref_squeeze %dma_start3A_818 : memref<1x1x128xi32, #tpu.memory_space<vmem>> -> memref<128xi32, #tpu.memory_space<vmem>>
      %dma_start3A_820 = arith.constant 0 : i32
      %dma_start3A_821 = arith.constant 0 : i32
      %dma_start3A_822 = tpu.memref_slice %arg6[%dma_start3A_820, %dma_start3A_821] : memref<10240x128xf32, #tpu.memory_space<vmem_shared>> -> memref<10240x128xf32, #tpu.memory_space<vmem_shared>>
      tpu.enqueue_indirect_dma source(%arg10 : memref<128x128xf32, #tpu.memory_space<vmem>>) target(%dma_start3A_822 : memref<10240x128xf32, #tpu.memory_space<vmem_shared>>) offsets(%dma_start3A_819 : memref<128xi32, #tpu.memory_space<vmem>>) semaphore(%arg14 : memref<!tpu.dma_semaphore, #tpu.memory_space<semaphore_mem>>) {add = true}
      %dma_wait3A_823 = arith.constant 0 : i32
      %dma_wait3A_824 = arith.constant 0 : i32
      %dma_wait3A_825 = arith.constant 0 : i32
      %dma_wait3A_826 = tpu.memref_slice %arg8[%dma_wait3A_823, %dma_wait3A_824, %dma_wait3A_825] : memref<2x8x128xi32, #tpu.memory_space<vmem>> -> memref<1x1x128xi32, #tpu.memory_space<vmem>>
      %dma_wait3A_827 = tpu.memref_squeeze %dma_wait3A_826 : memref<1x1x128xi32, #tpu.memory_space<vmem>> -> memref<128xi32, #tpu.memory_space<vmem>>
      %dma_wait3A_828 = arith.constant 0 : i32
      %dma_wait3A_829 = arith.constant 0 : i32
      %dma_wait3A_830 = tpu.memref_slice %arg6[%dma_wait3A_828, %dma_wait3A_829] : memref<10240x128xf32, #tpu.memory_space<vmem_shared>> -> memref<10240x128xf32, #tpu.memory_space<vmem_shared>>
      tpu.wait_indirect_dma semaphore(%arg14 : memref<!tpu.dma_semaphore, #tpu.memory_space<semaphore_mem>>) src(%arg10 : memref<128x128xf32, #tpu.memory_space<vmem>>) dst(%dma_wait3A_830 : memref<10240x128xf32, #tpu.memory_space<vmem_shared>>)
      %dma_start3A_831 = arith.constant 7 : i32
      %dma_start3A_832 = arith.constant 0 : i32
      %dma_start3A_833 = tpu.memref_slice %arg7[%rem3A_642, %dma_start3A_831, %dma_start3A_832] : memref<2x8x128xi32, #tpu.memory_space<vmem>> -> memref<1x1x128xi32, #tpu.memory_space<vmem>>
      %dma_start3A_834 = tpu.memref_squeeze %dma_start3A_833 : memref<1x1x128xi32, #tpu.memory_space<vmem>> -> memref<128xi32, #tpu.memory_space<vmem>>
      %dma_start3A_835 = arith.constant 0 : i32
      %dma_start3A_836 = arith.constant 0 : i32
      %dma_start3A_837 = tpu.memref_slice %arg2[%dma_start3A_835, %dma_start3A_836] : memref<10000x128xf32, #tpu.memory_space<hbm>> -> memref<10000x128xf32, #tpu.memory_space<hbm>>
      tpu.enqueue_indirect_dma source(%dma_start3A_837 : memref<10000x128xf32, #tpu.memory_space<hbm>>) target(%arg10 : memref<128x128xf32, #tpu.memory_space<vmem>>) offsets(%dma_start3A_834 : memref<128xi32, #tpu.memory_space<vmem>>) semaphore(%arg12 : memref<!tpu.dma_semaphore, #tpu.memory_space<semaphore_mem>>)
      %dma_wait3A_838 = arith.constant 0 : i32
      %dma_wait3A_839 = arith.constant 0 : i32
      %dma_wait3A_840 = arith.constant 0 : i32
      %dma_wait3A_841 = tpu.memref_slice %arg7[%dma_wait3A_838, %dma_wait3A_839, %dma_wait3A_840] : memref<2x8x128xi32, #tpu.memory_space<vmem>> -> memref<1x1x128xi32, #tpu.memory_space<vmem>>
      %dma_wait3A_842 = tpu.memref_squeeze %dma_wait3A_841 : memref<1x1x128xi32, #tpu.memory_space<vmem>> -> memref<128xi32, #tpu.memory_space<vmem>>
      %dma_wait3A_843 = arith.constant 0 : i32
      %dma_wait3A_844 = arith.constant 0 : i32
      %dma_wait3A_845 = tpu.memref_slice %arg2[%dma_wait3A_843, %dma_wait3A_844] : memref<10000x128xf32, #tpu.memory_space<hbm>> -> memref<10000x128xf32, #tpu.memory_space<hbm>>
      tpu.wait_indirect_dma semaphore(%arg11 : memref<!tpu.dma_semaphore, #tpu.memory_space<semaphore_mem>>) src(%dma_wait3A_845 : memref<10000x128xf32, #tpu.memory_space<hbm>>) dst(%arg9 : memref<128x128xf32, #tpu.memory_space<vmem>>)
      %dma_start3A_846 = arith.constant 6 : i32
      %dma_start3A_847 = arith.constant 0 : i32
      %dma_start3A_848 = tpu.memref_slice %arg8[%rem3A_642, %dma_start3A_846, %dma_start3A_847] : memref<2x8x128xi32, #tpu.memory_space<vmem>> -> memref<1x1x128xi32, #tpu.memory_space<vmem>>
      %dma_start3A_849 = tpu.memref_squeeze %dma_start3A_848 : memref<1x1x128xi32, #tpu.memory_space<vmem>> -> memref<128xi32, #tpu.memory_space<vmem>>
      %dma_start3A_850 = arith.constant 0 : i32
      %dma_start3A_851 = arith.constant 0 : i32
      %dma_start3A_852 = tpu.memref_slice %arg6[%dma_start3A_850, %dma_start3A_851] : memref<10240x128xf32, #tpu.memory_space<vmem_shared>> -> memref<10240x128xf32, #tpu.memory_space<vmem_shared>>
      tpu.enqueue_indirect_dma source(%arg9 : memref<128x128xf32, #tpu.memory_space<vmem>>) target(%dma_start3A_852 : memref<10240x128xf32, #tpu.memory_space<vmem_shared>>) offsets(%dma_start3A_849 : memref<128xi32, #tpu.memory_space<vmem>>) semaphore(%arg13 : memref<!tpu.dma_semaphore, #tpu.memory_space<semaphore_mem>>) {add = true}
      %dma_wait3A_853 = arith.constant 0 : i32
      %dma_wait3A_854 = arith.constant 0 : i32
      %dma_wait3A_855 = arith.constant 0 : i32
      %dma_wait3A_856 = arith.constant 0 : i32
      %dma_wait3A_857 = tpu.memref_slice %arg7[%dma_wait3A_854, %dma_wait3A_855, %dma_wait3A_856] : memref<2x8x128xi32, #tpu.memory_space<vmem>> -> memref<1x8x128xi32, #tpu.memory_space<vmem>>
      %dma_wait3A_858 = tpu.memref_squeeze %dma_wait3A_857 : memref<1x8x128xi32, #tpu.memory_space<vmem>> -> memref<8x128xi32, #tpu.memory_space<vmem>>
      %dma_wait3A_859 = arith.constant 0 : i32
      %dma_wait3A_860 = arith.constant 0 : i32
      %dma_wait3A_861 = tpu.memref_slice %arg3[%dma_wait3A_853, %dma_wait3A_859, %dma_wait3A_860] : memref<320x8x128xi32, #tpu.memory_space<hbm>> -> memref<1x8x128xi32, #tpu.memory_space<hbm>>
      %dma_wait3A_862 = tpu.memref_squeeze %dma_wait3A_861 : memref<1x8x128xi32, #tpu.memory_space<hbm>> -> memref<8x128xi32, #tpu.memory_space<hbm>>
      %dma_wait3A_863 = arith.constant 0 : i32
      %dma_wait3A_864 = arith.constant 0 : i32
      %dma_wait3A_865 = tpu.memref_slice %arg7[%dma_wait3A_854, %dma_wait3A_863, %dma_wait3A_864] : memref<2x8x128xi32, #tpu.memory_space<vmem>> -> memref<1x8x128xi32, #tpu.memory_space<vmem>>
      %dma_wait3A_866 = tpu.memref_squeeze %dma_wait3A_865 : memref<1x8x128xi32, #tpu.memory_space<vmem>> -> memref<8x128xi32, #tpu.memory_space<vmem>>
      %dma_wait3A_867 = arith.constant 0 : i32
      %dma_wait3A_868 = arith.constant 0 : i32
      %dma_wait3A_869 = tpu.memref_slice %arg3[%dma_wait3A_853, %dma_wait3A_867, %dma_wait3A_868] : memref<320x8x128xi32, #tpu.memory_space<hbm>> -> memref<1x8x128xi32, #tpu.memory_space<hbm>>
      %dma_wait3A_870 = tpu.memref_squeeze %dma_wait3A_869 : memref<1x8x128xi32, #tpu.memory_space<hbm>> -> memref<8x128xi32, #tpu.memory_space<hbm>>
      tpu.wait_dma2 semaphore(%arg15 : memref<!tpu.dma_semaphore, #tpu.memory_space<semaphore_mem>>) src(%dma_wait3A_870 : memref<8x128xi32, #tpu.memory_space<hbm>>) dst(%dma_wait3A_866 : memref<8x128xi32, #tpu.memory_space<vmem>>)
      %dma_wait3A_871 = arith.constant 0 : i32
      %dma_wait3A_872 = arith.constant 0 : i32
      %dma_wait3A_873 = arith.constant 0 : i32
      %dma_wait3A_874 = arith.constant 0 : i32
      %dma_wait3A_875 = tpu.memref_slice %arg7[%dma_wait3A_872, %dma_wait3A_873, %dma_wait3A_874] : memref<2x8x128xi32, #tpu.memory_space<vmem>> -> memref<1x8x128xi32, #tpu.memory_space<vmem>>
      %dma_wait3A_876 = tpu.memref_squeeze %dma_wait3A_875 : memref<1x8x128xi32, #tpu.memory_space<vmem>> -> memref<8x128xi32, #tpu.memory_space<vmem>>
      %dma_wait3A_877 = arith.constant 0 : i32
      %dma_wait3A_878 = arith.constant 0 : i32
      %dma_wait3A_879 = tpu.memref_slice %arg3[%dma_wait3A_871, %dma_wait3A_877, %dma_wait3A_878] : memref<320x8x128xi32, #tpu.memory_space<hbm>> -> memref<1x8x128xi32, #tpu.memory_space<hbm>>
      %dma_wait3A_880 = tpu.memref_squeeze %dma_wait3A_879 : memref<1x8x128xi32, #tpu.memory_space<hbm>> -> memref<8x128xi32, #tpu.memory_space<hbm>>
      %dma_wait3A_881 = arith.constant 0 : i32
      %dma_wait3A_882 = arith.constant 0 : i32
      %dma_wait3A_883 = tpu.memref_slice %arg7[%dma_wait3A_872, %dma_wait3A_881, %dma_wait3A_882] : memref<2x8x128xi32, #tpu.memory_space<vmem>> -> memref<1x8x128xi32, #tpu.memory_space<vmem>>
      %dma_wait3A_884 = tpu.memref_squeeze %dma_wait3A_883 : memref<1x8x128xi32, #tpu.memory_space<vmem>> -> memref<8x128xi32, #tpu.memory_space<vmem>>
      %dma_wait3A_885 = arith.constant 0 : i32
      %dma_wait3A_886 = arith.constant 0 : i32
      %dma_wait3A_887 = tpu.memref_slice %arg3[%dma_wait3A_871, %dma_wait3A_885, %dma_wait3A_886] : memref<320x8x128xi32, #tpu.memory_space<hbm>> -> memref<1x8x128xi32, #tpu.memory_space<hbm>>
      %dma_wait3A_888 = tpu.memref_squeeze %dma_wait3A_887 : memref<1x8x128xi32, #tpu.memory_space<hbm>> -> memref<8x128xi32, #tpu.memory_space<hbm>>
      tpu.wait_dma2 semaphore(%arg15 : memref<!tpu.dma_semaphore, #tpu.memory_space<semaphore_mem>>) src(%dma_wait3A_888 : memref<8x128xi32, #tpu.memory_space<hbm>>) dst(%dma_wait3A_884 : memref<8x128xi32, #tpu.memory_space<vmem>>)
      %sub3A_889 = arith.constant 1 : i32
      %sub3A_890 = arith.subi %sub3A_889, %rem3A_642 : i32
      %dma_wait3A_891 = arith.constant 0 : i32
      %dma_wait3A_892 = arith.constant 0 : i32
      %dma_wait3A_893 = arith.constant 0 : i32
      %dma_wait3A_894 = tpu.memref_slice %arg8[%dma_wait3A_891, %dma_wait3A_892, %dma_wait3A_893] : memref<2x8x128xi32, #tpu.memory_space<vmem>> -> memref<1x1x128xi32, #tpu.memory_space<vmem>>
      %dma_wait3A_895 = tpu.memref_squeeze %dma_wait3A_894 : memref<1x1x128xi32, #tpu.memory_space<vmem>> -> memref<128xi32, #tpu.memory_space<vmem>>
      %dma_wait3A_896 = arith.constant 0 : i32
      %dma_wait3A_897 = arith.constant 0 : i32
      %dma_wait3A_898 = tpu.memref_slice %arg6[%dma_wait3A_896, %dma_wait3A_897] : memref<10240x128xf32, #tpu.memory_space<vmem_shared>> -> memref<10240x128xf32, #tpu.memory_space<vmem_shared>>
      tpu.wait_indirect_dma semaphore(%arg13 : memref<!tpu.dma_semaphore, #tpu.memory_space<semaphore_mem>>) src(%arg9 : memref<128x128xf32, #tpu.memory_space<vmem>>) dst(%dma_wait3A_898 : memref<10240x128xf32, #tpu.memory_space<vmem_shared>>)
      %dma_start3A_899 = arith.constant 0 : i32
      %dma_start3A_900 = arith.constant 0 : i32
      %dma_start3A_901 = tpu.memref_slice %arg7[%sub3A_890, %dma_start3A_899, %dma_start3A_900] : memref<2x8x128xi32, #tpu.memory_space<vmem>> -> memref<1x1x128xi32, #tpu.memory_space<vmem>>
      %dma_start3A_902 = tpu.memref_squeeze %dma_start3A_901 : memref<1x1x128xi32, #tpu.memory_space<vmem>> -> memref<128xi32, #tpu.memory_space<vmem>>
      %dma_start3A_903 = arith.constant 0 : i32
      %dma_start3A_904 = arith.constant 0 : i32
      %dma_start3A_905 = tpu.memref_slice %arg2[%dma_start3A_903, %dma_start3A_904] : memref<10000x128xf32, #tpu.memory_space<hbm>> -> memref<10000x128xf32, #tpu.memory_space<hbm>>
      tpu.enqueue_indirect_dma source(%dma_start3A_905 : memref<10000x128xf32, #tpu.memory_space<hbm>>) target(%arg9 : memref<128x128xf32, #tpu.memory_space<vmem>>) offsets(%dma_start3A_902 : memref<128xi32, #tpu.memory_space<vmem>>) semaphore(%arg11 : memref<!tpu.dma_semaphore, #tpu.memory_space<semaphore_mem>>)
      %dma_wait3A_906 = arith.constant 0 : i32
      %dma_wait3A_907 = arith.constant 0 : i32
      %dma_wait3A_908 = arith.constant 0 : i32
      %dma_wait3A_909 = tpu.memref_slice %arg7[%dma_wait3A_906, %dma_wait3A_907, %dma_wait3A_908] : memref<2x8x128xi32, #tpu.memory_space<vmem>> -> memref<1x1x128xi32, #tpu.memory_space<vmem>>
      %dma_wait3A_910 = tpu.memref_squeeze %dma_wait3A_909 : memref<1x1x128xi32, #tpu.memory_space<vmem>> -> memref<128xi32, #tpu.memory_space<vmem>>
      %dma_wait3A_911 = arith.constant 0 : i32
      %dma_wait3A_912 = arith.constant 0 : i32
      %dma_wait3A_913 = tpu.memref_slice %arg2[%dma_wait3A_911, %dma_wait3A_912] : memref<10000x128xf32, #tpu.memory_space<hbm>> -> memref<10000x128xf32, #tpu.memory_space<hbm>>
      tpu.wait_indirect_dma semaphore(%arg12 : memref<!tpu.dma_semaphore, #tpu.memory_space<semaphore_mem>>) src(%dma_wait3A_913 : memref<10000x128xf32, #tpu.memory_space<hbm>>) dst(%arg10 : memref<128x128xf32, #tpu.memory_space<vmem>>)
      %dma_start3A_914 = arith.constant 7 : i32
      %dma_start3A_915 = arith.constant 0 : i32
      %dma_start3A_916 = tpu.memref_slice %arg8[%rem3A_642, %dma_start3A_914, %dma_start3A_915] : memref<2x8x128xi32, #tpu.memory_space<vmem>> -> memref<1x1x128xi32, #tpu.memory_space<vmem>>
      %dma_start3A_917 = tpu.memref_squeeze %dma_start3A_916 : memref<1x1x128xi32, #tpu.memory_space<vmem>> -> memref<128xi32, #tpu.memory_space<vmem>>
      %dma_start3A_918 = arith.constant 0 : i32
      %dma_start3A_919 = arith.constant 0 : i32
      %dma_start3A_920 = tpu.memref_slice %arg6[%dma_start3A_918, %dma_start3A_919] : memref<10240x128xf32, #tpu.memory_space<vmem_shared>> -> memref<10240x128xf32, #tpu.memory_space<vmem_shared>>
      tpu.enqueue_indirect_dma source(%arg10 : memref<128x128xf32, #tpu.memory_space<vmem>>) target(%dma_start3A_920 : memref<10240x128xf32, #tpu.memory_space<vmem_shared>>) offsets(%dma_start3A_917 : memref<128xi32, #tpu.memory_space<vmem>>) semaphore(%arg14 : memref<!tpu.dma_semaphore, #tpu.memory_space<semaphore_mem>>) {add = true}
      %add3A_921 = arith.constant 2 : i32
      %add3A_922 = arith.addi %while3A_640, %add3A_921 : i32
      %lt3A = arith.cmpi slt, %add3A_922, %select_n3A_8 : i32
      %convert_element_type3A_923 = arith.extui %lt3A : i1 to i32
      %cond3A_924 = arith.constant 0 : i32
      %cond3A_925 = arith.cmpi ne, %convert_element_type3A_923, %cond3A_924 : i32
      scf.if %cond3A_925 {
        %add3A_927 = arith.addi %select_n3A, %while3A_640 : i32
        %add3A_928 = arith.constant 2 : i32
        %add3A_929 = arith.addi %add3A_927, %add3A_928 : i32
        %dma_start3A_930 = arith.constant 0 : i32
        %dma_start3A_931 = arith.constant 0 : i32
        %dma_start3A_932 = tpu.memref_slice %arg7[%rem3A_642, %dma_start3A_930, %dma_start3A_931] : memref<2x8x128xi32, #tpu.memory_space<vmem>> -> memref<1x8x128xi32, #tpu.memory_space<vmem>>
        %dma_start3A_933 = tpu.memref_squeeze %dma_start3A_932 : memref<1x8x128xi32, #tpu.memory_space<vmem>> -> memref<8x128xi32, #tpu.memory_space<vmem>>
        %dma_start3A_934 = arith.constant 0 : i32
        %dma_start3A_935 = arith.constant 0 : i32
        %dma_start3A_936 = tpu.memref_slice %arg3[%add3A_929, %dma_start3A_934, %dma_start3A_935] : memref<320x8x128xi32, #tpu.memory_space<hbm>> -> memref<1x8x128xi32, #tpu.memory_space<hbm>>
        %dma_start3A_937 = tpu.memref_squeeze %dma_start3A_936 : memref<1x8x128xi32, #tpu.memory_space<hbm>> -> memref<8x128xi32, #tpu.memory_space<hbm>>
        %dma_start3A_938 = arith.constant 0 : i32
        %dma_start3A_939 = arith.constant 0 : i32
        %dma_start3A_940 = tpu.memref_slice %arg7[%rem3A_642, %dma_start3A_938, %dma_start3A_939] : memref<2x8x128xi32, #tpu.memory_space<vmem>> -> memref<1x8x128xi32, #tpu.memory_space<vmem>>
        %dma_start3A_941 = tpu.memref_squeeze %dma_start3A_940 : memref<1x8x128xi32, #tpu.memory_space<vmem>> -> memref<8x128xi32, #tpu.memory_space<vmem>>
        %dma_start3A_942 = arith.constant 0 : i32
        %dma_start3A_943 = arith.constant 0 : i32
        %dma_start3A_944 = tpu.memref_slice %arg3[%add3A_929, %dma_start3A_942, %dma_start3A_943] : memref<320x8x128xi32, #tpu.memory_space<hbm>> -> memref<1x8x128xi32, #tpu.memory_space<hbm>>
        %dma_start3A_945 = tpu.memref_squeeze %dma_start3A_944 : memref<1x8x128xi32, #tpu.memory_space<hbm>> -> memref<8x128xi32, #tpu.memory_space<hbm>>
        tpu.enqueue_dma source(%dma_start3A_945 : memref<8x128xi32, #tpu.memory_space<hbm>>) target(%dma_start3A_941 : memref<8x128xi32, #tpu.memory_space<vmem>>) target_semaphore(%arg15 : memref<!tpu.dma_semaphore, #tpu.memory_space<semaphore_mem>>)
        %dma_start3A_946 = arith.constant 0 : i32
        %dma_start3A_947 = arith.constant 0 : i32
        %dma_start3A_948 = tpu.memref_slice %arg8[%rem3A_642, %dma_start3A_946, %dma_start3A_947] : memref<2x8x128xi32, #tpu.memory_space<vmem>> -> memref<1x8x128xi32, #tpu.memory_space<vmem>>
        %dma_start3A_949 = tpu.memref_squeeze %dma_start3A_948 : memref<1x8x128xi32, #tpu.memory_space<vmem>> -> memref<8x128xi32, #tpu.memory_space<vmem>>
        %dma_start3A_950 = arith.constant 0 : i32
        %dma_start3A_951 = arith.constant 0 : i32
        %dma_start3A_952 = tpu.memref_slice %arg4[%add3A_929, %dma_start3A_950, %dma_start3A_951] : memref<320x8x128xi32, #tpu.memory_space<hbm>> -> memref<1x8x128xi32, #tpu.memory_space<hbm>>
        %dma_start3A_953 = tpu.memref_squeeze %dma_start3A_952 : memref<1x8x128xi32, #tpu.memory_space<hbm>> -> memref<8x128xi32, #tpu.memory_space<hbm>>
        %dma_start3A_954 = arith.constant 0 : i32
        %dma_start3A_955 = arith.constant 0 : i32
        %dma_start3A_956 = tpu.memref_slice %arg8[%rem3A_642, %dma_start3A_954, %dma_start3A_955] : memref<2x8x128xi32, #tpu.memory_space<vmem>> -> memref<1x8x128xi32, #tpu.memory_space<vmem>>
        %dma_start3A_957 = tpu.memref_squeeze %dma_start3A_956 : memref<1x8x128xi32, #tpu.memory_space<vmem>> -> memref<8x128xi32, #tpu.memory_space<vmem>>
        %dma_start3A_958 = arith.constant 0 : i32
        %dma_start3A_959 = arith.constant 0 : i32
        %dma_start3A_960 = tpu.memref_slice %arg4[%add3A_929, %dma_start3A_958, %dma_start3A_959] : memref<320x8x128xi32, #tpu.memory_space<hbm>> -> memref<1x8x128xi32, #tpu.memory_space<hbm>>
        %dma_start3A_961 = tpu.memref_squeeze %dma_start3A_960 : memref<1x8x128xi32, #tpu.memory_space<hbm>> -> memref<8x128xi32, #tpu.memory_space<hbm>>
        tpu.enqueue_dma source(%dma_start3A_961 : memref<8x128xi32, #tpu.memory_space<hbm>>) target(%dma_start3A_957 : memref<8x128xi32, #tpu.memory_space<vmem>>) target_semaphore(%arg15 : memref<!tpu.dma_semaphore, #tpu.memory_space<semaphore_mem>>)
      } else {
      }
      %while3A_926 = arith.constant 0 : i32
      scf.yield %while3A_926 : i32
    }
    %while3A_375 = arith.constant 1 : i32
    %while3A_376 = scf.for %while3A_640 = %while3A_372 to %while3A_368 step %while3A_375 iter_args(%while3A_641 = %while3A_374) -> (i32)  : i32 {
      %rem3A = arith.constant 2 : i32
      %rem3A_642 = arith.remsi %while3A_640, %rem3A : i32
      %dma_wait3A_643 = arith.constant 0 : i32
      %dma_wait3A_644 = arith.constant 0 : i32
      %dma_wait3A_645 = arith.constant 0 : i32
      %dma_wait3A_646 = tpu.memref_slice %arg8[%dma_wait3A_643, %dma_wait3A_644, %dma_wait3A_645] : memref<2x8x128xi32, #tpu.memory_space<vmem>> -> memref<1x1x128xi32, #tpu.memory_space<vmem>>
      %dma_wait3A_647 = tpu.memref_squeeze %dma_wait3A_646 : memref<1x1x128xi32, #tpu.memory_space<vmem>> -> memref<128xi32, #tpu.memory_space<vmem>>
      %dma_wait3A_648 = arith.constant 0 : i32
      %dma_wait3A_649 = arith.constant 0 : i32
      %dma_wait3A_650 = tpu.memref_slice %arg6[%dma_wait3A_648, %dma_wait3A_649] : memref<10240x128xf32, #tpu.memory_space<vmem_shared>> -> memref<10240x128xf32, #tpu.memory_space<vmem_shared>>
      tpu.wait_indirect_dma semaphore(%arg14 : memref<!tpu.dma_semaphore, #tpu.memory_space<semaphore_mem>>) src(%arg10 : memref<128x128xf32, #tpu.memory_space<vmem>>) dst(%dma_wait3A_650 : memref<10240x128xf32, #tpu.memory_space<vmem_shared>>)
      %dma_start3A_651 = arith.constant 1 : i32
      %dma_start3A_652 = arith.constant 0 : i32
      %dma_start3A_653 = tpu.memref_slice %arg7[%rem3A_642, %dma_start3A_651, %dma_start3A_652] : memref<2x8x128xi32, #tpu.memory_space<vmem>> -> memref<1x1x128xi32, #tpu.memory_space<vmem>>
      %dma_start3A_654 = tpu.memref_squeeze %dma_start3A_653 : memref<1x1x128xi32, #tpu.memory_space<vmem>> -> memref<128xi32, #tpu.memory_space<vmem>>
      %dma_start3A_655 = arith.constant 0 : i32
      %dma_start3A_656 = arith.constant 0 : i32
      %dma_start3A_657 = tpu.memref_slice %arg2[%dma_start3A_655, %dma_start3A_656] : memref<10000x128xf32, #tpu.memory_space<hbm>> -> memref<10000x128xf32, #tpu.memory_space<hbm>>
      tpu.enqueue_indirect_dma source(%dma_start3A_657 : memref<10000x128xf32, #tpu.memory_space<hbm>>) target(%arg10 : memref<128x128xf32, #tpu.memory_space<vmem>>) offsets(%dma_start3A_654 : memref<128xi32, #tpu.memory_space<vmem>>) semaphore(%arg12 : memref<!tpu.dma_semaphore, #tpu.memory_space<semaphore_mem>>)
      %dma_wait3A_658 = arith.constant 0 : i32
      %dma_wait3A_659 = arith.constant 0 : i32
      %dma_wait3A_660 = arith.constant 0 : i32
      %dma_wait3A_661 = tpu.memref_slice %arg7[%dma_wait3A_658, %dma_wait3A_659, %dma_wait3A_660] : memref<2x8x128xi32, #tpu.memory_space<vmem>> -> memref<1x1x128xi32, #tpu.memory_space<vmem>>
      %dma_wait3A_662 = tpu.memref_squeeze %dma_wait3A_661 : memref<1x1x128xi32, #tpu.memory_space<vmem>> -> memref<128xi32, #tpu.memory_space<vmem>>
      %dma_wait3A_663 = arith.constant 0 : i32
      %dma_wait3A_664 = arith.constant 0 : i32
      %dma_wait3A_665 = tpu.memref_slice %arg2[%dma_wait3A_663, %dma_wait3A_664] : memref<10000x128xf32, #tpu.memory_space<hbm>> -> memref<10000x128xf32, #tpu.memory_space<hbm>>
      tpu.wait_indirect_dma semaphore(%arg11 : memref<!tpu.dma_semaphore, #tpu.memory_space<semaphore_mem>>) src(%dma_wait3A_665 : memref<10000x128xf32, #tpu.memory_space<hbm>>) dst(%arg9 : memref<128x128xf32, #tpu.memory_space<vmem>>)
      %dma_start3A_666 = arith.constant 0 : i32
      %dma_start3A_667 = arith.constant 0 : i32
      %dma_start3A_668 = tpu.memref_slice %arg8[%rem3A_642, %dma_start3A_666, %dma_start3A_667] : memref<2x8x128xi32, #tpu.memory_space<vmem>> -> memref<1x1x128xi32, #tpu.memory_space<vmem>>
      %dma_start3A_669 = tpu.memref_squeeze %dma_start3A_668 : memref<1x1x128xi32, #tpu.memory_space<vmem>> -> memref<128xi32, #tpu.memory_space<vmem>>
      %dma_start3A_670 = arith.constant 0 : i32
      %dma_start3A_671 = arith.constant 0 : i32
      %dma_start3A_672 = tpu.memref_slice %arg6[%dma_start3A_670, %dma_start3A_671] : memref<10240x128xf32, #tpu.memory_space<vmem_shared>> -> memref<10240x128xf32, #tpu.memory_space<vmem_shared>>
      tpu.enqueue_indirect_dma source(%arg9 : memref<128x128xf32, #tpu.memory_space<vmem>>) target(%dma_start3A_672 : memref<10240x128xf32, #tpu.memory_space<vmem_shared>>) offsets(%dma_start3A_669 : memref<128xi32, #tpu.memory_space<vmem>>) semaphore(%arg13 : memref<!tpu.dma_semaphore, #tpu.memory_space<semaphore_mem>>) {add = true}
      %dma_wait3A_673 = arith.constant 0 : i32
      %dma_wait3A_674 = arith.constant 0 : i32
      %dma_wait3A_675 = arith.constant 0 : i32
      %dma_wait3A_676 = tpu.memref_slice %arg8[%dma_wait3A_673, %dma_wait3A_674, %dma_wait3A_675] : memref<2x8x128xi32, #tpu.memory_space<vmem>> -> memref<1x1x128xi32, #tpu.memory_space<vmem>>
      %dma_wait3A_677 = tpu.memref_squeeze %dma_wait3A_676 : memref<1x1x128xi32, #tpu.memory_space<vmem>> -> memref<128xi32, #tpu.memory_space<vmem>>
      %dma_wait3A_678 = arith.constant 0 : i32
      %dma_wait3A_679 = arith.constant 0 : i32
      %dma_wait3A_680 = tpu.memref_slice %arg6[%dma_wait3A_678, %dma_wait3A_679] : memref<10240x128xf32, #tpu.memory_space<vmem_shared>> -> memref<10240x128xf32, #tpu.memory_space<vmem_shared>>
      tpu.wait_indirect_dma semaphore(%arg13 : memref<!tpu.dma_semaphore, #tpu.memory_space<semaphore_mem>>) src(%arg9 : memref<128x128xf32, #tpu.memory_space<vmem>>) dst(%dma_wait3A_680 : memref<10240x128xf32, #tpu.memory_space<vmem_shared>>)
      %dma_start3A_681 = arith.constant 2 : i32
      %dma_start3A_682 = arith.constant 0 : i32
      %dma_start3A_683 = tpu.memref_slice %arg7[%rem3A_642, %dma_start3A_681, %dma_start3A_682] : memref<2x8x128xi32, #tpu.memory_space<vmem>> -> memref<1x1x128xi32, #tpu.memory_space<vmem>>
      %dma_start3A_684 = tpu.memref_squeeze %dma_start3A_683 : memref<1x1x128xi32, #tpu.memory_space<vmem>> -> memref<128xi32, #tpu.memory_space<vmem>>
      %dma_start3A_685 = arith.constant 0 : i32
      %dma_start3A_686 = arith.constant 0 : i32
      %dma_start3A_687 = tpu.memref_slice %arg2[%dma_start3A_685, %dma_start3A_686] : memref<10000x128xf32, #tpu.memory_space<hbm>> -> memref<10000x128xf32, #tpu.memory_space<hbm>>
      tpu.enqueue_indirect_dma source(%dma_start3A_687 : memref<10000x128xf32, #tpu.memory_space<hbm>>) target(%arg9 : memref<128x128xf32, #tpu.memory_space<vmem>>) offsets(%dma_start3A_684 : memref<128xi32, #tpu.memory_space<vmem>>) semaphore(%arg11 : memref<!tpu.dma_semaphore, #tpu.memory_space<semaphore_mem>>)
      %dma_wait3A_688 = arith.constant 0 : i32
      %dma_wait3A_689 = arith.constant 0 : i32
      %dma_wait3A_690 = arith.constant 0 : i32
      %dma_wait3A_691 = tpu.memref_slice %arg7[%dma_wait3A_688, %dma_wait3A_689, %dma_wait3A_690] : memref<2x8x128xi32, #tpu.memory_space<vmem>> -> memref<1x1x128xi32, #tpu.memory_space<vmem>>
      %dma_wait3A_692 = tpu.memref_squeeze %dma_wait3A_691 : memref<1x1x128xi32, #tpu.memory_space<vmem>> -> memref<128xi32, #tpu.memory_space<vmem>>
      %dma_wait3A_693 = arith.constant 0 : i32
      %dma_wait3A_694 = arith.constant 0 : i32
      %dma_wait3A_695 = tpu.memref_slice %arg2[%dma_wait3A_693, %dma_wait3A_694] : memref<10000x128xf32, #tpu.memory_space<hbm>> -> memref<10000x128xf32, #tpu.memory_space<hbm>>
      tpu.wait_indirect_dma semaphore(%arg12 : memref<!tpu.dma_semaphore, #tpu.memory_space<semaphore_mem>>) src(%dma_wait3A_695 : memref<10000x128xf32, #tpu.memory_space<hbm>>) dst(%arg10 : memref<128x128xf32, #tpu.memory_space<vmem>>)
      %dma_start3A_696 = arith.constant 1 : i32
      %dma_start3A_697 = arith.constant 0 : i32
      %dma_start3A_698 = tpu.memref_slice %arg8[%rem3A_642, %dma_start3A_696, %dma_start3A_697] : memref<2x8x128xi32, #tpu.memory_space<vmem>> -> memref<1x1x128xi32, #tpu.memory_space<vmem>>
      %dma_start3A_699 = tpu.memref_squeeze %dma_start3A_698 : memref<1x1x128xi32, #tpu.memory_space<vmem>> -> memref<128xi32, #tpu.memory_space<vmem>>
      %dma_start3A_700 = arith.constant 0 : i32
      %dma_start3A_701 = arith.constant 0 : i32
      %dma_start3A_702 = tpu.memref_slice %arg6[%dma_start3A_700, %dma_start3A_701] : memref<10240x128xf32, #tpu.memory_space<vmem_shared>> -> memref<10240x128xf32, #tpu.memory_space<vmem_shared>>
      tpu.enqueue_indirect_dma source(%arg10 : memref<128x128xf32, #tpu.memory_space<vmem>>) target(%dma_start3A_702 : memref<10240x128xf32, #tpu.memory_space<vmem_shared>>) offsets(%dma_start3A_699 : memref<128xi32, #tpu.memory_space<vmem>>) semaphore(%arg14 : memref<!tpu.dma_semaphore, #tpu.memory_space<semaphore_mem>>) {add = true}
      %dma_wait3A_703 = arith.constant 0 : i32
      %dma_wait3A_704 = arith.constant 0 : i32
      %dma_wait3A_705 = arith.constant 0 : i32
      %dma_wait3A_706 = tpu.memref_slice %arg8[%dma_wait3A_703, %dma_wait3A_704, %dma_wait3A_705] : memref<2x8x128xi32, #tpu.memory_space<vmem>> -> memref<1x1x128xi32, #tpu.memory_space<vmem>>
      %dma_wait3A_707 = tpu.memref_squeeze %dma_wait3A_706 : memref<1x1x128xi32, #tpu.memory_space<vmem>> -> memref<128xi32, #tpu.memory_space<vmem>>
      %dma_wait3A_708 = arith.constant 0 : i32
      %dma_wait3A_709 = arith.constant 0 : i32
      %dma_wait3A_710 = tpu.memref_slice %arg6[%dma_wait3A_708, %dma_wait3A_709] : memref<10240x128xf32, #tpu.memory_space<vmem_shared>> -> memref<10240x128xf32, #tpu.memory_space<vmem_shared>>
      tpu.wait_indirect_dma semaphore(%arg14 : memref<!tpu.dma_semaphore, #tpu.memory_space<semaphore_mem>>) src(%arg10 : memref<128x128xf32, #tpu.memory_space<vmem>>) dst(%dma_wait3A_710 : memref<10240x128xf32, #tpu.memory_space<vmem_shared>>)
      %dma_start3A_711 = arith.constant 3 : i32
      %dma_start3A_712 = arith.constant 0 : i32
      %dma_start3A_713 = tpu.memref_slice %arg7[%rem3A_642, %dma_start3A_711, %dma_start3A_712] : memref<2x8x128xi32, #tpu.memory_space<vmem>> -> memref<1x1x128xi32, #tpu.memory_space<vmem>>
      %dma_start3A_714 = tpu.memref_squeeze %dma_start3A_713 : memref<1x1x128xi32, #tpu.memory_space<vmem>> -> memref<128xi32, #tpu.memory_space<vmem>>
      %dma_start3A_715 = arith.constant 0 : i32
      %dma_start3A_716 = arith.constant 0 : i32
      %dma_start3A_717 = tpu.memref_slice %arg2[%dma_start3A_715, %dma_start3A_716] : memref<10000x128xf32, #tpu.memory_space<hbm>> -> memref<10000x128xf32, #tpu.memory_space<hbm>>
      tpu.enqueue_indirect_dma source(%dma_start3A_717 : memref<10000x128xf32, #tpu.memory_space<hbm>>) target(%arg10 : memref<128x128xf32, #tpu.memory_space<vmem>>) offsets(%dma_start3A_714 : memref<128xi32, #tpu.memory_space<vmem>>) semaphore(%arg12 : memref<!tpu.dma_semaphore, #tpu.memory_space<semaphore_mem>>)
      %dma_wait3A_718 = arith.constant 0 : i32
      %dma_wait3A_719 = arith.constant 0 : i32
      %dma_wait3A_720 = arith.constant 0 : i32
      %dma_wait3A_721 = tpu.memref_slice %arg7[%dma_wait3A_718, %dma_wait3A_719, %dma_wait3A_720] : memref<2x8x128xi32, #tpu.memory_space<vmem>> -> memref<1x1x128xi32, #tpu.memory_space<vmem>>
      %dma_wait3A_722 = tpu.memref_squeeze %dma_wait3A_721 : memref<1x1x128xi32, #tpu.memory_space<vmem>> -> memref<128xi32, #tpu.memory_space<vmem>>
      %dma_wait3A_723 = arith.constant 0 : i32
      %dma_wait3A_724 = arith.constant 0 : i32
      %dma_wait3A_725 = tpu.memref_slice %arg2[%dma_wait3A_723, %dma_wait3A_724] : memref<10000x128xf32, #tpu.memory_space<hbm>> -> memref<10000x128xf32, #tpu.memory_space<hbm>>
      tpu.wait_indirect_dma semaphore(%arg11 : memref<!tpu.dma_semaphore, #tpu.memory_space<semaphore_mem>>) src(%dma_wait3A_725 : memref<10000x128xf32, #tpu.memory_space<hbm>>) dst(%arg9 : memref<128x128xf32, #tpu.memory_space<vmem>>)
      %dma_start3A_726 = arith.constant 2 : i32
      %dma_start3A_727 = arith.constant 0 : i32
      %dma_start3A_728 = tpu.memref_slice %arg8[%rem3A_642, %dma_start3A_726, %dma_start3A_727] : memref<2x8x128xi32, #tpu.memory_space<vmem>> -> memref<1x1x128xi32, #tpu.memory_space<vmem>>
      %dma_start3A_729 = tpu.memref_squeeze %dma_start3A_728 : memref<1x1x128xi32, #tpu.memory_space<vmem>> -> memref<128xi32, #tpu.memory_space<vmem>>
      %dma_start3A_730 = arith.constant 0 : i32
      %dma_start3A_731 = arith.constant 0 : i32
      %dma_start3A_732 = tpu.memref_slice %arg6[%dma_start3A_730, %dma_start3A_731] : memref<10240x128xf32, #tpu.memory_space<vmem_shared>> -> memref<10240x128xf32, #tpu.memory_space<vmem_shared>>
      tpu.enqueue_indirect_dma source(%arg9 : memref<128x128xf32, #tpu.memory_space<vmem>>) target(%dma_start3A_732 : memref<10240x128xf32, #tpu.memory_space<vmem_shared>>) offsets(%dma_start3A_729 : memref<128xi32, #tpu.memory_space<vmem>>) semaphore(%arg13 : memref<!tpu.dma_semaphore, #tpu.memory_space<semaphore_mem>>) {add = true}
      %dma_wait3A_733 = arith.constant 0 : i32
      %dma_wait3A_734 = arith.constant 0 : i32
      %dma_wait3A_735 = arith.constant 0 : i32
      %dma_wait3A_736 = tpu.memref_slice %arg8[%dma_wait3A_733, %dma_wait3A_734, %dma_wait3A_735] : memref<2x8x128xi32, #tpu.memory_space<vmem>> -> memref<1x1x128xi32, #tpu.memory_space<vmem>>
      %dma_wait3A_737 = tpu.memref_squeeze %dma_wait3A_736 : memref<1x1x128xi32, #tpu.memory_space<vmem>> -> memref<128xi32, #tpu.memory_space<vmem>>
      %dma_wait3A_738 = arith.constant 0 : i32
      %dma_wait3A_739 = arith.constant 0 : i32
      %dma_wait3A_740 = tpu.memref_slice %arg6[%dma_wait3A_738, %dma_wait3A_739] : memref<10240x128xf32, #tpu.memory_space<vmem_shared>> -> memref<10240x128xf32, #tpu.memory_space<vmem_shared>>
      tpu.wait_indirect_dma semaphore(%arg13 : memref<!tpu.dma_semaphore, #tpu.memory_space<semaphore_mem>>) src(%arg9 : memref<128x128xf32, #tpu.memory_space<vmem>>) dst(%dma_wait3A_740 : memref<10240x128xf32, #tpu.memory_space<vmem_shared>>)
      %dma_start3A_741 = arith.constant 4 : i32
      %dma_start3A_742 = arith.constant 0 : i32
      %dma_start3A_743 = tpu.memref_slice %arg7[%rem3A_642, %dma_start3A_741, %dma_start3A_742] : memref<2x8x128xi32, #tpu.memory_space<vmem>> -> memref<1x1x128xi32, #tpu.memory_space<vmem>>
      %dma_start3A_744 = tpu.memref_squeeze %dma_start3A_743 : memref<1x1x128xi32, #tpu.memory_space<vmem>> -> memref<128xi32, #tpu.memory_space<vmem>>
      %dma_start3A_745 = arith.constant 0 : i32
      %dma_start3A_746 = arith.constant 0 : i32
      %dma_start3A_747 = tpu.memref_slice %arg2[%dma_start3A_745, %dma_start3A_746] : memref<10000x128xf32, #tpu.memory_space<hbm>> -> memref<10000x128xf32, #tpu.memory_space<hbm>>
      tpu.enqueue_indirect_dma source(%dma_start3A_747 : memref<10000x128xf32, #tpu.memory_space<hbm>>) target(%arg9 : memref<128x128xf32, #tpu.memory_space<vmem>>) offsets(%dma_start3A_744 : memref<128xi32, #tpu.memory_space<vmem>>) semaphore(%arg11 : memref<!tpu.dma_semaphore, #tpu.memory_space<semaphore_mem>>)
      %dma_wait3A_748 = arith.constant 0 : i32
      %dma_wait3A_749 = arith.constant 0 : i32
      %dma_wait3A_750 = arith.constant 0 : i32
      %dma_wait3A_751 = tpu.memref_slice %arg7[%dma_wait3A_748, %dma_wait3A_749, %dma_wait3A_750] : memref<2x8x128xi32, #tpu.memory_space<vmem>> -> memref<1x1x128xi32, #tpu.memory_space<vmem>>
      %dma_wait3A_752 = tpu.memref_squeeze %dma_wait3A_751 : memref<1x1x128xi32, #tpu.memory_space<vmem>> -> memref<128xi32, #tpu.memory_space<vmem>>
      %dma_wait3A_753 = arith.constant 0 : i32
      %dma_wait3A_754 = arith.constant 0 : i32
      %dma_wait3A_755 = tpu.memref_slice %arg2[%dma_wait3A_753, %dma_wait3A_754] : memref<10000x128xf32, #tpu.memory_space<hbm>> -> memref<10000x128xf32, #tpu.memory_space<hbm>>
      tpu.wait_indirect_dma semaphore(%arg12 : memref<!tpu.dma_semaphore, #tpu.memory_space<semaphore_mem>>) src(%dma_wait3A_755 : memref<10000x128xf32, #tpu.memory_space<hbm>>) dst(%arg10 : memref<128x128xf32, #tpu.memory_space<vmem>>)
      %dma_start3A_756 = arith.constant 3 : i32
      %dma_start3A_757 = arith.constant 0 : i32
      %dma_start3A_758 = tpu.memref_slice %arg8[%rem3A_642, %dma_start3A_756, %dma_start3A_757] : memref<2x8x128xi32, #tpu.memory_space<vmem>> -> memref<1x1x128xi32, #tpu.memory_space<vmem>>
      %dma_start3A_759 = tpu.memref_squeeze %dma_start3A_758 : memref<1x1x128xi32, #tpu.memory_space<vmem>> -> memref<128xi32, #tpu.memory_space<vmem>>
      %dma_start3A_760 = arith.constant 0 : i32
      %dma_start3A_761 = arith.constant 0 : i32
      %dma_start3A_762 = tpu.memref_slice %arg6[%dma_start3A_760, %dma_start3A_761] : memref<10240x128xf32, #tpu.memory_space<vmem_shared>> -> memref<10240x128xf32, #tpu.memory_space<vmem_shared>>
      tpu.enqueue_indirect_dma source(%arg10 : memref<128x128xf32, #tpu.memory_space<vmem>>) target(%dma_start3A_762 : memref<10240x128xf32, #tpu.memory_space<vmem_shared>>) offsets(%dma_start3A_759 : memref<128xi32, #tpu.memory_space<vmem>>) semaphore(%arg14 : memref<!tpu.dma_semaphore, #tpu.memory_space<semaphore_mem>>) {add = true}
      %dma_wait3A_763 = arith.constant 0 : i32
      %dma_wait3A_764 = arith.constant 0 : i32
      %dma_wait3A_765 = arith.constant 0 : i32
      %dma_wait3A_766 = tpu.memref_slice %arg8[%dma_wait3A_763, %dma_wait3A_764, %dma_wait3A_765] : memref<2x8x128xi32, #tpu.memory_space<vmem>> -> memref<1x1x128xi32, #tpu.memory_space<vmem>>
      %dma_wait3A_767 = tpu.memref_squeeze %dma_wait3A_766 : memref<1x1x128xi32, #tpu.memory_space<vmem>> -> memref<128xi32, #tpu.memory_space<vmem>>
      %dma_wait3A_768 = arith.constant 0 : i32
      %dma_wait3A_769 = arith.constant 0 : i32
      %dma_wait3A_770 = tpu.memref_slice %arg6[%dma_wait3A_768, %dma_wait3A_769] : memref<10240x128xf32, #tpu.memory_space<vmem_shared>> -> memref<10240x128xf32, #tpu.memory_space<vmem_shared>>
      tpu.wait_indirect_dma semaphore(%arg14 : memref<!tpu.dma_semaphore, #tpu.memory_space<semaphore_mem>>) src(%arg10 : memref<128x128xf32, #tpu.memory_space<vmem>>) dst(%dma_wait3A_770 : memref<10240x128xf32, #tpu.memory_space<vmem_shared>>)
      %dma_start3A_771 = arith.constant 5 : i32
      %dma_start3A_772 = arith.constant 0 : i32
      %dma_start3A_773 = tpu.memref_slice %arg7[%rem3A_642, %dma_start3A_771, %dma_start3A_772] : memref<2x8x128xi32, #tpu.memory_space<vmem>> -> memref<1x1x128xi32, #tpu.memory_space<vmem>>
      %dma_start3A_774 = tpu.memref_squeeze %dma_start3A_773 : memref<1x1x128xi32, #tpu.memory_space<vmem>> -> memref<128xi32, #tpu.memory_space<vmem>>
      %dma_start3A_775 = arith.constant 0 : i32
      %dma_start3A_776 = arith.constant 0 : i32
      %dma_start3A_777 = tpu.memref_slice %arg2[%dma_start3A_775, %dma_start3A_776] : memref<10000x128xf32, #tpu.memory_space<hbm>> -> memref<10000x128xf32, #tpu.memory_space<hbm>>
      tpu.enqueue_indirect_dma source(%dma_start3A_777 : memref<10000x128xf32, #tpu.memory_space<hbm>>) target(%arg10 : memref<128x128xf32, #tpu.memory_space<vmem>>) offsets(%dma_start3A_774 : memref<128xi32, #tpu.memory_space<vmem>>) semaphore(%arg12 : memref<!tpu.dma_semaphore, #tpu.memory_space<semaphore_mem>>)
      %dma_wait3A_778 = arith.constant 0 : i32
      %dma_wait3A_779 = arith.constant 0 : i32
      %dma_wait3A_780 = arith.constant 0 : i32
      %dma_wait3A_781 = tpu.memref_slice %arg7[%dma_wait3A_778, %dma_wait3A_779, %dma_wait3A_780] : memref<2x8x128xi32, #tpu.memory_space<vmem>> -> memref<1x1x128xi32, #tpu.memory_space<vmem>>
      %dma_wait3A_782 = tpu.memref_squeeze %dma_wait3A_781 : memref<1x1x128xi32, #tpu.memory_space<vmem>> -> memref<128xi32, #tpu.memory_space<vmem>>
      %dma_wait3A_783 = arith.constant 0 : i32
      %dma_wait3A_784 = arith.constant 0 : i32
      %dma_wait3A_785 = tpu.memref_slice %arg2[%dma_wait3A_783, %dma_wait3A_784] : memref<10000x128xf32, #tpu.memory_space<hbm>> -> memref<10000x128xf32, #tpu.memory_space<hbm>>
      tpu.wait_indirect_dma semaphore(%arg11 : memref<!tpu.dma_semaphore, #tpu.memory_space<semaphore_mem>>) src(%dma_wait3A_785 : memref<10000x128xf32, #tpu.memory_space<hbm>>) dst(%arg9 : memref<128x128xf32, #tpu.memory_space<vmem>>)
      %dma_start3A_786 = arith.constant 4 : i32
      %dma_start3A_787 = arith.constant 0 : i32
      %dma_start3A_788 = tpu.memref_slice %arg8[%rem3A_642, %dma_start3A_786, %dma_start3A_787] : memref<2x8x128xi32, #tpu.memory_space<vmem>> -> memref<1x1x128xi32, #tpu.memory_space<vmem>>
      %dma_start3A_789 = tpu.memref_squeeze %dma_start3A_788 : memref<1x1x128xi32, #tpu.memory_space<vmem>> -> memref<128xi32, #tpu.memory_space<vmem>>
      %dma_start3A_790 = arith.constant 0 : i32
      %dma_start3A_791 = arith.constant 0 : i32
      %dma_start3A_792 = tpu.memref_slice %arg6[%dma_start3A_790, %dma_start3A_791] : memref<10240x128xf32, #tpu.memory_space<vmem_shared>> -> memref<10240x128xf32, #tpu.memory_space<vmem_shared>>
      tpu.enqueue_indirect_dma source(%arg9 : memref<128x128xf32, #tpu.memory_space<vmem>>) target(%dma_start3A_792 : memref<10240x128xf32, #tpu.memory_space<vmem_shared>>) offsets(%dma_start3A_789 : memref<128xi32, #tpu.memory_space<vmem>>) semaphore(%arg13 : memref<!tpu.dma_semaphore, #tpu.memory_space<semaphore_mem>>) {add = true}
      %dma_wait3A_793 = arith.constant 0 : i32
      %dma_wait3A_794 = arith.constant 0 : i32
      %dma_wait3A_795 = arith.constant 0 : i32
      %dma_wait3A_796 = tpu.memref_slice %arg8[%dma_wait3A_793, %dma_wait3A_794, %dma_wait3A_795] : memref<2x8x128xi32, #tpu.memory_space<vmem>> -> memref<1x1x128xi32, #tpu.memory_space<vmem>>
      %dma_wait3A_797 = tpu.memref_squeeze %dma_wait3A_796 : memref<1x1x128xi32, #tpu.memory_space<vmem>> -> memref<128xi32, #tpu.memory_space<vmem>>
      %dma_wait3A_798 = arith.constant 0 : i32
      %dma_wait3A_799 = arith.constant 0 : i32
      %dma_wait3A_800 = tpu.memref_slice %arg6[%dma_wait3A_798, %dma_wait3A_799] : memref<10240x128xf32, #tpu.memory_space<vmem_shared>> -> memref<10240x128xf32, #tpu.memory_space<vmem_shared>>
      tpu.wait_indirect_dma semaphore(%arg13 : memref<!tpu.dma_semaphore, #tpu.memory_space<semaphore_mem>>) src(%arg9 : memref<128x128xf32, #tpu.memory_space<vmem>>) dst(%dma_wait3A_800 : memref<10240x128xf32, #tpu.memory_space<vmem_shared>>)
      %dma_start3A_801 = arith.constant 6 : i32
      %dma_start3A_802 = arith.constant 0 : i32
      %dma_start3A_803 = tpu.memref_slice %arg7[%rem3A_642, %dma_start3A_801, %dma_start3A_802] : memref<2x8x128xi32, #tpu.memory_space<vmem>> -> memref<1x1x128xi32, #tpu.memory_space<vmem>>
      %dma_start3A_804 = tpu.memref_squeeze %dma_start3A_803 : memref<1x1x128xi32, #tpu.memory_space<vmem>> -> memref<128xi32, #tpu.memory_space<vmem>>
      %dma_start3A_805 = arith.constant 0 : i32
      %dma_start3A_806 = arith.constant 0 : i32
      %dma_start3A_807 = tpu.memref_slice %arg2[%dma_start3A_805, %dma_start3A_806] : memref<10000x128xf32, #tpu.memory_space<hbm>> -> memref<10000x128xf32, #tpu.memory_space<hbm>>
      tpu.enqueue_indirect_dma source(%dma_start3A_807 : memref<10000x128xf32, #tpu.memory_space<hbm>>) target(%arg9 : memref<128x128xf32, #tpu.memory_space<vmem>>) offsets(%dma_start3A_804 : memref<128xi32, #tpu.memory_space<vmem>>) semaphore(%arg11 : memref<!tpu.dma_semaphore, #tpu.memory_space<semaphore_mem>>)
      %dma_wait3A_808 = arith.constant 0 : i32
      %dma_wait3A_809 = arith.constant 0 : i32
      %dma_wait3A_810 = arith.constant 0 : i32
      %dma_wait3A_811 = tpu.memref_slice %arg7[%dma_wait3A_808, %dma_wait3A_809, %dma_wait3A_810] : memref<2x8x128xi32, #tpu.memory_space<vmem>> -> memref<1x1x128xi32, #tpu.memory_space<vmem>>
      %dma_wait3A_812 = tpu.memref_squeeze %dma_wait3A_811 : memref<1x1x128xi32, #tpu.memory_space<vmem>> -> memref<128xi32, #tpu.memory_space<vmem>>
      %dma_wait3A_813 = arith.constant 0 : i32
      %dma_wait3A_814 = arith.constant 0 : i32
      %dma_wait3A_815 = tpu.memref_slice %arg2[%dma_wait3A_813, %dma_wait3A_814] : memref<10000x128xf32, #tpu.memory_space<hbm>> -> memref<10000x128xf32, #tpu.memory_space<hbm>>
      tpu.wait_indirect_dma semaphore(%arg12 : memref<!tpu.dma_semaphore, #tpu.memory_space<semaphore_mem>>) src(%dma_wait3A_815 : memref<10000x128xf32, #tpu.memory_space<hbm>>) dst(%arg10 : memref<128x128xf32, #tpu.memory_space<vmem>>)
      %dma_start3A_816 = arith.constant 5 : i32
      %dma_start3A_817 = arith.constant 0 : i32
      %dma_start3A_818 = tpu.memref_slice %arg8[%rem3A_642, %dma_start3A_816, %dma_start3A_817] : memref<2x8x128xi32, #tpu.memory_space<vmem>> -> memref<1x1x128xi32, #tpu.memory_space<vmem>>
      %dma_start3A_819 = tpu.memref_squeeze %dma_start3A_818 : memref<1x1x128xi32, #tpu.memory_space<vmem>> -> memref<128xi32, #tpu.memory_space<vmem>>
      %dma_start3A_820 = arith.constant 0 : i32
      %dma_start3A_821 = arith.constant 0 : i32
      %dma_start3A_822 = tpu.memref_slice %arg6[%dma_start3A_820, %dma_start3A_821] : memref<10240x128xf32, #tpu.memory_space<vmem_shared>> -> memref<10240x128xf32, #tpu.memory_space<vmem_shared>>
      tpu.enqueue_indirect_dma source(%arg10 : memref<128x128xf32, #tpu.memory_space<vmem>>) target(%dma_start3A_822 : memref<10240x128xf32, #tpu.memory_space<vmem_shared>>) offsets(%dma_start3A_819 : memref<128xi32, #tpu.memory_space<vmem>>) semaphore(%arg14 : memref<!tpu.dma_semaphore, #tpu.memory_space<semaphore_mem>>) {add = true}
      %dma_wait3A_823 = arith.constant 0 : i32
      %dma_wait3A_824 = arith.constant 0 : i32
      %dma_wait3A_825 = arith.constant 0 : i32
      %dma_wait3A_826 = tpu.memref_slice %arg8[%dma_wait3A_823, %dma_wait3A_824, %dma_wait3A_825] : memref<2x8x128xi32, #tpu.memory_space<vmem>> -> memref<1x1x128xi32, #tpu.memory_space<vmem>>
      %dma_wait3A_827 = tpu.memref_squeeze %dma_wait3A_826 : memref<1x1x128xi32, #tpu.memory_space<vmem>> -> memref<128xi32, #tpu.memory_space<vmem>>
      %dma_wait3A_828 = arith.constant 0 : i32
      %dma_wait3A_829 = arith.constant 0 : i32
      %dma_wait3A_830 = tpu.memref_slice %arg6[%dma_wait3A_828, %dma_wait3A_829] : memref<10240x128xf32, #tpu.memory_space<vmem_shared>> -> memref<10240x128xf32, #tpu.memory_space<vmem_shared>>
      tpu.wait_indirect_dma semaphore(%arg14 : memref<!tpu.dma_semaphore, #tpu.memory_space<semaphore_mem>>) src(%arg10 : memref<128x128xf32, #tpu.memory_space<vmem>>) dst(%dma_wait3A_830 : memref<10240x128xf32, #tpu.memory_space<vmem_shared>>)
      %dma_start3A_831 = arith.constant 7 : i32
      %dma_start3A_832 = arith.constant 0 : i32
      %dma_start3A_833 = tpu.memref_slice %arg7[%rem3A_642, %dma_start3A_831, %dma_start3A_832] : memref<2x8x128xi32, #tpu.memory_space<vmem>> -> memref<1x1x128xi32, #tpu.memory_space<vmem>>
      %dma_start3A_834 = tpu.memref_squeeze %dma_start3A_833 : memref<1x1x128xi32, #tpu.memory_space<vmem>> -> memref<128xi32, #tpu.memory_space<vmem>>
      %dma_start3A_835 = arith.constant 0 : i32
      %dma_start3A_836 = arith.constant 0 : i32
      %dma_start3A_837 = tpu.memref_slice %arg2[%dma_start3A_835, %dma_start3A_836] : memref<10000x128xf32, #tpu.memory_space<hbm>> -> memref<10000x128xf32, #tpu.memory_space<hbm>>
      tpu.enqueue_indirect_dma source(%dma_start3A_837 : memref<10000x128xf32, #tpu.memory_space<hbm>>) target(%arg10 : memref<128x128xf32, #tpu.memory_space<vmem>>) offsets(%dma_start3A_834 : memref<128xi32, #tpu.memory_space<vmem>>) semaphore(%arg12 : memref<!tpu.dma_semaphore, #tpu.memory_space<semaphore_mem>>)
      %dma_wait3A_838 = arith.constant 0 : i32
      %dma_wait3A_839 = arith.constant 0 : i32
      %dma_wait3A_840 = arith.constant 0 : i32
      %dma_wait3A_841 = tpu.memref_slice %arg7[%dma_wait3A_838, %dma_wait3A_839, %dma_wait3A_840] : memref<2x8x128xi32, #tpu.memory_space<vmem>> -> memref<1x1x128xi32, #tpu.memory_space<vmem>>
      %dma_wait3A_842 = tpu.memref_squeeze %dma_wait3A_841 : memref<1x1x128xi32, #tpu.memory_space<vmem>> -> memref<128xi32, #tpu.memory_space<vmem>>
      %dma_wait3A_843 = arith.constant 0 : i32
      %dma_wait3A_844 = arith.constant 0 : i32
      %dma_wait3A_845 = tpu.memref_slice %arg2[%dma_wait3A_843, %dma_wait3A_844] : memref<10000x128xf32, #tpu.memory_space<hbm>> -> memref<10000x128xf32, #tpu.memory_space<hbm>>
      tpu.wait_indirect_dma semaphore(%arg11 : memref<!tpu.dma_semaphore, #tpu.memory_space<semaphore_mem>>) src(%dma_wait3A_845 : memref<10000x128xf32, #tpu.memory_space<hbm>>) dst(%arg9 : memref<128x128xf32, #tpu.memory_space<vmem>>)
      %dma_start3A_846 = arith.constant 6 : i32
      %dma_start3A_847 = arith.constant 0 : i32
      %dma_start3A_848 = tpu.memref_slice %arg8[%rem3A_642, %dma_start3A_846, %dma_start3A_847] : memref<2x8x128xi32, #tpu.memory_space<vmem>> -> memref<1x1x128xi32, #tpu.memory_space<vmem>>
      %dma_start3A_849 = tpu.memref_squeeze %dma_start3A_848 : memref<1x1x128xi32, #tpu.memory_space<vmem>> -> memref<128xi32, #tpu.memory_space<vmem>>
      %dma_start3A_850 = arith.constant 0 : i32
      %dma_start3A_851 = arith.constant 0 : i32
      %dma_start3A_852 = tpu.memref_slice %arg6[%dma_start3A_850, %dma_start3A_851] : memref<10240x128xf32, #tpu.memory_space<vmem_shared>> -> memref<10240x128xf32, #tpu.memory_space<vmem_shared>>
      tpu.enqueue_indirect_dma source(%arg9 : memref<128x128xf32, #tpu.memory_space<vmem>>) target(%dma_start3A_852 : memref<10240x128xf32, #tpu.memory_space<vmem_shared>>) offsets(%dma_start3A_849 : memref<128xi32, #tpu.memory_space<vmem>>) semaphore(%arg13 : memref<!tpu.dma_semaphore, #tpu.memory_space<semaphore_mem>>) {add = true}
      %dma_wait3A_853 = arith.constant 0 : i32
      %dma_wait3A_854 = arith.constant 0 : i32
      %dma_wait3A_855 = arith.constant 0 : i32
      %dma_wait3A_856 = arith.constant 0 : i32
      %dma_wait3A_857 = tpu.memref_slice %arg7[%dma_wait3A_854, %dma_wait3A_855, %dma_wait3A_856] : memref<2x8x128xi32, #tpu.memory_space<vmem>> -> memref<1x8x128xi32, #tpu.memory_space<vmem>>
      %dma_wait3A_858 = tpu.memref_squeeze %dma_wait3A_857 : memref<1x8x128xi32, #tpu.memory_space<vmem>> -> memref<8x128xi32, #tpu.memory_space<vmem>>
      %dma_wait3A_859 = arith.constant 0 : i32
      %dma_wait3A_860 = arith.constant 0 : i32
      %dma_wait3A_861 = tpu.memref_slice %arg3[%dma_wait3A_853, %dma_wait3A_859, %dma_wait3A_860] : memref<320x8x128xi32, #tpu.memory_space<hbm>> -> memref<1x8x128xi32, #tpu.memory_space<hbm>>
      %dma_wait3A_862 = tpu.memref_squeeze %dma_wait3A_861 : memref<1x8x128xi32, #tpu.memory_space<hbm>> -> memref<8x128xi32, #tpu.memory_space<hbm>>
      %dma_wait3A_863 = arith.constant 0 : i32
      %dma_wait3A_864 = arith.constant 0 : i32
      %dma_wait3A_865 = tpu.memref_slice %arg7[%dma_wait3A_854, %dma_wait3A_863, %dma_wait3A_864] : memref<2x8x128xi32, #tpu.memory_space<vmem>> -> memref<1x8x128xi32, #tpu.memory_space<vmem>>
      %dma_wait3A_866 = tpu.memref_squeeze %dma_wait3A_865 : memref<1x8x128xi32, #tpu.memory_space<vmem>> -> memref<8x128xi32, #tpu.memory_space<vmem>>
      %dma_wait3A_867 = arith.constant 0 : i32
      %dma_wait3A_868 = arith.constant 0 : i32
      %dma_wait3A_869 = tpu.memref_slice %arg3[%dma_wait3A_853, %dma_wait3A_867, %dma_wait3A_868] : memref<320x8x128xi32, #tpu.memory_space<hbm>> -> memref<1x8x128xi32, #tpu.memory_space<hbm>>
      %dma_wait3A_870 = tpu.memref_squeeze %dma_wait3A_869 : memref<1x8x128xi32, #tpu.memory_space<hbm>> -> memref<8x128xi32, #tpu.memory_space<hbm>>
      tpu.wait_dma2 semaphore(%arg15 : memref<!tpu.dma_semaphore, #tpu.memory_space<semaphore_mem>>) src(%dma_wait3A_870 : memref<8x128xi32, #tpu.memory_space<hbm>>) dst(%dma_wait3A_866 : memref<8x128xi32, #tpu.memory_space<vmem>>)
      %dma_wait3A_871 = arith.constant 0 : i32
      %dma_wait3A_872 = arith.constant 0 : i32
      %dma_wait3A_873 = arith.constant 0 : i32
      %dma_wait3A_874 = arith.constant 0 : i32
      %dma_wait3A_875 = tpu.memref_slice %arg7[%dma_wait3A_872, %dma_wait3A_873, %dma_wait3A_874] : memref<2x8x128xi32, #tpu.memory_space<vmem>> -> memref<1x8x128xi32, #tpu.memory_space<vmem>>
      %dma_wait3A_876 = tpu.memref_squeeze %dma_wait3A_875 : memref<1x8x128xi32, #tpu.memory_space<vmem>> -> memref<8x128xi32, #tpu.memory_space<vmem>>
      %dma_wait3A_877 = arith.constant 0 : i32
      %dma_wait3A_878 = arith.constant 0 : i32
      %dma_wait3A_879 = tpu.memref_slice %arg3[%dma_wait3A_871, %dma_wait3A_877, %dma_wait3A_878] : memref<320x8x128xi32, #tpu.memory_space<hbm>> -> memref<1x8x128xi32, #tpu.memory_space<hbm>>
      %dma_wait3A_880 = tpu.memref_squeeze %dma_wait3A_879 : memref<1x8x128xi32, #tpu.memory_space<hbm>> -> memref<8x128xi32, #tpu.memory_space<hbm>>
      %dma_wait3A_881 = arith.constant 0 : i32
      %dma_wait3A_882 = arith.constant 0 : i32
      %dma_wait3A_883 = tpu.memref_slice %arg7[%dma_wait3A_872, %dma_wait3A_881, %dma_wait3A_882] : memref<2x8x128xi32, #tpu.memory_space<vmem>> -> memref<1x8x128xi32, #tpu.memory_space<vmem>>
      %dma_wait3A_884 = tpu.memref_squeeze %dma_wait3A_883 : memref<1x8x128xi32, #tpu.memory_space<vmem>> -> memref<8x128xi32, #tpu.memory_space<vmem>>
      %dma_wait3A_885 = arith.constant 0 : i32
      %dma_wait3A_886 = arith.constant 0 : i32
      %dma_wait3A_887 = tpu.memref_slice %arg3[%dma_wait3A_871, %dma_wait3A_885, %dma_wait3A_886] : memref<320x8x128xi32, #tpu.memory_space<hbm>> -> memref<1x8x128xi32, #tpu.memory_space<hbm>>
      %dma_wait3A_888 = tpu.memref_squeeze %dma_wait3A_887 : memref<1x8x128xi32, #tpu.memory_space<hbm>> -> memref<8x128xi32, #tpu.memory_space<hbm>>
      tpu.wait_dma2 semaphore(%arg15 : memref<!tpu.dma_semaphore, #tpu.memory_space<semaphore_mem>>) src(%dma_wait3A_888 : memref<8x128xi32, #tpu.memory_space<hbm>>) dst(%dma_wait3A_884 : memref<8x128xi32, #tpu.memory_space<vmem>>)
      %sub3A_889 = arith.constant 1 : i32
      %sub3A_890 = arith.subi %sub3A_889, %rem3A_642 : i32
      %dma_wait3A_891 = arith.constant 0 : i32
      %dma_wait3A_892 = arith.constant 0 : i32
      %dma_wait3A_893 = arith.constant 0 : i32
      %dma_wait3A_894 = tpu.memref_slice %arg8[%dma_wait3A_891, %dma_wait3A_892, %dma_wait3A_893] : memref<2x8x128xi32, #tpu.memory_space<vmem>> -> memref<1x1x128xi32, #tpu.memory_space<vmem>>
      %dma_wait3A_895 = tpu.memref_squeeze %dma_wait3A_894 : memref<1x1x128xi32, #tpu.memory_space<vmem>> -> memref<128xi32, #tpu.memory_space<vmem>>
      %dma_wait3A_896 = arith.constant 0 : i32
      %dma_wait3A_897 = arith.constant 0 : i32
      %dma_wait3A_898 = tpu.memref_slice %arg6[%dma_wait3A_896, %dma_wait3A_897] : memref<10240x128xf32, #tpu.memory_space<vmem_shared>> -> memref<10240x128xf32, #tpu.memory_space<vmem_shared>>
      tpu.wait_indirect_dma semaphore(%arg13 : memref<!tpu.dma_semaphore, #tpu.memory_space<semaphore_mem>>) src(%arg9 : memref<128x128xf32, #tpu.memory_space<vmem>>) dst(%dma_wait3A_898 : memref<10240x128xf32, #tpu.memory_space<vmem_shared>>)
      %dma_start3A_899 = arith.constant 0 : i32
      %dma_start3A_900 = arith.constant 0 : i32
      %dma_start3A_901 = tpu.memref_slice %arg7[%sub3A_890, %dma_start3A_899, %dma_start3A_900] : memref<2x8x128xi32, #tpu.memory_space<vmem>> -> memref<1x1x128xi32, #tpu.memory_space<vmem>>
      %dma_start3A_902 = tpu.memref_squeeze %dma_start3A_901 : memref<1x1x128xi32, #tpu.memory_space<vmem>> -> memref<128xi32, #tpu.memory_space<vmem>>
      %dma_start3A_903 = arith.constant 0 : i32
      %dma_start3A_904 = arith.constant 0 : i32
      %dma_start3A_905 = tpu.memref_slice %arg2[%dma_start3A_903, %dma_start3A_904] : memref<10000x128xf32, #tpu.memory_space<hbm>> -> memref<10000x128xf32, #tpu.memory_space<hbm>>
      tpu.enqueue_indirect_dma source(%dma_start3A_905 : memref<10000x128xf32, #tpu.memory_space<hbm>>) target(%arg9 : memref<128x128xf32, #tpu.memory_space<vmem>>) offsets(%dma_start3A_902 : memref<128xi32, #tpu.memory_space<vmem>>) semaphore(%arg11 : memref<!tpu.dma_semaphore, #tpu.memory_space<semaphore_mem>>)
      %dma_wait3A_906 = arith.constant 0 : i32
      %dma_wait3A_907 = arith.constant 0 : i32
      %dma_wait3A_908 = arith.constant 0 : i32
      %dma_wait3A_909 = tpu.memref_slice %arg7[%dma_wait3A_906, %dma_wait3A_907, %dma_wait3A_908] : memref<2x8x128xi32, #tpu.memory_space<vmem>> -> memref<1x1x128xi32, #tpu.memory_space<vmem>>
      %dma_wait3A_910 = tpu.memref_squeeze %dma_wait3A_909 : memref<1x1x128xi32, #tpu.memory_space<vmem>> -> memref<128xi32, #tpu.memory_space<vmem>>
      %dma_wait3A_911 = arith.constant 0 : i32
      %dma_wait3A_912 = arith.constant 0 : i32
      %dma_wait3A_913 = tpu.memref_slice %arg2[%dma_wait3A_911, %dma_wait3A_912] : memref<10000x128xf32, #tpu.memory_space<hbm>> -> memref<10000x128xf32, #tpu.memory_space<hbm>>
      tpu.wait_indirect_dma semaphore(%arg12 : memref<!tpu.dma_semaphore, #tpu.memory_space<semaphore_mem>>) src(%dma_wait3A_913 : memref<10000x128xf32, #tpu.memory_space<hbm>>) dst(%arg10 : memref<128x128xf32, #tpu.memory_space<vmem>>)
      %dma_start3A_914 = arith.constant 7 : i32
      %dma_start3A_915 = arith.constant 0 : i32
      %dma_start3A_916 = tpu.memref_slice %arg8[%rem3A_642, %dma_start3A_914, %dma_start3A_915] : memref<2x8x128xi32, #tpu.memory_space<vmem>> -> memref<1x1x128xi32, #tpu.memory_space<vmem>>
      %dma_start3A_917 = tpu.memref_squeeze %dma_start3A_916 : memref<1x1x128xi32, #tpu.memory_space<vmem>> -> memref<128xi32, #tpu.memory_space<vmem>>
      %dma_start3A_918 = arith.constant 0 : i32
      %dma_start3A_919 = arith.constant 0 : i32
      %dma_start3A_920 = tpu.memref_slice %arg6[%dma_start3A_918, %dma_start3A_919] : memref<10240x128xf32, #tpu.memory_space<vmem_shared>> -> memref<10240x128xf32, #tpu.memory_space<vmem_shared>>
      tpu.enqueue_indirect_dma source(%arg10 : memref<128x128xf32, #tpu.memory_space<vmem>>) target(%dma_start3A_920 : memref<10240x128xf32, #tpu.memory_space<vmem_shared>>) offsets(%dma_start3A_917 : memref<128xi32, #tpu.memory_space<vmem>>) semaphore(%arg14 : memref<!tpu.dma_semaphore, #tpu.memory_space<semaphore_mem>>) {add = true}
      %add3A_921 = arith.constant 2 : i32
      %add3A_922 = arith.addi %while3A_640, %add3A_921 : i32
      %lt3A = arith.cmpi slt, %add3A_922, %select_n3A_8 : i32
      %convert_element_type3A_923 = arith.extui %lt3A : i1 to i32
      %cond3A_924 = arith.constant 0 : i32
      %cond3A_925 = arith.cmpi ne, %convert_element_type3A_923, %cond3A_924 : i32
      scf.if %cond3A_925 {
        %add3A_927 = arith.addi %select_n3A, %while3A_640 : i32
        %add3A_928 = arith.constant 2 : i32
        %add3A_929 = arith.addi %add3A_927, %add3A_928 : i32
        %dma_start3A_930 = arith.constant 0 : i32
        %dma_start3A_931 = arith.constant 0 : i32
        %dma_start3A_932 = tpu.memref_slice %arg7[%rem3A_642, %dma_start3A_930, %dma_start3A_931] : memref<2x8x128xi32, #tpu.memory_space<vmem>> -> memref<1x8x128xi32, #tpu.memory_space<vmem>>
        %dma_start3A_933 = tpu.memref_squeeze %dma_start3A_932 : memref<1x8x128xi32, #tpu.memory_space<vmem>> -> memref<8x128xi32, #tpu.memory_space<vmem>>
        %dma_start3A_934 = arith.constant 0 : i32
        %dma_start3A_935 = arith.constant 0 : i32
        %dma_start3A_936 = tpu.memref_slice %arg3[%add3A_929, %dma_start3A_934, %dma_start3A_935] : memref<320x8x128xi32, #tpu.memory_space<hbm>> -> memref<1x8x128xi32, #tpu.memory_space<hbm>>
        %dma_start3A_937 = tpu.memref_squeeze %dma_start3A_936 : memref<1x8x128xi32, #tpu.memory_space<hbm>> -> memref<8x128xi32, #tpu.memory_space<hbm>>
        %dma_start3A_938 = arith.constant 0 : i32
        %dma_start3A_939 = arith.constant 0 : i32
        %dma_start3A_940 = tpu.memref_slice %arg7[%rem3A_642, %dma_start3A_938, %dma_start3A_939] : memref<2x8x128xi32, #tpu.memory_space<vmem>> -> memref<1x8x128xi32, #tpu.memory_space<vmem>>
        %dma_start3A_941 = tpu.memref_squeeze %dma_start3A_940 : memref<1x8x128xi32, #tpu.memory_space<vmem>> -> memref<8x128xi32, #tpu.memory_space<vmem>>
        %dma_start3A_942 = arith.constant 0 : i32
        %dma_start3A_943 = arith.constant 0 : i32
        %dma_start3A_944 = tpu.memref_slice %arg3[%add3A_929, %dma_start3A_942, %dma_start3A_943] : memref<320x8x128xi32, #tpu.memory_space<hbm>> -> memref<1x8x128xi32, #tpu.memory_space<hbm>>
        %dma_start3A_945 = tpu.memref_squeeze %dma_start3A_944 : memref<1x8x128xi32, #tpu.memory_space<hbm>> -> memref<8x128xi32, #tpu.memory_space<hbm>>
        tpu.enqueue_dma source(%dma_start3A_945 : memref<8x128xi32, #tpu.memory_space<hbm>>) target(%dma_start3A_941 : memref<8x128xi32, #tpu.memory_space<vmem>>) target_semaphore(%arg15 : memref<!tpu.dma_semaphore, #tpu.memory_space<semaphore_mem>>)
        %dma_start3A_946 = arith.constant 0 : i32
        %dma_start3A_947 = arith.constant 0 : i32
        %dma_start3A_948 = tpu.memref_slice %arg8[%rem3A_642, %dma_start3A_946, %dma_start3A_947] : memref<2x8x128xi32, #tpu.memory_space<vmem>> -> memref<1x8x128xi32, #tpu.memory_space<vmem>>
        %dma_start3A_949 = tpu.memref_squeeze %dma_start3A_948 : memref<1x8x128xi32, #tpu.memory_space<vmem>> -> memref<8x128xi32, #tpu.memory_space<vmem>>
        %dma_start3A_950 = arith.constant 0 : i32
        %dma_start3A_951 = arith.constant 0 : i32
        %dma_start3A_952 = tpu.memref_slice %arg4[%add3A_929, %dma_start3A_950, %dma_start3A_951] : memref<320x8x128xi32, #tpu.memory_space<hbm>> -> memref<1x8x128xi32, #tpu.memory_space<hbm>>
        %dma_start3A_953 = tpu.memref_squeeze %dma_start3A_952 : memref<1x8x128xi32, #tpu.memory_space<hbm>> -> memref<8x128xi32, #tpu.memory_space<hbm>>
        %dma_start3A_954 = arith.constant 0 : i32
        %dma_start3A_955 = arith.constant 0 : i32
        %dma_start3A_956 = tpu.memref_slice %arg8[%rem3A_642, %dma_start3A_954, %dma_start3A_955] : memref<2x8x128xi32, #tpu.memory_space<vmem>> -> memref<1x8x128xi32, #tpu.memory_space<vmem>>
        %dma_start3A_957 = tpu.memref_squeeze %dma_start3A_956 : memref<1x8x128xi32, #tpu.memory_space<vmem>> -> memref<8x128xi32, #tpu.memory_space<vmem>>
        %dma_start3A_958 = arith.constant 0 : i32
        %dma_start3A_959 = arith.constant 0 : i32
        %dma_start3A_960 = tpu.memref_slice %arg4[%add3A_929, %dma_start3A_958, %dma_start3A_959] : memref<320x8x128xi32, #tpu.memory_space<hbm>> -> memref<1x8x128xi32, #tpu.memory_space<hbm>>
        %dma_start3A_961 = tpu.memref_squeeze %dma_start3A_960 : memref<1x8x128xi32, #tpu.memory_space<hbm>> -> memref<8x128xi32, #tpu.memory_space<hbm>>
        tpu.enqueue_dma source(%dma_start3A_961 : memref<8x128xi32, #tpu.memory_space<hbm>>) target(%dma_start3A_957 : memref<8x128xi32, #tpu.memory_space<vmem>>) target_semaphore(%arg15 : memref<!tpu.dma_semaphore, #tpu.memory_space<semaphore_mem>>)
      } else {
      }
      %while3A_926 = arith.constant 0 : i32
      scf.yield %while3A_926 : i32
    }
    %sub3A_377 = arith.constant 1 : i32
    %sub3A_378 = arith.subi %select_n3A_8, %sub3A_377 : i32
    %dma_wait3A_379 = arith.constant 0 : i32
    %dma_wait3A_380 = arith.constant 0 : i32
    %dma_wait3A_381 = arith.constant 0 : i32
    %dma_wait3A_382 = tpu.memref_slice %arg8[%dma_wait3A_379, %dma_wait3A_380, %dma_wait3A_381] : memref<2x8x128xi32, #tpu.memory_space<vmem>> -> memref<1x1x128xi32, #tpu.memory_space<vmem>>
    %dma_wait3A_383 = tpu.memref_squeeze %dma_wait3A_382 : memref<1x1x128xi32, #tpu.memory_space<vmem>> -> memref<128xi32, #tpu.memory_space<vmem>>
    %dma_wait3A_384 = arith.constant 0 : i32
    %dma_wait3A_385 = arith.constant 0 : i32
    %dma_wait3A_386 = tpu.memref_slice %arg6[%dma_wait3A_384, %dma_wait3A_385] : memref<10240x128xf32, #tpu.memory_space<vmem_shared>> -> memref<10240x128xf32, #tpu.memory_space<vmem_shared>>
    tpu.wait_indirect_dma semaphore(%arg14 : memref<!tpu.dma_semaphore, #tpu.memory_space<semaphore_mem>>) src(%arg10 : memref<128x128xf32, #tpu.memory_space<vmem>>) dst(%dma_wait3A_386 : memref<10240x128xf32, #tpu.memory_space<vmem_shared>>)
    %dma_start3A_387 = arith.constant 1 : i32
    %dma_start3A_388 = arith.constant 1 : i32
    %dma_start3A_389 = arith.constant 0 : i32
    %dma_start3A_390 = tpu.memref_slice %arg7[%dma_start3A_387, %dma_start3A_388, %dma_start3A_389] : memref<2x8x128xi32, #tpu.memory_space<vmem>> -> memref<1x1x128xi32, #tpu.memory_space<vmem>>
    %dma_start3A_391 = tpu.memref_squeeze %dma_start3A_390 : memref<1x1x128xi32, #tpu.memory_space<vmem>> -> memref<128xi32, #tpu.memory_space<vmem>>
    %dma_start3A_392 = arith.constant 0 : i32
    %dma_start3A_393 = arith.constant 0 : i32
    %dma_start3A_394 = tpu.memref_slice %arg2[%dma_start3A_392, %dma_start3A_393] : memref<10000x128xf32, #tpu.memory_space<hbm>> -> memref<10000x128xf32, #tpu.memory_space<hbm>>
    tpu.enqueue_indirect_dma source(%dma_start3A_394 : memref<10000x128xf32, #tpu.memory_space<hbm>>) target(%arg10 : memref<128x128xf32, #tpu.memory_space<vmem>>) offsets(%dma_start3A_391 : memref<128xi32, #tpu.memory_space<vmem>>) semaphore(%arg12 : memref<!tpu.dma_semaphore, #tpu.memory_space<semaphore_mem>>)
    %dma_wait3A_395 = arith.constant 0 : i32
    %dma_wait3A_396 = arith.constant 0 : i32
    %dma_wait3A_397 = arith.constant 0 : i32
    %dma_wait3A_398 = tpu.memref_slice %arg7[%dma_wait3A_395, %dma_wait3A_396, %dma_wait3A_397] : memref<2x8x128xi32, #tpu.memory_space<vmem>> -> memref<1x1x128xi32, #tpu.memory_space<vmem>>
    %dma_wait3A_399 = tpu.memref_squeeze %dma_wait3A_398 : memref<1x1x128xi32, #tpu.memory_space<vmem>> -> memref<128xi32, #tpu.memory_space<vmem>>
    %dma_wait3A_400 = arith.constant 0 : i32
    %dma_wait3A_401 = arith.constant 0 : i32
    %dma_wait3A_402 = tpu.memref_slice %arg2[%dma_wait3A_400, %dma_wait3A_401] : memref<10000x128xf32, #tpu.memory_space<hbm>> -> memref<10000x128xf32, #tpu.memory_space<hbm>>
    tpu.wait_indirect_dma semaphore(%arg11 : memref<!tpu.dma_semaphore, #tpu.memory_space<semaphore_mem>>) src(%dma_wait3A_402 : memref<10000x128xf32, #tpu.memory_space<hbm>>) dst(%arg9 : memref<128x128xf32, #tpu.memory_space<vmem>>)
    %dma_start3A_403 = arith.constant 1 : i32
    %dma_start3A_404 = arith.constant 0 : i32
    %dma_start3A_405 = arith.constant 0 : i32
    %dma_start3A_406 = tpu.memref_slice %arg8[%dma_start3A_403, %dma_start3A_404, %dma_start3A_405] : memref<2x8x128xi32, #tpu.memory_space<vmem>> -> memref<1x1x128xi32, #tpu.memory_space<vmem>>
    %dma_start3A_407 = tpu.memref_squeeze %dma_start3A_406 : memref<1x1x128xi32, #tpu.memory_space<vmem>> -> memref<128xi32, #tpu.memory_space<vmem>>
    %dma_start3A_408 = arith.constant 0 : i32
    %dma_start3A_409 = arith.constant 0 : i32
    %dma_start3A_410 = tpu.memref_slice %arg6[%dma_start3A_408, %dma_start3A_409] : memref<10240x128xf32, #tpu.memory_space<vmem_shared>> -> memref<10240x128xf32, #tpu.memory_space<vmem_shared>>
    tpu.enqueue_indirect_dma source(%arg9 : memref<128x128xf32, #tpu.memory_space<vmem>>) target(%dma_start3A_410 : memref<10240x128xf32, #tpu.memory_space<vmem_shared>>) offsets(%dma_start3A_407 : memref<128xi32, #tpu.memory_space<vmem>>) semaphore(%arg13 : memref<!tpu.dma_semaphore, #tpu.memory_space<semaphore_mem>>) {add = true}
    %dma_wait3A_411 = arith.constant 0 : i32
    %dma_wait3A_412 = arith.constant 0 : i32
    %dma_wait3A_413 = arith.constant 0 : i32
    %dma_wait3A_414 = tpu.memref_slice %arg8[%dma_wait3A_411, %dma_wait3A_412, %dma_wait3A_413] : memref<2x8x128xi32, #tpu.memory_space<vmem>> -> memref<1x1x128xi32, #tpu.memory_space<vmem>>
    %dma_wait3A_415 = tpu.memref_squeeze %dma_wait3A_414 : memref<1x1x128xi32, #tpu.memory_space<vmem>> -> memref<128xi32, #tpu.memory_space<vmem>>
    %dma_wait3A_416 = arith.constant 0 : i32
    %dma_wait3A_417 = arith.constant 0 : i32
    %dma_wait3A_418 = tpu.memref_slice %arg6[%dma_wait3A_416, %dma_wait3A_417] : memref<10240x128xf32, #tpu.memory_space<vmem_shared>> -> memref<10240x128xf32, #tpu.memory_space<vmem_shared>>
    tpu.wait_indirect_dma semaphore(%arg13 : memref<!tpu.dma_semaphore, #tpu.memory_space<semaphore_mem>>) src(%arg9 : memref<128x128xf32, #tpu.memory_space<vmem>>) dst(%dma_wait3A_418 : memref<10240x128xf32, #tpu.memory_space<vmem_shared>>)
    %dma_start3A_419 = arith.constant 1 : i32
    %dma_start3A_420 = arith.constant 2 : i32
    %dma_start3A_421 = arith.constant 0 : i32
    %dma_start3A_422 = tpu.memref_slice %arg7[%dma_start3A_419, %dma_start3A_420, %dma_start3A_421] : memref<2x8x128xi32, #tpu.memory_space<vmem>> -> memref<1x1x128xi32, #tpu.memory_space<vmem>>
    %dma_start3A_423 = tpu.memref_squeeze %dma_start3A_422 : memref<1x1x128xi32, #tpu.memory_space<vmem>> -> memref<128xi32, #tpu.memory_space<vmem>>
    %dma_start3A_424 = arith.constant 0 : i32
    %dma_start3A_425 = arith.constant 0 : i32
    %dma_start3A_426 = tpu.memref_slice %arg2[%dma_start3A_424, %dma_start3A_425] : memref<10000x128xf32, #tpu.memory_space<hbm>> -> memref<10000x128xf32, #tpu.memory_space<hbm>>
    tpu.enqueue_indirect_dma source(%dma_start3A_426 : memref<10000x128xf32, #tpu.memory_space<hbm>>) target(%arg9 : memref<128x128xf32, #tpu.memory_space<vmem>>) offsets(%dma_start3A_423 : memref<128xi32, #tpu.memory_space<vmem>>) semaphore(%arg11 : memref<!tpu.dma_semaphore, #tpu.memory_space<semaphore_mem>>)
    %dma_wait3A_427 = arith.constant 0 : i32
    %dma_wait3A_428 = arith.constant 0 : i32
    %dma_wait3A_429 = arith.constant 0 : i32
    %dma_wait3A_430 = tpu.memref_slice %arg7[%dma_wait3A_427, %dma_wait3A_428, %dma_wait3A_429] : memref<2x8x128xi32, #tpu.memory_space<vmem>> -> memref<1x1x128xi32, #tpu.memory_space<vmem>>
    %dma_wait3A_431 = tpu.memref_squeeze %dma_wait3A_430 : memref<1x1x128xi32, #tpu.memory_space<vmem>> -> memref<128xi32, #tpu.memory_space<vmem>>
    %dma_wait3A_432 = arith.constant 0 : i32
    %dma_wait3A_433 = arith.constant 0 : i32
    %dma_wait3A_434 = tpu.memref_slice %arg2[%dma_wait3A_432, %dma_wait3A_433] : memref<10000x128xf32, #tpu.memory_space<hbm>> -> memref<10000x128xf32, #tpu.memory_space<hbm>>
    tpu.wait_indirect_dma semaphore(%arg12 : memref<!tpu.dma_semaphore, #tpu.memory_space<semaphore_mem>>) src(%dma_wait3A_434 : memref<10000x128xf32, #tpu.memory_space<hbm>>) dst(%arg10 : memref<128x128xf32, #tpu.memory_space<vmem>>)
    %dma_start3A_435 = arith.constant 1 : i32
    %dma_start3A_436 = arith.constant 1 : i32
    %dma_start3A_437 = arith.constant 0 : i32
    %dma_start3A_438 = tpu.memref_slice %arg8[%dma_start3A_435, %dma_start3A_436, %dma_start3A_437] : memref<2x8x128xi32, #tpu.memory_space<vmem>> -> memref<1x1x128xi32, #tpu.memory_space<vmem>>
    %dma_start3A_439 = tpu.memref_squeeze %dma_start3A_438 : memref<1x1x128xi32, #tpu.memory_space<vmem>> -> memref<128xi32, #tpu.memory_space<vmem>>
    %dma_start3A_440 = arith.constant 0 : i32
    %dma_start3A_441 = arith.constant 0 : i32
    %dma_start3A_442 = tpu.memref_slice %arg6[%dma_start3A_440, %dma_start3A_441] : memref<10240x128xf32, #tpu.memory_space<vmem_shared>> -> memref<10240x128xf32, #tpu.memory_space<vmem_shared>>
    tpu.enqueue_indirect_dma source(%arg10 : memref<128x128xf32, #tpu.memory_space<vmem>>) target(%dma_start3A_442 : memref<10240x128xf32, #tpu.memory_space<vmem_shared>>) offsets(%dma_start3A_439 : memref<128xi32, #tpu.memory_space<vmem>>) semaphore(%arg14 : memref<!tpu.dma_semaphore, #tpu.memory_space<semaphore_mem>>) {add = true}
    %dma_wait3A_443 = arith.constant 0 : i32
    %dma_wait3A_444 = arith.constant 0 : i32
    %dma_wait3A_445 = arith.constant 0 : i32
    %dma_wait3A_446 = tpu.memref_slice %arg8[%dma_wait3A_443, %dma_wait3A_444, %dma_wait3A_445] : memref<2x8x128xi32, #tpu.memory_space<vmem>> -> memref<1x1x128xi32, #tpu.memory_space<vmem>>
    %dma_wait3A_447 = tpu.memref_squeeze %dma_wait3A_446 : memref<1x1x128xi32, #tpu.memory_space<vmem>> -> memref<128xi32, #tpu.memory_space<vmem>>
    %dma_wait3A_448 = arith.constant 0 : i32
    %dma_wait3A_449 = arith.constant 0 : i32
    %dma_wait3A_450 = tpu.memref_slice %arg6[%dma_wait3A_448, %dma_wait3A_449] : memref<10240x128xf32, #tpu.memory_space<vmem_shared>> -> memref<10240x128xf32, #tpu.memory_space<vmem_shared>>
    tpu.wait_indirect_dma semaphore(%arg14 : memref<!tpu.dma_semaphore, #tpu.memory_space<semaphore_mem>>) src(%arg10 : memref<128x128xf32, #tpu.memory_space<vmem>>) dst(%dma_wait3A_450 : memref<10240x128xf32, #tpu.memory_space<vmem_shared>>)
    %dma_start3A_451 = arith.constant 1 : i32
    %dma_start3A_452 = arith.constant 3 : i32
    %dma_start3A_453 = arith.constant 0 : i32
    %dma_start3A_454 = tpu.memref_slice %arg7[%dma_start3A_451, %dma_start3A_452, %dma_start3A_453] : memref<2x8x128xi32, #tpu.memory_space<vmem>> -> memref<1x1x128xi32, #tpu.memory_space<vmem>>
    %dma_start3A_455 = tpu.memref_squeeze %dma_start3A_454 : memref<1x1x128xi32, #tpu.memory_space<vmem>> -> memref<128xi32, #tpu.memory_space<vmem>>
    %dma_start3A_456 = arith.constant 0 : i32
    %dma_start3A_457 = arith.constant 0 : i32
    %dma_start3A_458 = tpu.memref_slice %arg2[%dma_start3A_456, %dma_start3A_457] : memref<10000x128xf32, #tpu.memory_space<hbm>> -> memref<10000x128xf32, #tpu.memory_space<hbm>>
    tpu.enqueue_indirect_dma source(%dma_start3A_458 : memref<10000x128xf32, #tpu.memory_space<hbm>>) target(%arg10 : memref<128x128xf32, #tpu.memory_space<vmem>>) offsets(%dma_start3A_455 : memref<128xi32, #tpu.memory_space<vmem>>) semaphore(%arg12 : memref<!tpu.dma_semaphore, #tpu.memory_space<semaphore_mem>>)
    %dma_wait3A_459 = arith.constant 0 : i32
    %dma_wait3A_460 = arith.constant 0 : i32
    %dma_wait3A_461 = arith.constant 0 : i32
    %dma_wait3A_462 = tpu.memref_slice %arg7[%dma_wait3A_459, %dma_wait3A_460, %dma_wait3A_461] : memref<2x8x128xi32, #tpu.memory_space<vmem>> -> memref<1x1x128xi32, #tpu.memory_space<vmem>>
    %dma_wait3A_463 = tpu.memref_squeeze %dma_wait3A_462 : memref<1x1x128xi32, #tpu.memory_space<vmem>> -> memref<128xi32, #tpu.memory_space<vmem>>
    %dma_wait3A_464 = arith.constant 0 : i32
    %dma_wait3A_465 = arith.constant 0 : i32
    %dma_wait3A_466 = tpu.memref_slice %arg2[%dma_wait3A_464, %dma_wait3A_465] : memref<10000x128xf32, #tpu.memory_space<hbm>> -> memref<10000x128xf32, #tpu.memory_space<hbm>>
    tpu.wait_indirect_dma semaphore(%arg11 : memref<!tpu.dma_semaphore, #tpu.memory_space<semaphore_mem>>) src(%dma_wait3A_466 : memref<10000x128xf32, #tpu.memory_space<hbm>>) dst(%arg9 : memref<128x128xf32, #tpu.memory_space<vmem>>)
    %dma_start3A_467 = arith.constant 1 : i32
    %dma_start3A_468 = arith.constant 2 : i32
    %dma_start3A_469 = arith.constant 0 : i32
    %dma_start3A_470 = tpu.memref_slice %arg8[%dma_start3A_467, %dma_start3A_468, %dma_start3A_469] : memref<2x8x128xi32, #tpu.memory_space<vmem>> -> memref<1x1x128xi32, #tpu.memory_space<vmem>>
    %dma_start3A_471 = tpu.memref_squeeze %dma_start3A_470 : memref<1x1x128xi32, #tpu.memory_space<vmem>> -> memref<128xi32, #tpu.memory_space<vmem>>
    %dma_start3A_472 = arith.constant 0 : i32
    %dma_start3A_473 = arith.constant 0 : i32
    %dma_start3A_474 = tpu.memref_slice %arg6[%dma_start3A_472, %dma_start3A_473] : memref<10240x128xf32, #tpu.memory_space<vmem_shared>> -> memref<10240x128xf32, #tpu.memory_space<vmem_shared>>
    tpu.enqueue_indirect_dma source(%arg9 : memref<128x128xf32, #tpu.memory_space<vmem>>) target(%dma_start3A_474 : memref<10240x128xf32, #tpu.memory_space<vmem_shared>>) offsets(%dma_start3A_471 : memref<128xi32, #tpu.memory_space<vmem>>) semaphore(%arg13 : memref<!tpu.dma_semaphore, #tpu.memory_space<semaphore_mem>>) {add = true}
    %dma_wait3A_475 = arith.constant 0 : i32
    %dma_wait3A_476 = arith.constant 0 : i32
    %dma_wait3A_477 = arith.constant 0 : i32
    %dma_wait3A_478 = tpu.memref_slice %arg8[%dma_wait3A_475, %dma_wait3A_476, %dma_wait3A_477] : memref<2x8x128xi32, #tpu.memory_space<vmem>> -> memref<1x1x128xi32, #tpu.memory_space<vmem>>
    %dma_wait3A_479 = tpu.memref_squeeze %dma_wait3A_478 : memref<1x1x128xi32, #tpu.memory_space<vmem>> -> memref<128xi32, #tpu.memory_space<vmem>>
    %dma_wait3A_480 = arith.constant 0 : i32
    %dma_wait3A_481 = arith.constant 0 : i32
    %dma_wait3A_482 = tpu.memref_slice %arg6[%dma_wait3A_480, %dma_wait3A_481] : memref<10240x128xf32, #tpu.memory_space<vmem_shared>> -> memref<10240x128xf32, #tpu.memory_space<vmem_shared>>
    tpu.wait_indirect_dma semaphore(%arg13 : memref<!tpu.dma_semaphore, #tpu.memory_space<semaphore_mem>>) src(%arg9 : memref<128x128xf32, #tpu.memory_space<vmem>>) dst(%dma_wait3A_482 : memref<10240x128xf32, #tpu.memory_space<vmem_shared>>)
    %dma_start3A_483 = arith.constant 1 : i32
    %dma_start3A_484 = arith.constant 4 : i32
    %dma_start3A_485 = arith.constant 0 : i32
    %dma_start3A_486 = tpu.memref_slice %arg7[%dma_start3A_483, %dma_start3A_484, %dma_start3A_485] : memref<2x8x128xi32, #tpu.memory_space<vmem>> -> memref<1x1x128xi32, #tpu.memory_space<vmem>>
    %dma_start3A_487 = tpu.memref_squeeze %dma_start3A_486 : memref<1x1x128xi32, #tpu.memory_space<vmem>> -> memref<128xi32, #tpu.memory_space<vmem>>
    %dma_start3A_488 = arith.constant 0 : i32
    %dma_start3A_489 = arith.constant 0 : i32
    %dma_start3A_490 = tpu.memref_slice %arg2[%dma_start3A_488, %dma_start3A_489] : memref<10000x128xf32, #tpu.memory_space<hbm>> -> memref<10000x128xf32, #tpu.memory_space<hbm>>
    tpu.enqueue_indirect_dma source(%dma_start3A_490 : memref<10000x128xf32, #tpu.memory_space<hbm>>) target(%arg9 : memref<128x128xf32, #tpu.memory_space<vmem>>) offsets(%dma_start3A_487 : memref<128xi32, #tpu.memory_space<vmem>>) semaphore(%arg11 : memref<!tpu.dma_semaphore, #tpu.memory_space<semaphore_mem>>)
    %dma_wait3A_491 = arith.constant 0 : i32
    %dma_wait3A_492 = arith.constant 0 : i32
    %dma_wait3A_493 = arith.constant 0 : i32
    %dma_wait3A_494 = tpu.memref_slice %arg7[%dma_wait3A_491, %dma_wait3A_492, %dma_wait3A_493] : memref<2x8x128xi32, #tpu.memory_space<vmem>> -> memref<1x1x128xi32, #tpu.memory_space<vmem>>
    %dma_wait3A_495 = tpu.memref_squeeze %dma_wait3A_494 : memref<1x1x128xi32, #tpu.memory_space<vmem>> -> memref<128xi32, #tpu.memory_space<vmem>>
    %dma_wait3A_496 = arith.constant 0 : i32
    %dma_wait3A_497 = arith.constant 0 : i32
    %dma_wait3A_498 = tpu.memref_slice %arg2[%dma_wait3A_496, %dma_wait3A_497] : memref<10000x128xf32, #tpu.memory_space<hbm>> -> memref<10000x128xf32, #tpu.memory_space<hbm>>
    tpu.wait_indirect_dma semaphore(%arg12 : memref<!tpu.dma_semaphore, #tpu.memory_space<semaphore_mem>>) src(%dma_wait3A_498 : memref<10000x128xf32, #tpu.memory_space<hbm>>) dst(%arg10 : memref<128x128xf32, #tpu.memory_space<vmem>>)
    %dma_start3A_499 = arith.constant 1 : i32
    %dma_start3A_500 = arith.constant 3 : i32
    %dma_start3A_501 = arith.constant 0 : i32
    %dma_start3A_502 = tpu.memref_slice %arg8[%dma_start3A_499, %dma_start3A_500, %dma_start3A_501] : memref<2x8x128xi32, #tpu.memory_space<vmem>> -> memref<1x1x128xi32, #tpu.memory_space<vmem>>
    %dma_start3A_503 = tpu.memref_squeeze %dma_start3A_502 : memref<1x1x128xi32, #tpu.memory_space<vmem>> -> memref<128xi32, #tpu.memory_space<vmem>>
    %dma_start3A_504 = arith.constant 0 : i32
    %dma_start3A_505 = arith.constant 0 : i32
    %dma_start3A_506 = tpu.memref_slice %arg6[%dma_start3A_504, %dma_start3A_505] : memref<10240x128xf32, #tpu.memory_space<vmem_shared>> -> memref<10240x128xf32, #tpu.memory_space<vmem_shared>>
    tpu.enqueue_indirect_dma source(%arg10 : memref<128x128xf32, #tpu.memory_space<vmem>>) target(%dma_start3A_506 : memref<10240x128xf32, #tpu.memory_space<vmem_shared>>) offsets(%dma_start3A_503 : memref<128xi32, #tpu.memory_space<vmem>>) semaphore(%arg14 : memref<!tpu.dma_semaphore, #tpu.memory_space<semaphore_mem>>) {add = true}
    %dma_wait3A_507 = arith.constant 0 : i32
    %dma_wait3A_508 = arith.constant 0 : i32
    %dma_wait3A_509 = arith.constant 0 : i32
    %dma_wait3A_510 = tpu.memref_slice %arg8[%dma_wait3A_507, %dma_wait3A_508, %dma_wait3A_509] : memref<2x8x128xi32, #tpu.memory_space<vmem>> -> memref<1x1x128xi32, #tpu.memory_space<vmem>>
    %dma_wait3A_511 = tpu.memref_squeeze %dma_wait3A_510 : memref<1x1x128xi32, #tpu.memory_space<vmem>> -> memref<128xi32, #tpu.memory_space<vmem>>
    %dma_wait3A_512 = arith.constant 0 : i32
    %dma_wait3A_513 = arith.constant 0 : i32
    %dma_wait3A_514 = tpu.memref_slice %arg6[%dma_wait3A_512, %dma_wait3A_513] : memref<10240x128xf32, #tpu.memory_space<vmem_shared>> -> memref<10240x128xf32, #tpu.memory_space<vmem_shared>>
    tpu.wait_indirect_dma semaphore(%arg14 : memref<!tpu.dma_semaphore, #tpu.memory_space<semaphore_mem>>) src(%arg10 : memref<128x128xf32, #tpu.memory_space<vmem>>) dst(%dma_wait3A_514 : memref<10240x128xf32, #tpu.memory_space<vmem_shared>>)
    %dma_start3A_515 = arith.constant 1 : i32
    %dma_start3A_516 = arith.constant 5 : i32
    %dma_start3A_517 = arith.constant 0 : i32
    %dma_start3A_518 = tpu.memref_slice %arg7[%dma_start3A_515, %dma_start3A_516, %dma_start3A_517] : memref<2x8x128xi32, #tpu.memory_space<vmem>> -> memref<1x1x128xi32, #tpu.memory_space<vmem>>
    %dma_start3A_519 = tpu.memref_squeeze %dma_start3A_518 : memref<1x1x128xi32, #tpu.memory_space<vmem>> -> memref<128xi32, #tpu.memory_space<vmem>>
    %dma_start3A_520 = arith.constant 0 : i32
    %dma_start3A_521 = arith.constant 0 : i32
    %dma_start3A_522 = tpu.memref_slice %arg2[%dma_start3A_520, %dma_start3A_521] : memref<10000x128xf32, #tpu.memory_space<hbm>> -> memref<10000x128xf32, #tpu.memory_space<hbm>>
    tpu.enqueue_indirect_dma source(%dma_start3A_522 : memref<10000x128xf32, #tpu.memory_space<hbm>>) target(%arg10 : memref<128x128xf32, #tpu.memory_space<vmem>>) offsets(%dma_start3A_519 : memref<128xi32, #tpu.memory_space<vmem>>) semaphore(%arg12 : memref<!tpu.dma_semaphore, #tpu.memory_space<semaphore_mem>>)
    %dma_wait3A_523 = arith.constant 0 : i32
    %dma_wait3A_524 = arith.constant 0 : i32
    %dma_wait3A_525 = arith.constant 0 : i32
    %dma_wait3A_526 = tpu.memref_slice %arg7[%dma_wait3A_523, %dma_wait3A_524, %dma_wait3A_525] : memref<2x8x128xi32, #tpu.memory_space<vmem>> -> memref<1x1x128xi32, #tpu.memory_space<vmem>>
    %dma_wait3A_527 = tpu.memref_squeeze %dma_wait3A_526 : memref<1x1x128xi32, #tpu.memory_space<vmem>> -> memref<128xi32, #tpu.memory_space<vmem>>
    %dma_wait3A_528 = arith.constant 0 : i32
    %dma_wait3A_529 = arith.constant 0 : i32
    %dma_wait3A_530 = tpu.memref_slice %arg2[%dma_wait3A_528, %dma_wait3A_529] : memref<10000x128xf32, #tpu.memory_space<hbm>> -> memref<10000x128xf32, #tpu.memory_space<hbm>>
    tpu.wait_indirect_dma semaphore(%arg11 : memref<!tpu.dma_semaphore, #tpu.memory_space<semaphore_mem>>) src(%dma_wait3A_530 : memref<10000x128xf32, #tpu.memory_space<hbm>>) dst(%arg9 : memref<128x128xf32, #tpu.memory_space<vmem>>)
    %dma_start3A_531 = arith.constant 1 : i32
    %dma_start3A_532 = arith.constant 4 : i32
    %dma_start3A_533 = arith.constant 0 : i32
    %dma_start3A_534 = tpu.memref_slice %arg8[%dma_start3A_531, %dma_start3A_532, %dma_start3A_533] : memref<2x8x128xi32, #tpu.memory_space<vmem>> -> memref<1x1x128xi32, #tpu.memory_space<vmem>>
    %dma_start3A_535 = tpu.memref_squeeze %dma_start3A_534 : memref<1x1x128xi32, #tpu.memory_space<vmem>> -> memref<128xi32, #tpu.memory_space<vmem>>
    %dma_start3A_536 = arith.constant 0 : i32
    %dma_start3A_537 = arith.constant 0 : i32
    %dma_start3A_538 = tpu.memref_slice %arg6[%dma_start3A_536, %dma_start3A_537] : memref<10240x128xf32, #tpu.memory_space<vmem_shared>> -> memref<10240x128xf32, #tpu.memory_space<vmem_shared>>
    tpu.enqueue_indirect_dma source(%arg9 : memref<128x128xf32, #tpu.memory_space<vmem>>) target(%dma_start3A_538 : memref<10240x128xf32, #tpu.memory_space<vmem_shared>>) offsets(%dma_start3A_535 : memref<128xi32, #tpu.memory_space<vmem>>) semaphore(%arg13 : memref<!tpu.dma_semaphore, #tpu.memory_space<semaphore_mem>>) {add = true}
    %dma_wait3A_539 = arith.constant 0 : i32
    %dma_wait3A_540 = arith.constant 0 : i32
    %dma_wait3A_541 = arith.constant 0 : i32
    %dma_wait3A_542 = tpu.memref_slice %arg8[%dma_wait3A_539, %dma_wait3A_540, %dma_wait3A_541] : memref<2x8x128xi32, #tpu.memory_space<vmem>> -> memref<1x1x128xi32, #tpu.memory_space<vmem>>
    %dma_wait3A_543 = tpu.memref_squeeze %dma_wait3A_542 : memref<1x1x128xi32, #tpu.memory_space<vmem>> -> memref<128xi32, #tpu.memory_space<vmem>>
    %dma_wait3A_544 = arith.constant 0 : i32
    %dma_wait3A_545 = arith.constant 0 : i32
    %dma_wait3A_546 = tpu.memref_slice %arg6[%dma_wait3A_544, %dma_wait3A_545] : memref<10240x128xf32, #tpu.memory_space<vmem_shared>> -> memref<10240x128xf32, #tpu.memory_space<vmem_shared>>
    tpu.wait_indirect_dma semaphore(%arg13 : memref<!tpu.dma_semaphore, #tpu.memory_space<semaphore_mem>>) src(%arg9 : memref<128x128xf32, #tpu.memory_space<vmem>>) dst(%dma_wait3A_546 : memref<10240x128xf32, #tpu.memory_space<vmem_shared>>)
    %dma_start3A_547 = arith.constant 1 : i32
    %dma_start3A_548 = arith.constant 6 : i32
    %dma_start3A_549 = arith.constant 0 : i32
    %dma_start3A_550 = tpu.memref_slice %arg7[%dma_start3A_547, %dma_start3A_548, %dma_start3A_549] : memref<2x8x128xi32, #tpu.memory_space<vmem>> -> memref<1x1x128xi32, #tpu.memory_space<vmem>>
    %dma_start3A_551 = tpu.memref_squeeze %dma_start3A_550 : memref<1x1x128xi32, #tpu.memory_space<vmem>> -> memref<128xi32, #tpu.memory_space<vmem>>
    %dma_start3A_552 = arith.constant 0 : i32
    %dma_start3A_553 = arith.constant 0 : i32
    %dma_start3A_554 = tpu.memref_slice %arg2[%dma_start3A_552, %dma_start3A_553] : memref<10000x128xf32, #tpu.memory_space<hbm>> -> memref<10000x128xf32, #tpu.memory_space<hbm>>
    tpu.enqueue_indirect_dma source(%dma_start3A_554 : memref<10000x128xf32, #tpu.memory_space<hbm>>) target(%arg9 : memref<128x128xf32, #tpu.memory_space<vmem>>) offsets(%dma_start3A_551 : memref<128xi32, #tpu.memory_space<vmem>>) semaphore(%arg11 : memref<!tpu.dma_semaphore, #tpu.memory_space<semaphore_mem>>)
    %dma_wait3A_555 = arith.constant 0 : i32
    %dma_wait3A_556 = arith.constant 0 : i32
    %dma_wait3A_557 = arith.constant 0 : i32
    %dma_wait3A_558 = tpu.memref_slice %arg7[%dma_wait3A_555, %dma_wait3A_556, %dma_wait3A_557] : memref<2x8x128xi32, #tpu.memory_space<vmem>> -> memref<1x1x128xi32, #tpu.memory_space<vmem>>
    %dma_wait3A_559 = tpu.memref_squeeze %dma_wait3A_558 : memref<1x1x128xi32, #tpu.memory_space<vmem>> -> memref<128xi32, #tpu.memory_space<vmem>>
    %dma_wait3A_560 = arith.constant 0 : i32
    %dma_wait3A_561 = arith.constant 0 : i32
    %dma_wait3A_562 = tpu.memref_slice %arg2[%dma_wait3A_560, %dma_wait3A_561] : memref<10000x128xf32, #tpu.memory_space<hbm>> -> memref<10000x128xf32, #tpu.memory_space<hbm>>
    tpu.wait_indirect_dma semaphore(%arg12 : memref<!tpu.dma_semaphore, #tpu.memory_space<semaphore_mem>>) src(%dma_wait3A_562 : memref<10000x128xf32, #tpu.memory_space<hbm>>) dst(%arg10 : memref<128x128xf32, #tpu.memory_space<vmem>>)
    %dma_start3A_563 = arith.constant 1 : i32
    %dma_start3A_564 = arith.constant 5 : i32
    %dma_start3A_565 = arith.constant 0 : i32
    %dma_start3A_566 = tpu.memref_slice %arg8[%dma_start3A_563, %dma_start3A_564, %dma_start3A_565] : memref<2x8x128xi32, #tpu.memory_space<vmem>> -> memref<1x1x128xi32, #tpu.memory_space<vmem>>
    %dma_start3A_567 = tpu.memref_squeeze %dma_start3A_566 : memref<1x1x128xi32, #tpu.memory_space<vmem>> -> memref<128xi32, #tpu.memory_space<vmem>>
    %dma_start3A_568 = arith.constant 0 : i32
    %dma_start3A_569 = arith.constant 0 : i32
    %dma_start3A_570 = tpu.memref_slice %arg6[%dma_start3A_568, %dma_start3A_569] : memref<10240x128xf32, #tpu.memory_space<vmem_shared>> -> memref<10240x128xf32, #tpu.memory_space<vmem_shared>>
    tpu.enqueue_indirect_dma source(%arg10 : memref<128x128xf32, #tpu.memory_space<vmem>>) target(%dma_start3A_570 : memref<10240x128xf32, #tpu.memory_space<vmem_shared>>) offsets(%dma_start3A_567 : memref<128xi32, #tpu.memory_space<vmem>>) semaphore(%arg14 : memref<!tpu.dma_semaphore, #tpu.memory_space<semaphore_mem>>) {add = true}
    %dma_wait3A_571 = arith.constant 0 : i32
    %dma_wait3A_572 = arith.constant 0 : i32
    %dma_wait3A_573 = arith.constant 0 : i32
    %dma_wait3A_574 = tpu.memref_slice %arg8[%dma_wait3A_571, %dma_wait3A_572, %dma_wait3A_573] : memref<2x8x128xi32, #tpu.memory_space<vmem>> -> memref<1x1x128xi32, #tpu.memory_space<vmem>>
    %dma_wait3A_575 = tpu.memref_squeeze %dma_wait3A_574 : memref<1x1x128xi32, #tpu.memory_space<vmem>> -> memref<128xi32, #tpu.memory_space<vmem>>
    %dma_wait3A_576 = arith.constant 0 : i32
    %dma_wait3A_577 = arith.constant 0 : i32
    %dma_wait3A_578 = tpu.memref_slice %arg6[%dma_wait3A_576, %dma_wait3A_577] : memref<10240x128xf32, #tpu.memory_space<vmem_shared>> -> memref<10240x128xf32, #tpu.memory_space<vmem_shared>>
    tpu.wait_indirect_dma semaphore(%arg14 : memref<!tpu.dma_semaphore, #tpu.memory_space<semaphore_mem>>) src(%arg10 : memref<128x128xf32, #tpu.memory_space<vmem>>) dst(%dma_wait3A_578 : memref<10240x128xf32, #tpu.memory_space<vmem_shared>>)
    %dma_start3A_579 = arith.constant 1 : i32
    %dma_start3A_580 = arith.constant 7 : i32
    %dma_start3A_581 = arith.constant 0 : i32
    %dma_start3A_582 = tpu.memref_slice %arg7[%dma_start3A_579, %dma_start3A_580, %dma_start3A_581] : memref<2x8x128xi32, #tpu.memory_space<vmem>> -> memref<1x1x128xi32, #tpu.memory_space<vmem>>
    %dma_start3A_583 = tpu.memref_squeeze %dma_start3A_582 : memref<1x1x128xi32, #tpu.memory_space<vmem>> -> memref<128xi32, #tpu.memory_space<vmem>>
    %dma_start3A_584 = arith.constant 0 : i32
    %dma_start3A_585 = arith.constant 0 : i32
    %dma_start3A_586 = tpu.memref_slice %arg2[%dma_start3A_584, %dma_start3A_585] : memref<10000x128xf32, #tpu.memory_space<hbm>> -> memref<10000x128xf32, #tpu.memory_space<hbm>>
    tpu.enqueue_indirect_dma source(%dma_start3A_586 : memref<10000x128xf32, #tpu.memory_space<hbm>>) target(%arg10 : memref<128x128xf32, #tpu.memory_space<vmem>>) offsets(%dma_start3A_583 : memref<128xi32, #tpu.memory_space<vmem>>) semaphore(%arg12 : memref<!tpu.dma_semaphore, #tpu.memory_space<semaphore_mem>>)
    %dma_wait3A_587 = arith.constant 0 : i32
    %dma_wait3A_588 = arith.constant 0 : i32
    %dma_wait3A_589 = arith.constant 0 : i32
    %dma_wait3A_590 = tpu.memref_slice %arg7[%dma_wait3A_587, %dma_wait3A_588, %dma_wait3A_589] : memref<2x8x128xi32, #tpu.memory_space<vmem>> -> memref<1x1x128xi32, #tpu.memory_space<vmem>>
    %dma_wait3A_591 = tpu.memref_squeeze %dma_wait3A_590 : memref<1x1x128xi32, #tpu.memory_space<vmem>> -> memref<128xi32, #tpu.memory_space<vmem>>
    %dma_wait3A_592 = arith.constant 0 : i32
    %dma_wait3A_593 = arith.constant 0 : i32
    %dma_wait3A_594 = tpu.memref_slice %arg2[%dma_wait3A_592, %dma_wait3A_593] : memref<10000x128xf32, #tpu.memory_space<hbm>> -> memref<10000x128xf32, #tpu.memory_space<hbm>>
    tpu.wait_indirect_dma semaphore(%arg11 : memref<!tpu.dma_semaphore, #tpu.memory_space<semaphore_mem>>) src(%dma_wait3A_594 : memref<10000x128xf32, #tpu.memory_space<hbm>>) dst(%arg9 : memref<128x128xf32, #tpu.memory_space<vmem>>)
    %dma_start3A_595 = arith.constant 1 : i32
    %dma_start3A_596 = arith.constant 6 : i32
    %dma_start3A_597 = arith.constant 0 : i32
    %dma_start3A_598 = tpu.memref_slice %arg8[%dma_start3A_595, %dma_start3A_596, %dma_start3A_597] : memref<2x8x128xi32, #tpu.memory_space<vmem>> -> memref<1x1x128xi32, #tpu.memory_space<vmem>>
    %dma_start3A_599 = tpu.memref_squeeze %dma_start3A_598 : memref<1x1x128xi32, #tpu.memory_space<vmem>> -> memref<128xi32, #tpu.memory_space<vmem>>
    %dma_start3A_600 = arith.constant 0 : i32
    %dma_start3A_601 = arith.constant 0 : i32
    %dma_start3A_602 = tpu.memref_slice %arg6[%dma_start3A_600, %dma_start3A_601] : memref<10240x128xf32, #tpu.memory_space<vmem_shared>> -> memref<10240x128xf32, #tpu.memory_space<vmem_shared>>
    tpu.enqueue_indirect_dma source(%arg9 : memref<128x128xf32, #tpu.memory_space<vmem>>) target(%dma_start3A_602 : memref<10240x128xf32, #tpu.memory_space<vmem_shared>>) offsets(%dma_start3A_599 : memref<128xi32, #tpu.memory_space<vmem>>) semaphore(%arg13 : memref<!tpu.dma_semaphore, #tpu.memory_space<semaphore_mem>>) {add = true}
    %dma_wait3A_603 = arith.constant 0 : i32
    %dma_wait3A_604 = arith.constant 0 : i32
    %dma_wait3A_605 = arith.constant 0 : i32
    %dma_wait3A_606 = tpu.memref_slice %arg8[%dma_wait3A_603, %dma_wait3A_604, %dma_wait3A_605] : memref<2x8x128xi32, #tpu.memory_space<vmem>> -> memref<1x1x128xi32, #tpu.memory_space<vmem>>
    %dma_wait3A_607 = tpu.memref_squeeze %dma_wait3A_606 : memref<1x1x128xi32, #tpu.memory_space<vmem>> -> memref<128xi32, #tpu.memory_space<vmem>>
    %dma_wait3A_608 = arith.constant 0 : i32
    %dma_wait3A_609 = arith.constant 0 : i32
    %dma_wait3A_610 = tpu.memref_slice %arg6[%dma_wait3A_608, %dma_wait3A_609] : memref<10240x128xf32, #tpu.memory_space<vmem_shared>> -> memref<10240x128xf32, #tpu.memory_space<vmem_shared>>
    tpu.wait_indirect_dma semaphore(%arg13 : memref<!tpu.dma_semaphore, #tpu.memory_space<semaphore_mem>>) src(%arg9 : memref<128x128xf32, #tpu.memory_space<vmem>>) dst(%dma_wait3A_610 : memref<10240x128xf32, #tpu.memory_space<vmem_shared>>)
    %dma_wait3A_611 = arith.constant 0 : i32
    %dma_wait3A_612 = arith.constant 0 : i32
    %dma_wait3A_613 = arith.constant 0 : i32
    %dma_wait3A_614 = tpu.memref_slice %arg7[%dma_wait3A_611, %dma_wait3A_612, %dma_wait3A_613] : memref<2x8x128xi32, #tpu.memory_space<vmem>> -> memref<1x1x128xi32, #tpu.memory_space<vmem>>
    %dma_wait3A_615 = tpu.memref_squeeze %dma_wait3A_614 : memref<1x1x128xi32, #tpu.memory_space<vmem>> -> memref<128xi32, #tpu.memory_space<vmem>>
    %dma_wait3A_616 = arith.constant 0 : i32
    %dma_wait3A_617 = arith.constant 0 : i32
    %dma_wait3A_618 = tpu.memref_slice %arg2[%dma_wait3A_616, %dma_wait3A_617] : memref<10000x128xf32, #tpu.memory_space<hbm>> -> memref<10000x128xf32, #tpu.memory_space<hbm>>
    tpu.wait_indirect_dma semaphore(%arg12 : memref<!tpu.dma_semaphore, #tpu.memory_space<semaphore_mem>>) src(%dma_wait3A_618 : memref<10000x128xf32, #tpu.memory_space<hbm>>) dst(%arg10 : memref<128x128xf32, #tpu.memory_space<vmem>>)
    %dma_start3A_619 = arith.constant 1 : i32
    %dma_start3A_620 = arith.constant 7 : i32
    %dma_start3A_621 = arith.constant 0 : i32
    %dma_start3A_622 = tpu.memref_slice %arg8[%dma_start3A_619, %dma_start3A_620, %dma_start3A_621] : memref<2x8x128xi32, #tpu.memory_space<vmem>> -> memref<1x1x128xi32, #tpu.memory_space<vmem>>
    %dma_start3A_623 = tpu.memref_squeeze %dma_start3A_622 : memref<1x1x128xi32, #tpu.memory_space<vmem>> -> memref<128xi32, #tpu.memory_space<vmem>>
    %dma_start3A_624 = arith.constant 0 : i32
    %dma_start3A_625 = arith.constant 0 : i32
    %dma_start3A_626 = tpu.memref_slice %arg6[%dma_start3A_624, %dma_start3A_625] : memref<10240x128xf32, #tpu.memory_space<vmem_shared>> -> memref<10240x128xf32, #tpu.memory_space<vmem_shared>>
    tpu.enqueue_indirect_dma source(%arg10 : memref<128x128xf32, #tpu.memory_space<vmem>>) target(%dma_start3A_626 : memref<10240x128xf32, #tpu.memory_space<vmem_shared>>) offsets(%dma_start3A_623 : memref<128xi32, #tpu.memory_space<vmem>>) semaphore(%arg14 : memref<!tpu.dma_semaphore, #tpu.memory_space<semaphore_mem>>) {add = true}
    %dma_wait3A_627 = arith.constant 0 : i32
    %dma_wait3A_628 = arith.constant 0 : i32
    %dma_wait3A_629 = arith.constant 0 : i32
    %dma_wait3A_630 = tpu.memref_slice %arg8[%dma_wait3A_627, %dma_wait3A_628, %dma_wait3A_629] : memref<2x8x128xi32, #tpu.memory_space<vmem>> -> memref<1x1x128xi32, #tpu.memory_space<vmem>>
    %dma_wait3A_631 = tpu.memref_squeeze %dma_wait3A_630 : memref<1x1x128xi32, #tpu.memory_space<vmem>> -> memref<128xi32, #tpu.memory_space<vmem>>
    %dma_wait3A_632 = arith.constant 0 : i32
    %dma_wait3A_633 = arith.constant 0 : i32
    %dma_wait3A_634 = tpu.memref_slice %arg6[%dma_wait3A_632, %dma_wait3A_633] : memref<10240x128xf32, #tpu.memory_space<vmem_shared>> -> memref<10240x128xf32, #tpu.memory_space<vmem_shared>>
    tpu.wait_indirect_dma semaphore(%arg14 : memref<!tpu.dma_semaphore, #tpu.memory_space<semaphore_mem>>) src(%arg10 : memref<128x128xf32, #tpu.memory_space<vmem>>) dst(%dma_wait3A_634 : memref<10240x128xf32, #tpu.memory_space<vmem_shared>>)
    "tpu.trace_stop"() : () -> ()
    "tpu.trace_start"() <{level = 10 : i32, message = "post_barrier"}> : () -> ()
    %barrier3A_635 = arith.constant 0 : index
    tpu.barrier barrier_id(%barrier3A_635)
    "tpu.trace_stop"() : () -> ()
    "tpu.trace_start"() <{level = 10 : i32, message = "copy_out"}> : () -> ()
    %mul3A_636 = arith.constant 640 : i32
    %mul3A_637 = arith.muli %arg1, %mul3A_636 : i32
    %mul3A_638 = arith.constant 640 : i32
    %mul3A_639 = arith.muli %arg1, %mul3A_638 : i32
    "tpu.region"() ({
      %run_scoped3A_640 = tpu.sem_alloc : memref<!tpu.dma_semaphore, #tpu.memory_space<semaphore_mem>>
      %dma_start3A_641 = arith.constant 0 : i32
      %dma_start3A_642 = tpu.memref_slice %arg5[%arg0, %mul3A_639, %dma_start3A_641] : memref<2x10240x128xf32, #tpu.memory_space<hbm>> -> memref<1x640x128xf32, #tpu.memory_space<hbm>>
      %dma_start3A_643 = tpu.memref_squeeze %dma_start3A_642 : memref<1x640x128xf32, #tpu.memory_space<hbm>> -> memref<640x128xf32, #tpu.memory_space<hbm>>
      %dma_start3A_644 = arith.constant 0 : i32
      %dma_start3A_645 = tpu.memref_slice %arg6[%mul3A_637, %dma_start3A_644] : memref<10240x128xf32, #tpu.memory_space<vmem_shared>> -> memref<640x128xf32, #tpu.memory_space<vmem_shared>>
      tpu.enqueue_dma source(%dma_start3A_645 : memref<640x128xf32, #tpu.memory_space<vmem_shared>>) target(%dma_start3A_643 : memref<640x128xf32, #tpu.memory_space<hbm>>) target_semaphore(%run_scoped3A_640 : memref<!tpu.dma_semaphore, #tpu.memory_space<semaphore_mem>>)
      %dma_wait3A_646 = arith.constant 0 : i32
      %dma_wait3A_647 = tpu.memref_slice %arg5[%arg0, %mul3A_639, %dma_wait3A_646] : memref<2x10240x128xf32, #tpu.memory_space<hbm>> -> memref<1x640x128xf32, #tpu.memory_space<hbm>>
      %dma_wait3A_648 = tpu.memref_squeeze %dma_wait3A_647 : memref<1x640x128xf32, #tpu.memory_space<hbm>> -> memref<640x128xf32, #tpu.memory_space<hbm>>
      %dma_wait3A_649 = arith.constant 0 : i32
      %dma_wait3A_650 = tpu.memref_slice %arg6[%mul3A_637, %dma_wait3A_649] : memref<10240x128xf32, #tpu.memory_space<vmem_shared>> -> memref<640x128xf32, #tpu.memory_space<vmem_shared>>
      tpu.wait_dma2 semaphore(%run_scoped3A_640 : memref<!tpu.dma_semaphore, #tpu.memory_space<semaphore_mem>>) src(%dma_wait3A_650 : memref<640x128xf32, #tpu.memory_space<vmem_shared>>) dst(%dma_wait3A_648 : memref<640x128xf32, #tpu.memory_space<hbm>>)
      tpu.yield
    }) : () -> ()
    "tpu.trace_stop"() : () -> ()
    return
  }
}

#map = affine_map<(d0, d1) -> (0, 0)>
#map1 = affine_map<(d0, d1) -> (0, 0, 0)>
module attributes {stable_mosaic.version = 14 : i64} {
  func.func @agg_kernel(%arg0: i32, %arg1: i32, %arg2: memref<10000x128xf32, #tpu.memory_space<hbm>>, %arg3: memref<320x8x128xi32, #tpu.memory_space<hbm>>, %arg4: memref<320x8x128xi32, #tpu.memory_space<hbm>>, %arg5: memref<2x10240x128xf32, #tpu.memory_space<hbm>>, %arg6: memref<10240x128xf32, #tpu.memory_space<vmem_shared>>, %arg7: memref<2x8x128xi32, #tpu.memory_space<vmem>>, %arg8: memref<2x8x128xi32, #tpu.memory_space<vmem>>, %arg9: memref<128x128xf32, #tpu.memory_space<vmem>>, %arg10: memref<128x128xf32, #tpu.memory_space<vmem>>, %arg11: memref<!tpu.dma_semaphore, #tpu.memory_space<semaphore_mem>>, %arg12: memref<!tpu.dma_semaphore, #tpu.memory_space<semaphore_mem>>, %arg13: memref<!tpu.dma_semaphore, #tpu.memory_space<semaphore_mem>>, %arg14: memref<!tpu.dma_semaphore, #tpu.memory_space<semaphore_mem>>, %arg15: memref<!tpu.dma_semaphore, #tpu.memory_space<semaphore_mem>>) attributes {dimension_semantics = [#tpu.dimension_semantics<core_parallel>, #tpu.dimension_semantics<subcore_parallel>], iteration_bounds = array<i64: 2, 16>, scalar_prefetch = 0 : i64, scratch_operands = 10 : i64, tpu.core_type = #tpu.core_type<sc_vector_subcore>, window_params = [{transform_indices = #map}, {transform_indices = #map1}, {transform_indices = #map1}, {transform_indices = #map1}]} {
    %eq3A = arith.constant 0 : i32
    %eq3A_0 = arith.cmpi eq, %arg0, %eq3A : i32
    %mul3A = arith.constant 10 : i32
    %mul3A_1 = arith.muli %arg1, %mul3A : i32
    %mul3A_2 = arith.constant 10 : i32
    %mul3A_3 = arith.muli %arg1, %mul3A_2 : i32
    %add3A = arith.constant 160 : i32
    %add3A_4 = arith.addi %add3A, %mul3A_3 : i32
    %select_n3A = arith.select %eq3A_0, %mul3A_1, %add3A_4 : i32
    %eq3A_5 = arith.constant 0 : i32
    %eq3A_6 = arith.cmpi eq, %arg0, %eq3A_5 : i32
    %jit3A = arith.constant 10 : i32
    %jit3A_7 = arith.constant 10 : i32
    %select_n3A_8 = arith.select %eq3A_6, %jit3A, %jit3A_7 : i32
    %run_scoped3A = arith.constant 0 : i32
    "tpu.trace_start"() <{level = 10 : i32, message = "prime"}> : () -> ()
    "tpu.region"() ({
      %run_scoped3A_640 = tpu.sem_alloc : memref<!tpu.dma_semaphore, #tpu.memory_space<semaphore_mem>>
      %dma_start3A_641 = arith.constant 0 : i32
      %dma_start3A_642 = arith.constant 0 : i32
      %dma_start3A_643 = tpu.memref_slice %arg7[%run_scoped3A, %dma_start3A_641, %dma_start3A_642] : memref<2x8x128xi32, #tpu.memory_space<vmem>> -> memref<1x8x128xi32, #tpu.memory_space<vmem>>
      %dma_start3A_644 = tpu.memref_squeeze %dma_start3A_643 : memref<1x8x128xi32, #tpu.memory_space<vmem>> -> memref<8x128xi32, #tpu.memory_space<vmem>>
      %dma_start3A_645 = arith.constant 0 : i32
      %dma_start3A_646 = arith.constant 0 : i32
      %dma_start3A_647 = tpu.memref_slice %arg3[%select_n3A, %dma_start3A_645, %dma_start3A_646] : memref<320x8x128xi32, #tpu.memory_space<hbm>> -> memref<1x8x128xi32, #tpu.memory_space<hbm>>
      %dma_start3A_648 = tpu.memref_squeeze %dma_start3A_647 : memref<1x8x128xi32, #tpu.memory_space<hbm>> -> memref<8x128xi32, #tpu.memory_space<hbm>>
      %dma_start3A_649 = arith.constant 0 : i32
      %dma_start3A_650 = arith.constant 0 : i32
      %dma_start3A_651 = tpu.memref_slice %arg7[%run_scoped3A, %dma_start3A_649, %dma_start3A_650] : memref<2x8x128xi32, #tpu.memory_space<vmem>> -> memref<1x8x128xi32, #tpu.memory_space<vmem>>
      %dma_start3A_652 = tpu.memref_squeeze %dma_start3A_651 : memref<1x8x128xi32, #tpu.memory_space<vmem>> -> memref<8x128xi32, #tpu.memory_space<vmem>>
      %dma_start3A_653 = arith.constant 0 : i32
      %dma_start3A_654 = arith.constant 0 : i32
      %dma_start3A_655 = tpu.memref_slice %arg3[%select_n3A, %dma_start3A_653, %dma_start3A_654] : memref<320x8x128xi32, #tpu.memory_space<hbm>> -> memref<1x8x128xi32, #tpu.memory_space<hbm>>
      %dma_start3A_656 = tpu.memref_squeeze %dma_start3A_655 : memref<1x8x128xi32, #tpu.memory_space<hbm>> -> memref<8x128xi32, #tpu.memory_space<hbm>>
      tpu.enqueue_dma source(%dma_start3A_656 : memref<8x128xi32, #tpu.memory_space<hbm>>) target(%dma_start3A_652 : memref<8x128xi32, #tpu.memory_space<vmem>>) target_semaphore(%run_scoped3A_640 : memref<!tpu.dma_semaphore, #tpu.memory_space<semaphore_mem>>)
      %dma_wait3A_657 = arith.constant 0 : i32
      %dma_wait3A_658 = arith.constant 0 : i32
      %dma_wait3A_659 = tpu.memref_slice %arg7[%run_scoped3A, %dma_wait3A_657, %dma_wait3A_658] : memref<2x8x128xi32, #tpu.memory_space<vmem>> -> memref<1x8x128xi32, #tpu.memory_space<vmem>>
      %dma_wait3A_660 = tpu.memref_squeeze %dma_wait3A_659 : memref<1x8x128xi32, #tpu.memory_space<vmem>> -> memref<8x128xi32, #tpu.memory_space<vmem>>
      %dma_wait3A_661 = arith.constant 0 : i32
      %dma_wait3A_662 = arith.constant 0 : i32
      %dma_wait3A_663 = tpu.memref_slice %arg3[%select_n3A, %dma_wait3A_661, %dma_wait3A_662] : memref<320x8x128xi32, #tpu.memory_space<hbm>> -> memref<1x8x128xi32, #tpu.memory_space<hbm>>
      %dma_wait3A_664 = tpu.memref_squeeze %dma_wait3A_663 : memref<1x8x128xi32, #tpu.memory_space<hbm>> -> memref<8x128xi32, #tpu.memory_space<hbm>>
      %dma_wait3A_665 = arith.constant 0 : i32
      %dma_wait3A_666 = arith.constant 0 : i32
      %dma_wait3A_667 = tpu.memref_slice %arg7[%run_scoped3A, %dma_wait3A_665, %dma_wait3A_666] : memref<2x8x128xi32, #tpu.memory_space<vmem>> -> memref<1x8x128xi32, #tpu.memory_space<vmem>>
      %dma_wait3A_668 = tpu.memref_squeeze %dma_wait3A_667 : memref<1x8x128xi32, #tpu.memory_space<vmem>> -> memref<8x128xi32, #tpu.memory_space<vmem>>
      %dma_wait3A_669 = arith.constant 0 : i32
      %dma_wait3A_670 = arith.constant 0 : i32
      %dma_wait3A_671 = tpu.memref_slice %arg3[%select_n3A, %dma_wait3A_669, %dma_wait3A_670] : memref<320x8x128xi32, #tpu.memory_space<hbm>> -> memref<1x8x128xi32, #tpu.memory_space<hbm>>
      %dma_wait3A_672 = tpu.memref_squeeze %dma_wait3A_671 : memref<1x8x128xi32, #tpu.memory_space<hbm>> -> memref<8x128xi32, #tpu.memory_space<hbm>>
      tpu.wait_dma2 semaphore(%run_scoped3A_640 : memref<!tpu.dma_semaphore, #tpu.memory_space<semaphore_mem>>) src(%dma_wait3A_672 : memref<8x128xi32, #tpu.memory_space<hbm>>) dst(%dma_wait3A_668 : memref<8x128xi32, #tpu.memory_space<vmem>>)
      tpu.yield
    }) : () -> ()
    %run_scoped3A_9 = arith.constant 0 : i32
    "tpu.region"() ({
      %run_scoped3A_640 = tpu.sem_alloc : memref<!tpu.dma_semaphore, #tpu.memory_space<semaphore_mem>>
      %dma_start3A_641 = arith.constant 0 : i32
      %dma_start3A_642 = arith.constant 0 : i32
      %dma_start3A_643 = tpu.memref_slice %arg8[%run_scoped3A_9, %dma_start3A_641, %dma_start3A_642] : memref<2x8x128xi32, #tpu.memory_space<vmem>> -> memref<1x8x128xi32, #tpu.memory_space<vmem>>
      %dma_start3A_644 = tpu.memref_squeeze %dma_start3A_643 : memref<1x8x128xi32, #tpu.memory_space<vmem>> -> memref<8x128xi32, #tpu.memory_space<vmem>>
      %dma_start3A_645 = arith.constant 0 : i32
      %dma_start3A_646 = arith.constant 0 : i32
      %dma_start3A_647 = tpu.memref_slice %arg4[%select_n3A, %dma_start3A_645, %dma_start3A_646] : memref<320x8x128xi32, #tpu.memory_space<hbm>> -> memref<1x8x128xi32, #tpu.memory_space<hbm>>
      %dma_start3A_648 = tpu.memref_squeeze %dma_start3A_647 : memref<1x8x128xi32, #tpu.memory_space<hbm>> -> memref<8x128xi32, #tpu.memory_space<hbm>>
      %dma_start3A_649 = arith.constant 0 : i32
      %dma_start3A_650 = arith.constant 0 : i32
      %dma_start3A_651 = tpu.memref_slice %arg8[%run_scoped3A_9, %dma_start3A_649, %dma_start3A_650] : memref<2x8x128xi32, #tpu.memory_space<vmem>> -> memref<1x8x128xi32, #tpu.memory_space<vmem>>
      %dma_start3A_652 = tpu.memref_squeeze %dma_start3A_651 : memref<1x8x128xi32, #tpu.memory_space<vmem>> -> memref<8x128xi32, #tpu.memory_space<vmem>>
      %dma_start3A_653 = arith.constant 0 : i32
      %dma_start3A_654 = arith.constant 0 : i32
      %dma_start3A_655 = tpu.memref_slice %arg4[%select_n3A, %dma_start3A_653, %dma_start3A_654] : memref<320x8x128xi32, #tpu.memory_space<hbm>> -> memref<1x8x128xi32, #tpu.memory_space<hbm>>
      %dma_start3A_656 = tpu.memref_squeeze %dma_start3A_655 : memref<1x8x128xi32, #tpu.memory_space<hbm>> -> memref<8x128xi32, #tpu.memory_space<hbm>>
      tpu.enqueue_dma source(%dma_start3A_656 : memref<8x128xi32, #tpu.memory_space<hbm>>) target(%dma_start3A_652 : memref<8x128xi32, #tpu.memory_space<vmem>>) target_semaphore(%run_scoped3A_640 : memref<!tpu.dma_semaphore, #tpu.memory_space<semaphore_mem>>)
      %dma_wait3A_657 = arith.constant 0 : i32
      %dma_wait3A_658 = arith.constant 0 : i32
      %dma_wait3A_659 = tpu.memref_slice %arg8[%run_scoped3A_9, %dma_wait3A_657, %dma_wait3A_658] : memref<2x8x128xi32, #tpu.memory_space<vmem>> -> memref<1x8x128xi32, #tpu.memory_space<vmem>>
      %dma_wait3A_660 = tpu.memref_squeeze %dma_wait3A_659 : memref<1x8x128xi32, #tpu.memory_space<vmem>> -> memref<8x128xi32, #tpu.memory_space<vmem>>
      %dma_wait3A_661 = arith.constant 0 : i32
      %dma_wait3A_662 = arith.constant 0 : i32
      %dma_wait3A_663 = tpu.memref_slice %arg4[%select_n3A, %dma_wait3A_661, %dma_wait3A_662] : memref<320x8x128xi32, #tpu.memory_space<hbm>> -> memref<1x8x128xi32, #tpu.memory_space<hbm>>
      %dma_wait3A_664 = tpu.memref_squeeze %dma_wait3A_663 : memref<1x8x128xi32, #tpu.memory_space<hbm>> -> memref<8x128xi32, #tpu.memory_space<hbm>>
      %dma_wait3A_665 = arith.constant 0 : i32
      %dma_wait3A_666 = arith.constant 0 : i32
      %dma_wait3A_667 = tpu.memref_slice %arg8[%run_scoped3A_9, %dma_wait3A_665, %dma_wait3A_666] : memref<2x8x128xi32, #tpu.memory_space<vmem>> -> memref<1x8x128xi32, #tpu.memory_space<vmem>>
      %dma_wait3A_668 = tpu.memref_squeeze %dma_wait3A_667 : memref<1x8x128xi32, #tpu.memory_space<vmem>> -> memref<8x128xi32, #tpu.memory_space<vmem>>
      %dma_wait3A_669 = arith.constant 0 : i32
      %dma_wait3A_670 = arith.constant 0 : i32
      %dma_wait3A_671 = tpu.memref_slice %arg4[%select_n3A, %dma_wait3A_669, %dma_wait3A_670] : memref<320x8x128xi32, #tpu.memory_space<hbm>> -> memref<1x8x128xi32, #tpu.memory_space<hbm>>
      %dma_wait3A_672 = tpu.memref_squeeze %dma_wait3A_671 : memref<1x8x128xi32, #tpu.memory_space<hbm>> -> memref<8x128xi32, #tpu.memory_space<hbm>>
      tpu.wait_dma2 semaphore(%run_scoped3A_640 : memref<!tpu.dma_semaphore, #tpu.memory_space<semaphore_mem>>) src(%dma_wait3A_672 : memref<8x128xi32, #tpu.memory_space<hbm>>) dst(%dma_wait3A_668 : memref<8x128xi32, #tpu.memory_space<vmem>>)
      tpu.yield
    }) : () -> ()
    %add3A_10 = arith.constant 1 : i32
    %add3A_11 = arith.addi %select_n3A, %add3A_10 : i32
    %dma_start3A = arith.constant 1 : i32
    %dma_start3A_12 = arith.constant 0 : i32
    %dma_start3A_13 = arith.constant 0 : i32
    %dma_start3A_14 = tpu.memref_slice %arg7[%dma_start3A, %dma_start3A_12, %dma_start3A_13] : memref<2x8x128xi32, #tpu.memory_space<vmem>> -> memref<1x8x128xi32, #tpu.memory_space<vmem>>
    %dma_start3A_15 = tpu.memref_squeeze %dma_start3A_14 : memref<1x8x128xi32, #tpu.memory_space<vmem>> -> memref<8x128xi32, #tpu.memory_space<vmem>>
    %dma_start3A_16 = arith.constant 0 : i32
    %dma_start3A_17 = arith.constant 0 : i32
    %dma_start3A_18 = tpu.memref_slice %arg3[%add3A_11, %dma_start3A_16, %dma_start3A_17] : memref<320x8x128xi32, #tpu.memory_space<hbm>> -> memref<1x8x128xi32, #tpu.memory_space<hbm>>
    %dma_start3A_19 = tpu.memref_squeeze %dma_start3A_18 : memref<1x8x128xi32, #tpu.memory_space<hbm>> -> memref<8x128xi32, #tpu.memory_space<hbm>>
    %dma_start3A_20 = arith.constant 0 : i32
    %dma_start3A_21 = arith.constant 0 : i32
    %dma_start3A_22 = tpu.memref_slice %arg7[%dma_start3A, %dma_start3A_20, %dma_start3A_21] : memref<2x8x128xi32, #tpu.memory_space<vmem>> -> memref<1x8x128xi32, #tpu.memory_space<vmem>>
    %dma_start3A_23 = tpu.memref_squeeze %dma_start3A_22 : memref<1x8x128xi32, #tpu.memory_space<vmem>> -> memref<8x128xi32, #tpu.memory_space<vmem>>
    %dma_start3A_24 = arith.constant 0 : i32
    %dma_start3A_25 = arith.constant 0 : i32
    %dma_start3A_26 = tpu.memref_slice %arg3[%add3A_11, %dma_start3A_24, %dma_start3A_25] : memref<320x8x128xi32, #tpu.memory_space<hbm>> -> memref<1x8x128xi32, #tpu.memory_space<hbm>>
    %dma_start3A_27 = tpu.memref_squeeze %dma_start3A_26 : memref<1x8x128xi32, #tpu.memory_space<hbm>> -> memref<8x128xi32, #tpu.memory_space<hbm>>
    tpu.enqueue_dma source(%dma_start3A_27 : memref<8x128xi32, #tpu.memory_space<hbm>>) target(%dma_start3A_23 : memref<8x128xi32, #tpu.memory_space<vmem>>) target_semaphore(%arg15 : memref<!tpu.dma_semaphore, #tpu.memory_space<semaphore_mem>>)
    %dma_start3A_28 = arith.constant 1 : i32
    %dma_start3A_29 = arith.constant 0 : i32
    %dma_start3A_30 = arith.constant 0 : i32
    %dma_start3A_31 = tpu.memref_slice %arg8[%dma_start3A_28, %dma_start3A_29, %dma_start3A_30] : memref<2x8x128xi32, #tpu.memory_space<vmem>> -> memref<1x8x128xi32, #tpu.memory_space<vmem>>
    %dma_start3A_32 = tpu.memref_squeeze %dma_start3A_31 : memref<1x8x128xi32, #tpu.memory_space<vmem>> -> memref<8x128xi32, #tpu.memory_space<vmem>>
    %dma_start3A_33 = arith.constant 0 : i32
    %dma_start3A_34 = arith.constant 0 : i32
    %dma_start3A_35 = tpu.memref_slice %arg4[%add3A_11, %dma_start3A_33, %dma_start3A_34] : memref<320x8x128xi32, #tpu.memory_space<hbm>> -> memref<1x8x128xi32, #tpu.memory_space<hbm>>
    %dma_start3A_36 = tpu.memref_squeeze %dma_start3A_35 : memref<1x8x128xi32, #tpu.memory_space<hbm>> -> memref<8x128xi32, #tpu.memory_space<hbm>>
    %dma_start3A_37 = arith.constant 0 : i32
    %dma_start3A_38 = arith.constant 0 : i32
    %dma_start3A_39 = tpu.memref_slice %arg8[%dma_start3A_28, %dma_start3A_37, %dma_start3A_38] : memref<2x8x128xi32, #tpu.memory_space<vmem>> -> memref<1x8x128xi32, #tpu.memory_space<vmem>>
    %dma_start3A_40 = tpu.memref_squeeze %dma_start3A_39 : memref<1x8x128xi32, #tpu.memory_space<vmem>> -> memref<8x128xi32, #tpu.memory_space<vmem>>
    %dma_start3A_41 = arith.constant 0 : i32
    %dma_start3A_42 = arith.constant 0 : i32
    %dma_start3A_43 = tpu.memref_slice %arg4[%add3A_11, %dma_start3A_41, %dma_start3A_42] : memref<320x8x128xi32, #tpu.memory_space<hbm>> -> memref<1x8x128xi32, #tpu.memory_space<hbm>>
    %dma_start3A_44 = tpu.memref_squeeze %dma_start3A_43 : memref<1x8x128xi32, #tpu.memory_space<hbm>> -> memref<8x128xi32, #tpu.memory_space<hbm>>
    tpu.enqueue_dma source(%dma_start3A_44 : memref<8x128xi32, #tpu.memory_space<hbm>>) target(%dma_start3A_40 : memref<8x128xi32, #tpu.memory_space<vmem>>) target_semaphore(%arg15 : memref<!tpu.dma_semaphore, #tpu.memory_space<semaphore_mem>>)
    %dma_start3A_45 = arith.constant 0 : i32
    %dma_start3A_46 = arith.constant 0 : i32
    %dma_start3A_47 = arith.constant 0 : i32
    %dma_start3A_48 = tpu.memref_slice %arg7[%dma_start3A_45, %dma_start3A_46, %dma_start3A_47] : memref<2x8x128xi32, #tpu.memory_space<vmem>> -> memref<1x1x128xi32, #tpu.memory_space<vmem>>
    %dma_start3A_49 = tpu.memref_squeeze %dma_start3A_48 : memref<1x1x128xi32, #tpu.memory_space<vmem>> -> memref<128xi32, #tpu.memory_space<vmem>>
    %dma_start3A_50 = arith.constant 0 : i32
    %dma_start3A_51 = arith.constant 0 : i32
    %dma_start3A_52 = tpu.memref_slice %arg2[%dma_start3A_50, %dma_start3A_51] : memref<10000x128xf32, #tpu.memory_space<hbm>> -> memref<10000x128xf32, #tpu.memory_space<hbm>>
    tpu.enqueue_indirect_dma source(%dma_start3A_52 : memref<10000x128xf32, #tpu.memory_space<hbm>>) target(%arg9 : memref<128x128xf32, #tpu.memory_space<vmem>>) offsets(%dma_start3A_49 : memref<128xi32, #tpu.memory_space<vmem>>) semaphore(%arg11 : memref<!tpu.dma_semaphore, #tpu.memory_space<semaphore_mem>>)
    %broadcast_in_dim3A = arith.constant 0.000000e+00 : f32
    "tpu.trace_stop"() : () -> ()
    "tpu.trace_start"() <{level = 10 : i32, message = "zero_acc"}> : () -> ()
    %broadcast_in_dim3A_53 = vector.broadcast %broadcast_in_dim3A : f32 to vector<16xf32>
    %scan3A = arith.constant 0 : i32
    %scan3A_54 = arith.constant 0 : i32
    %scan3A_55 = arith.constant 128 : i32
    %scan3A_56 = arith.addi %scan3A_54, %scan3A_55 : i32
    %scan3A_57 = arith.constant 1 : i32
    %scan3A_58 = scf.for %scan3A_640 = %scan3A_54 to %scan3A_56 step %scan3A_57 iter_args(%scan3A_641 = %scan3A) -> (i32)  : i32 {
      %swap3A = arith.index_cast %scan3A_640 : i32 to index
      %swap3A_642 = arith.constant 0 : index
      %swap3A_643 = tpu.vector_load %arg10[%swap3A, %swap3A_642] {strides = array<i32>} : memref<128x128xf32, #tpu.memory_space<vmem>>, vector<1x16xf32>,
      %swap3A_644 = vector.shape_cast %swap3A_643 : vector<1x16xf32> to vector<16xf32>
      %swap3A_645 = vector.shape_cast %broadcast_in_dim3A_53 : vector<16xf32> to vector<1x16xf32>
      tpu.vector_store %arg10[%swap3A, %swap3A_642], %swap3A_645 {strides = array<i32>} : memref<128x128xf32, #tpu.memory_space<vmem>>, vector<1x16xf32>,
      %swap3A_646 = arith.index_cast %scan3A_640 : i32 to index
      %swap3A_647 = arith.constant 16 : index
      %swap3A_648 = tpu.vector_load %arg10[%swap3A_646, %swap3A_647] {strides = array<i32>} : memref<128x128xf32, #tpu.memory_space<vmem>>, vector<1x16xf32>,
      %swap3A_649 = vector.shape_cast %swap3A_648 : vector<1x16xf32> to vector<16xf32>
      %swap3A_650 = vector.shape_cast %broadcast_in_dim3A_53 : vector<16xf32> to vector<1x16xf32>
      tpu.vector_store %arg10[%swap3A_646, %swap3A_647], %swap3A_650 {strides = array<i32>} : memref<128x128xf32, #tpu.memory_space<vmem>>, vector<1x16xf32>,
      %swap3A_651 = arith.index_cast %scan3A_640 : i32 to index
      %swap3A_652 = arith.constant 32 : index
      %swap3A_653 = tpu.vector_load %arg10[%swap3A_651, %swap3A_652] {strides = array<i32>} : memref<128x128xf32, #tpu.memory_space<vmem>>, vector<1x16xf32>,
      %swap3A_654 = vector.shape_cast %swap3A_653 : vector<1x16xf32> to vector<16xf32>
      %swap3A_655 = vector.shape_cast %broadcast_in_dim3A_53 : vector<16xf32> to vector<1x16xf32>
      tpu.vector_store %arg10[%swap3A_651, %swap3A_652], %swap3A_655 {strides = array<i32>} : memref<128x128xf32, #tpu.memory_space<vmem>>, vector<1x16xf32>,
      %swap3A_656 = arith.index_cast %scan3A_640 : i32 to index
      %swap3A_657 = arith.constant 48 : index
      %swap3A_658 = tpu.vector_load %arg10[%swap3A_656, %swap3A_657] {strides = array<i32>} : memref<128x128xf32, #tpu.memory_space<vmem>>, vector<1x16xf32>,
      %swap3A_659 = vector.shape_cast %swap3A_658 : vector<1x16xf32> to vector<16xf32>
      %swap3A_660 = vector.shape_cast %broadcast_in_dim3A_53 : vector<16xf32> to vector<1x16xf32>
      tpu.vector_store %arg10[%swap3A_656, %swap3A_657], %swap3A_660 {strides = array<i32>} : memref<128x128xf32, #tpu.memory_space<vmem>>, vector<1x16xf32>,
      %swap3A_661 = arith.index_cast %scan3A_640 : i32 to index
      %swap3A_662 = arith.constant 64 : index
      %swap3A_663 = tpu.vector_load %arg10[%swap3A_661, %swap3A_662] {strides = array<i32>} : memref<128x128xf32, #tpu.memory_space<vmem>>, vector<1x16xf32>,
      %swap3A_664 = vector.shape_cast %swap3A_663 : vector<1x16xf32> to vector<16xf32>
      %swap3A_665 = vector.shape_cast %broadcast_in_dim3A_53 : vector<16xf32> to vector<1x16xf32>
      tpu.vector_store %arg10[%swap3A_661, %swap3A_662], %swap3A_665 {strides = array<i32>} : memref<128x128xf32, #tpu.memory_space<vmem>>, vector<1x16xf32>,
      %swap3A_666 = arith.index_cast %scan3A_640 : i32 to index
      %swap3A_667 = arith.constant 80 : index
      %swap3A_668 = tpu.vector_load %arg10[%swap3A_666, %swap3A_667] {strides = array<i32>} : memref<128x128xf32, #tpu.memory_space<vmem>>, vector<1x16xf32>,
      %swap3A_669 = vector.shape_cast %swap3A_668 : vector<1x16xf32> to vector<16xf32>
      %swap3A_670 = vector.shape_cast %broadcast_in_dim3A_53 : vector<16xf32> to vector<1x16xf32>
      tpu.vector_store %arg10[%swap3A_666, %swap3A_667], %swap3A_670 {strides = array<i32>} : memref<128x128xf32, #tpu.memory_space<vmem>>, vector<1x16xf32>,
      %swap3A_671 = arith.index_cast %scan3A_640 : i32 to index
      %swap3A_672 = arith.constant 96 : index
      %swap3A_673 = tpu.vector_load %arg10[%swap3A_671, %swap3A_672] {strides = array<i32>} : memref<128x128xf32, #tpu.memory_space<vmem>>, vector<1x16xf32>,
      %swap3A_674 = vector.shape_cast %swap3A_673 : vector<1x16xf32> to vector<16xf32>
      %swap3A_675 = vector.shape_cast %broadcast_in_dim3A_53 : vector<16xf32> to vector<1x16xf32>
      tpu.vector_store %arg10[%swap3A_671, %swap3A_672], %swap3A_675 {strides = array<i32>} : memref<128x128xf32, #tpu.memory_space<vmem>>, vector<1x16xf32>,
      %swap3A_676 = arith.index_cast %scan3A_640 : i32 to index
      %swap3A_677 = arith.constant 112 : index
      %swap3A_678 = tpu.vector_load %arg10[%swap3A_676, %swap3A_677] {strides = array<i32>} : memref<128x128xf32, #tpu.memory_space<vmem>>, vector<1x16xf32>,
      %swap3A_679 = vector.shape_cast %swap3A_678 : vector<1x16xf32> to vector<16xf32>
      %swap3A_680 = vector.shape_cast %broadcast_in_dim3A_53 : vector<16xf32> to vector<1x16xf32>
      tpu.vector_store %arg10[%swap3A_676, %swap3A_677], %swap3A_680 {strides = array<i32>} : memref<128x128xf32, #tpu.memory_space<vmem>>, vector<1x16xf32>,
      %scan3A_681 = arith.constant 0 : i32
      scf.yield %scan3A_681 : i32
    }
    %scan3A_59 = arith.constant 128 : i32
    %mul3A_60 = arith.constant 640 : i32
    %mul3A_61 = arith.muli %arg1, %mul3A_60 : i32
    %add3A_62 = arith.constant 0 : i32
    %add3A_63 = arith.addi %mul3A_61, %add3A_62 : i32
    "tpu.region"() ({
      %run_scoped3A_640 = tpu.sem_alloc : memref<!tpu.dma_semaphore, #tpu.memory_space<semaphore_mem>>
      %dma_start3A_641 = arith.constant 0 : i32
      %dma_start3A_642 = tpu.memref_slice %arg6[%add3A_63, %dma_start3A_641] : memref<10240x128xf32, #tpu.memory_space<vmem_shared>> -> memref<128x128xf32, #tpu.memory_space<vmem_shared>>
      %dma_start3A_643 = arith.constant 0 : i32
      %dma_start3A_644 = tpu.memref_slice %arg6[%add3A_63, %dma_start3A_643] : memref<10240x128xf32, #tpu.memory_space<vmem_shared>> -> memref<128x128xf32, #tpu.memory_space<vmem_shared>>
      tpu.enqueue_dma source(%arg10 : memref<128x128xf32, #tpu.memory_space<vmem>>) target(%dma_start3A_644 : memref<128x128xf32, #tpu.memory_space<vmem_shared>>) target_semaphore(%run_scoped3A_640 : memref<!tpu.dma_semaphore, #tpu.memory_space<semaphore_mem>>)
      %dma_wait3A_645 = arith.constant 0 : i32
      %dma_wait3A_646 = tpu.memref_slice %arg6[%add3A_63, %dma_wait3A_645] : memref<10240x128xf32, #tpu.memory_space<vmem_shared>> -> memref<128x128xf32, #tpu.memory_space<vmem_shared>>
      %dma_wait3A_647 = arith.constant 0 : i32
      %dma_wait3A_648 = tpu.memref_slice %arg6[%add3A_63, %dma_wait3A_647] : memref<10240x128xf32, #tpu.memory_space<vmem_shared>> -> memref<128x128xf32, #tpu.memory_space<vmem_shared>>
      tpu.wait_dma2 semaphore(%run_scoped3A_640 : memref<!tpu.dma_semaphore, #tpu.memory_space<semaphore_mem>>) src(%arg10 : memref<128x128xf32, #tpu.memory_space<vmem>>) dst(%dma_wait3A_648 : memref<128x128xf32, #tpu.memory_space<vmem_shared>>)
      tpu.yield
    }) : () -> ()
    %mul3A_64 = arith.constant 640 : i32
    %mul3A_65 = arith.muli %arg1, %mul3A_64 : i32
    %add3A_66 = arith.constant 128 : i32
    %add3A_67 = arith.addi %mul3A_65, %add3A_66 : i32
    "tpu.region"() ({
      %run_scoped3A_640 = tpu.sem_alloc : memref<!tpu.dma_semaphore, #tpu.memory_space<semaphore_mem>>
      %dma_start3A_641 = arith.constant 0 : i32
      %dma_start3A_642 = tpu.memref_slice %arg6[%add3A_67, %dma_start3A_641] : memref<10240x128xf32, #tpu.memory_space<vmem_shared>> -> memref<128x128xf32, #tpu.memory_space<vmem_shared>>
      %dma_start3A_643 = arith.constant 0 : i32
      %dma_start3A_644 = tpu.memref_slice %arg6[%add3A_67, %dma_start3A_643] : memref<10240x128xf32, #tpu.memory_space<vmem_shared>> -> memref<128x128xf32, #tpu.memory_space<vmem_shared>>
      tpu.enqueue_dma source(%arg10 : memref<128x128xf32, #tpu.memory_space<vmem>>) target(%dma_start3A_644 : memref<128x128xf32, #tpu.memory_space<vmem_shared>>) target_semaphore(%run_scoped3A_640 : memref<!tpu.dma_semaphore, #tpu.memory_space<semaphore_mem>>)
      %dma_wait3A_645 = arith.constant 0 : i32
      %dma_wait3A_646 = tpu.memref_slice %arg6[%add3A_67, %dma_wait3A_645] : memref<10240x128xf32, #tpu.memory_space<vmem_shared>> -> memref<128x128xf32, #tpu.memory_space<vmem_shared>>
      %dma_wait3A_647 = arith.constant 0 : i32
      %dma_wait3A_648 = tpu.memref_slice %arg6[%add3A_67, %dma_wait3A_647] : memref<10240x128xf32, #tpu.memory_space<vmem_shared>> -> memref<128x128xf32, #tpu.memory_space<vmem_shared>>
      tpu.wait_dma2 semaphore(%run_scoped3A_640 : memref<!tpu.dma_semaphore, #tpu.memory_space<semaphore_mem>>) src(%arg10 : memref<128x128xf32, #tpu.memory_space<vmem>>) dst(%dma_wait3A_648 : memref<128x128xf32, #tpu.memory_space<vmem_shared>>)
      tpu.yield
    }) : () -> ()
    %mul3A_68 = arith.constant 640 : i32
    %mul3A_69 = arith.muli %arg1, %mul3A_68 : i32
    %add3A_70 = arith.constant 256 : i32
    %add3A_71 = arith.addi %mul3A_69, %add3A_70 : i32
    "tpu.region"() ({
      %run_scoped3A_640 = tpu.sem_alloc : memref<!tpu.dma_semaphore, #tpu.memory_space<semaphore_mem>>
      %dma_start3A_641 = arith.constant 0 : i32
      %dma_start3A_642 = tpu.memref_slice %arg6[%add3A_71, %dma_start3A_641] : memref<10240x128xf32, #tpu.memory_space<vmem_shared>> -> memref<128x128xf32, #tpu.memory_space<vmem_shared>>
      %dma_start3A_643 = arith.constant 0 : i32
      %dma_start3A_644 = tpu.memref_slice %arg6[%add3A_71, %dma_start3A_643] : memref<10240x128xf32, #tpu.memory_space<vmem_shared>> -> memref<128x128xf32, #tpu.memory_space<vmem_shared>>
      tpu.enqueue_dma source(%arg10 : memref<128x128xf32, #tpu.memory_space<vmem>>) target(%dma_start3A_644 : memref<128x128xf32, #tpu.memory_space<vmem_shared>>) target_semaphore(%run_scoped3A_640 : memref<!tpu.dma_semaphore, #tpu.memory_space<semaphore_mem>>)
      %dma_wait3A_645 = arith.constant 0 : i32
      %dma_wait3A_646 = tpu.memref_slice %arg6[%add3A_71, %dma_wait3A_645] : memref<10240x128xf32, #tpu.memory_space<vmem_shared>> -> memref<128x128xf32, #tpu.memory_space<vmem_shared>>
      %dma_wait3A_647 = arith.constant 0 : i32
      %dma_wait3A_648 = tpu.memref_slice %arg6[%add3A_71, %dma_wait3A_647] : memref<10240x128xf32, #tpu.memory_space<vmem_shared>> -> memref<128x128xf32, #tpu.memory_space<vmem_shared>>
      tpu.wait_dma2 semaphore(%run_scoped3A_640 : memref<!tpu.dma_semaphore, #tpu.memory_space<semaphore_mem>>) src(%arg10 : memref<128x128xf32, #tpu.memory_space<vmem>>) dst(%dma_wait3A_648 : memref<128x128xf32, #tpu.memory_space<vmem_shared>>)
      tpu.yield
    }) : () -> ()
    %mul3A_72 = arith.constant 640 : i32
    %mul3A_73 = arith.muli %arg1, %mul3A_72 : i32
    %add3A_74 = arith.constant 384 : i32
    %add3A_75 = arith.addi %mul3A_73, %add3A_74 : i32
    "tpu.region"() ({
      %run_scoped3A_640 = tpu.sem_alloc : memref<!tpu.dma_semaphore, #tpu.memory_space<semaphore_mem>>
      %dma_start3A_641 = arith.constant 0 : i32
      %dma_start3A_642 = tpu.memref_slice %arg6[%add3A_75, %dma_start3A_641] : memref<10240x128xf32, #tpu.memory_space<vmem_shared>> -> memref<128x128xf32, #tpu.memory_space<vmem_shared>>
      %dma_start3A_643 = arith.constant 0 : i32
      %dma_start3A_644 = tpu.memref_slice %arg6[%add3A_75, %dma_start3A_643] : memref<10240x128xf32, #tpu.memory_space<vmem_shared>> -> memref<128x128xf32, #tpu.memory_space<vmem_shared>>
      tpu.enqueue_dma source(%arg10 : memref<128x128xf32, #tpu.memory_space<vmem>>) target(%dma_start3A_644 : memref<128x128xf32, #tpu.memory_space<vmem_shared>>) target_semaphore(%run_scoped3A_640 : memref<!tpu.dma_semaphore, #tpu.memory_space<semaphore_mem>>)
      %dma_wait3A_645 = arith.constant 0 : i32
      %dma_wait3A_646 = tpu.memref_slice %arg6[%add3A_75, %dma_wait3A_645] : memref<10240x128xf32, #tpu.memory_space<vmem_shared>> -> memref<128x128xf32, #tpu.memory_space<vmem_shared>>
      %dma_wait3A_647 = arith.constant 0 : i32
      %dma_wait3A_648 = tpu.memref_slice %arg6[%add3A_75, %dma_wait3A_647] : memref<10240x128xf32, #tpu.memory_space<vmem_shared>> -> memref<128x128xf32, #tpu.memory_space<vmem_shared>>
      tpu.wait_dma2 semaphore(%run_scoped3A_640 : memref<!tpu.dma_semaphore, #tpu.memory_space<semaphore_mem>>) src(%arg10 : memref<128x128xf32, #tpu.memory_space<vmem>>) dst(%dma_wait3A_648 : memref<128x128xf32, #tpu.memory_space<vmem_shared>>)
      tpu.yield
    }) : () -> ()
    %mul3A_76 = arith.constant 640 : i32
    %mul3A_77 = arith.muli %arg1, %mul3A_76 : i32
    %add3A_78 = arith.constant 512 : i32
    %add3A_79 = arith.addi %mul3A_77, %add3A_78 : i32
    "tpu.region"() ({
      %run_scoped3A_640 = tpu.sem_alloc : memref<!tpu.dma_semaphore, #tpu.memory_space<semaphore_mem>>
      %dma_start3A_641 = arith.constant 0 : i32
      %dma_start3A_642 = tpu.memref_slice %arg6[%add3A_79, %dma_start3A_641] : memref<10240x128xf32, #tpu.memory_space<vmem_shared>> -> memref<128x128xf32, #tpu.memory_space<vmem_shared>>
      %dma_start3A_643 = arith.constant 0 : i32
      %dma_start3A_644 = tpu.memref_slice %arg6[%add3A_79, %dma_start3A_643] : memref<10240x128xf32, #tpu.memory_space<vmem_shared>> -> memref<128x128xf32, #tpu.memory_space<vmem_shared>>
      tpu.enqueue_dma source(%arg10 : memref<128x128xf32, #tpu.memory_space<vmem>>) target(%dma_start3A_644 : memref<128x128xf32, #tpu.memory_space<vmem_shared>>) target_semaphore(%run_scoped3A_640 : memref<!tpu.dma_semaphore, #tpu.memory_space<semaphore_mem>>)
      %dma_wait3A_645 = arith.constant 0 : i32
      %dma_wait3A_646 = tpu.memref_slice %arg6[%add3A_79, %dma_wait3A_645] : memref<10240x128xf32, #tpu.memory_space<vmem_shared>> -> memref<128x128xf32, #tpu.memory_space<vmem_shared>>
      %dma_wait3A_647 = arith.constant 0 : i32
      %dma_wait3A_648 = tpu.memref_slice %arg6[%add3A_79, %dma_wait3A_647] : memref<10240x128xf32, #tpu.memory_space<vmem_shared>> -> memref<128x128xf32, #tpu.memory_space<vmem_shared>>
      tpu.wait_dma2 semaphore(%run_scoped3A_640 : memref<!tpu.dma_semaphore, #tpu.memory_space<semaphore_mem>>) src(%arg10 : memref<128x128xf32, #tpu.memory_space<vmem>>) dst(%dma_wait3A_648 : memref<128x128xf32, #tpu.memory_space<vmem_shared>>)
      tpu.yield
    }) : () -> ()
    %barrier3A = arith.constant 0 : index
    tpu.barrier barrier_id(%barrier3A)
    %dma_start3A_80 = arith.constant 0 : i32
    %dma_start3A_81 = arith.constant 1 : i32
    "tpu.trace_stop"() : () -> ()
    "tpu.trace_start"() <{level = 10 : i32, message = "edges"}> : () -> ()
    %dma_start3A_82 = arith.constant 0 : i32
    %dma_start3A_83 = tpu.memref_slice %arg7[%dma_start3A_80, %dma_start3A_81, %dma_start3A_82] : memref<2x8x128xi32, #tpu.memory_space<vmem>> -> memref<1x1x128xi32, #tpu.memory_space<vmem>>
    %dma_start3A_84 = tpu.memref_squeeze %dma_start3A_83 : memref<1x1x128xi32, #tpu.memory_space<vmem>> -> memref<128xi32, #tpu.memory_space<vmem>>
    %dma_start3A_85 = arith.constant 0 : i32
    %dma_start3A_86 = arith.constant 0 : i32
    %dma_start3A_87 = tpu.memref_slice %arg2[%dma_start3A_85, %dma_start3A_86] : memref<10000x128xf32, #tpu.memory_space<hbm>> -> memref<10000x128xf32, #tpu.memory_space<hbm>>
    tpu.enqueue_indirect_dma source(%dma_start3A_87 : memref<10000x128xf32, #tpu.memory_space<hbm>>) target(%arg10 : memref<128x128xf32, #tpu.memory_space<vmem>>) offsets(%dma_start3A_84 : memref<128xi32, #tpu.memory_space<vmem>>) semaphore(%arg12 : memref<!tpu.dma_semaphore, #tpu.memory_space<semaphore_mem>>)
    %dma_wait3A = arith.constant 0 : i32
    %dma_wait3A_88 = arith.constant 0 : i32
    %dma_wait3A_89 = arith.constant 0 : i32
    %dma_wait3A_90 = tpu.memref_slice %arg7[%dma_wait3A, %dma_wait3A_88, %dma_wait3A_89] : memref<2x8x128xi32, #tpu.memory_space<vmem>> -> memref<1x1x128xi32, #tpu.memory_space<vmem>>
    %dma_wait3A_91 = tpu.memref_squeeze %dma_wait3A_90 : memref<1x1x128xi32, #tpu.memory_space<vmem>> -> memref<128xi32, #tpu.memory_space<vmem>>
    %dma_wait3A_92 = arith.constant 0 : i32
    %dma_wait3A_93 = arith.constant 0 : i32
    %dma_wait3A_94 = tpu.memref_slice %arg2[%dma_wait3A_92, %dma_wait3A_93] : memref<10000x128xf32, #tpu.memory_space<hbm>> -> memref<10000x128xf32, #tpu.memory_space<hbm>>
    tpu.wait_indirect_dma semaphore(%arg11 : memref<!tpu.dma_semaphore, #tpu.memory_space<semaphore_mem>>) src(%dma_wait3A_94 : memref<10000x128xf32, #tpu.memory_space<hbm>>) dst(%arg9 : memref<128x128xf32, #tpu.memory_space<vmem>>)
    %dma_start3A_95 = arith.constant 0 : i32
    %dma_start3A_96 = arith.constant 0 : i32
    %dma_start3A_97 = arith.constant 0 : i32
    %dma_start3A_98 = tpu.memref_slice %arg8[%dma_start3A_95, %dma_start3A_96, %dma_start3A_97] : memref<2x8x128xi32, #tpu.memory_space<vmem>> -> memref<1x1x128xi32, #tpu.memory_space<vmem>>
    %dma_start3A_99 = tpu.memref_squeeze %dma_start3A_98 : memref<1x1x128xi32, #tpu.memory_space<vmem>> -> memref<128xi32, #tpu.memory_space<vmem>>
    %dma_start3A_100 = arith.constant 0 : i32
    %dma_start3A_101 = arith.constant 0 : i32
    %dma_start3A_102 = tpu.memref_slice %arg6[%dma_start3A_100, %dma_start3A_101] : memref<10240x128xf32, #tpu.memory_space<vmem_shared>> -> memref<10240x128xf32, #tpu.memory_space<vmem_shared>>
    tpu.enqueue_indirect_dma source(%arg9 : memref<128x128xf32, #tpu.memory_space<vmem>>) target(%dma_start3A_102 : memref<10240x128xf32, #tpu.memory_space<vmem_shared>>) offsets(%dma_start3A_99 : memref<128xi32, #tpu.memory_space<vmem>>) semaphore(%arg13 : memref<!tpu.dma_semaphore, #tpu.memory_space<semaphore_mem>>) {add = true}
    %dma_wait3A_103 = arith.constant 0 : i32
    %dma_wait3A_104 = arith.constant 0 : i32
    %dma_wait3A_105 = arith.constant 0 : i32
    %dma_wait3A_106 = tpu.memref_slice %arg8[%dma_wait3A_103, %dma_wait3A_104, %dma_wait3A_105] : memref<2x8x128xi32, #tpu.memory_space<vmem>> -> memref<1x1x128xi32, #tpu.memory_space<vmem>>
    %dma_wait3A_107 = tpu.memref_squeeze %dma_wait3A_106 : memref<1x1x128xi32, #tpu.memory_space<vmem>> -> memref<128xi32, #tpu.memory_space<vmem>>
    %dma_wait3A_108 = arith.constant 0 : i32
    %dma_wait3A_109 = arith.constant 0 : i32
    %dma_wait3A_110 = tpu.memref_slice %arg6[%dma_wait3A_108, %dma_wait3A_109] : memref<10240x128xf32, #tpu.memory_space<vmem_shared>> -> memref<10240x128xf32, #tpu.memory_space<vmem_shared>>
    tpu.wait_indirect_dma semaphore(%arg13 : memref<!tpu.dma_semaphore, #tpu.memory_space<semaphore_mem>>) src(%arg9 : memref<128x128xf32, #tpu.memory_space<vmem>>) dst(%dma_wait3A_110 : memref<10240x128xf32, #tpu.memory_space<vmem_shared>>)
    %dma_start3A_111 = arith.constant 0 : i32
    %dma_start3A_112 = arith.constant 2 : i32
    %dma_start3A_113 = arith.constant 0 : i32
    %dma_start3A_114 = tpu.memref_slice %arg7[%dma_start3A_111, %dma_start3A_112, %dma_start3A_113] : memref<2x8x128xi32, #tpu.memory_space<vmem>> -> memref<1x1x128xi32, #tpu.memory_space<vmem>>
    %dma_start3A_115 = tpu.memref_squeeze %dma_start3A_114 : memref<1x1x128xi32, #tpu.memory_space<vmem>> -> memref<128xi32, #tpu.memory_space<vmem>>
    %dma_start3A_116 = arith.constant 0 : i32
    %dma_start3A_117 = arith.constant 0 : i32
    %dma_start3A_118 = tpu.memref_slice %arg2[%dma_start3A_116, %dma_start3A_117] : memref<10000x128xf32, #tpu.memory_space<hbm>> -> memref<10000x128xf32, #tpu.memory_space<hbm>>
    tpu.enqueue_indirect_dma source(%dma_start3A_118 : memref<10000x128xf32, #tpu.memory_space<hbm>>) target(%arg9 : memref<128x128xf32, #tpu.memory_space<vmem>>) offsets(%dma_start3A_115 : memref<128xi32, #tpu.memory_space<vmem>>) semaphore(%arg11 : memref<!tpu.dma_semaphore, #tpu.memory_space<semaphore_mem>>)
    %dma_wait3A_119 = arith.constant 0 : i32
    %dma_wait3A_120 = arith.constant 0 : i32
    %dma_wait3A_121 = arith.constant 0 : i32
    %dma_wait3A_122 = tpu.memref_slice %arg7[%dma_wait3A_119, %dma_wait3A_120, %dma_wait3A_121] : memref<2x8x128xi32, #tpu.memory_space<vmem>> -> memref<1x1x128xi32, #tpu.memory_space<vmem>>
    %dma_wait3A_123 = tpu.memref_squeeze %dma_wait3A_122 : memref<1x1x128xi32, #tpu.memory_space<vmem>> -> memref<128xi32, #tpu.memory_space<vmem>>
    %dma_wait3A_124 = arith.constant 0 : i32
    %dma_wait3A_125 = arith.constant 0 : i32
    %dma_wait3A_126 = tpu.memref_slice %arg2[%dma_wait3A_124, %dma_wait3A_125] : memref<10000x128xf32, #tpu.memory_space<hbm>> -> memref<10000x128xf32, #tpu.memory_space<hbm>>
    tpu.wait_indirect_dma semaphore(%arg12 : memref<!tpu.dma_semaphore, #tpu.memory_space<semaphore_mem>>) src(%dma_wait3A_126 : memref<10000x128xf32, #tpu.memory_space<hbm>>) dst(%arg10 : memref<128x128xf32, #tpu.memory_space<vmem>>)
    %dma_start3A_127 = arith.constant 0 : i32
    %dma_start3A_128 = arith.constant 1 : i32
    %dma_start3A_129 = arith.constant 0 : i32
    %dma_start3A_130 = tpu.memref_slice %arg8[%dma_start3A_127, %dma_start3A_128, %dma_start3A_129] : memref<2x8x128xi32, #tpu.memory_space<vmem>> -> memref<1x1x128xi32, #tpu.memory_space<vmem>>
    %dma_start3A_131 = tpu.memref_squeeze %dma_start3A_130 : memref<1x1x128xi32, #tpu.memory_space<vmem>> -> memref<128xi32, #tpu.memory_space<vmem>>
    %dma_start3A_132 = arith.constant 0 : i32
    %dma_start3A_133 = arith.constant 0 : i32
    %dma_start3A_134 = tpu.memref_slice %arg6[%dma_start3A_132, %dma_start3A_133] : memref<10240x128xf32, #tpu.memory_space<vmem_shared>> -> memref<10240x128xf32, #tpu.memory_space<vmem_shared>>
    tpu.enqueue_indirect_dma source(%arg10 : memref<128x128xf32, #tpu.memory_space<vmem>>) target(%dma_start3A_134 : memref<10240x128xf32, #tpu.memory_space<vmem_shared>>) offsets(%dma_start3A_131 : memref<128xi32, #tpu.memory_space<vmem>>) semaphore(%arg14 : memref<!tpu.dma_semaphore, #tpu.memory_space<semaphore_mem>>) {add = true}
    %dma_wait3A_135 = arith.constant 0 : i32
    %dma_wait3A_136 = arith.constant 0 : i32
    %dma_wait3A_137 = arith.constant 0 : i32
    %dma_wait3A_138 = tpu.memref_slice %arg8[%dma_wait3A_135, %dma_wait3A_136, %dma_wait3A_137] : memref<2x8x128xi32, #tpu.memory_space<vmem>> -> memref<1x1x128xi32, #tpu.memory_space<vmem>>
    %dma_wait3A_139 = tpu.memref_squeeze %dma_wait3A_138 : memref<1x1x128xi32, #tpu.memory_space<vmem>> -> memref<128xi32, #tpu.memory_space<vmem>>
    %dma_wait3A_140 = arith.constant 0 : i32
    %dma_wait3A_141 = arith.constant 0 : i32
    %dma_wait3A_142 = tpu.memref_slice %arg6[%dma_wait3A_140, %dma_wait3A_141] : memref<10240x128xf32, #tpu.memory_space<vmem_shared>> -> memref<10240x128xf32, #tpu.memory_space<vmem_shared>>
    tpu.wait_indirect_dma semaphore(%arg14 : memref<!tpu.dma_semaphore, #tpu.memory_space<semaphore_mem>>) src(%arg10 : memref<128x128xf32, #tpu.memory_space<vmem>>) dst(%dma_wait3A_142 : memref<10240x128xf32, #tpu.memory_space<vmem_shared>>)
    %dma_start3A_143 = arith.constant 0 : i32
    %dma_start3A_144 = arith.constant 3 : i32
    %dma_start3A_145 = arith.constant 0 : i32
    %dma_start3A_146 = tpu.memref_slice %arg7[%dma_start3A_143, %dma_start3A_144, %dma_start3A_145] : memref<2x8x128xi32, #tpu.memory_space<vmem>> -> memref<1x1x128xi32, #tpu.memory_space<vmem>>
    %dma_start3A_147 = tpu.memref_squeeze %dma_start3A_146 : memref<1x1x128xi32, #tpu.memory_space<vmem>> -> memref<128xi32, #tpu.memory_space<vmem>>
    %dma_start3A_148 = arith.constant 0 : i32
    %dma_start3A_149 = arith.constant 0 : i32
    %dma_start3A_150 = tpu.memref_slice %arg2[%dma_start3A_148, %dma_start3A_149] : memref<10000x128xf32, #tpu.memory_space<hbm>> -> memref<10000x128xf32, #tpu.memory_space<hbm>>
    tpu.enqueue_indirect_dma source(%dma_start3A_150 : memref<10000x128xf32, #tpu.memory_space<hbm>>) target(%arg10 : memref<128x128xf32, #tpu.memory_space<vmem>>) offsets(%dma_start3A_147 : memref<128xi32, #tpu.memory_space<vmem>>) semaphore(%arg12 : memref<!tpu.dma_semaphore, #tpu.memory_space<semaphore_mem>>)
    %dma_wait3A_151 = arith.constant 0 : i32
    %dma_wait3A_152 = arith.constant 0 : i32
    %dma_wait3A_153 = arith.constant 0 : i32
    %dma_wait3A_154 = tpu.memref_slice %arg7[%dma_wait3A_151, %dma_wait3A_152, %dma_wait3A_153] : memref<2x8x128xi32, #tpu.memory_space<vmem>> -> memref<1x1x128xi32, #tpu.memory_space<vmem>>
    %dma_wait3A_155 = tpu.memref_squeeze %dma_wait3A_154 : memref<1x1x128xi32, #tpu.memory_space<vmem>> -> memref<128xi32, #tpu.memory_space<vmem>>
    %dma_wait3A_156 = arith.constant 0 : i32
    %dma_wait3A_157 = arith.constant 0 : i32
    %dma_wait3A_158 = tpu.memref_slice %arg2[%dma_wait3A_156, %dma_wait3A_157] : memref<10000x128xf32, #tpu.memory_space<hbm>> -> memref<10000x128xf32, #tpu.memory_space<hbm>>
    tpu.wait_indirect_dma semaphore(%arg11 : memref<!tpu.dma_semaphore, #tpu.memory_space<semaphore_mem>>) src(%dma_wait3A_158 : memref<10000x128xf32, #tpu.memory_space<hbm>>) dst(%arg9 : memref<128x128xf32, #tpu.memory_space<vmem>>)
    %dma_start3A_159 = arith.constant 0 : i32
    %dma_start3A_160 = arith.constant 2 : i32
    %dma_start3A_161 = arith.constant 0 : i32
    %dma_start3A_162 = tpu.memref_slice %arg8[%dma_start3A_159, %dma_start3A_160, %dma_start3A_161] : memref<2x8x128xi32, #tpu.memory_space<vmem>> -> memref<1x1x128xi32, #tpu.memory_space<vmem>>
    %dma_start3A_163 = tpu.memref_squeeze %dma_start3A_162 : memref<1x1x128xi32, #tpu.memory_space<vmem>> -> memref<128xi32, #tpu.memory_space<vmem>>
    %dma_start3A_164 = arith.constant 0 : i32
    %dma_start3A_165 = arith.constant 0 : i32
    %dma_start3A_166 = tpu.memref_slice %arg6[%dma_start3A_164, %dma_start3A_165] : memref<10240x128xf32, #tpu.memory_space<vmem_shared>> -> memref<10240x128xf32, #tpu.memory_space<vmem_shared>>
    tpu.enqueue_indirect_dma source(%arg9 : memref<128x128xf32, #tpu.memory_space<vmem>>) target(%dma_start3A_166 : memref<10240x128xf32, #tpu.memory_space<vmem_shared>>) offsets(%dma_start3A_163 : memref<128xi32, #tpu.memory_space<vmem>>) semaphore(%arg13 : memref<!tpu.dma_semaphore, #tpu.memory_space<semaphore_mem>>) {add = true}
    %dma_wait3A_167 = arith.constant 0 : i32
    %dma_wait3A_168 = arith.constant 0 : i32
    %dma_wait3A_169 = arith.constant 0 : i32
    %dma_wait3A_170 = tpu.memref_slice %arg8[%dma_wait3A_167, %dma_wait3A_168, %dma_wait3A_169] : memref<2x8x128xi32, #tpu.memory_space<vmem>> -> memref<1x1x128xi32, #tpu.memory_space<vmem>>
    %dma_wait3A_171 = tpu.memref_squeeze %dma_wait3A_170 : memref<1x1x128xi32, #tpu.memory_space<vmem>> -> memref<128xi32, #tpu.memory_space<vmem>>
    %dma_wait3A_172 = arith.constant 0 : i32
    %dma_wait3A_173 = arith.constant 0 : i32
    %dma_wait3A_174 = tpu.memref_slice %arg6[%dma_wait3A_172, %dma_wait3A_173] : memref<10240x128xf32, #tpu.memory_space<vmem_shared>> -> memref<10240x128xf32, #tpu.memory_space<vmem_shared>>
    tpu.wait_indirect_dma semaphore(%arg13 : memref<!tpu.dma_semaphore, #tpu.memory_space<semaphore_mem>>) src(%arg9 : memref<128x128xf32, #tpu.memory_space<vmem>>) dst(%dma_wait3A_174 : memref<10240x128xf32, #tpu.memory_space<vmem_shared>>)
    %dma_start3A_175 = arith.constant 0 : i32
    %dma_start3A_176 = arith.constant 4 : i32
    %dma_start3A_177 = arith.constant 0 : i32
    %dma_start3A_178 = tpu.memref_slice %arg7[%dma_start3A_175, %dma_start3A_176, %dma_start3A_177] : memref<2x8x128xi32, #tpu.memory_space<vmem>> -> memref<1x1x128xi32, #tpu.memory_space<vmem>>
    %dma_start3A_179 = tpu.memref_squeeze %dma_start3A_178 : memref<1x1x128xi32, #tpu.memory_space<vmem>> -> memref<128xi32, #tpu.memory_space<vmem>>
    %dma_start3A_180 = arith.constant 0 : i32
    %dma_start3A_181 = arith.constant 0 : i32
    %dma_start3A_182 = tpu.memref_slice %arg2[%dma_start3A_180, %dma_start3A_181] : memref<10000x128xf32, #tpu.memory_space<hbm>> -> memref<10000x128xf32, #tpu.memory_space<hbm>>
    tpu.enqueue_indirect_dma source(%dma_start3A_182 : memref<10000x128xf32, #tpu.memory_space<hbm>>) target(%arg9 : memref<128x128xf32, #tpu.memory_space<vmem>>) offsets(%dma_start3A_179 : memref<128xi32, #tpu.memory_space<vmem>>) semaphore(%arg11 : memref<!tpu.dma_semaphore, #tpu.memory_space<semaphore_mem>>)
    %dma_wait3A_183 = arith.constant 0 : i32
    %dma_wait3A_184 = arith.constant 0 : i32
    %dma_wait3A_185 = arith.constant 0 : i32
    %dma_wait3A_186 = tpu.memref_slice %arg7[%dma_wait3A_183, %dma_wait3A_184, %dma_wait3A_185] : memref<2x8x128xi32, #tpu.memory_space<vmem>> -> memref<1x1x128xi32, #tpu.memory_space<vmem>>
    %dma_wait3A_187 = tpu.memref_squeeze %dma_wait3A_186 : memref<1x1x128xi32, #tpu.memory_space<vmem>> -> memref<128xi32, #tpu.memory_space<vmem>>
    %dma_wait3A_188 = arith.constant 0 : i32
    %dma_wait3A_189 = arith.constant 0 : i32
    %dma_wait3A_190 = tpu.memref_slice %arg2[%dma_wait3A_188, %dma_wait3A_189] : memref<10000x128xf32, #tpu.memory_space<hbm>> -> memref<10000x128xf32, #tpu.memory_space<hbm>>
    tpu.wait_indirect_dma semaphore(%arg12 : memref<!tpu.dma_semaphore, #tpu.memory_space<semaphore_mem>>) src(%dma_wait3A_190 : memref<10000x128xf32, #tpu.memory_space<hbm>>) dst(%arg10 : memref<128x128xf32, #tpu.memory_space<vmem>>)
    %dma_start3A_191 = arith.constant 0 : i32
    %dma_start3A_192 = arith.constant 3 : i32
    %dma_start3A_193 = arith.constant 0 : i32
    %dma_start3A_194 = tpu.memref_slice %arg8[%dma_start3A_191, %dma_start3A_192, %dma_start3A_193] : memref<2x8x128xi32, #tpu.memory_space<vmem>> -> memref<1x1x128xi32, #tpu.memory_space<vmem>>
    %dma_start3A_195 = tpu.memref_squeeze %dma_start3A_194 : memref<1x1x128xi32, #tpu.memory_space<vmem>> -> memref<128xi32, #tpu.memory_space<vmem>>
    %dma_start3A_196 = arith.constant 0 : i32
    %dma_start3A_197 = arith.constant 0 : i32
    %dma_start3A_198 = tpu.memref_slice %arg6[%dma_start3A_196, %dma_start3A_197] : memref<10240x128xf32, #tpu.memory_space<vmem_shared>> -> memref<10240x128xf32, #tpu.memory_space<vmem_shared>>
    tpu.enqueue_indirect_dma source(%arg10 : memref<128x128xf32, #tpu.memory_space<vmem>>) target(%dma_start3A_198 : memref<10240x128xf32, #tpu.memory_space<vmem_shared>>) offsets(%dma_start3A_195 : memref<128xi32, #tpu.memory_space<vmem>>) semaphore(%arg14 : memref<!tpu.dma_semaphore, #tpu.memory_space<semaphore_mem>>) {add = true}
    %dma_wait3A_199 = arith.constant 0 : i32
    %dma_wait3A_200 = arith.constant 0 : i32
    %dma_wait3A_201 = arith.constant 0 : i32
    %dma_wait3A_202 = tpu.memref_slice %arg8[%dma_wait3A_199, %dma_wait3A_200, %dma_wait3A_201] : memref<2x8x128xi32, #tpu.memory_space<vmem>> -> memref<1x1x128xi32, #tpu.memory_space<vmem>>
    %dma_wait3A_203 = tpu.memref_squeeze %dma_wait3A_202 : memref<1x1x128xi32, #tpu.memory_space<vmem>> -> memref<128xi32, #tpu.memory_space<vmem>>
    %dma_wait3A_204 = arith.constant 0 : i32
    %dma_wait3A_205 = arith.constant 0 : i32
    %dma_wait3A_206 = tpu.memref_slice %arg6[%dma_wait3A_204, %dma_wait3A_205] : memref<10240x128xf32, #tpu.memory_space<vmem_shared>> -> memref<10240x128xf32, #tpu.memory_space<vmem_shared>>
    tpu.wait_indirect_dma semaphore(%arg14 : memref<!tpu.dma_semaphore, #tpu.memory_space<semaphore_mem>>) src(%arg10 : memref<128x128xf32, #tpu.memory_space<vmem>>) dst(%dma_wait3A_206 : memref<10240x128xf32, #tpu.memory_space<vmem_shared>>)
    %dma_start3A_207 = arith.constant 0 : i32
    %dma_start3A_208 = arith.constant 5 : i32
    %dma_start3A_209 = arith.constant 0 : i32
    %dma_start3A_210 = tpu.memref_slice %arg7[%dma_start3A_207, %dma_start3A_208, %dma_start3A_209] : memref<2x8x128xi32, #tpu.memory_space<vmem>> -> memref<1x1x128xi32, #tpu.memory_space<vmem>>
    %dma_start3A_211 = tpu.memref_squeeze %dma_start3A_210 : memref<1x1x128xi32, #tpu.memory_space<vmem>> -> memref<128xi32, #tpu.memory_space<vmem>>
    %dma_start3A_212 = arith.constant 0 : i32
    %dma_start3A_213 = arith.constant 0 : i32
    %dma_start3A_214 = tpu.memref_slice %arg2[%dma_start3A_212, %dma_start3A_213] : memref<10000x128xf32, #tpu.memory_space<hbm>> -> memref<10000x128xf32, #tpu.memory_space<hbm>>
    tpu.enqueue_indirect_dma source(%dma_start3A_214 : memref<10000x128xf32, #tpu.memory_space<hbm>>) target(%arg10 : memref<128x128xf32, #tpu.memory_space<vmem>>) offsets(%dma_start3A_211 : memref<128xi32, #tpu.memory_space<vmem>>) semaphore(%arg12 : memref<!tpu.dma_semaphore, #tpu.memory_space<semaphore_mem>>)
    %dma_wait3A_215 = arith.constant 0 : i32
    %dma_wait3A_216 = arith.constant 0 : i32
    %dma_wait3A_217 = arith.constant 0 : i32
    %dma_wait3A_218 = tpu.memref_slice %arg7[%dma_wait3A_215, %dma_wait3A_216, %dma_wait3A_217] : memref<2x8x128xi32, #tpu.memory_space<vmem>> -> memref<1x1x128xi32, #tpu.memory_space<vmem>>
    %dma_wait3A_219 = tpu.memref_squeeze %dma_wait3A_218 : memref<1x1x128xi32, #tpu.memory_space<vmem>> -> memref<128xi32, #tpu.memory_space<vmem>>
    %dma_wait3A_220 = arith.constant 0 : i32
    %dma_wait3A_221 = arith.constant 0 : i32
    %dma_wait3A_222 = tpu.memref_slice %arg2[%dma_wait3A_220, %dma_wait3A_221] : memref<10000x128xf32, #tpu.memory_space<hbm>> -> memref<10000x128xf32, #tpu.memory_space<hbm>>
    tpu.wait_indirect_dma semaphore(%arg11 : memref<!tpu.dma_semaphore, #tpu.memory_space<semaphore_mem>>) src(%dma_wait3A_222 : memref<10000x128xf32, #tpu.memory_space<hbm>>) dst(%arg9 : memref<128x128xf32, #tpu.memory_space<vmem>>)
    %dma_start3A_223 = arith.constant 0 : i32
    %dma_start3A_224 = arith.constant 4 : i32
    %dma_start3A_225 = arith.constant 0 : i32
    %dma_start3A_226 = tpu.memref_slice %arg8[%dma_start3A_223, %dma_start3A_224, %dma_start3A_225] : memref<2x8x128xi32, #tpu.memory_space<vmem>> -> memref<1x1x128xi32, #tpu.memory_space<vmem>>
    %dma_start3A_227 = tpu.memref_squeeze %dma_start3A_226 : memref<1x1x128xi32, #tpu.memory_space<vmem>> -> memref<128xi32, #tpu.memory_space<vmem>>
    %dma_start3A_228 = arith.constant 0 : i32
    %dma_start3A_229 = arith.constant 0 : i32
    %dma_start3A_230 = tpu.memref_slice %arg6[%dma_start3A_228, %dma_start3A_229] : memref<10240x128xf32, #tpu.memory_space<vmem_shared>> -> memref<10240x128xf32, #tpu.memory_space<vmem_shared>>
    tpu.enqueue_indirect_dma source(%arg9 : memref<128x128xf32, #tpu.memory_space<vmem>>) target(%dma_start3A_230 : memref<10240x128xf32, #tpu.memory_space<vmem_shared>>) offsets(%dma_start3A_227 : memref<128xi32, #tpu.memory_space<vmem>>) semaphore(%arg13 : memref<!tpu.dma_semaphore, #tpu.memory_space<semaphore_mem>>) {add = true}
    %dma_wait3A_231 = arith.constant 0 : i32
    %dma_wait3A_232 = arith.constant 0 : i32
    %dma_wait3A_233 = arith.constant 0 : i32
    %dma_wait3A_234 = tpu.memref_slice %arg8[%dma_wait3A_231, %dma_wait3A_232, %dma_wait3A_233] : memref<2x8x128xi32, #tpu.memory_space<vmem>> -> memref<1x1x128xi32, #tpu.memory_space<vmem>>
    %dma_wait3A_235 = tpu.memref_squeeze %dma_wait3A_234 : memref<1x1x128xi32, #tpu.memory_space<vmem>> -> memref<128xi32, #tpu.memory_space<vmem>>
    %dma_wait3A_236 = arith.constant 0 : i32
    %dma_wait3A_237 = arith.constant 0 : i32
    %dma_wait3A_238 = tpu.memref_slice %arg6[%dma_wait3A_236, %dma_wait3A_237] : memref<10240x128xf32, #tpu.memory_space<vmem_shared>> -> memref<10240x128xf32, #tpu.memory_space<vmem_shared>>
    tpu.wait_indirect_dma semaphore(%arg13 : memref<!tpu.dma_semaphore, #tpu.memory_space<semaphore_mem>>) src(%arg9 : memref<128x128xf32, #tpu.memory_space<vmem>>) dst(%dma_wait3A_238 : memref<10240x128xf32, #tpu.memory_space<vmem_shared>>)
    %dma_start3A_239 = arith.constant 0 : i32
    %dma_start3A_240 = arith.constant 6 : i32
    %dma_start3A_241 = arith.constant 0 : i32
    %dma_start3A_242 = tpu.memref_slice %arg7[%dma_start3A_239, %dma_start3A_240, %dma_start3A_241] : memref<2x8x128xi32, #tpu.memory_space<vmem>> -> memref<1x1x128xi32, #tpu.memory_space<vmem>>
    %dma_start3A_243 = tpu.memref_squeeze %dma_start3A_242 : memref<1x1x128xi32, #tpu.memory_space<vmem>> -> memref<128xi32, #tpu.memory_space<vmem>>
    %dma_start3A_244 = arith.constant 0 : i32
    %dma_start3A_245 = arith.constant 0 : i32
    %dma_start3A_246 = tpu.memref_slice %arg2[%dma_start3A_244, %dma_start3A_245] : memref<10000x128xf32, #tpu.memory_space<hbm>> -> memref<10000x128xf32, #tpu.memory_space<hbm>>
    tpu.enqueue_indirect_dma source(%dma_start3A_246 : memref<10000x128xf32, #tpu.memory_space<hbm>>) target(%arg9 : memref<128x128xf32, #tpu.memory_space<vmem>>) offsets(%dma_start3A_243 : memref<128xi32, #tpu.memory_space<vmem>>) semaphore(%arg11 : memref<!tpu.dma_semaphore, #tpu.memory_space<semaphore_mem>>)
    %dma_wait3A_247 = arith.constant 0 : i32
    %dma_wait3A_248 = arith.constant 0 : i32
    %dma_wait3A_249 = arith.constant 0 : i32
    %dma_wait3A_250 = tpu.memref_slice %arg7[%dma_wait3A_247, %dma_wait3A_248, %dma_wait3A_249] : memref<2x8x128xi32, #tpu.memory_space<vmem>> -> memref<1x1x128xi32, #tpu.memory_space<vmem>>
    %dma_wait3A_251 = tpu.memref_squeeze %dma_wait3A_250 : memref<1x1x128xi32, #tpu.memory_space<vmem>> -> memref<128xi32, #tpu.memory_space<vmem>>
    %dma_wait3A_252 = arith.constant 0 : i32
    %dma_wait3A_253 = arith.constant 0 : i32
    %dma_wait3A_254 = tpu.memref_slice %arg2[%dma_wait3A_252, %dma_wait3A_253] : memref<10000x128xf32, #tpu.memory_space<hbm>> -> memref<10000x128xf32, #tpu.memory_space<hbm>>
    tpu.wait_indirect_dma semaphore(%arg12 : memref<!tpu.dma_semaphore, #tpu.memory_space<semaphore_mem>>) src(%dma_wait3A_254 : memref<10000x128xf32, #tpu.memory_space<hbm>>) dst(%arg10 : memref<128x128xf32, #tpu.memory_space<vmem>>)
    %dma_start3A_255 = arith.constant 0 : i32
    %dma_start3A_256 = arith.constant 5 : i32
    %dma_start3A_257 = arith.constant 0 : i32
    %dma_start3A_258 = tpu.memref_slice %arg8[%dma_start3A_255, %dma_start3A_256, %dma_start3A_257] : memref<2x8x128xi32, #tpu.memory_space<vmem>> -> memref<1x1x128xi32, #tpu.memory_space<vmem>>
    %dma_start3A_259 = tpu.memref_squeeze %dma_start3A_258 : memref<1x1x128xi32, #tpu.memory_space<vmem>> -> memref<128xi32, #tpu.memory_space<vmem>>
    %dma_start3A_260 = arith.constant 0 : i32
    %dma_start3A_261 = arith.constant 0 : i32
    %dma_start3A_262 = tpu.memref_slice %arg6[%dma_start3A_260, %dma_start3A_261] : memref<10240x128xf32, #tpu.memory_space<vmem_shared>> -> memref<10240x128xf32, #tpu.memory_space<vmem_shared>>
    tpu.enqueue_indirect_dma source(%arg10 : memref<128x128xf32, #tpu.memory_space<vmem>>) target(%dma_start3A_262 : memref<10240x128xf32, #tpu.memory_space<vmem_shared>>) offsets(%dma_start3A_259 : memref<128xi32, #tpu.memory_space<vmem>>) semaphore(%arg14 : memref<!tpu.dma_semaphore, #tpu.memory_space<semaphore_mem>>) {add = true}
    %dma_wait3A_263 = arith.constant 0 : i32
    %dma_wait3A_264 = arith.constant 0 : i32
    %dma_wait3A_265 = arith.constant 0 : i32
    %dma_wait3A_266 = tpu.memref_slice %arg8[%dma_wait3A_263, %dma_wait3A_264, %dma_wait3A_265] : memref<2x8x128xi32, #tpu.memory_space<vmem>> -> memref<1x1x128xi32, #tpu.memory_space<vmem>>
    %dma_wait3A_267 = tpu.memref_squeeze %dma_wait3A_266 : memref<1x1x128xi32, #tpu.memory_space<vmem>> -> memref<128xi32, #tpu.memory_space<vmem>>
    %dma_wait3A_268 = arith.constant 0 : i32
    %dma_wait3A_269 = arith.constant 0 : i32
    %dma_wait3A_270 = tpu.memref_slice %arg6[%dma_wait3A_268, %dma_wait3A_269] : memref<10240x128xf32, #tpu.memory_space<vmem_shared>> -> memref<10240x128xf32, #tpu.memory_space<vmem_shared>>
    tpu.wait_indirect_dma semaphore(%arg14 : memref<!tpu.dma_semaphore, #tpu.memory_space<semaphore_mem>>) src(%arg10 : memref<128x128xf32, #tpu.memory_space<vmem>>) dst(%dma_wait3A_270 : memref<10240x128xf32, #tpu.memory_space<vmem_shared>>)
    %dma_start3A_271 = arith.constant 0 : i32
    %dma_start3A_272 = arith.constant 7 : i32
    %dma_start3A_273 = arith.constant 0 : i32
    %dma_start3A_274 = tpu.memref_slice %arg7[%dma_start3A_271, %dma_start3A_272, %dma_start3A_273] : memref<2x8x128xi32, #tpu.memory_space<vmem>> -> memref<1x1x128xi32, #tpu.memory_space<vmem>>
    %dma_start3A_275 = tpu.memref_squeeze %dma_start3A_274 : memref<1x1x128xi32, #tpu.memory_space<vmem>> -> memref<128xi32, #tpu.memory_space<vmem>>
    %dma_start3A_276 = arith.constant 0 : i32
    %dma_start3A_277 = arith.constant 0 : i32
    %dma_start3A_278 = tpu.memref_slice %arg2[%dma_start3A_276, %dma_start3A_277] : memref<10000x128xf32, #tpu.memory_space<hbm>> -> memref<10000x128xf32, #tpu.memory_space<hbm>>
    tpu.enqueue_indirect_dma source(%dma_start3A_278 : memref<10000x128xf32, #tpu.memory_space<hbm>>) target(%arg10 : memref<128x128xf32, #tpu.memory_space<vmem>>) offsets(%dma_start3A_275 : memref<128xi32, #tpu.memory_space<vmem>>) semaphore(%arg12 : memref<!tpu.dma_semaphore, #tpu.memory_space<semaphore_mem>>)
    %dma_wait3A_279 = arith.constant 0 : i32
    %dma_wait3A_280 = arith.constant 0 : i32
    %dma_wait3A_281 = arith.constant 0 : i32
    %dma_wait3A_282 = tpu.memref_slice %arg7[%dma_wait3A_279, %dma_wait3A_280, %dma_wait3A_281] : memref<2x8x128xi32, #tpu.memory_space<vmem>> -> memref<1x1x128xi32, #tpu.memory_space<vmem>>
    %dma_wait3A_283 = tpu.memref_squeeze %dma_wait3A_282 : memref<1x1x128xi32, #tpu.memory_space<vmem>> -> memref<128xi32, #tpu.memory_space<vmem>>
    %dma_wait3A_284 = arith.constant 0 : i32
    %dma_wait3A_285 = arith.constant 0 : i32
    %dma_wait3A_286 = tpu.memref_slice %arg2[%dma_wait3A_284, %dma_wait3A_285] : memref<10000x128xf32, #tpu.memory_space<hbm>> -> memref<10000x128xf32, #tpu.memory_space<hbm>>
    tpu.wait_indirect_dma semaphore(%arg11 : memref<!tpu.dma_semaphore, #tpu.memory_space<semaphore_mem>>) src(%dma_wait3A_286 : memref<10000x128xf32, #tpu.memory_space<hbm>>) dst(%arg9 : memref<128x128xf32, #tpu.memory_space<vmem>>)
    %dma_start3A_287 = arith.constant 0 : i32
    %dma_start3A_288 = arith.constant 6 : i32
    %dma_start3A_289 = arith.constant 0 : i32
    %dma_start3A_290 = tpu.memref_slice %arg8[%dma_start3A_287, %dma_start3A_288, %dma_start3A_289] : memref<2x8x128xi32, #tpu.memory_space<vmem>> -> memref<1x1x128xi32, #tpu.memory_space<vmem>>
    %dma_start3A_291 = tpu.memref_squeeze %dma_start3A_290 : memref<1x1x128xi32, #tpu.memory_space<vmem>> -> memref<128xi32, #tpu.memory_space<vmem>>
    %dma_start3A_292 = arith.constant 0 : i32
    %dma_start3A_293 = arith.constant 0 : i32
    %dma_start3A_294 = tpu.memref_slice %arg6[%dma_start3A_292, %dma_start3A_293] : memref<10240x128xf32, #tpu.memory_space<vmem_shared>> -> memref<10240x128xf32, #tpu.memory_space<vmem_shared>>
    tpu.enqueue_indirect_dma source(%arg9 : memref<128x128xf32, #tpu.memory_space<vmem>>) target(%dma_start3A_294 : memref<10240x128xf32, #tpu.memory_space<vmem_shared>>) offsets(%dma_start3A_291 : memref<128xi32, #tpu.memory_space<vmem>>) semaphore(%arg13 : memref<!tpu.dma_semaphore, #tpu.memory_space<semaphore_mem>>) {add = true}
    %dma_wait3A_295 = arith.constant 0 : i32
    %dma_wait3A_296 = arith.constant 0 : i32
    %dma_wait3A_297 = arith.constant 0 : i32
    %dma_wait3A_298 = arith.constant 0 : i32
    %dma_wait3A_299 = tpu.memref_slice %arg7[%dma_wait3A_296, %dma_wait3A_297, %dma_wait3A_298] : memref<2x8x128xi32, #tpu.memory_space<vmem>> -> memref<1x8x128xi32, #tpu.memory_space<vmem>>
    %dma_wait3A_300 = tpu.memref_squeeze %dma_wait3A_299 : memref<1x8x128xi32, #tpu.memory_space<vmem>> -> memref<8x128xi32, #tpu.memory_space<vmem>>
    %dma_wait3A_301 = arith.constant 0 : i32
    %dma_wait3A_302 = arith.constant 0 : i32
    %dma_wait3A_303 = tpu.memref_slice %arg3[%dma_wait3A_295, %dma_wait3A_301, %dma_wait3A_302] : memref<320x8x128xi32, #tpu.memory_space<hbm>> -> memref<1x8x128xi32, #tpu.memory_space<hbm>>
    %dma_wait3A_304 = tpu.memref_squeeze %dma_wait3A_303 : memref<1x8x128xi32, #tpu.memory_space<hbm>> -> memref<8x128xi32, #tpu.memory_space<hbm>>
    %dma_wait3A_305 = arith.constant 0 : i32
    %dma_wait3A_306 = arith.constant 0 : i32
    %dma_wait3A_307 = tpu.memref_slice %arg7[%dma_wait3A_296, %dma_wait3A_305, %dma_wait3A_306] : memref<2x8x128xi32, #tpu.memory_space<vmem>> -> memref<1x8x128xi32, #tpu.memory_space<vmem>>
    %dma_wait3A_308 = tpu.memref_squeeze %dma_wait3A_307 : memref<1x8x128xi32, #tpu.memory_space<vmem>> -> memref<8x128xi32, #tpu.memory_space<vmem>>
    %dma_wait3A_309 = arith.constant 0 : i32
    %dma_wait3A_310 = arith.constant 0 : i32
    %dma_wait3A_311 = tpu.memref_slice %arg3[%dma_wait3A_295, %dma_wait3A_309, %dma_wait3A_310] : memref<320x8x128xi32, #tpu.memory_space<hbm>> -> memref<1x8x128xi32, #tpu.memory_space<hbm>>
    %dma_wait3A_312 = tpu.memref_squeeze %dma_wait3A_311 : memref<1x8x128xi32, #tpu.memory_space<hbm>> -> memref<8x128xi32, #tpu.memory_space<hbm>>
    tpu.wait_dma2 semaphore(%arg15 : memref<!tpu.dma_semaphore, #tpu.memory_space<semaphore_mem>>) src(%dma_wait3A_312 : memref<8x128xi32, #tpu.memory_space<hbm>>) dst(%dma_wait3A_308 : memref<8x128xi32, #tpu.memory_space<vmem>>)
    %dma_wait3A_313 = arith.constant 0 : i32
    %dma_wait3A_314 = arith.constant 0 : i32
    %dma_wait3A_315 = arith.constant 0 : i32
    %dma_wait3A_316 = arith.constant 0 : i32
    %dma_wait3A_317 = tpu.memref_slice %arg7[%dma_wait3A_314, %dma_wait3A_315, %dma_wait3A_316] : memref<2x8x128xi32, #tpu.memory_space<vmem>> -> memref<1x8x128xi32, #tpu.memory_space<vmem>>
    %dma_wait3A_318 = tpu.memref_squeeze %dma_wait3A_317 : memref<1x8x128xi32, #tpu.memory_space<vmem>> -> memref<8x128xi32, #tpu.memory_space<vmem>>
    %dma_wait3A_319 = arith.constant 0 : i32
    %dma_wait3A_320 = arith.constant 0 : i32
    %dma_wait3A_321 = tpu.memref_slice %arg3[%dma_wait3A_313, %dma_wait3A_319, %dma_wait3A_320] : memref<320x8x128xi32, #tpu.memory_space<hbm>> -> memref<1x8x128xi32, #tpu.memory_space<hbm>>
    %dma_wait3A_322 = tpu.memref_squeeze %dma_wait3A_321 : memref<1x8x128xi32, #tpu.memory_space<hbm>> -> memref<8x128xi32, #tpu.memory_space<hbm>>
    %dma_wait3A_323 = arith.constant 0 : i32
    %dma_wait3A_324 = arith.constant 0 : i32
    %dma_wait3A_325 = tpu.memref_slice %arg7[%dma_wait3A_314, %dma_wait3A_323, %dma_wait3A_324] : memref<2x8x128xi32, #tpu.memory_space<vmem>> -> memref<1x8x128xi32, #tpu.memory_space<vmem>>
    %dma_wait3A_326 = tpu.memref_squeeze %dma_wait3A_325 : memref<1x8x128xi32, #tpu.memory_space<vmem>> -> memref<8x128xi32, #tpu.memory_space<vmem>>
    %dma_wait3A_327 = arith.constant 0 : i32
    %dma_wait3A_328 = arith.constant 0 : i32
    %dma_wait3A_329 = tpu.memref_slice %arg3[%dma_wait3A_313, %dma_wait3A_327, %dma_wait3A_328] : memref<320x8x128xi32, #tpu.memory_space<hbm>> -> memref<1x8x128xi32, #tpu.memory_space<hbm>>
    %dma_wait3A_330 = tpu.memref_squeeze %dma_wait3A_329 : memref<1x8x128xi32, #tpu.memory_space<hbm>> -> memref<8x128xi32, #tpu.memory_space<hbm>>
    tpu.wait_dma2 semaphore(%arg15 : memref<!tpu.dma_semaphore, #tpu.memory_space<semaphore_mem>>) src(%dma_wait3A_330 : memref<8x128xi32, #tpu.memory_space<hbm>>) dst(%dma_wait3A_326 : memref<8x128xi32, #tpu.memory_space<vmem>>)
    %dma_wait3A_331 = arith.constant 0 : i32
    %dma_wait3A_332 = arith.constant 0 : i32
    %dma_wait3A_333 = arith.constant 0 : i32
    %dma_wait3A_334 = tpu.memref_slice %arg8[%dma_wait3A_331, %dma_wait3A_332, %dma_wait3A_333] : memref<2x8x128xi32, #tpu.memory_space<vmem>> -> memref<1x1x128xi32, #tpu.memory_space<vmem>>
    %dma_wait3A_335 = tpu.memref_squeeze %dma_wait3A_334 : memref<1x1x128xi32, #tpu.memory_space<vmem>> -> memref<128xi32, #tpu.memory_space<vmem>>
    %dma_wait3A_336 = arith.constant 0 : i32
    %dma_wait3A_337 = arith.constant 0 : i32
    %dma_wait3A_338 = tpu.memref_slice %arg6[%dma_wait3A_336, %dma_wait3A_337] : memref<10240x128xf32, #tpu.memory_space<vmem_shared>> -> memref<10240x128xf32, #tpu.memory_space<vmem_shared>>
    tpu.wait_indirect_dma semaphore(%arg13 : memref<!tpu.dma_semaphore, #tpu.memory_space<semaphore_mem>>) src(%arg9 : memref<128x128xf32, #tpu.memory_space<vmem>>) dst(%dma_wait3A_338 : memref<10240x128xf32, #tpu.memory_space<vmem_shared>>)
    %dma_start3A_339 = arith.constant 1 : i32
    %dma_start3A_340 = arith.constant 0 : i32
    %dma_start3A_341 = arith.constant 0 : i32
    %dma_start3A_342 = tpu.memref_slice %arg7[%dma_start3A_339, %dma_start3A_340, %dma_start3A_341] : memref<2x8x128xi32, #tpu.memory_space<vmem>> -> memref<1x1x128xi32, #tpu.memory_space<vmem>>
    %dma_start3A_343 = tpu.memref_squeeze %dma_start3A_342 : memref<1x1x128xi32, #tpu.memory_space<vmem>> -> memref<128xi32, #tpu.memory_space<vmem>>
    %dma_start3A_344 = arith.constant 0 : i32
    %dma_start3A_345 = arith.constant 0 : i32
    %dma_start3A_346 = tpu.memref_slice %arg2[%dma_start3A_344, %dma_start3A_345] : memref<10000x128xf32, #tpu.memory_space<hbm>> -> memref<10000x128xf32, #tpu.memory_space<hbm>>
    tpu.enqueue_indirect_dma source(%dma_start3A_346 : memref<10000x128xf32, #tpu.memory_space<hbm>>) target(%arg9 : memref<128x128xf32, #tpu.memory_space<vmem>>) offsets(%dma_start3A_343 : memref<128xi32, #tpu.memory_space<vmem>>) semaphore(%arg11 : memref<!tpu.dma_semaphore, #tpu.memory_space<semaphore_mem>>)
    %dma_wait3A_347 = arith.constant 0 : i32
    %dma_wait3A_348 = arith.constant 0 : i32
    %dma_wait3A_349 = arith.constant 0 : i32
    %dma_wait3A_350 = tpu.memref_slice %arg7[%dma_wait3A_347, %dma_wait3A_348, %dma_wait3A_349] : memref<2x8x128xi32, #tpu.memory_space<vmem>> -> memref<1x1x128xi32, #tpu.memory_space<vmem>>
    %dma_wait3A_351 = tpu.memref_squeeze %dma_wait3A_350 : memref<1x1x128xi32, #tpu.memory_space<vmem>> -> memref<128xi32, #tpu.memory_space<vmem>>
    %dma_wait3A_352 = arith.constant 0 : i32
    %dma_wait3A_353 = arith.constant 0 : i32
    %dma_wait3A_354 = tpu.memref_slice %arg2[%dma_wait3A_352, %dma_wait3A_353] : memref<10000x128xf32, #tpu.memory_space<hbm>> -> memref<10000x128xf32, #tpu.memory_space<hbm>>
    tpu.wait_indirect_dma semaphore(%arg12 : memref<!tpu.dma_semaphore, #tpu.memory_space<semaphore_mem>>) src(%dma_wait3A_354 : memref<10000x128xf32, #tpu.memory_space<hbm>>) dst(%arg10 : memref<128x128xf32, #tpu.memory_space<vmem>>)
    %dma_start3A_355 = arith.constant 0 : i32
    %dma_start3A_356 = arith.constant 7 : i32
    %dma_start3A_357 = arith.constant 0 : i32
    %dma_start3A_358 = tpu.memref_slice %arg8[%dma_start3A_355, %dma_start3A_356, %dma_start3A_357] : memref<2x8x128xi32, #tpu.memory_space<vmem>> -> memref<1x1x128xi32, #tpu.memory_space<vmem>>
    %dma_start3A_359 = tpu.memref_squeeze %dma_start3A_358 : memref<1x1x128xi32, #tpu.memory_space<vmem>> -> memref<128xi32, #tpu.memory_space<vmem>>
    %dma_start3A_360 = arith.constant 0 : i32
    %dma_start3A_361 = arith.constant 0 : i32
    %dma_start3A_362 = tpu.memref_slice %arg6[%dma_start3A_360, %dma_start3A_361] : memref<10240x128xf32, #tpu.memory_space<vmem_shared>> -> memref<10240x128xf32, #tpu.memory_space<vmem_shared>>
    tpu.enqueue_indirect_dma source(%arg10 : memref<128x128xf32, #tpu.memory_space<vmem>>) target(%dma_start3A_362 : memref<10240x128xf32, #tpu.memory_space<vmem_shared>>) offsets(%dma_start3A_359 : memref<128xi32, #tpu.memory_space<vmem>>) semaphore(%arg14 : memref<!tpu.dma_semaphore, #tpu.memory_space<semaphore_mem>>) {add = true}
    %gt3A = arith.constant 2 : i32
    %gt3A_363 = arith.cmpi sgt, %select_n3A_8, %gt3A : i32
    %convert_element_type3A = arith.extui %gt3A_363 : i1 to i32
    %cond3A = arith.constant 0 : i32
    %cond3A_364 = arith.cmpi ne, %convert_element_type3A, %cond3A : i32
    scf.if %cond3A_364 {
      %add3A_640 = arith.constant 0 : i32
      %add3A_641 = arith.addi %select_n3A, %add3A_640 : i32
      %add3A_642 = arith.constant 2 : i32
      %add3A_643 = arith.addi %add3A_641, %add3A_642 : i32
      %dma_start3A_644 = arith.constant 0 : i32
      %dma_start3A_645 = arith.constant 0 : i32
      %dma_start3A_646 = arith.constant 0 : i32
      %dma_start3A_647 = tpu.memref_slice %arg7[%dma_start3A_644, %dma_start3A_645, %dma_start3A_646] : memref<2x8x128xi32, #tpu.memory_space<vmem>> -> memref<1x8x128xi32, #tpu.memory_space<vmem>>
      %dma_start3A_648 = tpu.memref_squeeze %dma_start3A_647 : memref<1x8x128xi32, #tpu.memory_space<vmem>> -> memref<8x128xi32, #tpu.memory_space<vmem>>
      %dma_start3A_649 = arith.constant 0 : i32
      %dma_start3A_650 = arith.constant 0 : i32
      %dma_start3A_651 = tpu.memref_slice %arg3[%add3A_643, %dma_start3A_649, %dma_start3A_650] : memref<320x8x128xi32, #tpu.memory_space<hbm>> -> memref<1x8x128xi32, #tpu.memory_space<hbm>>
      %dma_start3A_652 = tpu.memref_squeeze %dma_start3A_651 : memref<1x8x128xi32, #tpu.memory_space<hbm>> -> memref<8x128xi32, #tpu.memory_space<hbm>>
      %dma_start3A_653 = arith.constant 0 : i32
      %dma_start3A_654 = arith.constant 0 : i32
      %dma_start3A_655 = tpu.memref_slice %arg7[%dma_start3A_644, %dma_start3A_653, %dma_start3A_654] : memref<2x8x128xi32, #tpu.memory_space<vmem>> -> memref<1x8x128xi32, #tpu.memory_space<vmem>>
      %dma_start3A_656 = tpu.memref_squeeze %dma_start3A_655 : memref<1x8x128xi32, #tpu.memory_space<vmem>> -> memref<8x128xi32, #tpu.memory_space<vmem>>
      %dma_start3A_657 = arith.constant 0 : i32
      %dma_start3A_658 = arith.constant 0 : i32
      %dma_start3A_659 = tpu.memref_slice %arg3[%add3A_643, %dma_start3A_657, %dma_start3A_658] : memref<320x8x128xi32, #tpu.memory_space<hbm>> -> memref<1x8x128xi32, #tpu.memory_space<hbm>>
      %dma_start3A_660 = tpu.memref_squeeze %dma_start3A_659 : memref<1x8x128xi32, #tpu.memory_space<hbm>> -> memref<8x128xi32, #tpu.memory_space<hbm>>
      tpu.enqueue_dma source(%dma_start3A_660 : memref<8x128xi32, #tpu.memory_space<hbm>>) target(%dma_start3A_656 : memref<8x128xi32, #tpu.memory_space<vmem>>) target_semaphore(%arg15 : memref<!tpu.dma_semaphore, #tpu.memory_space<semaphore_mem>>)
      %dma_start3A_661 = arith.constant 0 : i32
      %dma_start3A_662 = arith.constant 0 : i32
      %dma_start3A_663 = arith.constant 0 : i32
      %dma_start3A_664 = tpu.memref_slice %arg8[%dma_start3A_661, %dma_start3A_662, %dma_start3A_663] : memref<2x8x128xi32, #tpu.memory_space<vmem>> -> memref<1x8x128xi32, #tpu.memory_space<vmem>>
      %dma_start3A_665 = tpu.memref_squeeze %dma_start3A_664 : memref<1x8x128xi32, #tpu.memory_space<vmem>> -> memref<8x128xi32, #tpu.memory_space<vmem>>
      %dma_start3A_666 = arith.constant 0 : i32
      %dma_start3A_667 = arith.constant 0 : i32
      %dma_start3A_668 = tpu.memref_slice %arg4[%add3A_643, %dma_start3A_666, %dma_start3A_667] : memref<320x8x128xi32, #tpu.memory_space<hbm>> -> memref<1x8x128xi32, #tpu.memory_space<hbm>>
      %dma_start3A_669 = tpu.memref_squeeze %dma_start3A_668 : memref<1x8x128xi32, #tpu.memory_space<hbm>> -> memref<8x128xi32, #tpu.memory_space<hbm>>
      %dma_start3A_670 = arith.constant 0 : i32
      %dma_start3A_671 = arith.constant 0 : i32
      %dma_start3A_672 = tpu.memref_slice %arg8[%dma_start3A_661, %dma_start3A_670, %dma_start3A_671] : memref<2x8x128xi32, #tpu.memory_space<vmem>> -> memref<1x8x128xi32, #tpu.memory_space<vmem>>
      %dma_start3A_673 = tpu.memref_squeeze %dma_start3A_672 : memref<1x8x128xi32, #tpu.memory_space<vmem>> -> memref<8x128xi32, #tpu.memory_space<vmem>>
      %dma_start3A_674 = arith.constant 0 : i32
      %dma_start3A_675 = arith.constant 0 : i32
      %dma_start3A_676 = tpu.memref_slice %arg4[%add3A_643, %dma_start3A_674, %dma_start3A_675] : memref<320x8x128xi32, #tpu.memory_space<hbm>> -> memref<1x8x128xi32, #tpu.memory_space<hbm>>
      %dma_start3A_677 = tpu.memref_squeeze %dma_start3A_676 : memref<1x8x128xi32, #tpu.memory_space<hbm>> -> memref<8x128xi32, #tpu.memory_space<hbm>>
      tpu.enqueue_dma source(%dma_start3A_677 : memref<8x128xi32, #tpu.memory_space<hbm>>) target(%dma_start3A_673 : memref<8x128xi32, #tpu.memory_space<vmem>>) target_semaphore(%arg15 : memref<!tpu.dma_semaphore, #tpu.memory_space<semaphore_mem>>)
    } else {
    }
    %sub3A = arith.constant 1 : i32
    %sub3A_365 = arith.subi %select_n3A_8, %sub3A : i32
    %while3A = arith.constant 1 : i32
    %while3A_366 = arith.constant 0 : i32
    %while3A_367 = arith.subi %sub3A_365, %while3A : i32
    %while3A_368 = arith.addi %while3A, %while3A_367 : i32
    %while3A_369 = arith.constant 1 : i32
    %while3A_370 = arith.divsi %while3A_367, %while3A_369 : i32
    %while3A_371 = arith.muli %while3A_370, %while3A_369 : i32
    %while3A_372 = arith.addi %while3A, %while3A_371 : i32
    %while3A_373 = arith.constant 1 : i32
    %while3A_374 = scf.for %while3A_640 = %while3A to %while3A_372 step %while3A_373 iter_args(%while3A_641 = %while3A_366) -> (i32)  : i32 {
      %rem3A = arith.constant 2 : i32
      %rem3A_642 = arith.remsi %while3A_640, %rem3A : i32
      %dma_wait3A_643 = arith.constant 0 : i32
      %dma_wait3A_644 = arith.constant 0 : i32
      %dma_wait3A_645 = arith.constant 0 : i32
      %dma_wait3A_646 = tpu.memref_slice %arg8[%dma_wait3A_643, %dma_wait3A_644, %dma_wait3A_645] : memref<2x8x128xi32, #tpu.memory_space<vmem>> -> memref<1x1x128xi32, #tpu.memory_space<vmem>>
      %dma_wait3A_647 = tpu.memref_squeeze %dma_wait3A_646 : memref<1x1x128xi32, #tpu.memory_space<vmem>> -> memref<128xi32, #tpu.memory_space<vmem>>
      %dma_wait3A_648 = arith.constant 0 : i32
      %dma_wait3A_649 = arith.constant 0 : i32
      %dma_wait3A_650 = tpu.memref_slice %arg6[%dma_wait3A_648, %dma_wait3A_649] : memref<10240x128xf32, #tpu.memory_space<vmem_shared>> -> memref<10240x128xf32, #tpu.memory_space<vmem_shared>>
      tpu.wait_indirect_dma semaphore(%arg14 : memref<!tpu.dma_semaphore, #tpu.memory_space<semaphore_mem>>) src(%arg10 : memref<128x128xf32, #tpu.memory_space<vmem>>) dst(%dma_wait3A_650 : memref<10240x128xf32, #tpu.memory_space<vmem_shared>>)
      %dma_start3A_651 = arith.constant 1 : i32
      %dma_start3A_652 = arith.constant 0 : i32
      %dma_start3A_653 = tpu.memref_slice %arg7[%rem3A_642, %dma_start3A_651, %dma_start3A_652] : memref<2x8x128xi32, #tpu.memory_space<vmem>> -> memref<1x1x128xi32, #tpu.memory_space<vmem>>
      %dma_start3A_654 = tpu.memref_squeeze %dma_start3A_653 : memref<1x1x128xi32, #tpu.memory_space<vmem>> -> memref<128xi32, #tpu.memory_space<vmem>>
      %dma_start3A_655 = arith.constant 0 : i32
      %dma_start3A_656 = arith.constant 0 : i32
      %dma_start3A_657 = tpu.memref_slice %arg2[%dma_start3A_655, %dma_start3A_656] : memref<10000x128xf32, #tpu.memory_space<hbm>> -> memref<10000x128xf32, #tpu.memory_space<hbm>>
      tpu.enqueue_indirect_dma source(%dma_start3A_657 : memref<10000x128xf32, #tpu.memory_space<hbm>>) target(%arg10 : memref<128x128xf32, #tpu.memory_space<vmem>>) offsets(%dma_start3A_654 : memref<128xi32, #tpu.memory_space<vmem>>) semaphore(%arg12 : memref<!tpu.dma_semaphore, #tpu.memory_space<semaphore_mem>>)
      %dma_wait3A_658 = arith.constant 0 : i32
      %dma_wait3A_659 = arith.constant 0 : i32
      %dma_wait3A_660 = arith.constant 0 : i32
      %dma_wait3A_661 = tpu.memref_slice %arg7[%dma_wait3A_658, %dma_wait3A_659, %dma_wait3A_660] : memref<2x8x128xi32, #tpu.memory_space<vmem>> -> memref<1x1x128xi32, #tpu.memory_space<vmem>>
      %dma_wait3A_662 = tpu.memref_squeeze %dma_wait3A_661 : memref<1x1x128xi32, #tpu.memory_space<vmem>> -> memref<128xi32, #tpu.memory_space<vmem>>
      %dma_wait3A_663 = arith.constant 0 : i32
      %dma_wait3A_664 = arith.constant 0 : i32
      %dma_wait3A_665 = tpu.memref_slice %arg2[%dma_wait3A_663, %dma_wait3A_664] : memref<10000x128xf32, #tpu.memory_space<hbm>> -> memref<10000x128xf32, #tpu.memory_space<hbm>>
      tpu.wait_indirect_dma semaphore(%arg11 : memref<!tpu.dma_semaphore, #tpu.memory_space<semaphore_mem>>) src(%dma_wait3A_665 : memref<10000x128xf32, #tpu.memory_space<hbm>>) dst(%arg9 : memref<128x128xf32, #tpu.memory_space<vmem>>)
      %dma_start3A_666 = arith.constant 0 : i32
      %dma_start3A_667 = arith.constant 0 : i32
      %dma_start3A_668 = tpu.memref_slice %arg8[%rem3A_642, %dma_start3A_666, %dma_start3A_667] : memref<2x8x128xi32, #tpu.memory_space<vmem>> -> memref<1x1x128xi32, #tpu.memory_space<vmem>>
      %dma_start3A_669 = tpu.memref_squeeze %dma_start3A_668 : memref<1x1x128xi32, #tpu.memory_space<vmem>> -> memref<128xi32, #tpu.memory_space<vmem>>
      %dma_start3A_670 = arith.constant 0 : i32
      %dma_start3A_671 = arith.constant 0 : i32
      %dma_start3A_672 = tpu.memref_slice %arg6[%dma_start3A_670, %dma_start3A_671] : memref<10240x128xf32, #tpu.memory_space<vmem_shared>> -> memref<10240x128xf32, #tpu.memory_space<vmem_shared>>
      tpu.enqueue_indirect_dma source(%arg9 : memref<128x128xf32, #tpu.memory_space<vmem>>) target(%dma_start3A_672 : memref<10240x128xf32, #tpu.memory_space<vmem_shared>>) offsets(%dma_start3A_669 : memref<128xi32, #tpu.memory_space<vmem>>) semaphore(%arg13 : memref<!tpu.dma_semaphore, #tpu.memory_space<semaphore_mem>>) {add = true}
      %dma_wait3A_673 = arith.constant 0 : i32
      %dma_wait3A_674 = arith.constant 0 : i32
      %dma_wait3A_675 = arith.constant 0 : i32
      %dma_wait3A_676 = tpu.memref_slice %arg8[%dma_wait3A_673, %dma_wait3A_674, %dma_wait3A_675] : memref<2x8x128xi32, #tpu.memory_space<vmem>> -> memref<1x1x128xi32, #tpu.memory_space<vmem>>
      %dma_wait3A_677 = tpu.memref_squeeze %dma_wait3A_676 : memref<1x1x128xi32, #tpu.memory_space<vmem>> -> memref<128xi32, #tpu.memory_space<vmem>>
      %dma_wait3A_678 = arith.constant 0 : i32
      %dma_wait3A_679 = arith.constant 0 : i32
      %dma_wait3A_680 = tpu.memref_slice %arg6[%dma_wait3A_678, %dma_wait3A_679] : memref<10240x128xf32, #tpu.memory_space<vmem_shared>> -> memref<10240x128xf32, #tpu.memory_space<vmem_shared>>
      tpu.wait_indirect_dma semaphore(%arg13 : memref<!tpu.dma_semaphore, #tpu.memory_space<semaphore_mem>>) src(%arg9 : memref<128x128xf32, #tpu.memory_space<vmem>>) dst(%dma_wait3A_680 : memref<10240x128xf32, #tpu.memory_space<vmem_shared>>)
      %dma_start3A_681 = arith.constant 2 : i32
      %dma_start3A_682 = arith.constant 0 : i32
      %dma_start3A_683 = tpu.memref_slice %arg7[%rem3A_642, %dma_start3A_681, %dma_start3A_682] : memref<2x8x128xi32, #tpu.memory_space<vmem>> -> memref<1x1x128xi32, #tpu.memory_space<vmem>>
      %dma_start3A_684 = tpu.memref_squeeze %dma_start3A_683 : memref<1x1x128xi32, #tpu.memory_space<vmem>> -> memref<128xi32, #tpu.memory_space<vmem>>
      %dma_start3A_685 = arith.constant 0 : i32
      %dma_start3A_686 = arith.constant 0 : i32
      %dma_start3A_687 = tpu.memref_slice %arg2[%dma_start3A_685, %dma_start3A_686] : memref<10000x128xf32, #tpu.memory_space<hbm>> -> memref<10000x128xf32, #tpu.memory_space<hbm>>
      tpu.enqueue_indirect_dma source(%dma_start3A_687 : memref<10000x128xf32, #tpu.memory_space<hbm>>) target(%arg9 : memref<128x128xf32, #tpu.memory_space<vmem>>) offsets(%dma_start3A_684 : memref<128xi32, #tpu.memory_space<vmem>>) semaphore(%arg11 : memref<!tpu.dma_semaphore, #tpu.memory_space<semaphore_mem>>)
      %dma_wait3A_688 = arith.constant 0 : i32
      %dma_wait3A_689 = arith.constant 0 : i32
      %dma_wait3A_690 = arith.constant 0 : i32
      %dma_wait3A_691 = tpu.memref_slice %arg7[%dma_wait3A_688, %dma_wait3A_689, %dma_wait3A_690] : memref<2x8x128xi32, #tpu.memory_space<vmem>> -> memref<1x1x128xi32, #tpu.memory_space<vmem>>
      %dma_wait3A_692 = tpu.memref_squeeze %dma_wait3A_691 : memref<1x1x128xi32, #tpu.memory_space<vmem>> -> memref<128xi32, #tpu.memory_space<vmem>>
      %dma_wait3A_693 = arith.constant 0 : i32
      %dma_wait3A_694 = arith.constant 0 : i32
      %dma_wait3A_695 = tpu.memref_slice %arg2[%dma_wait3A_693, %dma_wait3A_694] : memref<10000x128xf32, #tpu.memory_space<hbm>> -> memref<10000x128xf32, #tpu.memory_space<hbm>>
      tpu.wait_indirect_dma semaphore(%arg12 : memref<!tpu.dma_semaphore, #tpu.memory_space<semaphore_mem>>) src(%dma_wait3A_695 : memref<10000x128xf32, #tpu.memory_space<hbm>>) dst(%arg10 : memref<128x128xf32, #tpu.memory_space<vmem>>)
      %dma_start3A_696 = arith.constant 1 : i32
      %dma_start3A_697 = arith.constant 0 : i32
      %dma_start3A_698 = tpu.memref_slice %arg8[%rem3A_642, %dma_start3A_696, %dma_start3A_697] : memref<2x8x128xi32, #tpu.memory_space<vmem>> -> memref<1x1x128xi32, #tpu.memory_space<vmem>>
      %dma_start3A_699 = tpu.memref_squeeze %dma_start3A_698 : memref<1x1x128xi32, #tpu.memory_space<vmem>> -> memref<128xi32, #tpu.memory_space<vmem>>
      %dma_start3A_700 = arith.constant 0 : i32
      %dma_start3A_701 = arith.constant 0 : i32
      %dma_start3A_702 = tpu.memref_slice %arg6[%dma_start3A_700, %dma_start3A_701] : memref<10240x128xf32, #tpu.memory_space<vmem_shared>> -> memref<10240x128xf32, #tpu.memory_space<vmem_shared>>
      tpu.enqueue_indirect_dma source(%arg10 : memref<128x128xf32, #tpu.memory_space<vmem>>) target(%dma_start3A_702 : memref<10240x128xf32, #tpu.memory_space<vmem_shared>>) offsets(%dma_start3A_699 : memref<128xi32, #tpu.memory_space<vmem>>) semaphore(%arg14 : memref<!tpu.dma_semaphore, #tpu.memory_space<semaphore_mem>>) {add = true}
      %dma_wait3A_703 = arith.constant 0 : i32
      %dma_wait3A_704 = arith.constant 0 : i32
      %dma_wait3A_705 = arith.constant 0 : i32
      %dma_wait3A_706 = tpu.memref_slice %arg8[%dma_wait3A_703, %dma_wait3A_704, %dma_wait3A_705] : memref<2x8x128xi32, #tpu.memory_space<vmem>> -> memref<1x1x128xi32, #tpu.memory_space<vmem>>
      %dma_wait3A_707 = tpu.memref_squeeze %dma_wait3A_706 : memref<1x1x128xi32, #tpu.memory_space<vmem>> -> memref<128xi32, #tpu.memory_space<vmem>>
      %dma_wait3A_708 = arith.constant 0 : i32
      %dma_wait3A_709 = arith.constant 0 : i32
      %dma_wait3A_710 = tpu.memref_slice %arg6[%dma_wait3A_708, %dma_wait3A_709] : memref<10240x128xf32, #tpu.memory_space<vmem_shared>> -> memref<10240x128xf32, #tpu.memory_space<vmem_shared>>
      tpu.wait_indirect_dma semaphore(%arg14 : memref<!tpu.dma_semaphore, #tpu.memory_space<semaphore_mem>>) src(%arg10 : memref<128x128xf32, #tpu.memory_space<vmem>>) dst(%dma_wait3A_710 : memref<10240x128xf32, #tpu.memory_space<vmem_shared>>)
      %dma_start3A_711 = arith.constant 3 : i32
      %dma_start3A_712 = arith.constant 0 : i32
      %dma_start3A_713 = tpu.memref_slice %arg7[%rem3A_642, %dma_start3A_711, %dma_start3A_712] : memref<2x8x128xi32, #tpu.memory_space<vmem>> -> memref<1x1x128xi32, #tpu.memory_space<vmem>>
      %dma_start3A_714 = tpu.memref_squeeze %dma_start3A_713 : memref<1x1x128xi32, #tpu.memory_space<vmem>> -> memref<128xi32, #tpu.memory_space<vmem>>
      %dma_start3A_715 = arith.constant 0 : i32
      %dma_start3A_716 = arith.constant 0 : i32
      %dma_start3A_717 = tpu.memref_slice %arg2[%dma_start3A_715, %dma_start3A_716] : memref<10000x128xf32, #tpu.memory_space<hbm>> -> memref<10000x128xf32, #tpu.memory_space<hbm>>
      tpu.enqueue_indirect_dma source(%dma_start3A_717 : memref<10000x128xf32, #tpu.memory_space<hbm>>) target(%arg10 : memref<128x128xf32, #tpu.memory_space<vmem>>) offsets(%dma_start3A_714 : memref<128xi32, #tpu.memory_space<vmem>>) semaphore(%arg12 : memref<!tpu.dma_semaphore, #tpu.memory_space<semaphore_mem>>)
      %dma_wait3A_718 = arith.constant 0 : i32
      %dma_wait3A_719 = arith.constant 0 : i32
      %dma_wait3A_720 = arith.constant 0 : i32
      %dma_wait3A_721 = tpu.memref_slice %arg7[%dma_wait3A_718, %dma_wait3A_719, %dma_wait3A_720] : memref<2x8x128xi32, #tpu.memory_space<vmem>> -> memref<1x1x128xi32, #tpu.memory_space<vmem>>
      %dma_wait3A_722 = tpu.memref_squeeze %dma_wait3A_721 : memref<1x1x128xi32, #tpu.memory_space<vmem>> -> memref<128xi32, #tpu.memory_space<vmem>>
      %dma_wait3A_723 = arith.constant 0 : i32
      %dma_wait3A_724 = arith.constant 0 : i32
      %dma_wait3A_725 = tpu.memref_slice %arg2[%dma_wait3A_723, %dma_wait3A_724] : memref<10000x128xf32, #tpu.memory_space<hbm>> -> memref<10000x128xf32, #tpu.memory_space<hbm>>
      tpu.wait_indirect_dma semaphore(%arg11 : memref<!tpu.dma_semaphore, #tpu.memory_space<semaphore_mem>>) src(%dma_wait3A_725 : memref<10000x128xf32, #tpu.memory_space<hbm>>) dst(%arg9 : memref<128x128xf32, #tpu.memory_space<vmem>>)
      %dma_start3A_726 = arith.constant 2 : i32
      %dma_start3A_727 = arith.constant 0 : i32
      %dma_start3A_728 = tpu.memref_slice %arg8[%rem3A_642, %dma_start3A_726, %dma_start3A_727] : memref<2x8x128xi32, #tpu.memory_space<vmem>> -> memref<1x1x128xi32, #tpu.memory_space<vmem>>
      %dma_start3A_729 = tpu.memref_squeeze %dma_start3A_728 : memref<1x1x128xi32, #tpu.memory_space<vmem>> -> memref<128xi32, #tpu.memory_space<vmem>>
      %dma_start3A_730 = arith.constant 0 : i32
      %dma_start3A_731 = arith.constant 0 : i32
      %dma_start3A_732 = tpu.memref_slice %arg6[%dma_start3A_730, %dma_start3A_731] : memref<10240x128xf32, #tpu.memory_space<vmem_shared>> -> memref<10240x128xf32, #tpu.memory_space<vmem_shared>>
      tpu.enqueue_indirect_dma source(%arg9 : memref<128x128xf32, #tpu.memory_space<vmem>>) target(%dma_start3A_732 : memref<10240x128xf32, #tpu.memory_space<vmem_shared>>) offsets(%dma_start3A_729 : memref<128xi32, #tpu.memory_space<vmem>>) semaphore(%arg13 : memref<!tpu.dma_semaphore, #tpu.memory_space<semaphore_mem>>) {add = true}
      %dma_wait3A_733 = arith.constant 0 : i32
      %dma_wait3A_734 = arith.constant 0 : i32
      %dma_wait3A_735 = arith.constant 0 : i32
      %dma_wait3A_736 = tpu.memref_slice %arg8[%dma_wait3A_733, %dma_wait3A_734, %dma_wait3A_735] : memref<2x8x128xi32, #tpu.memory_space<vmem>> -> memref<1x1x128xi32, #tpu.memory_space<vmem>>
      %dma_wait3A_737 = tpu.memref_squeeze %dma_wait3A_736 : memref<1x1x128xi32, #tpu.memory_space<vmem>> -> memref<128xi32, #tpu.memory_space<vmem>>
      %dma_wait3A_738 = arith.constant 0 : i32
      %dma_wait3A_739 = arith.constant 0 : i32
      %dma_wait3A_740 = tpu.memref_slice %arg6[%dma_wait3A_738, %dma_wait3A_739] : memref<10240x128xf32, #tpu.memory_space<vmem_shared>> -> memref<10240x128xf32, #tpu.memory_space<vmem_shared>>
      tpu.wait_indirect_dma semaphore(%arg13 : memref<!tpu.dma_semaphore, #tpu.memory_space<semaphore_mem>>) src(%arg9 : memref<128x128xf32, #tpu.memory_space<vmem>>) dst(%dma_wait3A_740 : memref<10240x128xf32, #tpu.memory_space<vmem_shared>>)
      %dma_start3A_741 = arith.constant 4 : i32
      %dma_start3A_742 = arith.constant 0 : i32
      %dma_start3A_743 = tpu.memref_slice %arg7[%rem3A_642, %dma_start3A_741, %dma_start3A_742] : memref<2x8x128xi32, #tpu.memory_space<vmem>> -> memref<1x1x128xi32, #tpu.memory_space<vmem>>
      %dma_start3A_744 = tpu.memref_squeeze %dma_start3A_743 : memref<1x1x128xi32, #tpu.memory_space<vmem>> -> memref<128xi32, #tpu.memory_space<vmem>>
      %dma_start3A_745 = arith.constant 0 : i32
      %dma_start3A_746 = arith.constant 0 : i32
      %dma_start3A_747 = tpu.memref_slice %arg2[%dma_start3A_745, %dma_start3A_746] : memref<10000x128xf32, #tpu.memory_space<hbm>> -> memref<10000x128xf32, #tpu.memory_space<hbm>>
      tpu.enqueue_indirect_dma source(%dma_start3A_747 : memref<10000x128xf32, #tpu.memory_space<hbm>>) target(%arg9 : memref<128x128xf32, #tpu.memory_space<vmem>>) offsets(%dma_start3A_744 : memref<128xi32, #tpu.memory_space<vmem>>) semaphore(%arg11 : memref<!tpu.dma_semaphore, #tpu.memory_space<semaphore_mem>>)
      %dma_wait3A_748 = arith.constant 0 : i32
      %dma_wait3A_749 = arith.constant 0 : i32
      %dma_wait3A_750 = arith.constant 0 : i32
      %dma_wait3A_751 = tpu.memref_slice %arg7[%dma_wait3A_748, %dma_wait3A_749, %dma_wait3A_750] : memref<2x8x128xi32, #tpu.memory_space<vmem>> -> memref<1x1x128xi32, #tpu.memory_space<vmem>>
      %dma_wait3A_752 = tpu.memref_squeeze %dma_wait3A_751 : memref<1x1x128xi32, #tpu.memory_space<vmem>> -> memref<128xi32, #tpu.memory_space<vmem>>
      %dma_wait3A_753 = arith.constant 0 : i32
      %dma_wait3A_754 = arith.constant 0 : i32
      %dma_wait3A_755 = tpu.memref_slice %arg2[%dma_wait3A_753, %dma_wait3A_754] : memref<10000x128xf32, #tpu.memory_space<hbm>> -> memref<10000x128xf32, #tpu.memory_space<hbm>>
      tpu.wait_indirect_dma semaphore(%arg12 : memref<!tpu.dma_semaphore, #tpu.memory_space<semaphore_mem>>) src(%dma_wait3A_755 : memref<10000x128xf32, #tpu.memory_space<hbm>>) dst(%arg10 : memref<128x128xf32, #tpu.memory_space<vmem>>)
      %dma_start3A_756 = arith.constant 3 : i32
      %dma_start3A_757 = arith.constant 0 : i32
      %dma_start3A_758 = tpu.memref_slice %arg8[%rem3A_642, %dma_start3A_756, %dma_start3A_757] : memref<2x8x128xi32, #tpu.memory_space<vmem>> -> memref<1x1x128xi32, #tpu.memory_space<vmem>>
      %dma_start3A_759 = tpu.memref_squeeze %dma_start3A_758 : memref<1x1x128xi32, #tpu.memory_space<vmem>> -> memref<128xi32, #tpu.memory_space<vmem>>
      %dma_start3A_760 = arith.constant 0 : i32
      %dma_start3A_761 = arith.constant 0 : i32
      %dma_start3A_762 = tpu.memref_slice %arg6[%dma_start3A_760, %dma_start3A_761] : memref<10240x128xf32, #tpu.memory_space<vmem_shared>> -> memref<10240x128xf32, #tpu.memory_space<vmem_shared>>
      tpu.enqueue_indirect_dma source(%arg10 : memref<128x128xf32, #tpu.memory_space<vmem>>) target(%dma_start3A_762 : memref<10240x128xf32, #tpu.memory_space<vmem_shared>>) offsets(%dma_start3A_759 : memref<128xi32, #tpu.memory_space<vmem>>) semaphore(%arg14 : memref<!tpu.dma_semaphore, #tpu.memory_space<semaphore_mem>>) {add = true}
      %dma_wait3A_763 = arith.constant 0 : i32
      %dma_wait3A_764 = arith.constant 0 : i32
      %dma_wait3A_765 = arith.constant 0 : i32
      %dma_wait3A_766 = tpu.memref_slice %arg8[%dma_wait3A_763, %dma_wait3A_764, %dma_wait3A_765] : memref<2x8x128xi32, #tpu.memory_space<vmem>> -> memref<1x1x128xi32, #tpu.memory_space<vmem>>
      %dma_wait3A_767 = tpu.memref_squeeze %dma_wait3A_766 : memref<1x1x128xi32, #tpu.memory_space<vmem>> -> memref<128xi32, #tpu.memory_space<vmem>>
      %dma_wait3A_768 = arith.constant 0 : i32
      %dma_wait3A_769 = arith.constant 0 : i32
      %dma_wait3A_770 = tpu.memref_slice %arg6[%dma_wait3A_768, %dma_wait3A_769] : memref<10240x128xf32, #tpu.memory_space<vmem_shared>> -> memref<10240x128xf32, #tpu.memory_space<vmem_shared>>
      tpu.wait_indirect_dma semaphore(%arg14 : memref<!tpu.dma_semaphore, #tpu.memory_space<semaphore_mem>>) src(%arg10 : memref<128x128xf32, #tpu.memory_space<vmem>>) dst(%dma_wait3A_770 : memref<10240x128xf32, #tpu.memory_space<vmem_shared>>)
      %dma_start3A_771 = arith.constant 5 : i32
      %dma_start3A_772 = arith.constant 0 : i32
      %dma_start3A_773 = tpu.memref_slice %arg7[%rem3A_642, %dma_start3A_771, %dma_start3A_772] : memref<2x8x128xi32, #tpu.memory_space<vmem>> -> memref<1x1x128xi32, #tpu.memory_space<vmem>>
      %dma_start3A_774 = tpu.memref_squeeze %dma_start3A_773 : memref<1x1x128xi32, #tpu.memory_space<vmem>> -> memref<128xi32, #tpu.memory_space<vmem>>
      %dma_start3A_775 = arith.constant 0 : i32
      %dma_start3A_776 = arith.constant 0 : i32
      %dma_start3A_777 = tpu.memref_slice %arg2[%dma_start3A_775, %dma_start3A_776] : memref<10000x128xf32, #tpu.memory_space<hbm>> -> memref<10000x128xf32, #tpu.memory_space<hbm>>
      tpu.enqueue_indirect_dma source(%dma_start3A_777 : memref<10000x128xf32, #tpu.memory_space<hbm>>) target(%arg10 : memref<128x128xf32, #tpu.memory_space<vmem>>) offsets(%dma_start3A_774 : memref<128xi32, #tpu.memory_space<vmem>>) semaphore(%arg12 : memref<!tpu.dma_semaphore, #tpu.memory_space<semaphore_mem>>)
      %dma_wait3A_778 = arith.constant 0 : i32
      %dma_wait3A_779 = arith.constant 0 : i32
      %dma_wait3A_780 = arith.constant 0 : i32
      %dma_wait3A_781 = tpu.memref_slice %arg7[%dma_wait3A_778, %dma_wait3A_779, %dma_wait3A_780] : memref<2x8x128xi32, #tpu.memory_space<vmem>> -> memref<1x1x128xi32, #tpu.memory_space<vmem>>
      %dma_wait3A_782 = tpu.memref_squeeze %dma_wait3A_781 : memref<1x1x128xi32, #tpu.memory_space<vmem>> -> memref<128xi32, #tpu.memory_space<vmem>>
      %dma_wait3A_783 = arith.constant 0 : i32
      %dma_wait3A_784 = arith.constant 0 : i32
      %dma_wait3A_785 = tpu.memref_slice %arg2[%dma_wait3A_783, %dma_wait3A_784] : memref<10000x128xf32, #tpu.memory_space<hbm>> -> memref<10000x128xf32, #tpu.memory_space<hbm>>
      tpu.wait_indirect_dma semaphore(%arg11 : memref<!tpu.dma_semaphore, #tpu.memory_space<semaphore_mem>>) src(%dma_wait3A_785 : memref<10000x128xf32, #tpu.memory_space<hbm>>) dst(%arg9 : memref<128x128xf32, #tpu.memory_space<vmem>>)
      %dma_start3A_786 = arith.constant 4 : i32
      %dma_start3A_787 = arith.constant 0 : i32
      %dma_start3A_788 = tpu.memref_slice %arg8[%rem3A_642, %dma_start3A_786, %dma_start3A_787] : memref<2x8x128xi32, #tpu.memory_space<vmem>> -> memref<1x1x128xi32, #tpu.memory_space<vmem>>
      %dma_start3A_789 = tpu.memref_squeeze %dma_start3A_788 : memref<1x1x128xi32, #tpu.memory_space<vmem>> -> memref<128xi32, #tpu.memory_space<vmem>>
      %dma_start3A_790 = arith.constant 0 : i32
      %dma_start3A_791 = arith.constant 0 : i32
      %dma_start3A_792 = tpu.memref_slice %arg6[%dma_start3A_790, %dma_start3A_791] : memref<10240x128xf32, #tpu.memory_space<vmem_shared>> -> memref<10240x128xf32, #tpu.memory_space<vmem_shared>>
      tpu.enqueue_indirect_dma source(%arg9 : memref<128x128xf32, #tpu.memory_space<vmem>>) target(%dma_start3A_792 : memref<10240x128xf32, #tpu.memory_space<vmem_shared>>) offsets(%dma_start3A_789 : memref<128xi32, #tpu.memory_space<vmem>>) semaphore(%arg13 : memref<!tpu.dma_semaphore, #tpu.memory_space<semaphore_mem>>) {add = true}
      %dma_wait3A_793 = arith.constant 0 : i32
      %dma_wait3A_794 = arith.constant 0 : i32
      %dma_wait3A_795 = arith.constant 0 : i32
      %dma_wait3A_796 = tpu.memref_slice %arg8[%dma_wait3A_793, %dma_wait3A_794, %dma_wait3A_795] : memref<2x8x128xi32, #tpu.memory_space<vmem>> -> memref<1x1x128xi32, #tpu.memory_space<vmem>>
      %dma_wait3A_797 = tpu.memref_squeeze %dma_wait3A_796 : memref<1x1x128xi32, #tpu.memory_space<vmem>> -> memref<128xi32, #tpu.memory_space<vmem>>
      %dma_wait3A_798 = arith.constant 0 : i32
      %dma_wait3A_799 = arith.constant 0 : i32
      %dma_wait3A_800 = tpu.memref_slice %arg6[%dma_wait3A_798, %dma_wait3A_799] : memref<10240x128xf32, #tpu.memory_space<vmem_shared>> -> memref<10240x128xf32, #tpu.memory_space<vmem_shared>>
      tpu.wait_indirect_dma semaphore(%arg13 : memref<!tpu.dma_semaphore, #tpu.memory_space<semaphore_mem>>) src(%arg9 : memref<128x128xf32, #tpu.memory_space<vmem>>) dst(%dma_wait3A_800 : memref<10240x128xf32, #tpu.memory_space<vmem_shared>>)
      %dma_start3A_801 = arith.constant 6 : i32
      %dma_start3A_802 = arith.constant 0 : i32
      %dma_start3A_803 = tpu.memref_slice %arg7[%rem3A_642, %dma_start3A_801, %dma_start3A_802] : memref<2x8x128xi32, #tpu.memory_space<vmem>> -> memref<1x1x128xi32, #tpu.memory_space<vmem>>
      %dma_start3A_804 = tpu.memref_squeeze %dma_start3A_803 : memref<1x1x128xi32, #tpu.memory_space<vmem>> -> memref<128xi32, #tpu.memory_space<vmem>>
      %dma_start3A_805 = arith.constant 0 : i32
      %dma_start3A_806 = arith.constant 0 : i32
      %dma_start3A_807 = tpu.memref_slice %arg2[%dma_start3A_805, %dma_start3A_806] : memref<10000x128xf32, #tpu.memory_space<hbm>> -> memref<10000x128xf32, #tpu.memory_space<hbm>>
      tpu.enqueue_indirect_dma source(%dma_start3A_807 : memref<10000x128xf32, #tpu.memory_space<hbm>>) target(%arg9 : memref<128x128xf32, #tpu.memory_space<vmem>>) offsets(%dma_start3A_804 : memref<128xi32, #tpu.memory_space<vmem>>) semaphore(%arg11 : memref<!tpu.dma_semaphore, #tpu.memory_space<semaphore_mem>>)
      %dma_wait3A_808 = arith.constant 0 : i32
      %dma_wait3A_809 = arith.constant 0 : i32
      %dma_wait3A_810 = arith.constant 0 : i32
      %dma_wait3A_811 = tpu.memref_slice %arg7[%dma_wait3A_808, %dma_wait3A_809, %dma_wait3A_810] : memref<2x8x128xi32, #tpu.memory_space<vmem>> -> memref<1x1x128xi32, #tpu.memory_space<vmem>>
      %dma_wait3A_812 = tpu.memref_squeeze %dma_wait3A_811 : memref<1x1x128xi32, #tpu.memory_space<vmem>> -> memref<128xi32, #tpu.memory_space<vmem>>
      %dma_wait3A_813 = arith.constant 0 : i32
      %dma_wait3A_814 = arith.constant 0 : i32
      %dma_wait3A_815 = tpu.memref_slice %arg2[%dma_wait3A_813, %dma_wait3A_814] : memref<10000x128xf32, #tpu.memory_space<hbm>> -> memref<10000x128xf32, #tpu.memory_space<hbm>>
      tpu.wait_indirect_dma semaphore(%arg12 : memref<!tpu.dma_semaphore, #tpu.memory_space<semaphore_mem>>) src(%dma_wait3A_815 : memref<10000x128xf32, #tpu.memory_space<hbm>>) dst(%arg10 : memref<128x128xf32, #tpu.memory_space<vmem>>)
      %dma_start3A_816 = arith.constant 5 : i32
      %dma_start3A_817 = arith.constant 0 : i32
      %dma_start3A_818 = tpu.memref_slice %arg8[%rem3A_642, %dma_start3A_816, %dma_start3A_817] : memref<2x8x128xi32, #tpu.memory_space<vmem>> -> memref<1x1x128xi32, #tpu.memory_space<vmem>>
      %dma_start3A_819 = tpu.memref_squeeze %dma_start3A_818 : memref<1x1x128xi32, #tpu.memory_space<vmem>> -> memref<128xi32, #tpu.memory_space<vmem>>
      %dma_start3A_820 = arith.constant 0 : i32
      %dma_start3A_821 = arith.constant 0 : i32
      %dma_start3A_822 = tpu.memref_slice %arg6[%dma_start3A_820, %dma_start3A_821] : memref<10240x128xf32, #tpu.memory_space<vmem_shared>> -> memref<10240x128xf32, #tpu.memory_space<vmem_shared>>
      tpu.enqueue_indirect_dma source(%arg10 : memref<128x128xf32, #tpu.memory_space<vmem>>) target(%dma_start3A_822 : memref<10240x128xf32, #tpu.memory_space<vmem_shared>>) offsets(%dma_start3A_819 : memref<128xi32, #tpu.memory_space<vmem>>) semaphore(%arg14 : memref<!tpu.dma_semaphore, #tpu.memory_space<semaphore_mem>>) {add = true}
      %dma_wait3A_823 = arith.constant 0 : i32
      %dma_wait3A_824 = arith.constant 0 : i32
      %dma_wait3A_825 = arith.constant 0 : i32
      %dma_wait3A_826 = tpu.memref_slice %arg8[%dma_wait3A_823, %dma_wait3A_824, %dma_wait3A_825] : memref<2x8x128xi32, #tpu.memory_space<vmem>> -> memref<1x1x128xi32, #tpu.memory_space<vmem>>
      %dma_wait3A_827 = tpu.memref_squeeze %dma_wait3A_826 : memref<1x1x128xi32, #tpu.memory_space<vmem>> -> memref<128xi32, #tpu.memory_space<vmem>>
      %dma_wait3A_828 = arith.constant 0 : i32
      %dma_wait3A_829 = arith.constant 0 : i32
      %dma_wait3A_830 = tpu.memref_slice %arg6[%dma_wait3A_828, %dma_wait3A_829] : memref<10240x128xf32, #tpu.memory_space<vmem_shared>> -> memref<10240x128xf32, #tpu.memory_space<vmem_shared>>
      tpu.wait_indirect_dma semaphore(%arg14 : memref<!tpu.dma_semaphore, #tpu.memory_space<semaphore_mem>>) src(%arg10 : memref<128x128xf32, #tpu.memory_space<vmem>>) dst(%dma_wait3A_830 : memref<10240x128xf32, #tpu.memory_space<vmem_shared>>)
      %dma_start3A_831 = arith.constant 7 : i32
      %dma_start3A_832 = arith.constant 0 : i32
      %dma_start3A_833 = tpu.memref_slice %arg7[%rem3A_642, %dma_start3A_831, %dma_start3A_832] : memref<2x8x128xi32, #tpu.memory_space<vmem>> -> memref<1x1x128xi32, #tpu.memory_space<vmem>>
      %dma_start3A_834 = tpu.memref_squeeze %dma_start3A_833 : memref<1x1x128xi32, #tpu.memory_space<vmem>> -> memref<128xi32, #tpu.memory_space<vmem>>
      %dma_start3A_835 = arith.constant 0 : i32
      %dma_start3A_836 = arith.constant 0 : i32
      %dma_start3A_837 = tpu.memref_slice %arg2[%dma_start3A_835, %dma_start3A_836] : memref<10000x128xf32, #tpu.memory_space<hbm>> -> memref<10000x128xf32, #tpu.memory_space<hbm>>
      tpu.enqueue_indirect_dma source(%dma_start3A_837 : memref<10000x128xf32, #tpu.memory_space<hbm>>) target(%arg10 : memref<128x128xf32, #tpu.memory_space<vmem>>) offsets(%dma_start3A_834 : memref<128xi32, #tpu.memory_space<vmem>>) semaphore(%arg12 : memref<!tpu.dma_semaphore, #tpu.memory_space<semaphore_mem>>)
      %dma_wait3A_838 = arith.constant 0 : i32
      %dma_wait3A_839 = arith.constant 0 : i32
      %dma_wait3A_840 = arith.constant 0 : i32
      %dma_wait3A_841 = tpu.memref_slice %arg7[%dma_wait3A_838, %dma_wait3A_839, %dma_wait3A_840] : memref<2x8x128xi32, #tpu.memory_space<vmem>> -> memref<1x1x128xi32, #tpu.memory_space<vmem>>
      %dma_wait3A_842 = tpu.memref_squeeze %dma_wait3A_841 : memref<1x1x128xi32, #tpu.memory_space<vmem>> -> memref<128xi32, #tpu.memory_space<vmem>>
      %dma_wait3A_843 = arith.constant 0 : i32
      %dma_wait3A_844 = arith.constant 0 : i32
      %dma_wait3A_845 = tpu.memref_slice %arg2[%dma_wait3A_843, %dma_wait3A_844] : memref<10000x128xf32, #tpu.memory_space<hbm>> -> memref<10000x128xf32, #tpu.memory_space<hbm>>
      tpu.wait_indirect_dma semaphore(%arg11 : memref<!tpu.dma_semaphore, #tpu.memory_space<semaphore_mem>>) src(%dma_wait3A_845 : memref<10000x128xf32, #tpu.memory_space<hbm>>) dst(%arg9 : memref<128x128xf32, #tpu.memory_space<vmem>>)
      %dma_start3A_846 = arith.constant 6 : i32
      %dma_start3A_847 = arith.constant 0 : i32
      %dma_start3A_848 = tpu.memref_slice %arg8[%rem3A_642, %dma_start3A_846, %dma_start3A_847] : memref<2x8x128xi32, #tpu.memory_space<vmem>> -> memref<1x1x128xi32, #tpu.memory_space<vmem>>
      %dma_start3A_849 = tpu.memref_squeeze %dma_start3A_848 : memref<1x1x128xi32, #tpu.memory_space<vmem>> -> memref<128xi32, #tpu.memory_space<vmem>>
      %dma_start3A_850 = arith.constant 0 : i32
      %dma_start3A_851 = arith.constant 0 : i32
      %dma_start3A_852 = tpu.memref_slice %arg6[%dma_start3A_850, %dma_start3A_851] : memref<10240x128xf32, #tpu.memory_space<vmem_shared>> -> memref<10240x128xf32, #tpu.memory_space<vmem_shared>>
      tpu.enqueue_indirect_dma source(%arg9 : memref<128x128xf32, #tpu.memory_space<vmem>>) target(%dma_start3A_852 : memref<10240x128xf32, #tpu.memory_space<vmem_shared>>) offsets(%dma_start3A_849 : memref<128xi32, #tpu.memory_space<vmem>>) semaphore(%arg13 : memref<!tpu.dma_semaphore, #tpu.memory_space<semaphore_mem>>) {add = true}
      %dma_wait3A_853 = arith.constant 0 : i32
      %dma_wait3A_854 = arith.constant 0 : i32
      %dma_wait3A_855 = arith.constant 0 : i32
      %dma_wait3A_856 = arith.constant 0 : i32
      %dma_wait3A_857 = tpu.memref_slice %arg7[%dma_wait3A_854, %dma_wait3A_855, %dma_wait3A_856] : memref<2x8x128xi32, #tpu.memory_space<vmem>> -> memref<1x8x128xi32, #tpu.memory_space<vmem>>
      %dma_wait3A_858 = tpu.memref_squeeze %dma_wait3A_857 : memref<1x8x128xi32, #tpu.memory_space<vmem>> -> memref<8x128xi32, #tpu.memory_space<vmem>>
      %dma_wait3A_859 = arith.constant 0 : i32
      %dma_wait3A_860 = arith.constant 0 : i32
      %dma_wait3A_861 = tpu.memref_slice %arg3[%dma_wait3A_853, %dma_wait3A_859, %dma_wait3A_860] : memref<320x8x128xi32, #tpu.memory_space<hbm>> -> memref<1x8x128xi32, #tpu.memory_space<hbm>>
      %dma_wait3A_862 = tpu.memref_squeeze %dma_wait3A_861 : memref<1x8x128xi32, #tpu.memory_space<hbm>> -> memref<8x128xi32, #tpu.memory_space<hbm>>
      %dma_wait3A_863 = arith.constant 0 : i32
      %dma_wait3A_864 = arith.constant 0 : i32
      %dma_wait3A_865 = tpu.memref_slice %arg7[%dma_wait3A_854, %dma_wait3A_863, %dma_wait3A_864] : memref<2x8x128xi32, #tpu.memory_space<vmem>> -> memref<1x8x128xi32, #tpu.memory_space<vmem>>
      %dma_wait3A_866 = tpu.memref_squeeze %dma_wait3A_865 : memref<1x8x128xi32, #tpu.memory_space<vmem>> -> memref<8x128xi32, #tpu.memory_space<vmem>>
      %dma_wait3A_867 = arith.constant 0 : i32
      %dma_wait3A_868 = arith.constant 0 : i32
      %dma_wait3A_869 = tpu.memref_slice %arg3[%dma_wait3A_853, %dma_wait3A_867, %dma_wait3A_868] : memref<320x8x128xi32, #tpu.memory_space<hbm>> -> memref<1x8x128xi32, #tpu.memory_space<hbm>>
      %dma_wait3A_870 = tpu.memref_squeeze %dma_wait3A_869 : memref<1x8x128xi32, #tpu.memory_space<hbm>> -> memref<8x128xi32, #tpu.memory_space<hbm>>
      tpu.wait_dma2 semaphore(%arg15 : memref<!tpu.dma_semaphore, #tpu.memory_space<semaphore_mem>>) src(%dma_wait3A_870 : memref<8x128xi32, #tpu.memory_space<hbm>>) dst(%dma_wait3A_866 : memref<8x128xi32, #tpu.memory_space<vmem>>)
      %dma_wait3A_871 = arith.constant 0 : i32
      %dma_wait3A_872 = arith.constant 0 : i32
      %dma_wait3A_873 = arith.constant 0 : i32
      %dma_wait3A_874 = arith.constant 0 : i32
      %dma_wait3A_875 = tpu.memref_slice %arg7[%dma_wait3A_872, %dma_wait3A_873, %dma_wait3A_874] : memref<2x8x128xi32, #tpu.memory_space<vmem>> -> memref<1x8x128xi32, #tpu.memory_space<vmem>>
      %dma_wait3A_876 = tpu.memref_squeeze %dma_wait3A_875 : memref<1x8x128xi32, #tpu.memory_space<vmem>> -> memref<8x128xi32, #tpu.memory_space<vmem>>
      %dma_wait3A_877 = arith.constant 0 : i32
      %dma_wait3A_878 = arith.constant 0 : i32
      %dma_wait3A_879 = tpu.memref_slice %arg3[%dma_wait3A_871, %dma_wait3A_877, %dma_wait3A_878] : memref<320x8x128xi32, #tpu.memory_space<hbm>> -> memref<1x8x128xi32, #tpu.memory_space<hbm>>
      %dma_wait3A_880 = tpu.memref_squeeze %dma_wait3A_879 : memref<1x8x128xi32, #tpu.memory_space<hbm>> -> memref<8x128xi32, #tpu.memory_space<hbm>>
      %dma_wait3A_881 = arith.constant 0 : i32
      %dma_wait3A_882 = arith.constant 0 : i32
      %dma_wait3A_883 = tpu.memref_slice %arg7[%dma_wait3A_872, %dma_wait3A_881, %dma_wait3A_882] : memref<2x8x128xi32, #tpu.memory_space<vmem>> -> memref<1x8x128xi32, #tpu.memory_space<vmem>>
      %dma_wait3A_884 = tpu.memref_squeeze %dma_wait3A_883 : memref<1x8x128xi32, #tpu.memory_space<vmem>> -> memref<8x128xi32, #tpu.memory_space<vmem>>
      %dma_wait3A_885 = arith.constant 0 : i32
      %dma_wait3A_886 = arith.constant 0 : i32
      %dma_wait3A_887 = tpu.memref_slice %arg3[%dma_wait3A_871, %dma_wait3A_885, %dma_wait3A_886] : memref<320x8x128xi32, #tpu.memory_space<hbm>> -> memref<1x8x128xi32, #tpu.memory_space<hbm>>
      %dma_wait3A_888 = tpu.memref_squeeze %dma_wait3A_887 : memref<1x8x128xi32, #tpu.memory_space<hbm>> -> memref<8x128xi32, #tpu.memory_space<hbm>>
      tpu.wait_dma2 semaphore(%arg15 : memref<!tpu.dma_semaphore, #tpu.memory_space<semaphore_mem>>) src(%dma_wait3A_888 : memref<8x128xi32, #tpu.memory_space<hbm>>) dst(%dma_wait3A_884 : memref<8x128xi32, #tpu.memory_space<vmem>>)
      %sub3A_889 = arith.constant 1 : i32
      %sub3A_890 = arith.subi %sub3A_889, %rem3A_642 : i32
      %dma_wait3A_891 = arith.constant 0 : i32
      %dma_wait3A_892 = arith.constant 0 : i32
      %dma_wait3A_893 = arith.constant 0 : i32
      %dma_wait3A_894 = tpu.memref_slice %arg8[%dma_wait3A_891, %dma_wait3A_892, %dma_wait3A_893] : memref<2x8x128xi32, #tpu.memory_space<vmem>> -> memref<1x1x128xi32, #tpu.memory_space<vmem>>
      %dma_wait3A_895 = tpu.memref_squeeze %dma_wait3A_894 : memref<1x1x128xi32, #tpu.memory_space<vmem>> -> memref<128xi32, #tpu.memory_space<vmem>>
      %dma_wait3A_896 = arith.constant 0 : i32
      %dma_wait3A_897 = arith.constant 0 : i32
      %dma_wait3A_898 = tpu.memref_slice %arg6[%dma_wait3A_896, %dma_wait3A_897] : memref<10240x128xf32, #tpu.memory_space<vmem_shared>> -> memref<10240x128xf32, #tpu.memory_space<vmem_shared>>
      tpu.wait_indirect_dma semaphore(%arg13 : memref<!tpu.dma_semaphore, #tpu.memory_space<semaphore_mem>>) src(%arg9 : memref<128x128xf32, #tpu.memory_space<vmem>>) dst(%dma_wait3A_898 : memref<10240x128xf32, #tpu.memory_space<vmem_shared>>)
      %dma_start3A_899 = arith.constant 0 : i32
      %dma_start3A_900 = arith.constant 0 : i32
      %dma_start3A_901 = tpu.memref_slice %arg7[%sub3A_890, %dma_start3A_899, %dma_start3A_900] : memref<2x8x128xi32, #tpu.memory_space<vmem>> -> memref<1x1x128xi32, #tpu.memory_space<vmem>>
      %dma_start3A_902 = tpu.memref_squeeze %dma_start3A_901 : memref<1x1x128xi32, #tpu.memory_space<vmem>> -> memref<128xi32, #tpu.memory_space<vmem>>
      %dma_start3A_903 = arith.constant 0 : i32
      %dma_start3A_904 = arith.constant 0 : i32
      %dma_start3A_905 = tpu.memref_slice %arg2[%dma_start3A_903, %dma_start3A_904] : memref<10000x128xf32, #tpu.memory_space<hbm>> -> memref<10000x128xf32, #tpu.memory_space<hbm>>
      tpu.enqueue_indirect_dma source(%dma_start3A_905 : memref<10000x128xf32, #tpu.memory_space<hbm>>) target(%arg9 : memref<128x128xf32, #tpu.memory_space<vmem>>) offsets(%dma_start3A_902 : memref<128xi32, #tpu.memory_space<vmem>>) semaphore(%arg11 : memref<!tpu.dma_semaphore, #tpu.memory_space<semaphore_mem>>)
      %dma_wait3A_906 = arith.constant 0 : i32
      %dma_wait3A_907 = arith.constant 0 : i32
      %dma_wait3A_908 = arith.constant 0 : i32
      %dma_wait3A_909 = tpu.memref_slice %arg7[%dma_wait3A_906, %dma_wait3A_907, %dma_wait3A_908] : memref<2x8x128xi32, #tpu.memory_space<vmem>> -> memref<1x1x128xi32, #tpu.memory_space<vmem>>
      %dma_wait3A_910 = tpu.memref_squeeze %dma_wait3A_909 : memref<1x1x128xi32, #tpu.memory_space<vmem>> -> memref<128xi32, #tpu.memory_space<vmem>>
      %dma_wait3A_911 = arith.constant 0 : i32
      %dma_wait3A_912 = arith.constant 0 : i32
      %dma_wait3A_913 = tpu.memref_slice %arg2[%dma_wait3A_911, %dma_wait3A_912] : memref<10000x128xf32, #tpu.memory_space<hbm>> -> memref<10000x128xf32, #tpu.memory_space<hbm>>
      tpu.wait_indirect_dma semaphore(%arg12 : memref<!tpu.dma_semaphore, #tpu.memory_space<semaphore_mem>>) src(%dma_wait3A_913 : memref<10000x128xf32, #tpu.memory_space<hbm>>) dst(%arg10 : memref<128x128xf32, #tpu.memory_space<vmem>>)
      %dma_start3A_914 = arith.constant 7 : i32
      %dma_start3A_915 = arith.constant 0 : i32
      %dma_start3A_916 = tpu.memref_slice %arg8[%rem3A_642, %dma_start3A_914, %dma_start3A_915] : memref<2x8x128xi32, #tpu.memory_space<vmem>> -> memref<1x1x128xi32, #tpu.memory_space<vmem>>
      %dma_start3A_917 = tpu.memref_squeeze %dma_start3A_916 : memref<1x1x128xi32, #tpu.memory_space<vmem>> -> memref<128xi32, #tpu.memory_space<vmem>>
      %dma_start3A_918 = arith.constant 0 : i32
      %dma_start3A_919 = arith.constant 0 : i32
      %dma_start3A_920 = tpu.memref_slice %arg6[%dma_start3A_918, %dma_start3A_919] : memref<10240x128xf32, #tpu.memory_space<vmem_shared>> -> memref<10240x128xf32, #tpu.memory_space<vmem_shared>>
      tpu.enqueue_indirect_dma source(%arg10 : memref<128x128xf32, #tpu.memory_space<vmem>>) target(%dma_start3A_920 : memref<10240x128xf32, #tpu.memory_space<vmem_shared>>) offsets(%dma_start3A_917 : memref<128xi32, #tpu.memory_space<vmem>>) semaphore(%arg14 : memref<!tpu.dma_semaphore, #tpu.memory_space<semaphore_mem>>) {add = true}
      %add3A_921 = arith.constant 2 : i32
      %add3A_922 = arith.addi %while3A_640, %add3A_921 : i32
      %lt3A = arith.cmpi slt, %add3A_922, %select_n3A_8 : i32
      %convert_element_type3A_923 = arith.extui %lt3A : i1 to i32
      %cond3A_924 = arith.constant 0 : i32
      %cond3A_925 = arith.cmpi ne, %convert_element_type3A_923, %cond3A_924 : i32
      scf.if %cond3A_925 {
        %add3A_927 = arith.addi %select_n3A, %while3A_640 : i32
        %add3A_928 = arith.constant 2 : i32
        %add3A_929 = arith.addi %add3A_927, %add3A_928 : i32
        %dma_start3A_930 = arith.constant 0 : i32
        %dma_start3A_931 = arith.constant 0 : i32
        %dma_start3A_932 = tpu.memref_slice %arg7[%rem3A_642, %dma_start3A_930, %dma_start3A_931] : memref<2x8x128xi32, #tpu.memory_space<vmem>> -> memref<1x8x128xi32, #tpu.memory_space<vmem>>
        %dma_start3A_933 = tpu.memref_squeeze %dma_start3A_932 : memref<1x8x128xi32, #tpu.memory_space<vmem>> -> memref<8x128xi32, #tpu.memory_space<vmem>>
        %dma_start3A_934 = arith.constant 0 : i32
        %dma_start3A_935 = arith.constant 0 : i32
        %dma_start3A_936 = tpu.memref_slice %arg3[%add3A_929, %dma_start3A_934, %dma_start3A_935] : memref<320x8x128xi32, #tpu.memory_space<hbm>> -> memref<1x8x128xi32, #tpu.memory_space<hbm>>
        %dma_start3A_937 = tpu.memref_squeeze %dma_start3A_936 : memref<1x8x128xi32, #tpu.memory_space<hbm>> -> memref<8x128xi32, #tpu.memory_space<hbm>>
        %dma_start3A_938 = arith.constant 0 : i32
        %dma_start3A_939 = arith.constant 0 : i32
        %dma_start3A_940 = tpu.memref_slice %arg7[%rem3A_642, %dma_start3A_938, %dma_start3A_939] : memref<2x8x128xi32, #tpu.memory_space<vmem>> -> memref<1x8x128xi32, #tpu.memory_space<vmem>>
        %dma_start3A_941 = tpu.memref_squeeze %dma_start3A_940 : memref<1x8x128xi32, #tpu.memory_space<vmem>> -> memref<8x128xi32, #tpu.memory_space<vmem>>
        %dma_start3A_942 = arith.constant 0 : i32
        %dma_start3A_943 = arith.constant 0 : i32
        %dma_start3A_944 = tpu.memref_slice %arg3[%add3A_929, %dma_start3A_942, %dma_start3A_943] : memref<320x8x128xi32, #tpu.memory_space<hbm>> -> memref<1x8x128xi32, #tpu.memory_space<hbm>>
        %dma_start3A_945 = tpu.memref_squeeze %dma_start3A_944 : memref<1x8x128xi32, #tpu.memory_space<hbm>> -> memref<8x128xi32, #tpu.memory_space<hbm>>
        tpu.enqueue_dma source(%dma_start3A_945 : memref<8x128xi32, #tpu.memory_space<hbm>>) target(%dma_start3A_941 : memref<8x128xi32, #tpu.memory_space<vmem>>) target_semaphore(%arg15 : memref<!tpu.dma_semaphore, #tpu.memory_space<semaphore_mem>>)
        %dma_start3A_946 = arith.constant 0 : i32
        %dma_start3A_947 = arith.constant 0 : i32
        %dma_start3A_948 = tpu.memref_slice %arg8[%rem3A_642, %dma_start3A_946, %dma_start3A_947] : memref<2x8x128xi32, #tpu.memory_space<vmem>> -> memref<1x8x128xi32, #tpu.memory_space<vmem>>
        %dma_start3A_949 = tpu.memref_squeeze %dma_start3A_948 : memref<1x8x128xi32, #tpu.memory_space<vmem>> -> memref<8x128xi32, #tpu.memory_space<vmem>>
        %dma_start3A_950 = arith.constant 0 : i32
        %dma_start3A_951 = arith.constant 0 : i32
        %dma_start3A_952 = tpu.memref_slice %arg4[%add3A_929, %dma_start3A_950, %dma_start3A_951] : memref<320x8x128xi32, #tpu.memory_space<hbm>> -> memref<1x8x128xi32, #tpu.memory_space<hbm>>
        %dma_start3A_953 = tpu.memref_squeeze %dma_start3A_952 : memref<1x8x128xi32, #tpu.memory_space<hbm>> -> memref<8x128xi32, #tpu.memory_space<hbm>>
        %dma_start3A_954 = arith.constant 0 : i32
        %dma_start3A_955 = arith.constant 0 : i32
        %dma_start3A_956 = tpu.memref_slice %arg8[%rem3A_642, %dma_start3A_954, %dma_start3A_955] : memref<2x8x128xi32, #tpu.memory_space<vmem>> -> memref<1x8x128xi32, #tpu.memory_space<vmem>>
        %dma_start3A_957 = tpu.memref_squeeze %dma_start3A_956 : memref<1x8x128xi32, #tpu.memory_space<vmem>> -> memref<8x128xi32, #tpu.memory_space<vmem>>
        %dma_start3A_958 = arith.constant 0 : i32
        %dma_start3A_959 = arith.constant 0 : i32
        %dma_start3A_960 = tpu.memref_slice %arg4[%add3A_929, %dma_start3A_958, %dma_start3A_959] : memref<320x8x128xi32, #tpu.memory_space<hbm>> -> memref<1x8x128xi32, #tpu.memory_space<hbm>>
        %dma_start3A_961 = tpu.memref_squeeze %dma_start3A_960 : memref<1x8x128xi32, #tpu.memory_space<hbm>> -> memref<8x128xi32, #tpu.memory_space<hbm>>
        tpu.enqueue_dma source(%dma_start3A_961 : memref<8x128xi32, #tpu.memory_space<hbm>>) target(%dma_start3A_957 : memref<8x128xi32, #tpu.memory_space<vmem>>) target_semaphore(%arg15 : memref<!tpu.dma_semaphore, #tpu.memory_space<semaphore_mem>>)
      } else {
      }
      %while3A_926 = arith.constant 0 : i32
      scf.yield %while3A_926 : i32
    }
    %while3A_375 = arith.constant 1 : i32
    %while3A_376 = scf.for %while3A_640 = %while3A_372 to %while3A_368 step %while3A_375 iter_args(%while3A_641 = %while3A_374) -> (i32)  : i32 {
      %rem3A = arith.constant 2 : i32
      %rem3A_642 = arith.remsi %while3A_640, %rem3A : i32
      %dma_wait3A_643 = arith.constant 0 : i32
      %dma_wait3A_644 = arith.constant 0 : i32
      %dma_wait3A_645 = arith.constant 0 : i32
      %dma_wait3A_646 = tpu.memref_slice %arg8[%dma_wait3A_643, %dma_wait3A_644, %dma_wait3A_645] : memref<2x8x128xi32, #tpu.memory_space<vmem>> -> memref<1x1x128xi32, #tpu.memory_space<vmem>>
      %dma_wait3A_647 = tpu.memref_squeeze %dma_wait3A_646 : memref<1x1x128xi32, #tpu.memory_space<vmem>> -> memref<128xi32, #tpu.memory_space<vmem>>
      %dma_wait3A_648 = arith.constant 0 : i32
      %dma_wait3A_649 = arith.constant 0 : i32
      %dma_wait3A_650 = tpu.memref_slice %arg6[%dma_wait3A_648, %dma_wait3A_649] : memref<10240x128xf32, #tpu.memory_space<vmem_shared>> -> memref<10240x128xf32, #tpu.memory_space<vmem_shared>>
      tpu.wait_indirect_dma semaphore(%arg14 : memref<!tpu.dma_semaphore, #tpu.memory_space<semaphore_mem>>) src(%arg10 : memref<128x128xf32, #tpu.memory_space<vmem>>) dst(%dma_wait3A_650 : memref<10240x128xf32, #tpu.memory_space<vmem_shared>>)
      %dma_start3A_651 = arith.constant 1 : i32
      %dma_start3A_652 = arith.constant 0 : i32
      %dma_start3A_653 = tpu.memref_slice %arg7[%rem3A_642, %dma_start3A_651, %dma_start3A_652] : memref<2x8x128xi32, #tpu.memory_space<vmem>> -> memref<1x1x128xi32, #tpu.memory_space<vmem>>
      %dma_start3A_654 = tpu.memref_squeeze %dma_start3A_653 : memref<1x1x128xi32, #tpu.memory_space<vmem>> -> memref<128xi32, #tpu.memory_space<vmem>>
      %dma_start3A_655 = arith.constant 0 : i32
      %dma_start3A_656 = arith.constant 0 : i32
      %dma_start3A_657 = tpu.memref_slice %arg2[%dma_start3A_655, %dma_start3A_656] : memref<10000x128xf32, #tpu.memory_space<hbm>> -> memref<10000x128xf32, #tpu.memory_space<hbm>>
      tpu.enqueue_indirect_dma source(%dma_start3A_657 : memref<10000x128xf32, #tpu.memory_space<hbm>>) target(%arg10 : memref<128x128xf32, #tpu.memory_space<vmem>>) offsets(%dma_start3A_654 : memref<128xi32, #tpu.memory_space<vmem>>) semaphore(%arg12 : memref<!tpu.dma_semaphore, #tpu.memory_space<semaphore_mem>>)
      %dma_wait3A_658 = arith.constant 0 : i32
      %dma_wait3A_659 = arith.constant 0 : i32
      %dma_wait3A_660 = arith.constant 0 : i32
      %dma_wait3A_661 = tpu.memref_slice %arg7[%dma_wait3A_658, %dma_wait3A_659, %dma_wait3A_660] : memref<2x8x128xi32, #tpu.memory_space<vmem>> -> memref<1x1x128xi32, #tpu.memory_space<vmem>>
      %dma_wait3A_662 = tpu.memref_squeeze %dma_wait3A_661 : memref<1x1x128xi32, #tpu.memory_space<vmem>> -> memref<128xi32, #tpu.memory_space<vmem>>
      %dma_wait3A_663 = arith.constant 0 : i32
      %dma_wait3A_664 = arith.constant 0 : i32
      %dma_wait3A_665 = tpu.memref_slice %arg2[%dma_wait3A_663, %dma_wait3A_664] : memref<10000x128xf32, #tpu.memory_space<hbm>> -> memref<10000x128xf32, #tpu.memory_space<hbm>>
      tpu.wait_indirect_dma semaphore(%arg11 : memref<!tpu.dma_semaphore, #tpu.memory_space<semaphore_mem>>) src(%dma_wait3A_665 : memref<10000x128xf32, #tpu.memory_space<hbm>>) dst(%arg9 : memref<128x128xf32, #tpu.memory_space<vmem>>)
      %dma_start3A_666 = arith.constant 0 : i32
      %dma_start3A_667 = arith.constant 0 : i32
      %dma_start3A_668 = tpu.memref_slice %arg8[%rem3A_642, %dma_start3A_666, %dma_start3A_667] : memref<2x8x128xi32, #tpu.memory_space<vmem>> -> memref<1x1x128xi32, #tpu.memory_space<vmem>>
      %dma_start3A_669 = tpu.memref_squeeze %dma_start3A_668 : memref<1x1x128xi32, #tpu.memory_space<vmem>> -> memref<128xi32, #tpu.memory_space<vmem>>
      %dma_start3A_670 = arith.constant 0 : i32
      %dma_start3A_671 = arith.constant 0 : i32
      %dma_start3A_672 = tpu.memref_slice %arg6[%dma_start3A_670, %dma_start3A_671] : memref<10240x128xf32, #tpu.memory_space<vmem_shared>> -> memref<10240x128xf32, #tpu.memory_space<vmem_shared>>
      tpu.enqueue_indirect_dma source(%arg9 : memref<128x128xf32, #tpu.memory_space<vmem>>) target(%dma_start3A_672 : memref<10240x128xf32, #tpu.memory_space<vmem_shared>>) offsets(%dma_start3A_669 : memref<128xi32, #tpu.memory_space<vmem>>) semaphore(%arg13 : memref<!tpu.dma_semaphore, #tpu.memory_space<semaphore_mem>>) {add = true}
      %dma_wait3A_673 = arith.constant 0 : i32
      %dma_wait3A_674 = arith.constant 0 : i32
      %dma_wait3A_675 = arith.constant 0 : i32
      %dma_wait3A_676 = tpu.memref_slice %arg8[%dma_wait3A_673, %dma_wait3A_674, %dma_wait3A_675] : memref<2x8x128xi32, #tpu.memory_space<vmem>> -> memref<1x1x128xi32, #tpu.memory_space<vmem>>
      %dma_wait3A_677 = tpu.memref_squeeze %dma_wait3A_676 : memref<1x1x128xi32, #tpu.memory_space<vmem>> -> memref<128xi32, #tpu.memory_space<vmem>>
      %dma_wait3A_678 = arith.constant 0 : i32
      %dma_wait3A_679 = arith.constant 0 : i32
      %dma_wait3A_680 = tpu.memref_slice %arg6[%dma_wait3A_678, %dma_wait3A_679] : memref<10240x128xf32, #tpu.memory_space<vmem_shared>> -> memref<10240x128xf32, #tpu.memory_space<vmem_shared>>
      tpu.wait_indirect_dma semaphore(%arg13 : memref<!tpu.dma_semaphore, #tpu.memory_space<semaphore_mem>>) src(%arg9 : memref<128x128xf32, #tpu.memory_space<vmem>>) dst(%dma_wait3A_680 : memref<10240x128xf32, #tpu.memory_space<vmem_shared>>)
      %dma_start3A_681 = arith.constant 2 : i32
      %dma_start3A_682 = arith.constant 0 : i32
      %dma_start3A_683 = tpu.memref_slice %arg7[%rem3A_642, %dma_start3A_681, %dma_start3A_682] : memref<2x8x128xi32, #tpu.memory_space<vmem>> -> memref<1x1x128xi32, #tpu.memory_space<vmem>>
      %dma_start3A_684 = tpu.memref_squeeze %dma_start3A_683 : memref<1x1x128xi32, #tpu.memory_space<vmem>> -> memref<128xi32, #tpu.memory_space<vmem>>
      %dma_start3A_685 = arith.constant 0 : i32
      %dma_start3A_686 = arith.constant 0 : i32
      %dma_start3A_687 = tpu.memref_slice %arg2[%dma_start3A_685, %dma_start3A_686] : memref<10000x128xf32, #tpu.memory_space<hbm>> -> memref<10000x128xf32, #tpu.memory_space<hbm>>
      tpu.enqueue_indirect_dma source(%dma_start3A_687 : memref<10000x128xf32, #tpu.memory_space<hbm>>) target(%arg9 : memref<128x128xf32, #tpu.memory_space<vmem>>) offsets(%dma_start3A_684 : memref<128xi32, #tpu.memory_space<vmem>>) semaphore(%arg11 : memref<!tpu.dma_semaphore, #tpu.memory_space<semaphore_mem>>)
      %dma_wait3A_688 = arith.constant 0 : i32
      %dma_wait3A_689 = arith.constant 0 : i32
      %dma_wait3A_690 = arith.constant 0 : i32
      %dma_wait3A_691 = tpu.memref_slice %arg7[%dma_wait3A_688, %dma_wait3A_689, %dma_wait3A_690] : memref<2x8x128xi32, #tpu.memory_space<vmem>> -> memref<1x1x128xi32, #tpu.memory_space<vmem>>
      %dma_wait3A_692 = tpu.memref_squeeze %dma_wait3A_691 : memref<1x1x128xi32, #tpu.memory_space<vmem>> -> memref<128xi32, #tpu.memory_space<vmem>>
      %dma_wait3A_693 = arith.constant 0 : i32
      %dma_wait3A_694 = arith.constant 0 : i32
      %dma_wait3A_695 = tpu.memref_slice %arg2[%dma_wait3A_693, %dma_wait3A_694] : memref<10000x128xf32, #tpu.memory_space<hbm>> -> memref<10000x128xf32, #tpu.memory_space<hbm>>
      tpu.wait_indirect_dma semaphore(%arg12 : memref<!tpu.dma_semaphore, #tpu.memory_space<semaphore_mem>>) src(%dma_wait3A_695 : memref<10000x128xf32, #tpu.memory_space<hbm>>) dst(%arg10 : memref<128x128xf32, #tpu.memory_space<vmem>>)
      %dma_start3A_696 = arith.constant 1 : i32
      %dma_start3A_697 = arith.constant 0 : i32
      %dma_start3A_698 = tpu.memref_slice %arg8[%rem3A_642, %dma_start3A_696, %dma_start3A_697] : memref<2x8x128xi32, #tpu.memory_space<vmem>> -> memref<1x1x128xi32, #tpu.memory_space<vmem>>
      %dma_start3A_699 = tpu.memref_squeeze %dma_start3A_698 : memref<1x1x128xi32, #tpu.memory_space<vmem>> -> memref<128xi32, #tpu.memory_space<vmem>>
      %dma_start3A_700 = arith.constant 0 : i32
      %dma_start3A_701 = arith.constant 0 : i32
      %dma_start3A_702 = tpu.memref_slice %arg6[%dma_start3A_700, %dma_start3A_701] : memref<10240x128xf32, #tpu.memory_space<vmem_shared>> -> memref<10240x128xf32, #tpu.memory_space<vmem_shared>>
      tpu.enqueue_indirect_dma source(%arg10 : memref<128x128xf32, #tpu.memory_space<vmem>>) target(%dma_start3A_702 : memref<10240x128xf32, #tpu.memory_space<vmem_shared>>) offsets(%dma_start3A_699 : memref<128xi32, #tpu.memory_space<vmem>>) semaphore(%arg14 : memref<!tpu.dma_semaphore, #tpu.memory_space<semaphore_mem>>) {add = true}
      %dma_wait3A_703 = arith.constant 0 : i32
      %dma_wait3A_704 = arith.constant 0 : i32
      %dma_wait3A_705 = arith.constant 0 : i32
      %dma_wait3A_706 = tpu.memref_slice %arg8[%dma_wait3A_703, %dma_wait3A_704, %dma_wait3A_705] : memref<2x8x128xi32, #tpu.memory_space<vmem>> -> memref<1x1x128xi32, #tpu.memory_space<vmem>>
      %dma_wait3A_707 = tpu.memref_squeeze %dma_wait3A_706 : memref<1x1x128xi32, #tpu.memory_space<vmem>> -> memref<128xi32, #tpu.memory_space<vmem>>
      %dma_wait3A_708 = arith.constant 0 : i32
      %dma_wait3A_709 = arith.constant 0 : i32
      %dma_wait3A_710 = tpu.memref_slice %arg6[%dma_wait3A_708, %dma_wait3A_709] : memref<10240x128xf32, #tpu.memory_space<vmem_shared>> -> memref<10240x128xf32, #tpu.memory_space<vmem_shared>>
      tpu.wait_indirect_dma semaphore(%arg14 : memref<!tpu.dma_semaphore, #tpu.memory_space<semaphore_mem>>) src(%arg10 : memref<128x128xf32, #tpu.memory_space<vmem>>) dst(%dma_wait3A_710 : memref<10240x128xf32, #tpu.memory_space<vmem_shared>>)
      %dma_start3A_711 = arith.constant 3 : i32
      %dma_start3A_712 = arith.constant 0 : i32
      %dma_start3A_713 = tpu.memref_slice %arg7[%rem3A_642, %dma_start3A_711, %dma_start3A_712] : memref<2x8x128xi32, #tpu.memory_space<vmem>> -> memref<1x1x128xi32, #tpu.memory_space<vmem>>
      %dma_start3A_714 = tpu.memref_squeeze %dma_start3A_713 : memref<1x1x128xi32, #tpu.memory_space<vmem>> -> memref<128xi32, #tpu.memory_space<vmem>>
      %dma_start3A_715 = arith.constant 0 : i32
      %dma_start3A_716 = arith.constant 0 : i32
      %dma_start3A_717 = tpu.memref_slice %arg2[%dma_start3A_715, %dma_start3A_716] : memref<10000x128xf32, #tpu.memory_space<hbm>> -> memref<10000x128xf32, #tpu.memory_space<hbm>>
      tpu.enqueue_indirect_dma source(%dma_start3A_717 : memref<10000x128xf32, #tpu.memory_space<hbm>>) target(%arg10 : memref<128x128xf32, #tpu.memory_space<vmem>>) offsets(%dma_start3A_714 : memref<128xi32, #tpu.memory_space<vmem>>) semaphore(%arg12 : memref<!tpu.dma_semaphore, #tpu.memory_space<semaphore_mem>>)
      %dma_wait3A_718 = arith.constant 0 : i32
      %dma_wait3A_719 = arith.constant 0 : i32
      %dma_wait3A_720 = arith.constant 0 : i32
      %dma_wait3A_721 = tpu.memref_slice %arg7[%dma_wait3A_718, %dma_wait3A_719, %dma_wait3A_720] : memref<2x8x128xi32, #tpu.memory_space<vmem>> -> memref<1x1x128xi32, #tpu.memory_space<vmem>>
      %dma_wait3A_722 = tpu.memref_squeeze %dma_wait3A_721 : memref<1x1x128xi32, #tpu.memory_space<vmem>> -> memref<128xi32, #tpu.memory_space<vmem>>
      %dma_wait3A_723 = arith.constant 0 : i32
      %dma_wait3A_724 = arith.constant 0 : i32
      %dma_wait3A_725 = tpu.memref_slice %arg2[%dma_wait3A_723, %dma_wait3A_724] : memref<10000x128xf32, #tpu.memory_space<hbm>> -> memref<10000x128xf32, #tpu.memory_space<hbm>>
      tpu.wait_indirect_dma semaphore(%arg11 : memref<!tpu.dma_semaphore, #tpu.memory_space<semaphore_mem>>) src(%dma_wait3A_725 : memref<10000x128xf32, #tpu.memory_space<hbm>>) dst(%arg9 : memref<128x128xf32, #tpu.memory_space<vmem>>)
      %dma_start3A_726 = arith.constant 2 : i32
      %dma_start3A_727 = arith.constant 0 : i32
      %dma_start3A_728 = tpu.memref_slice %arg8[%rem3A_642, %dma_start3A_726, %dma_start3A_727] : memref<2x8x128xi32, #tpu.memory_space<vmem>> -> memref<1x1x128xi32, #tpu.memory_space<vmem>>
      %dma_start3A_729 = tpu.memref_squeeze %dma_start3A_728 : memref<1x1x128xi32, #tpu.memory_space<vmem>> -> memref<128xi32, #tpu.memory_space<vmem>>
      %dma_start3A_730 = arith.constant 0 : i32
      %dma_start3A_731 = arith.constant 0 : i32
      %dma_start3A_732 = tpu.memref_slice %arg6[%dma_start3A_730, %dma_start3A_731] : memref<10240x128xf32, #tpu.memory_space<vmem_shared>> -> memref<10240x128xf32, #tpu.memory_space<vmem_shared>>
      tpu.enqueue_indirect_dma source(%arg9 : memref<128x128xf32, #tpu.memory_space<vmem>>) target(%dma_start3A_732 : memref<10240x128xf32, #tpu.memory_space<vmem_shared>>) offsets(%dma_start3A_729 : memref<128xi32, #tpu.memory_space<vmem>>) semaphore(%arg13 : memref<!tpu.dma_semaphore, #tpu.memory_space<semaphore_mem>>) {add = true}
      %dma_wait3A_733 = arith.constant 0 : i32
      %dma_wait3A_734 = arith.constant 0 : i32
      %dma_wait3A_735 = arith.constant 0 : i32
      %dma_wait3A_736 = tpu.memref_slice %arg8[%dma_wait3A_733, %dma_wait3A_734, %dma_wait3A_735] : memref<2x8x128xi32, #tpu.memory_space<vmem>> -> memref<1x1x128xi32, #tpu.memory_space<vmem>>
      %dma_wait3A_737 = tpu.memref_squeeze %dma_wait3A_736 : memref<1x1x128xi32, #tpu.memory_space<vmem>> -> memref<128xi32, #tpu.memory_space<vmem>>
      %dma_wait3A_738 = arith.constant 0 : i32
      %dma_wait3A_739 = arith.constant 0 : i32
      %dma_wait3A_740 = tpu.memref_slice %arg6[%dma_wait3A_738, %dma_wait3A_739] : memref<10240x128xf32, #tpu.memory_space<vmem_shared>> -> memref<10240x128xf32, #tpu.memory_space<vmem_shared>>
      tpu.wait_indirect_dma semaphore(%arg13 : memref<!tpu.dma_semaphore, #tpu.memory_space<semaphore_mem>>) src(%arg9 : memref<128x128xf32, #tpu.memory_space<vmem>>) dst(%dma_wait3A_740 : memref<10240x128xf32, #tpu.memory_space<vmem_shared>>)
      %dma_start3A_741 = arith.constant 4 : i32
      %dma_start3A_742 = arith.constant 0 : i32
      %dma_start3A_743 = tpu.memref_slice %arg7[%rem3A_642, %dma_start3A_741, %dma_start3A_742] : memref<2x8x128xi32, #tpu.memory_space<vmem>> -> memref<1x1x128xi32, #tpu.memory_space<vmem>>
      %dma_start3A_744 = tpu.memref_squeeze %dma_start3A_743 : memref<1x1x128xi32, #tpu.memory_space<vmem>> -> memref<128xi32, #tpu.memory_space<vmem>>
      %dma_start3A_745 = arith.constant 0 : i32
      %dma_start3A_746 = arith.constant 0 : i32
      %dma_start3A_747 = tpu.memref_slice %arg2[%dma_start3A_745, %dma_start3A_746] : memref<10000x128xf32, #tpu.memory_space<hbm>> -> memref<10000x128xf32, #tpu.memory_space<hbm>>
      tpu.enqueue_indirect_dma source(%dma_start3A_747 : memref<10000x128xf32, #tpu.memory_space<hbm>>) target(%arg9 : memref<128x128xf32, #tpu.memory_space<vmem>>) offsets(%dma_start3A_744 : memref<128xi32, #tpu.memory_space<vmem>>) semaphore(%arg11 : memref<!tpu.dma_semaphore, #tpu.memory_space<semaphore_mem>>)
      %dma_wait3A_748 = arith.constant 0 : i32
      %dma_wait3A_749 = arith.constant 0 : i32
      %dma_wait3A_750 = arith.constant 0 : i32
      %dma_wait3A_751 = tpu.memref_slice %arg7[%dma_wait3A_748, %dma_wait3A_749, %dma_wait3A_750] : memref<2x8x128xi32, #tpu.memory_space<vmem>> -> memref<1x1x128xi32, #tpu.memory_space<vmem>>
      %dma_wait3A_752 = tpu.memref_squeeze %dma_wait3A_751 : memref<1x1x128xi32, #tpu.memory_space<vmem>> -> memref<128xi32, #tpu.memory_space<vmem>>
      %dma_wait3A_753 = arith.constant 0 : i32
      %dma_wait3A_754 = arith.constant 0 : i32
      %dma_wait3A_755 = tpu.memref_slice %arg2[%dma_wait3A_753, %dma_wait3A_754] : memref<10000x128xf32, #tpu.memory_space<hbm>> -> memref<10000x128xf32, #tpu.memory_space<hbm>>
      tpu.wait_indirect_dma semaphore(%arg12 : memref<!tpu.dma_semaphore, #tpu.memory_space<semaphore_mem>>) src(%dma_wait3A_755 : memref<10000x128xf32, #tpu.memory_space<hbm>>) dst(%arg10 : memref<128x128xf32, #tpu.memory_space<vmem>>)
      %dma_start3A_756 = arith.constant 3 : i32
      %dma_start3A_757 = arith.constant 0 : i32
      %dma_start3A_758 = tpu.memref_slice %arg8[%rem3A_642, %dma_start3A_756, %dma_start3A_757] : memref<2x8x128xi32, #tpu.memory_space<vmem>> -> memref<1x1x128xi32, #tpu.memory_space<vmem>>
      %dma_start3A_759 = tpu.memref_squeeze %dma_start3A_758 : memref<1x1x128xi32, #tpu.memory_space<vmem>> -> memref<128xi32, #tpu.memory_space<vmem>>
      %dma_start3A_760 = arith.constant 0 : i32
      %dma_start3A_761 = arith.constant 0 : i32
      %dma_start3A_762 = tpu.memref_slice %arg6[%dma_start3A_760, %dma_start3A_761] : memref<10240x128xf32, #tpu.memory_space<vmem_shared>> -> memref<10240x128xf32, #tpu.memory_space<vmem_shared>>
      tpu.enqueue_indirect_dma source(%arg10 : memref<128x128xf32, #tpu.memory_space<vmem>>) target(%dma_start3A_762 : memref<10240x128xf32, #tpu.memory_space<vmem_shared>>) offsets(%dma_start3A_759 : memref<128xi32, #tpu.memory_space<vmem>>) semaphore(%arg14 : memref<!tpu.dma_semaphore, #tpu.memory_space<semaphore_mem>>) {add = true}
      %dma_wait3A_763 = arith.constant 0 : i32
      %dma_wait3A_764 = arith.constant 0 : i32
      %dma_wait3A_765 = arith.constant 0 : i32
      %dma_wait3A_766 = tpu.memref_slice %arg8[%dma_wait3A_763, %dma_wait3A_764, %dma_wait3A_765] : memref<2x8x128xi32, #tpu.memory_space<vmem>> -> memref<1x1x128xi32, #tpu.memory_space<vmem>>
      %dma_wait3A_767 = tpu.memref_squeeze %dma_wait3A_766 : memref<1x1x128xi32, #tpu.memory_space<vmem>> -> memref<128xi32, #tpu.memory_space<vmem>>
      %dma_wait3A_768 = arith.constant 0 : i32
      %dma_wait3A_769 = arith.constant 0 : i32
      %dma_wait3A_770 = tpu.memref_slice %arg6[%dma_wait3A_768, %dma_wait3A_769] : memref<10240x128xf32, #tpu.memory_space<vmem_shared>> -> memref<10240x128xf32, #tpu.memory_space<vmem_shared>>
      tpu.wait_indirect_dma semaphore(%arg14 : memref<!tpu.dma_semaphore, #tpu.memory_space<semaphore_mem>>) src(%arg10 : memref<128x128xf32, #tpu.memory_space<vmem>>) dst(%dma_wait3A_770 : memref<10240x128xf32, #tpu.memory_space<vmem_shared>>)
      %dma_start3A_771 = arith.constant 5 : i32
      %dma_start3A_772 = arith.constant 0 : i32
      %dma_start3A_773 = tpu.memref_slice %arg7[%rem3A_642, %dma_start3A_771, %dma_start3A_772] : memref<2x8x128xi32, #tpu.memory_space<vmem>> -> memref<1x1x128xi32, #tpu.memory_space<vmem>>
      %dma_start3A_774 = tpu.memref_squeeze %dma_start3A_773 : memref<1x1x128xi32, #tpu.memory_space<vmem>> -> memref<128xi32, #tpu.memory_space<vmem>>
      %dma_start3A_775 = arith.constant 0 : i32
      %dma_start3A_776 = arith.constant 0 : i32
      %dma_start3A_777 = tpu.memref_slice %arg2[%dma_start3A_775, %dma_start3A_776] : memref<10000x128xf32, #tpu.memory_space<hbm>> -> memref<10000x128xf32, #tpu.memory_space<hbm>>
      tpu.enqueue_indirect_dma source(%dma_start3A_777 : memref<10000x128xf32, #tpu.memory_space<hbm>>) target(%arg10 : memref<128x128xf32, #tpu.memory_space<vmem>>) offsets(%dma_start3A_774 : memref<128xi32, #tpu.memory_space<vmem>>) semaphore(%arg12 : memref<!tpu.dma_semaphore, #tpu.memory_space<semaphore_mem>>)
      %dma_wait3A_778 = arith.constant 0 : i32
      %dma_wait3A_779 = arith.constant 0 : i32
      %dma_wait3A_780 = arith.constant 0 : i32
      %dma_wait3A_781 = tpu.memref_slice %arg7[%dma_wait3A_778, %dma_wait3A_779, %dma_wait3A_780] : memref<2x8x128xi32, #tpu.memory_space<vmem>> -> memref<1x1x128xi32, #tpu.memory_space<vmem>>
      %dma_wait3A_782 = tpu.memref_squeeze %dma_wait3A_781 : memref<1x1x128xi32, #tpu.memory_space<vmem>> -> memref<128xi32, #tpu.memory_space<vmem>>
      %dma_wait3A_783 = arith.constant 0 : i32
      %dma_wait3A_784 = arith.constant 0 : i32
      %dma_wait3A_785 = tpu.memref_slice %arg2[%dma_wait3A_783, %dma_wait3A_784] : memref<10000x128xf32, #tpu.memory_space<hbm>> -> memref<10000x128xf32, #tpu.memory_space<hbm>>
      tpu.wait_indirect_dma semaphore(%arg11 : memref<!tpu.dma_semaphore, #tpu.memory_space<semaphore_mem>>) src(%dma_wait3A_785 : memref<10000x128xf32, #tpu.memory_space<hbm>>) dst(%arg9 : memref<128x128xf32, #tpu.memory_space<vmem>>)
      %dma_start3A_786 = arith.constant 4 : i32
      %dma_start3A_787 = arith.constant 0 : i32
      %dma_start3A_788 = tpu.memref_slice %arg8[%rem3A_642, %dma_start3A_786, %dma_start3A_787] : memref<2x8x128xi32, #tpu.memory_space<vmem>> -> memref<1x1x128xi32, #tpu.memory_space<vmem>>
      %dma_start3A_789 = tpu.memref_squeeze %dma_start3A_788 : memref<1x1x128xi32, #tpu.memory_space<vmem>> -> memref<128xi32, #tpu.memory_space<vmem>>
      %dma_start3A_790 = arith.constant 0 : i32
      %dma_start3A_791 = arith.constant 0 : i32
      %dma_start3A_792 = tpu.memref_slice %arg6[%dma_start3A_790, %dma_start3A_791] : memref<10240x128xf32, #tpu.memory_space<vmem_shared>> -> memref<10240x128xf32, #tpu.memory_space<vmem_shared>>
      tpu.enqueue_indirect_dma source(%arg9 : memref<128x128xf32, #tpu.memory_space<vmem>>) target(%dma_start3A_792 : memref<10240x128xf32, #tpu.memory_space<vmem_shared>>) offsets(%dma_start3A_789 : memref<128xi32, #tpu.memory_space<vmem>>) semaphore(%arg13 : memref<!tpu.dma_semaphore, #tpu.memory_space<semaphore_mem>>) {add = true}
      %dma_wait3A_793 = arith.constant 0 : i32
      %dma_wait3A_794 = arith.constant 0 : i32
      %dma_wait3A_795 = arith.constant 0 : i32
      %dma_wait3A_796 = tpu.memref_slice %arg8[%dma_wait3A_793, %dma_wait3A_794, %dma_wait3A_795] : memref<2x8x128xi32, #tpu.memory_space<vmem>> -> memref<1x1x128xi32, #tpu.memory_space<vmem>>
      %dma_wait3A_797 = tpu.memref_squeeze %dma_wait3A_796 : memref<1x1x128xi32, #tpu.memory_space<vmem>> -> memref<128xi32, #tpu.memory_space<vmem>>
      %dma_wait3A_798 = arith.constant 0 : i32
      %dma_wait3A_799 = arith.constant 0 : i32
      %dma_wait3A_800 = tpu.memref_slice %arg6[%dma_wait3A_798, %dma_wait3A_799] : memref<10240x128xf32, #tpu.memory_space<vmem_shared>> -> memref<10240x128xf32, #tpu.memory_space<vmem_shared>>
      tpu.wait_indirect_dma semaphore(%arg13 : memref<!tpu.dma_semaphore, #tpu.memory_space<semaphore_mem>>) src(%arg9 : memref<128x128xf32, #tpu.memory_space<vmem>>) dst(%dma_wait3A_800 : memref<10240x128xf32, #tpu.memory_space<vmem_shared>>)
      %dma_start3A_801 = arith.constant 6 : i32
      %dma_start3A_802 = arith.constant 0 : i32
      %dma_start3A_803 = tpu.memref_slice %arg7[%rem3A_642, %dma_start3A_801, %dma_start3A_802] : memref<2x8x128xi32, #tpu.memory_space<vmem>> -> memref<1x1x128xi32, #tpu.memory_space<vmem>>
      %dma_start3A_804 = tpu.memref_squeeze %dma_start3A_803 : memref<1x1x128xi32, #tpu.memory_space<vmem>> -> memref<128xi32, #tpu.memory_space<vmem>>
      %dma_start3A_805 = arith.constant 0 : i32
      %dma_start3A_806 = arith.constant 0 : i32
      %dma_start3A_807 = tpu.memref_slice %arg2[%dma_start3A_805, %dma_start3A_806] : memref<10000x128xf32, #tpu.memory_space<hbm>> -> memref<10000x128xf32, #tpu.memory_space<hbm>>
      tpu.enqueue_indirect_dma source(%dma_start3A_807 : memref<10000x128xf32, #tpu.memory_space<hbm>>) target(%arg9 : memref<128x128xf32, #tpu.memory_space<vmem>>) offsets(%dma_start3A_804 : memref<128xi32, #tpu.memory_space<vmem>>) semaphore(%arg11 : memref<!tpu.dma_semaphore, #tpu.memory_space<semaphore_mem>>)
      %dma_wait3A_808 = arith.constant 0 : i32
      %dma_wait3A_809 = arith.constant 0 : i32
      %dma_wait3A_810 = arith.constant 0 : i32
      %dma_wait3A_811 = tpu.memref_slice %arg7[%dma_wait3A_808, %dma_wait3A_809, %dma_wait3A_810] : memref<2x8x128xi32, #tpu.memory_space<vmem>> -> memref<1x1x128xi32, #tpu.memory_space<vmem>>
      %dma_wait3A_812 = tpu.memref_squeeze %dma_wait3A_811 : memref<1x1x128xi32, #tpu.memory_space<vmem>> -> memref<128xi32, #tpu.memory_space<vmem>>
      %dma_wait3A_813 = arith.constant 0 : i32
      %dma_wait3A_814 = arith.constant 0 : i32
      %dma_wait3A_815 = tpu.memref_slice %arg2[%dma_wait3A_813, %dma_wait3A_814] : memref<10000x128xf32, #tpu.memory_space<hbm>> -> memref<10000x128xf32, #tpu.memory_space<hbm>>
      tpu.wait_indirect_dma semaphore(%arg12 : memref<!tpu.dma_semaphore, #tpu.memory_space<semaphore_mem>>) src(%dma_wait3A_815 : memref<10000x128xf32, #tpu.memory_space<hbm>>) dst(%arg10 : memref<128x128xf32, #tpu.memory_space<vmem>>)
      %dma_start3A_816 = arith.constant 5 : i32
      %dma_start3A_817 = arith.constant 0 : i32
      %dma_start3A_818 = tpu.memref_slice %arg8[%rem3A_642, %dma_start3A_816, %dma_start3A_817] : memref<2x8x128xi32, #tpu.memory_space<vmem>> -> memref<1x1x128xi32, #tpu.memory_space<vmem>>
      %dma_start3A_819 = tpu.memref_squeeze %dma_start3A_818 : memref<1x1x128xi32, #tpu.memory_space<vmem>> -> memref<128xi32, #tpu.memory_space<vmem>>
      %dma_start3A_820 = arith.constant 0 : i32
      %dma_start3A_821 = arith.constant 0 : i32
      %dma_start3A_822 = tpu.memref_slice %arg6[%dma_start3A_820, %dma_start3A_821] : memref<10240x128xf32, #tpu.memory_space<vmem_shared>> -> memref<10240x128xf32, #tpu.memory_space<vmem_shared>>
      tpu.enqueue_indirect_dma source(%arg10 : memref<128x128xf32, #tpu.memory_space<vmem>>) target(%dma_start3A_822 : memref<10240x128xf32, #tpu.memory_space<vmem_shared>>) offsets(%dma_start3A_819 : memref<128xi32, #tpu.memory_space<vmem>>) semaphore(%arg14 : memref<!tpu.dma_semaphore, #tpu.memory_space<semaphore_mem>>) {add = true}
      %dma_wait3A_823 = arith.constant 0 : i32
      %dma_wait3A_824 = arith.constant 0 : i32
      %dma_wait3A_825 = arith.constant 0 : i32
      %dma_wait3A_826 = tpu.memref_slice %arg8[%dma_wait3A_823, %dma_wait3A_824, %dma_wait3A_825] : memref<2x8x128xi32, #tpu.memory_space<vmem>> -> memref<1x1x128xi32, #tpu.memory_space<vmem>>
      %dma_wait3A_827 = tpu.memref_squeeze %dma_wait3A_826 : memref<1x1x128xi32, #tpu.memory_space<vmem>> -> memref<128xi32, #tpu.memory_space<vmem>>
      %dma_wait3A_828 = arith.constant 0 : i32
      %dma_wait3A_829 = arith.constant 0 : i32
      %dma_wait3A_830 = tpu.memref_slice %arg6[%dma_wait3A_828, %dma_wait3A_829] : memref<10240x128xf32, #tpu.memory_space<vmem_shared>> -> memref<10240x128xf32, #tpu.memory_space<vmem_shared>>
      tpu.wait_indirect_dma semaphore(%arg14 : memref<!tpu.dma_semaphore, #tpu.memory_space<semaphore_mem>>) src(%arg10 : memref<128x128xf32, #tpu.memory_space<vmem>>) dst(%dma_wait3A_830 : memref<10240x128xf32, #tpu.memory_space<vmem_shared>>)
      %dma_start3A_831 = arith.constant 7 : i32
      %dma_start3A_832 = arith.constant 0 : i32
      %dma_start3A_833 = tpu.memref_slice %arg7[%rem3A_642, %dma_start3A_831, %dma_start3A_832] : memref<2x8x128xi32, #tpu.memory_space<vmem>> -> memref<1x1x128xi32, #tpu.memory_space<vmem>>
      %dma_start3A_834 = tpu.memref_squeeze %dma_start3A_833 : memref<1x1x128xi32, #tpu.memory_space<vmem>> -> memref<128xi32, #tpu.memory_space<vmem>>
      %dma_start3A_835 = arith.constant 0 : i32
      %dma_start3A_836 = arith.constant 0 : i32
      %dma_start3A_837 = tpu.memref_slice %arg2[%dma_start3A_835, %dma_start3A_836] : memref<10000x128xf32, #tpu.memory_space<hbm>> -> memref<10000x128xf32, #tpu.memory_space<hbm>>
      tpu.enqueue_indirect_dma source(%dma_start3A_837 : memref<10000x128xf32, #tpu.memory_space<hbm>>) target(%arg10 : memref<128x128xf32, #tpu.memory_space<vmem>>) offsets(%dma_start3A_834 : memref<128xi32, #tpu.memory_space<vmem>>) semaphore(%arg12 : memref<!tpu.dma_semaphore, #tpu.memory_space<semaphore_mem>>)
      %dma_wait3A_838 = arith.constant 0 : i32
      %dma_wait3A_839 = arith.constant 0 : i32
      %dma_wait3A_840 = arith.constant 0 : i32
      %dma_wait3A_841 = tpu.memref_slice %arg7[%dma_wait3A_838, %dma_wait3A_839, %dma_wait3A_840] : memref<2x8x128xi32, #tpu.memory_space<vmem>> -> memref<1x1x128xi32, #tpu.memory_space<vmem>>
      %dma_wait3A_842 = tpu.memref_squeeze %dma_wait3A_841 : memref<1x1x128xi32, #tpu.memory_space<vmem>> -> memref<128xi32, #tpu.memory_space<vmem>>
      %dma_wait3A_843 = arith.constant 0 : i32
      %dma_wait3A_844 = arith.constant 0 : i32
      %dma_wait3A_845 = tpu.memref_slice %arg2[%dma_wait3A_843, %dma_wait3A_844] : memref<10000x128xf32, #tpu.memory_space<hbm>> -> memref<10000x128xf32, #tpu.memory_space<hbm>>
      tpu.wait_indirect_dma semaphore(%arg11 : memref<!tpu.dma_semaphore, #tpu.memory_space<semaphore_mem>>) src(%dma_wait3A_845 : memref<10000x128xf32, #tpu.memory_space<hbm>>) dst(%arg9 : memref<128x128xf32, #tpu.memory_space<vmem>>)
      %dma_start3A_846 = arith.constant 6 : i32
      %dma_start3A_847 = arith.constant 0 : i32
      %dma_start3A_848 = tpu.memref_slice %arg8[%rem3A_642, %dma_start3A_846, %dma_start3A_847] : memref<2x8x128xi32, #tpu.memory_space<vmem>> -> memref<1x1x128xi32, #tpu.memory_space<vmem>>
      %dma_start3A_849 = tpu.memref_squeeze %dma_start3A_848 : memref<1x1x128xi32, #tpu.memory_space<vmem>> -> memref<128xi32, #tpu.memory_space<vmem>>
      %dma_start3A_850 = arith.constant 0 : i32
      %dma_start3A_851 = arith.constant 0 : i32
      %dma_start3A_852 = tpu.memref_slice %arg6[%dma_start3A_850, %dma_start3A_851] : memref<10240x128xf32, #tpu.memory_space<vmem_shared>> -> memref<10240x128xf32, #tpu.memory_space<vmem_shared>>
      tpu.enqueue_indirect_dma source(%arg9 : memref<128x128xf32, #tpu.memory_space<vmem>>) target(%dma_start3A_852 : memref<10240x128xf32, #tpu.memory_space<vmem_shared>>) offsets(%dma_start3A_849 : memref<128xi32, #tpu.memory_space<vmem>>) semaphore(%arg13 : memref<!tpu.dma_semaphore, #tpu.memory_space<semaphore_mem>>) {add = true}
      %dma_wait3A_853 = arith.constant 0 : i32
      %dma_wait3A_854 = arith.constant 0 : i32
      %dma_wait3A_855 = arith.constant 0 : i32
      %dma_wait3A_856 = arith.constant 0 : i32
      %dma_wait3A_857 = tpu.memref_slice %arg7[%dma_wait3A_854, %dma_wait3A_855, %dma_wait3A_856] : memref<2x8x128xi32, #tpu.memory_space<vmem>> -> memref<1x8x128xi32, #tpu.memory_space<vmem>>
      %dma_wait3A_858 = tpu.memref_squeeze %dma_wait3A_857 : memref<1x8x128xi32, #tpu.memory_space<vmem>> -> memref<8x128xi32, #tpu.memory_space<vmem>>
      %dma_wait3A_859 = arith.constant 0 : i32
      %dma_wait3A_860 = arith.constant 0 : i32
      %dma_wait3A_861 = tpu.memref_slice %arg3[%dma_wait3A_853, %dma_wait3A_859, %dma_wait3A_860] : memref<320x8x128xi32, #tpu.memory_space<hbm>> -> memref<1x8x128xi32, #tpu.memory_space<hbm>>
      %dma_wait3A_862 = tpu.memref_squeeze %dma_wait3A_861 : memref<1x8x128xi32, #tpu.memory_space<hbm>> -> memref<8x128xi32, #tpu.memory_space<hbm>>
      %dma_wait3A_863 = arith.constant 0 : i32
      %dma_wait3A_864 = arith.constant 0 : i32
      %dma_wait3A_865 = tpu.memref_slice %arg7[%dma_wait3A_854, %dma_wait3A_863, %dma_wait3A_864] : memref<2x8x128xi32, #tpu.memory_space<vmem>> -> memref<1x8x128xi32, #tpu.memory_space<vmem>>
      %dma_wait3A_866 = tpu.memref_squeeze %dma_wait3A_865 : memref<1x8x128xi32, #tpu.memory_space<vmem>> -> memref<8x128xi32, #tpu.memory_space<vmem>>
      %dma_wait3A_867 = arith.constant 0 : i32
      %dma_wait3A_868 = arith.constant 0 : i32
      %dma_wait3A_869 = tpu.memref_slice %arg3[%dma_wait3A_853, %dma_wait3A_867, %dma_wait3A_868] : memref<320x8x128xi32, #tpu.memory_space<hbm>> -> memref<1x8x128xi32, #tpu.memory_space<hbm>>
      %dma_wait3A_870 = tpu.memref_squeeze %dma_wait3A_869 : memref<1x8x128xi32, #tpu.memory_space<hbm>> -> memref<8x128xi32, #tpu.memory_space<hbm>>
      tpu.wait_dma2 semaphore(%arg15 : memref<!tpu.dma_semaphore, #tpu.memory_space<semaphore_mem>>) src(%dma_wait3A_870 : memref<8x128xi32, #tpu.memory_space<hbm>>) dst(%dma_wait3A_866 : memref<8x128xi32, #tpu.memory_space<vmem>>)
      %dma_wait3A_871 = arith.constant 0 : i32
      %dma_wait3A_872 = arith.constant 0 : i32
      %dma_wait3A_873 = arith.constant 0 : i32
      %dma_wait3A_874 = arith.constant 0 : i32
      %dma_wait3A_875 = tpu.memref_slice %arg7[%dma_wait3A_872, %dma_wait3A_873, %dma_wait3A_874] : memref<2x8x128xi32, #tpu.memory_space<vmem>> -> memref<1x8x128xi32, #tpu.memory_space<vmem>>
      %dma_wait3A_876 = tpu.memref_squeeze %dma_wait3A_875 : memref<1x8x128xi32, #tpu.memory_space<vmem>> -> memref<8x128xi32, #tpu.memory_space<vmem>>
      %dma_wait3A_877 = arith.constant 0 : i32
      %dma_wait3A_878 = arith.constant 0 : i32
      %dma_wait3A_879 = tpu.memref_slice %arg3[%dma_wait3A_871, %dma_wait3A_877, %dma_wait3A_878] : memref<320x8x128xi32, #tpu.memory_space<hbm>> -> memref<1x8x128xi32, #tpu.memory_space<hbm>>
      %dma_wait3A_880 = tpu.memref_squeeze %dma_wait3A_879 : memref<1x8x128xi32, #tpu.memory_space<hbm>> -> memref<8x128xi32, #tpu.memory_space<hbm>>
      %dma_wait3A_881 = arith.constant 0 : i32
      %dma_wait3A_882 = arith.constant 0 : i32
      %dma_wait3A_883 = tpu.memref_slice %arg7[%dma_wait3A_872, %dma_wait3A_881, %dma_wait3A_882] : memref<2x8x128xi32, #tpu.memory_space<vmem>> -> memref<1x8x128xi32, #tpu.memory_space<vmem>>
      %dma_wait3A_884 = tpu.memref_squeeze %dma_wait3A_883 : memref<1x8x128xi32, #tpu.memory_space<vmem>> -> memref<8x128xi32, #tpu.memory_space<vmem>>
      %dma_wait3A_885 = arith.constant 0 : i32
      %dma_wait3A_886 = arith.constant 0 : i32
      %dma_wait3A_887 = tpu.memref_slice %arg3[%dma_wait3A_871, %dma_wait3A_885, %dma_wait3A_886] : memref<320x8x128xi32, #tpu.memory_space<hbm>> -> memref<1x8x128xi32, #tpu.memory_space<hbm>>
      %dma_wait3A_888 = tpu.memref_squeeze %dma_wait3A_887 : memref<1x8x128xi32, #tpu.memory_space<hbm>> -> memref<8x128xi32, #tpu.memory_space<hbm>>
      tpu.wait_dma2 semaphore(%arg15 : memref<!tpu.dma_semaphore, #tpu.memory_space<semaphore_mem>>) src(%dma_wait3A_888 : memref<8x128xi32, #tpu.memory_space<hbm>>) dst(%dma_wait3A_884 : memref<8x128xi32, #tpu.memory_space<vmem>>)
      %sub3A_889 = arith.constant 1 : i32
      %sub3A_890 = arith.subi %sub3A_889, %rem3A_642 : i32
      %dma_wait3A_891 = arith.constant 0 : i32
      %dma_wait3A_892 = arith.constant 0 : i32
      %dma_wait3A_893 = arith.constant 0 : i32
      %dma_wait3A_894 = tpu.memref_slice %arg8[%dma_wait3A_891, %dma_wait3A_892, %dma_wait3A_893] : memref<2x8x128xi32, #tpu.memory_space<vmem>> -> memref<1x1x128xi32, #tpu.memory_space<vmem>>
      %dma_wait3A_895 = tpu.memref_squeeze %dma_wait3A_894 : memref<1x1x128xi32, #tpu.memory_space<vmem>> -> memref<128xi32, #tpu.memory_space<vmem>>
      %dma_wait3A_896 = arith.constant 0 : i32
      %dma_wait3A_897 = arith.constant 0 : i32
      %dma_wait3A_898 = tpu.memref_slice %arg6[%dma_wait3A_896, %dma_wait3A_897] : memref<10240x128xf32, #tpu.memory_space<vmem_shared>> -> memref<10240x128xf32, #tpu.memory_space<vmem_shared>>
      tpu.wait_indirect_dma semaphore(%arg13 : memref<!tpu.dma_semaphore, #tpu.memory_space<semaphore_mem>>) src(%arg9 : memref<128x128xf32, #tpu.memory_space<vmem>>) dst(%dma_wait3A_898 : memref<10240x128xf32, #tpu.memory_space<vmem_shared>>)
      %dma_start3A_899 = arith.constant 0 : i32
      %dma_start3A_900 = arith.constant 0 : i32
      %dma_start3A_901 = tpu.memref_slice %arg7[%sub3A_890, %dma_start3A_899, %dma_start3A_900] : memref<2x8x128xi32, #tpu.memory_space<vmem>> -> memref<1x1x128xi32, #tpu.memory_space<vmem>>
      %dma_start3A_902 = tpu.memref_squeeze %dma_start3A_901 : memref<1x1x128xi32, #tpu.memory_space<vmem>> -> memref<128xi32, #tpu.memory_space<vmem>>
      %dma_start3A_903 = arith.constant 0 : i32
      %dma_start3A_904 = arith.constant 0 : i32
      %dma_start3A_905 = tpu.memref_slice %arg2[%dma_start3A_903, %dma_start3A_904] : memref<10000x128xf32, #tpu.memory_space<hbm>> -> memref<10000x128xf32, #tpu.memory_space<hbm>>
      tpu.enqueue_indirect_dma source(%dma_start3A_905 : memref<10000x128xf32, #tpu.memory_space<hbm>>) target(%arg9 : memref<128x128xf32, #tpu.memory_space<vmem>>) offsets(%dma_start3A_902 : memref<128xi32, #tpu.memory_space<vmem>>) semaphore(%arg11 : memref<!tpu.dma_semaphore, #tpu.memory_space<semaphore_mem>>)
      %dma_wait3A_906 = arith.constant 0 : i32
      %dma_wait3A_907 = arith.constant 0 : i32
      %dma_wait3A_908 = arith.constant 0 : i32
      %dma_wait3A_909 = tpu.memref_slice %arg7[%dma_wait3A_906, %dma_wait3A_907, %dma_wait3A_908] : memref<2x8x128xi32, #tpu.memory_space<vmem>> -> memref<1x1x128xi32, #tpu.memory_space<vmem>>
      %dma_wait3A_910 = tpu.memref_squeeze %dma_wait3A_909 : memref<1x1x128xi32, #tpu.memory_space<vmem>> -> memref<128xi32, #tpu.memory_space<vmem>>
      %dma_wait3A_911 = arith.constant 0 : i32
      %dma_wait3A_912 = arith.constant 0 : i32
      %dma_wait3A_913 = tpu.memref_slice %arg2[%dma_wait3A_911, %dma_wait3A_912] : memref<10000x128xf32, #tpu.memory_space<hbm>> -> memref<10000x128xf32, #tpu.memory_space<hbm>>
      tpu.wait_indirect_dma semaphore(%arg12 : memref<!tpu.dma_semaphore, #tpu.memory_space<semaphore_mem>>) src(%dma_wait3A_913 : memref<10000x128xf32, #tpu.memory_space<hbm>>) dst(%arg10 : memref<128x128xf32, #tpu.memory_space<vmem>>)
      %dma_start3A_914 = arith.constant 7 : i32
      %dma_start3A_915 = arith.constant 0 : i32
      %dma_start3A_916 = tpu.memref_slice %arg8[%rem3A_642, %dma_start3A_914, %dma_start3A_915] : memref<2x8x128xi32, #tpu.memory_space<vmem>> -> memref<1x1x128xi32, #tpu.memory_space<vmem>>
      %dma_start3A_917 = tpu.memref_squeeze %dma_start3A_916 : memref<1x1x128xi32, #tpu.memory_space<vmem>> -> memref<128xi32, #tpu.memory_space<vmem>>
      %dma_start3A_918 = arith.constant 0 : i32
      %dma_start3A_919 = arith.constant 0 : i32
      %dma_start3A_920 = tpu.memref_slice %arg6[%dma_start3A_918, %dma_start3A_919] : memref<10240x128xf32, #tpu.memory_space<vmem_shared>> -> memref<10240x128xf32, #tpu.memory_space<vmem_shared>>
      tpu.enqueue_indirect_dma source(%arg10 : memref<128x128xf32, #tpu.memory_space<vmem>>) target(%dma_start3A_920 : memref<10240x128xf32, #tpu.memory_space<vmem_shared>>) offsets(%dma_start3A_917 : memref<128xi32, #tpu.memory_space<vmem>>) semaphore(%arg14 : memref<!tpu.dma_semaphore, #tpu.memory_space<semaphore_mem>>) {add = true}
      %add3A_921 = arith.constant 2 : i32
      %add3A_922 = arith.addi %while3A_640, %add3A_921 : i32
      %lt3A = arith.cmpi slt, %add3A_922, %select_n3A_8 : i32
      %convert_element_type3A_923 = arith.extui %lt3A : i1 to i32
      %cond3A_924 = arith.constant 0 : i32
      %cond3A_925 = arith.cmpi ne, %convert_element_type3A_923, %cond3A_924 : i32
      scf.if %cond3A_925 {
        %add3A_927 = arith.addi %select_n3A, %while3A_640 : i32
        %add3A_928 = arith.constant 2 : i32
        %add3A_929 = arith.addi %add3A_927, %add3A_928 : i32
        %dma_start3A_930 = arith.constant 0 : i32
        %dma_start3A_931 = arith.constant 0 : i32
        %dma_start3A_932 = tpu.memref_slice %arg7[%rem3A_642, %dma_start3A_930, %dma_start3A_931] : memref<2x8x128xi32, #tpu.memory_space<vmem>> -> memref<1x8x128xi32, #tpu.memory_space<vmem>>
        %dma_start3A_933 = tpu.memref_squeeze %dma_start3A_932 : memref<1x8x128xi32, #tpu.memory_space<vmem>> -> memref<8x128xi32, #tpu.memory_space<vmem>>
        %dma_start3A_934 = arith.constant 0 : i32
        %dma_start3A_935 = arith.constant 0 : i32
        %dma_start3A_936 = tpu.memref_slice %arg3[%add3A_929, %dma_start3A_934, %dma_start3A_935] : memref<320x8x128xi32, #tpu.memory_space<hbm>> -> memref<1x8x128xi32, #tpu.memory_space<hbm>>
        %dma_start3A_937 = tpu.memref_squeeze %dma_start3A_936 : memref<1x8x128xi32, #tpu.memory_space<hbm>> -> memref<8x128xi32, #tpu.memory_space<hbm>>
        %dma_start3A_938 = arith.constant 0 : i32
        %dma_start3A_939 = arith.constant 0 : i32
        %dma_start3A_940 = tpu.memref_slice %arg7[%rem3A_642, %dma_start3A_938, %dma_start3A_939] : memref<2x8x128xi32, #tpu.memory_space<vmem>> -> memref<1x8x128xi32, #tpu.memory_space<vmem>>
        %dma_start3A_941 = tpu.memref_squeeze %dma_start3A_940 : memref<1x8x128xi32, #tpu.memory_space<vmem>> -> memref<8x128xi32, #tpu.memory_space<vmem>>
        %dma_start3A_942 = arith.constant 0 : i32
        %dma_start3A_943 = arith.constant 0 : i32
        %dma_start3A_944 = tpu.memref_slice %arg3[%add3A_929, %dma_start3A_942, %dma_start3A_943] : memref<320x8x128xi32, #tpu.memory_space<hbm>> -> memref<1x8x128xi32, #tpu.memory_space<hbm>>
        %dma_start3A_945 = tpu.memref_squeeze %dma_start3A_944 : memref<1x8x128xi32, #tpu.memory_space<hbm>> -> memref<8x128xi32, #tpu.memory_space<hbm>>
        tpu.enqueue_dma source(%dma_start3A_945 : memref<8x128xi32, #tpu.memory_space<hbm>>) target(%dma_start3A_941 : memref<8x128xi32, #tpu.memory_space<vmem>>) target_semaphore(%arg15 : memref<!tpu.dma_semaphore, #tpu.memory_space<semaphore_mem>>)
        %dma_start3A_946 = arith.constant 0 : i32
        %dma_start3A_947 = arith.constant 0 : i32
        %dma_start3A_948 = tpu.memref_slice %arg8[%rem3A_642, %dma_start3A_946, %dma_start3A_947] : memref<2x8x128xi32, #tpu.memory_space<vmem>> -> memref<1x8x128xi32, #tpu.memory_space<vmem>>
        %dma_start3A_949 = tpu.memref_squeeze %dma_start3A_948 : memref<1x8x128xi32, #tpu.memory_space<vmem>> -> memref<8x128xi32, #tpu.memory_space<vmem>>
        %dma_start3A_950 = arith.constant 0 : i32
        %dma_start3A_951 = arith.constant 0 : i32
        %dma_start3A_952 = tpu.memref_slice %arg4[%add3A_929, %dma_start3A_950, %dma_start3A_951] : memref<320x8x128xi32, #tpu.memory_space<hbm>> -> memref<1x8x128xi32, #tpu.memory_space<hbm>>
        %dma_start3A_953 = tpu.memref_squeeze %dma_start3A_952 : memref<1x8x128xi32, #tpu.memory_space<hbm>> -> memref<8x128xi32, #tpu.memory_space<hbm>>
        %dma_start3A_954 = arith.constant 0 : i32
        %dma_start3A_955 = arith.constant 0 : i32
        %dma_start3A_956 = tpu.memref_slice %arg8[%rem3A_642, %dma_start3A_954, %dma_start3A_955] : memref<2x8x128xi32, #tpu.memory_space<vmem>> -> memref<1x8x128xi32, #tpu.memory_space<vmem>>
        %dma_start3A_957 = tpu.memref_squeeze %dma_start3A_956 : memref<1x8x128xi32, #tpu.memory_space<vmem>> -> memref<8x128xi32, #tpu.memory_space<vmem>>
        %dma_start3A_958 = arith.constant 0 : i32
        %dma_start3A_959 = arith.constant 0 : i32
        %dma_start3A_960 = tpu.memref_slice %arg4[%add3A_929, %dma_start3A_958, %dma_start3A_959] : memref<320x8x128xi32, #tpu.memory_space<hbm>> -> memref<1x8x128xi32, #tpu.memory_space<hbm>>
        %dma_start3A_961 = tpu.memref_squeeze %dma_start3A_960 : memref<1x8x128xi32, #tpu.memory_space<hbm>> -> memref<8x128xi32, #tpu.memory_space<hbm>>
        tpu.enqueue_dma source(%dma_start3A_961 : memref<8x128xi32, #tpu.memory_space<hbm>>) target(%dma_start3A_957 : memref<8x128xi32, #tpu.memory_space<vmem>>) target_semaphore(%arg15 : memref<!tpu.dma_semaphore, #tpu.memory_space<semaphore_mem>>)
      } else {
      }
      %while3A_926 = arith.constant 0 : i32
      scf.yield %while3A_926 : i32
    }
    %sub3A_377 = arith.constant 1 : i32
    %sub3A_378 = arith.subi %select_n3A_8, %sub3A_377 : i32
    %dma_wait3A_379 = arith.constant 0 : i32
    %dma_wait3A_380 = arith.constant 0 : i32
    %dma_wait3A_381 = arith.constant 0 : i32
    %dma_wait3A_382 = tpu.memref_slice %arg8[%dma_wait3A_379, %dma_wait3A_380, %dma_wait3A_381] : memref<2x8x128xi32, #tpu.memory_space<vmem>> -> memref<1x1x128xi32, #tpu.memory_space<vmem>>
    %dma_wait3A_383 = tpu.memref_squeeze %dma_wait3A_382 : memref<1x1x128xi32, #tpu.memory_space<vmem>> -> memref<128xi32, #tpu.memory_space<vmem>>
    %dma_wait3A_384 = arith.constant 0 : i32
    %dma_wait3A_385 = arith.constant 0 : i32
    %dma_wait3A_386 = tpu.memref_slice %arg6[%dma_wait3A_384, %dma_wait3A_385] : memref<10240x128xf32, #tpu.memory_space<vmem_shared>> -> memref<10240x128xf32, #tpu.memory_space<vmem_shared>>
    tpu.wait_indirect_dma semaphore(%arg14 : memref<!tpu.dma_semaphore, #tpu.memory_space<semaphore_mem>>) src(%arg10 : memref<128x128xf32, #tpu.memory_space<vmem>>) dst(%dma_wait3A_386 : memref<10240x128xf32, #tpu.memory_space<vmem_shared>>)
    %dma_start3A_387 = arith.constant 1 : i32
    %dma_start3A_388 = arith.constant 1 : i32
    %dma_start3A_389 = arith.constant 0 : i32
    %dma_start3A_390 = tpu.memref_slice %arg7[%dma_start3A_387, %dma_start3A_388, %dma_start3A_389] : memref<2x8x128xi32, #tpu.memory_space<vmem>> -> memref<1x1x128xi32, #tpu.memory_space<vmem>>
    %dma_start3A_391 = tpu.memref_squeeze %dma_start3A_390 : memref<1x1x128xi32, #tpu.memory_space<vmem>> -> memref<128xi32, #tpu.memory_space<vmem>>
    %dma_start3A_392 = arith.constant 0 : i32
    %dma_start3A_393 = arith.constant 0 : i32
    %dma_start3A_394 = tpu.memref_slice %arg2[%dma_start3A_392, %dma_start3A_393] : memref<10000x128xf32, #tpu.memory_space<hbm>> -> memref<10000x128xf32, #tpu.memory_space<hbm>>
    tpu.enqueue_indirect_dma source(%dma_start3A_394 : memref<10000x128xf32, #tpu.memory_space<hbm>>) target(%arg10 : memref<128x128xf32, #tpu.memory_space<vmem>>) offsets(%dma_start3A_391 : memref<128xi32, #tpu.memory_space<vmem>>) semaphore(%arg12 : memref<!tpu.dma_semaphore, #tpu.memory_space<semaphore_mem>>)
    %dma_wait3A_395 = arith.constant 0 : i32
    %dma_wait3A_396 = arith.constant 0 : i32
    %dma_wait3A_397 = arith.constant 0 : i32
    %dma_wait3A_398 = tpu.memref_slice %arg7[%dma_wait3A_395, %dma_wait3A_396, %dma_wait3A_397] : memref<2x8x128xi32, #tpu.memory_space<vmem>> -> memref<1x1x128xi32, #tpu.memory_space<vmem>>
    %dma_wait3A_399 = tpu.memref_squeeze %dma_wait3A_398 : memref<1x1x128xi32, #tpu.memory_space<vmem>> -> memref<128xi32, #tpu.memory_space<vmem>>
    %dma_wait3A_400 = arith.constant 0 : i32
    %dma_wait3A_401 = arith.constant 0 : i32
    %dma_wait3A_402 = tpu.memref_slice %arg2[%dma_wait3A_400, %dma_wait3A_401] : memref<10000x128xf32, #tpu.memory_space<hbm>> -> memref<10000x128xf32, #tpu.memory_space<hbm>>
    tpu.wait_indirect_dma semaphore(%arg11 : memref<!tpu.dma_semaphore, #tpu.memory_space<semaphore_mem>>) src(%dma_wait3A_402 : memref<10000x128xf32, #tpu.memory_space<hbm>>) dst(%arg9 : memref<128x128xf32, #tpu.memory_space<vmem>>)
    %dma_start3A_403 = arith.constant 1 : i32
    %dma_start3A_404 = arith.constant 0 : i32
    %dma_start3A_405 = arith.constant 0 : i32
    %dma_start3A_406 = tpu.memref_slice %arg8[%dma_start3A_403, %dma_start3A_404, %dma_start3A_405] : memref<2x8x128xi32, #tpu.memory_space<vmem>> -> memref<1x1x128xi32, #tpu.memory_space<vmem>>
    %dma_start3A_407 = tpu.memref_squeeze %dma_start3A_406 : memref<1x1x128xi32, #tpu.memory_space<vmem>> -> memref<128xi32, #tpu.memory_space<vmem>>
    %dma_start3A_408 = arith.constant 0 : i32
    %dma_start3A_409 = arith.constant 0 : i32
    %dma_start3A_410 = tpu.memref_slice %arg6[%dma_start3A_408, %dma_start3A_409] : memref<10240x128xf32, #tpu.memory_space<vmem_shared>> -> memref<10240x128xf32, #tpu.memory_space<vmem_shared>>
    tpu.enqueue_indirect_dma source(%arg9 : memref<128x128xf32, #tpu.memory_space<vmem>>) target(%dma_start3A_410 : memref<10240x128xf32, #tpu.memory_space<vmem_shared>>) offsets(%dma_start3A_407 : memref<128xi32, #tpu.memory_space<vmem>>) semaphore(%arg13 : memref<!tpu.dma_semaphore, #tpu.memory_space<semaphore_mem>>) {add = true}
    %dma_wait3A_411 = arith.constant 0 : i32
    %dma_wait3A_412 = arith.constant 0 : i32
    %dma_wait3A_413 = arith.constant 0 : i32
    %dma_wait3A_414 = tpu.memref_slice %arg8[%dma_wait3A_411, %dma_wait3A_412, %dma_wait3A_413] : memref<2x8x128xi32, #tpu.memory_space<vmem>> -> memref<1x1x128xi32, #tpu.memory_space<vmem>>
    %dma_wait3A_415 = tpu.memref_squeeze %dma_wait3A_414 : memref<1x1x128xi32, #tpu.memory_space<vmem>> -> memref<128xi32, #tpu.memory_space<vmem>>
    %dma_wait3A_416 = arith.constant 0 : i32
    %dma_wait3A_417 = arith.constant 0 : i32
    %dma_wait3A_418 = tpu.memref_slice %arg6[%dma_wait3A_416, %dma_wait3A_417] : memref<10240x128xf32, #tpu.memory_space<vmem_shared>> -> memref<10240x128xf32, #tpu.memory_space<vmem_shared>>
    tpu.wait_indirect_dma semaphore(%arg13 : memref<!tpu.dma_semaphore, #tpu.memory_space<semaphore_mem>>) src(%arg9 : memref<128x128xf32, #tpu.memory_space<vmem>>) dst(%dma_wait3A_418 : memref<10240x128xf32, #tpu.memory_space<vmem_shared>>)
    %dma_start3A_419 = arith.constant 1 : i32
    %dma_start3A_420 = arith.constant 2 : i32
    %dma_start3A_421 = arith.constant 0 : i32
    %dma_start3A_422 = tpu.memref_slice %arg7[%dma_start3A_419, %dma_start3A_420, %dma_start3A_421] : memref<2x8x128xi32, #tpu.memory_space<vmem>> -> memref<1x1x128xi32, #tpu.memory_space<vmem>>
    %dma_start3A_423 = tpu.memref_squeeze %dma_start3A_422 : memref<1x1x128xi32, #tpu.memory_space<vmem>> -> memref<128xi32, #tpu.memory_space<vmem>>
    %dma_start3A_424 = arith.constant 0 : i32
    %dma_start3A_425 = arith.constant 0 : i32
    %dma_start3A_426 = tpu.memref_slice %arg2[%dma_start3A_424, %dma_start3A_425] : memref<10000x128xf32, #tpu.memory_space<hbm>> -> memref<10000x128xf32, #tpu.memory_space<hbm>>
    tpu.enqueue_indirect_dma source(%dma_start3A_426 : memref<10000x128xf32, #tpu.memory_space<hbm>>) target(%arg9 : memref<128x128xf32, #tpu.memory_space<vmem>>) offsets(%dma_start3A_423 : memref<128xi32, #tpu.memory_space<vmem>>) semaphore(%arg11 : memref<!tpu.dma_semaphore, #tpu.memory_space<semaphore_mem>>)
    %dma_wait3A_427 = arith.constant 0 : i32
    %dma_wait3A_428 = arith.constant 0 : i32
    %dma_wait3A_429 = arith.constant 0 : i32
    %dma_wait3A_430 = tpu.memref_slice %arg7[%dma_wait3A_427, %dma_wait3A_428, %dma_wait3A_429] : memref<2x8x128xi32, #tpu.memory_space<vmem>> -> memref<1x1x128xi32, #tpu.memory_space<vmem>>
    %dma_wait3A_431 = tpu.memref_squeeze %dma_wait3A_430 : memref<1x1x128xi32, #tpu.memory_space<vmem>> -> memref<128xi32, #tpu.memory_space<vmem>>
    %dma_wait3A_432 = arith.constant 0 : i32
    %dma_wait3A_433 = arith.constant 0 : i32
    %dma_wait3A_434 = tpu.memref_slice %arg2[%dma_wait3A_432, %dma_wait3A_433] : memref<10000x128xf32, #tpu.memory_space<hbm>> -> memref<10000x128xf32, #tpu.memory_space<hbm>>
    tpu.wait_indirect_dma semaphore(%arg12 : memref<!tpu.dma_semaphore, #tpu.memory_space<semaphore_mem>>) src(%dma_wait3A_434 : memref<10000x128xf32, #tpu.memory_space<hbm>>) dst(%arg10 : memref<128x128xf32, #tpu.memory_space<vmem>>)
    %dma_start3A_435 = arith.constant 1 : i32
    %dma_start3A_436 = arith.constant 1 : i32
    %dma_start3A_437 = arith.constant 0 : i32
    %dma_start3A_438 = tpu.memref_slice %arg8[%dma_start3A_435, %dma_start3A_436, %dma_start3A_437] : memref<2x8x128xi32, #tpu.memory_space<vmem>> -> memref<1x1x128xi32, #tpu.memory_space<vmem>>
    %dma_start3A_439 = tpu.memref_squeeze %dma_start3A_438 : memref<1x1x128xi32, #tpu.memory_space<vmem>> -> memref<128xi32, #tpu.memory_space<vmem>>
    %dma_start3A_440 = arith.constant 0 : i32
    %dma_start3A_441 = arith.constant 0 : i32
    %dma_start3A_442 = tpu.memref_slice %arg6[%dma_start3A_440, %dma_start3A_441] : memref<10240x128xf32, #tpu.memory_space<vmem_shared>> -> memref<10240x128xf32, #tpu.memory_space<vmem_shared>>
    tpu.enqueue_indirect_dma source(%arg10 : memref<128x128xf32, #tpu.memory_space<vmem>>) target(%dma_start3A_442 : memref<10240x128xf32, #tpu.memory_space<vmem_shared>>) offsets(%dma_start3A_439 : memref<128xi32, #tpu.memory_space<vmem>>) semaphore(%arg14 : memref<!tpu.dma_semaphore, #tpu.memory_space<semaphore_mem>>) {add = true}
    %dma_wait3A_443 = arith.constant 0 : i32
    %dma_wait3A_444 = arith.constant 0 : i32
    %dma_wait3A_445 = arith.constant 0 : i32
    %dma_wait3A_446 = tpu.memref_slice %arg8[%dma_wait3A_443, %dma_wait3A_444, %dma_wait3A_445] : memref<2x8x128xi32, #tpu.memory_space<vmem>> -> memref<1x1x128xi32, #tpu.memory_space<vmem>>
    %dma_wait3A_447 = tpu.memref_squeeze %dma_wait3A_446 : memref<1x1x128xi32, #tpu.memory_space<vmem>> -> memref<128xi32, #tpu.memory_space<vmem>>
    %dma_wait3A_448 = arith.constant 0 : i32
    %dma_wait3A_449 = arith.constant 0 : i32
    %dma_wait3A_450 = tpu.memref_slice %arg6[%dma_wait3A_448, %dma_wait3A_449] : memref<10240x128xf32, #tpu.memory_space<vmem_shared>> -> memref<10240x128xf32, #tpu.memory_space<vmem_shared>>
    tpu.wait_indirect_dma semaphore(%arg14 : memref<!tpu.dma_semaphore, #tpu.memory_space<semaphore_mem>>) src(%arg10 : memref<128x128xf32, #tpu.memory_space<vmem>>) dst(%dma_wait3A_450 : memref<10240x128xf32, #tpu.memory_space<vmem_shared>>)
    %dma_start3A_451 = arith.constant 1 : i32
    %dma_start3A_452 = arith.constant 3 : i32
    %dma_start3A_453 = arith.constant 0 : i32
    %dma_start3A_454 = tpu.memref_slice %arg7[%dma_start3A_451, %dma_start3A_452, %dma_start3A_453] : memref<2x8x128xi32, #tpu.memory_space<vmem>> -> memref<1x1x128xi32, #tpu.memory_space<vmem>>
    %dma_start3A_455 = tpu.memref_squeeze %dma_start3A_454 : memref<1x1x128xi32, #tpu.memory_space<vmem>> -> memref<128xi32, #tpu.memory_space<vmem>>
    %dma_start3A_456 = arith.constant 0 : i32
    %dma_start3A_457 = arith.constant 0 : i32
    %dma_start3A_458 = tpu.memref_slice %arg2[%dma_start3A_456, %dma_start3A_457] : memref<10000x128xf32, #tpu.memory_space<hbm>> -> memref<10000x128xf32, #tpu.memory_space<hbm>>
    tpu.enqueue_indirect_dma source(%dma_start3A_458 : memref<10000x128xf32, #tpu.memory_space<hbm>>) target(%arg10 : memref<128x128xf32, #tpu.memory_space<vmem>>) offsets(%dma_start3A_455 : memref<128xi32, #tpu.memory_space<vmem>>) semaphore(%arg12 : memref<!tpu.dma_semaphore, #tpu.memory_space<semaphore_mem>>)
    %dma_wait3A_459 = arith.constant 0 : i32
    %dma_wait3A_460 = arith.constant 0 : i32
    %dma_wait3A_461 = arith.constant 0 : i32
    %dma_wait3A_462 = tpu.memref_slice %arg7[%dma_wait3A_459, %dma_wait3A_460, %dma_wait3A_461] : memref<2x8x128xi32, #tpu.memory_space<vmem>> -> memref<1x1x128xi32, #tpu.memory_space<vmem>>
    %dma_wait3A_463 = tpu.memref_squeeze %dma_wait3A_462 : memref<1x1x128xi32, #tpu.memory_space<vmem>> -> memref<128xi32, #tpu.memory_space<vmem>>
    %dma_wait3A_464 = arith.constant 0 : i32
    %dma_wait3A_465 = arith.constant 0 : i32
    %dma_wait3A_466 = tpu.memref_slice %arg2[%dma_wait3A_464, %dma_wait3A_465] : memref<10000x128xf32, #tpu.memory_space<hbm>> -> memref<10000x128xf32, #tpu.memory_space<hbm>>
    tpu.wait_indirect_dma semaphore(%arg11 : memref<!tpu.dma_semaphore, #tpu.memory_space<semaphore_mem>>) src(%dma_wait3A_466 : memref<10000x128xf32, #tpu.memory_space<hbm>>) dst(%arg9 : memref<128x128xf32, #tpu.memory_space<vmem>>)
    %dma_start3A_467 = arith.constant 1 : i32
    %dma_start3A_468 = arith.constant 2 : i32
    %dma_start3A_469 = arith.constant 0 : i32
    %dma_start3A_470 = tpu.memref_slice %arg8[%dma_start3A_467, %dma_start3A_468, %dma_start3A_469] : memref<2x8x128xi32, #tpu.memory_space<vmem>> -> memref<1x1x128xi32, #tpu.memory_space<vmem>>
    %dma_start3A_471 = tpu.memref_squeeze %dma_start3A_470 : memref<1x1x128xi32, #tpu.memory_space<vmem>> -> memref<128xi32, #tpu.memory_space<vmem>>
    %dma_start3A_472 = arith.constant 0 : i32
    %dma_start3A_473 = arith.constant 0 : i32
    %dma_start3A_474 = tpu.memref_slice %arg6[%dma_start3A_472, %dma_start3A_473] : memref<10240x128xf32, #tpu.memory_space<vmem_shared>> -> memref<10240x128xf32, #tpu.memory_space<vmem_shared>>
    tpu.enqueue_indirect_dma source(%arg9 : memref<128x128xf32, #tpu.memory_space<vmem>>) target(%dma_start3A_474 : memref<10240x128xf32, #tpu.memory_space<vmem_shared>>) offsets(%dma_start3A_471 : memref<128xi32, #tpu.memory_space<vmem>>) semaphore(%arg13 : memref<!tpu.dma_semaphore, #tpu.memory_space<semaphore_mem>>) {add = true}
    %dma_wait3A_475 = arith.constant 0 : i32
    %dma_wait3A_476 = arith.constant 0 : i32
    %dma_wait3A_477 = arith.constant 0 : i32
    %dma_wait3A_478 = tpu.memref_slice %arg8[%dma_wait3A_475, %dma_wait3A_476, %dma_wait3A_477] : memref<2x8x128xi32, #tpu.memory_space<vmem>> -> memref<1x1x128xi32, #tpu.memory_space<vmem>>
    %dma_wait3A_479 = tpu.memref_squeeze %dma_wait3A_478 : memref<1x1x128xi32, #tpu.memory_space<vmem>> -> memref<128xi32, #tpu.memory_space<vmem>>
    %dma_wait3A_480 = arith.constant 0 : i32
    %dma_wait3A_481 = arith.constant 0 : i32
    %dma_wait3A_482 = tpu.memref_slice %arg6[%dma_wait3A_480, %dma_wait3A_481] : memref<10240x128xf32, #tpu.memory_space<vmem_shared>> -> memref<10240x128xf32, #tpu.memory_space<vmem_shared>>
    tpu.wait_indirect_dma semaphore(%arg13 : memref<!tpu.dma_semaphore, #tpu.memory_space<semaphore_mem>>) src(%arg9 : memref<128x128xf32, #tpu.memory_space<vmem>>) dst(%dma_wait3A_482 : memref<10240x128xf32, #tpu.memory_space<vmem_shared>>)
    %dma_start3A_483 = arith.constant 1 : i32
    %dma_start3A_484 = arith.constant 4 : i32
    %dma_start3A_485 = arith.constant 0 : i32
    %dma_start3A_486 = tpu.memref_slice %arg7[%dma_start3A_483, %dma_start3A_484, %dma_start3A_485] : memref<2x8x128xi32, #tpu.memory_space<vmem>> -> memref<1x1x128xi32, #tpu.memory_space<vmem>>
    %dma_start3A_487 = tpu.memref_squeeze %dma_start3A_486 : memref<1x1x128xi32, #tpu.memory_space<vmem>> -> memref<128xi32, #tpu.memory_space<vmem>>
    %dma_start3A_488 = arith.constant 0 : i32
    %dma_start3A_489 = arith.constant 0 : i32
    %dma_start3A_490 = tpu.memref_slice %arg2[%dma_start3A_488, %dma_start3A_489] : memref<10000x128xf32, #tpu.memory_space<hbm>> -> memref<10000x128xf32, #tpu.memory_space<hbm>>
    tpu.enqueue_indirect_dma source(%dma_start3A_490 : memref<10000x128xf32, #tpu.memory_space<hbm>>) target(%arg9 : memref<128x128xf32, #tpu.memory_space<vmem>>) offsets(%dma_start3A_487 : memref<128xi32, #tpu.memory_space<vmem>>) semaphore(%arg11 : memref<!tpu.dma_semaphore, #tpu.memory_space<semaphore_mem>>)
    %dma_wait3A_491 = arith.constant 0 : i32
    %dma_wait3A_492 = arith.constant 0 : i32
    %dma_wait3A_493 = arith.constant 0 : i32
    %dma_wait3A_494 = tpu.memref_slice %arg7[%dma_wait3A_491, %dma_wait3A_492, %dma_wait3A_493] : memref<2x8x128xi32, #tpu.memory_space<vmem>> -> memref<1x1x128xi32, #tpu.memory_space<vmem>>
    %dma_wait3A_495 = tpu.memref_squeeze %dma_wait3A_494 : memref<1x1x128xi32, #tpu.memory_space<vmem>> -> memref<128xi32, #tpu.memory_space<vmem>>
    %dma_wait3A_496 = arith.constant 0 : i32
    %dma_wait3A_497 = arith.constant 0 : i32
    %dma_wait3A_498 = tpu.memref_slice %arg2[%dma_wait3A_496, %dma_wait3A_497] : memref<10000x128xf32, #tpu.memory_space<hbm>> -> memref<10000x128xf32, #tpu.memory_space<hbm>>
    tpu.wait_indirect_dma semaphore(%arg12 : memref<!tpu.dma_semaphore, #tpu.memory_space<semaphore_mem>>) src(%dma_wait3A_498 : memref<10000x128xf32, #tpu.memory_space<hbm>>) dst(%arg10 : memref<128x128xf32, #tpu.memory_space<vmem>>)
    %dma_start3A_499 = arith.constant 1 : i32
    %dma_start3A_500 = arith.constant 3 : i32
    %dma_start3A_501 = arith.constant 0 : i32
    %dma_start3A_502 = tpu.memref_slice %arg8[%dma_start3A_499, %dma_start3A_500, %dma_start3A_501] : memref<2x8x128xi32, #tpu.memory_space<vmem>> -> memref<1x1x128xi32, #tpu.memory_space<vmem>>
    %dma_start3A_503 = tpu.memref_squeeze %dma_start3A_502 : memref<1x1x128xi32, #tpu.memory_space<vmem>> -> memref<128xi32, #tpu.memory_space<vmem>>
    %dma_start3A_504 = arith.constant 0 : i32
    %dma_start3A_505 = arith.constant 0 : i32
    %dma_start3A_506 = tpu.memref_slice %arg6[%dma_start3A_504, %dma_start3A_505] : memref<10240x128xf32, #tpu.memory_space<vmem_shared>> -> memref<10240x128xf32, #tpu.memory_space<vmem_shared>>
    tpu.enqueue_indirect_dma source(%arg10 : memref<128x128xf32, #tpu.memory_space<vmem>>) target(%dma_start3A_506 : memref<10240x128xf32, #tpu.memory_space<vmem_shared>>) offsets(%dma_start3A_503 : memref<128xi32, #tpu.memory_space<vmem>>) semaphore(%arg14 : memref<!tpu.dma_semaphore, #tpu.memory_space<semaphore_mem>>) {add = true}
    %dma_wait3A_507 = arith.constant 0 : i32
    %dma_wait3A_508 = arith.constant 0 : i32
    %dma_wait3A_509 = arith.constant 0 : i32
    %dma_wait3A_510 = tpu.memref_slice %arg8[%dma_wait3A_507, %dma_wait3A_508, %dma_wait3A_509] : memref<2x8x128xi32, #tpu.memory_space<vmem>> -> memref<1x1x128xi32, #tpu.memory_space<vmem>>
    %dma_wait3A_511 = tpu.memref_squeeze %dma_wait3A_510 : memref<1x1x128xi32, #tpu.memory_space<vmem>> -> memref<128xi32, #tpu.memory_space<vmem>>
    %dma_wait3A_512 = arith.constant 0 : i32
    %dma_wait3A_513 = arith.constant 0 : i32
    %dma_wait3A_514 = tpu.memref_slice %arg6[%dma_wait3A_512, %dma_wait3A_513] : memref<10240x128xf32, #tpu.memory_space<vmem_shared>> -> memref<10240x128xf32, #tpu.memory_space<vmem_shared>>
    tpu.wait_indirect_dma semaphore(%arg14 : memref<!tpu.dma_semaphore, #tpu.memory_space<semaphore_mem>>) src(%arg10 : memref<128x128xf32, #tpu.memory_space<vmem>>) dst(%dma_wait3A_514 : memref<10240x128xf32, #tpu.memory_space<vmem_shared>>)
    %dma_start3A_515 = arith.constant 1 : i32
    %dma_start3A_516 = arith.constant 5 : i32
    %dma_start3A_517 = arith.constant 0 : i32
    %dma_start3A_518 = tpu.memref_slice %arg7[%dma_start3A_515, %dma_start3A_516, %dma_start3A_517] : memref<2x8x128xi32, #tpu.memory_space<vmem>> -> memref<1x1x128xi32, #tpu.memory_space<vmem>>
    %dma_start3A_519 = tpu.memref_squeeze %dma_start3A_518 : memref<1x1x128xi32, #tpu.memory_space<vmem>> -> memref<128xi32, #tpu.memory_space<vmem>>
    %dma_start3A_520 = arith.constant 0 : i32
    %dma_start3A_521 = arith.constant 0 : i32
    %dma_start3A_522 = tpu.memref_slice %arg2[%dma_start3A_520, %dma_start3A_521] : memref<10000x128xf32, #tpu.memory_space<hbm>> -> memref<10000x128xf32, #tpu.memory_space<hbm>>
    tpu.enqueue_indirect_dma source(%dma_start3A_522 : memref<10000x128xf32, #tpu.memory_space<hbm>>) target(%arg10 : memref<128x128xf32, #tpu.memory_space<vmem>>) offsets(%dma_start3A_519 : memref<128xi32, #tpu.memory_space<vmem>>) semaphore(%arg12 : memref<!tpu.dma_semaphore, #tpu.memory_space<semaphore_mem>>)
    %dma_wait3A_523 = arith.constant 0 : i32
    %dma_wait3A_524 = arith.constant 0 : i32
    %dma_wait3A_525 = arith.constant 0 : i32
    %dma_wait3A_526 = tpu.memref_slice %arg7[%dma_wait3A_523, %dma_wait3A_524, %dma_wait3A_525] : memref<2x8x128xi32, #tpu.memory_space<vmem>> -> memref<1x1x128xi32, #tpu.memory_space<vmem>>
    %dma_wait3A_527 = tpu.memref_squeeze %dma_wait3A_526 : memref<1x1x128xi32, #tpu.memory_space<vmem>> -> memref<128xi32, #tpu.memory_space<vmem>>
    %dma_wait3A_528 = arith.constant 0 : i32
    %dma_wait3A_529 = arith.constant 0 : i32
    %dma_wait3A_530 = tpu.memref_slice %arg2[%dma_wait3A_528, %dma_wait3A_529] : memref<10000x128xf32, #tpu.memory_space<hbm>> -> memref<10000x128xf32, #tpu.memory_space<hbm>>
    tpu.wait_indirect_dma semaphore(%arg11 : memref<!tpu.dma_semaphore, #tpu.memory_space<semaphore_mem>>) src(%dma_wait3A_530 : memref<10000x128xf32, #tpu.memory_space<hbm>>) dst(%arg9 : memref<128x128xf32, #tpu.memory_space<vmem>>)
    %dma_start3A_531 = arith.constant 1 : i32
    %dma_start3A_532 = arith.constant 4 : i32
    %dma_start3A_533 = arith.constant 0 : i32
    %dma_start3A_534 = tpu.memref_slice %arg8[%dma_start3A_531, %dma_start3A_532, %dma_start3A_533] : memref<2x8x128xi32, #tpu.memory_space<vmem>> -> memref<1x1x128xi32, #tpu.memory_space<vmem>>
    %dma_start3A_535 = tpu.memref_squeeze %dma_start3A_534 : memref<1x1x128xi32, #tpu.memory_space<vmem>> -> memref<128xi32, #tpu.memory_space<vmem>>
    %dma_start3A_536 = arith.constant 0 : i32
    %dma_start3A_537 = arith.constant 0 : i32
    %dma_start3A_538 = tpu.memref_slice %arg6[%dma_start3A_536, %dma_start3A_537] : memref<10240x128xf32, #tpu.memory_space<vmem_shared>> -> memref<10240x128xf32, #tpu.memory_space<vmem_shared>>
    tpu.enqueue_indirect_dma source(%arg9 : memref<128x128xf32, #tpu.memory_space<vmem>>) target(%dma_start3A_538 : memref<10240x128xf32, #tpu.memory_space<vmem_shared>>) offsets(%dma_start3A_535 : memref<128xi32, #tpu.memory_space<vmem>>) semaphore(%arg13 : memref<!tpu.dma_semaphore, #tpu.memory_space<semaphore_mem>>) {add = true}
    %dma_wait3A_539 = arith.constant 0 : i32
    %dma_wait3A_540 = arith.constant 0 : i32
    %dma_wait3A_541 = arith.constant 0 : i32
    %dma_wait3A_542 = tpu.memref_slice %arg8[%dma_wait3A_539, %dma_wait3A_540, %dma_wait3A_541] : memref<2x8x128xi32, #tpu.memory_space<vmem>> -> memref<1x1x128xi32, #tpu.memory_space<vmem>>
    %dma_wait3A_543 = tpu.memref_squeeze %dma_wait3A_542 : memref<1x1x128xi32, #tpu.memory_space<vmem>> -> memref<128xi32, #tpu.memory_space<vmem>>
    %dma_wait3A_544 = arith.constant 0 : i32
    %dma_wait3A_545 = arith.constant 0 : i32
    %dma_wait3A_546 = tpu.memref_slice %arg6[%dma_wait3A_544, %dma_wait3A_545] : memref<10240x128xf32, #tpu.memory_space<vmem_shared>> -> memref<10240x128xf32, #tpu.memory_space<vmem_shared>>
    tpu.wait_indirect_dma semaphore(%arg13 : memref<!tpu.dma_semaphore, #tpu.memory_space<semaphore_mem>>) src(%arg9 : memref<128x128xf32, #tpu.memory_space<vmem>>) dst(%dma_wait3A_546 : memref<10240x128xf32, #tpu.memory_space<vmem_shared>>)
    %dma_start3A_547 = arith.constant 1 : i32
    %dma_start3A_548 = arith.constant 6 : i32
    %dma_start3A_549 = arith.constant 0 : i32
    %dma_start3A_550 = tpu.memref_slice %arg7[%dma_start3A_547, %dma_start3A_548, %dma_start3A_549] : memref<2x8x128xi32, #tpu.memory_space<vmem>> -> memref<1x1x128xi32, #tpu.memory_space<vmem>>
    %dma_start3A_551 = tpu.memref_squeeze %dma_start3A_550 : memref<1x1x128xi32, #tpu.memory_space<vmem>> -> memref<128xi32, #tpu.memory_space<vmem>>
    %dma_start3A_552 = arith.constant 0 : i32
    %dma_start3A_553 = arith.constant 0 : i32
    %dma_start3A_554 = tpu.memref_slice %arg2[%dma_start3A_552, %dma_start3A_553] : memref<10000x128xf32, #tpu.memory_space<hbm>> -> memref<10000x128xf32, #tpu.memory_space<hbm>>
    tpu.enqueue_indirect_dma source(%dma_start3A_554 : memref<10000x128xf32, #tpu.memory_space<hbm>>) target(%arg9 : memref<128x128xf32, #tpu.memory_space<vmem>>) offsets(%dma_start3A_551 : memref<128xi32, #tpu.memory_space<vmem>>) semaphore(%arg11 : memref<!tpu.dma_semaphore, #tpu.memory_space<semaphore_mem>>)
    %dma_wait3A_555 = arith.constant 0 : i32
    %dma_wait3A_556 = arith.constant 0 : i32
    %dma_wait3A_557 = arith.constant 0 : i32
    %dma_wait3A_558 = tpu.memref_slice %arg7[%dma_wait3A_555, %dma_wait3A_556, %dma_wait3A_557] : memref<2x8x128xi32, #tpu.memory_space<vmem>> -> memref<1x1x128xi32, #tpu.memory_space<vmem>>
    %dma_wait3A_559 = tpu.memref_squeeze %dma_wait3A_558 : memref<1x1x128xi32, #tpu.memory_space<vmem>> -> memref<128xi32, #tpu.memory_space<vmem>>
    %dma_wait3A_560 = arith.constant 0 : i32
    %dma_wait3A_561 = arith.constant 0 : i32
    %dma_wait3A_562 = tpu.memref_slice %arg2[%dma_wait3A_560, %dma_wait3A_561] : memref<10000x128xf32, #tpu.memory_space<hbm>> -> memref<10000x128xf32, #tpu.memory_space<hbm>>
    tpu.wait_indirect_dma semaphore(%arg12 : memref<!tpu.dma_semaphore, #tpu.memory_space<semaphore_mem>>) src(%dma_wait3A_562 : memref<10000x128xf32, #tpu.memory_space<hbm>>) dst(%arg10 : memref<128x128xf32, #tpu.memory_space<vmem>>)
    %dma_start3A_563 = arith.constant 1 : i32
    %dma_start3A_564 = arith.constant 5 : i32
    %dma_start3A_565 = arith.constant 0 : i32
    %dma_start3A_566 = tpu.memref_slice %arg8[%dma_start3A_563, %dma_start3A_564, %dma_start3A_565] : memref<2x8x128xi32, #tpu.memory_space<vmem>> -> memref<1x1x128xi32, #tpu.memory_space<vmem>>
    %dma_start3A_567 = tpu.memref_squeeze %dma_start3A_566 : memref<1x1x128xi32, #tpu.memory_space<vmem>> -> memref<128xi32, #tpu.memory_space<vmem>>
    %dma_start3A_568 = arith.constant 0 : i32
    %dma_start3A_569 = arith.constant 0 : i32
    %dma_start3A_570 = tpu.memref_slice %arg6[%dma_start3A_568, %dma_start3A_569] : memref<10240x128xf32, #tpu.memory_space<vmem_shared>> -> memref<10240x128xf32, #tpu.memory_space<vmem_shared>>
    tpu.enqueue_indirect_dma source(%arg10 : memref<128x128xf32, #tpu.memory_space<vmem>>) target(%dma_start3A_570 : memref<10240x128xf32, #tpu.memory_space<vmem_shared>>) offsets(%dma_start3A_567 : memref<128xi32, #tpu.memory_space<vmem>>) semaphore(%arg14 : memref<!tpu.dma_semaphore, #tpu.memory_space<semaphore_mem>>) {add = true}
    %dma_wait3A_571 = arith.constant 0 : i32
    %dma_wait3A_572 = arith.constant 0 : i32
    %dma_wait3A_573 = arith.constant 0 : i32
    %dma_wait3A_574 = tpu.memref_slice %arg8[%dma_wait3A_571, %dma_wait3A_572, %dma_wait3A_573] : memref<2x8x128xi32, #tpu.memory_space<vmem>> -> memref<1x1x128xi32, #tpu.memory_space<vmem>>
    %dma_wait3A_575 = tpu.memref_squeeze %dma_wait3A_574 : memref<1x1x128xi32, #tpu.memory_space<vmem>> -> memref<128xi32, #tpu.memory_space<vmem>>
    %dma_wait3A_576 = arith.constant 0 : i32
    %dma_wait3A_577 = arith.constant 0 : i32
    %dma_wait3A_578 = tpu.memref_slice %arg6[%dma_wait3A_576, %dma_wait3A_577] : memref<10240x128xf32, #tpu.memory_space<vmem_shared>> -> memref<10240x128xf32, #tpu.memory_space<vmem_shared>>
    tpu.wait_indirect_dma semaphore(%arg14 : memref<!tpu.dma_semaphore, #tpu.memory_space<semaphore_mem>>) src(%arg10 : memref<128x128xf32, #tpu.memory_space<vmem>>) dst(%dma_wait3A_578 : memref<10240x128xf32, #tpu.memory_space<vmem_shared>>)
    %dma_start3A_579 = arith.constant 1 : i32
    %dma_start3A_580 = arith.constant 7 : i32
    %dma_start3A_581 = arith.constant 0 : i32
    %dma_start3A_582 = tpu.memref_slice %arg7[%dma_start3A_579, %dma_start3A_580, %dma_start3A_581] : memref<2x8x128xi32, #tpu.memory_space<vmem>> -> memref<1x1x128xi32, #tpu.memory_space<vmem>>
    %dma_start3A_583 = tpu.memref_squeeze %dma_start3A_582 : memref<1x1x128xi32, #tpu.memory_space<vmem>> -> memref<128xi32, #tpu.memory_space<vmem>>
    %dma_start3A_584 = arith.constant 0 : i32
    %dma_start3A_585 = arith.constant 0 : i32
    %dma_start3A_586 = tpu.memref_slice %arg2[%dma_start3A_584, %dma_start3A_585] : memref<10000x128xf32, #tpu.memory_space<hbm>> -> memref<10000x128xf32, #tpu.memory_space<hbm>>
    tpu.enqueue_indirect_dma source(%dma_start3A_586 : memref<10000x128xf32, #tpu.memory_space<hbm>>) target(%arg10 : memref<128x128xf32, #tpu.memory_space<vmem>>) offsets(%dma_start3A_583 : memref<128xi32, #tpu.memory_space<vmem>>) semaphore(%arg12 : memref<!tpu.dma_semaphore, #tpu.memory_space<semaphore_mem>>)
    %dma_wait3A_587 = arith.constant 0 : i32
    %dma_wait3A_588 = arith.constant 0 : i32
    %dma_wait3A_589 = arith.constant 0 : i32
    %dma_wait3A_590 = tpu.memref_slice %arg7[%dma_wait3A_587, %dma_wait3A_588, %dma_wait3A_589] : memref<2x8x128xi32, #tpu.memory_space<vmem>> -> memref<1x1x128xi32, #tpu.memory_space<vmem>>
    %dma_wait3A_591 = tpu.memref_squeeze %dma_wait3A_590 : memref<1x1x128xi32, #tpu.memory_space<vmem>> -> memref<128xi32, #tpu.memory_space<vmem>>
    %dma_wait3A_592 = arith.constant 0 : i32
    %dma_wait3A_593 = arith.constant 0 : i32
    %dma_wait3A_594 = tpu.memref_slice %arg2[%dma_wait3A_592, %dma_wait3A_593] : memref<10000x128xf32, #tpu.memory_space<hbm>> -> memref<10000x128xf32, #tpu.memory_space<hbm>>
    tpu.wait_indirect_dma semaphore(%arg11 : memref<!tpu.dma_semaphore, #tpu.memory_space<semaphore_mem>>) src(%dma_wait3A_594 : memref<10000x128xf32, #tpu.memory_space<hbm>>) dst(%arg9 : memref<128x128xf32, #tpu.memory_space<vmem>>)
    %dma_start3A_595 = arith.constant 1 : i32
    %dma_start3A_596 = arith.constant 6 : i32
    %dma_start3A_597 = arith.constant 0 : i32
    %dma_start3A_598 = tpu.memref_slice %arg8[%dma_start3A_595, %dma_start3A_596, %dma_start3A_597] : memref<2x8x128xi32, #tpu.memory_space<vmem>> -> memref<1x1x128xi32, #tpu.memory_space<vmem>>
    %dma_start3A_599 = tpu.memref_squeeze %dma_start3A_598 : memref<1x1x128xi32, #tpu.memory_space<vmem>> -> memref<128xi32, #tpu.memory_space<vmem>>
    %dma_start3A_600 = arith.constant 0 : i32
    %dma_start3A_601 = arith.constant 0 : i32
    %dma_start3A_602 = tpu.memref_slice %arg6[%dma_start3A_600, %dma_start3A_601] : memref<10240x128xf32, #tpu.memory_space<vmem_shared>> -> memref<10240x128xf32, #tpu.memory_space<vmem_shared>>
    tpu.enqueue_indirect_dma source(%arg9 : memref<128x128xf32, #tpu.memory_space<vmem>>) target(%dma_start3A_602 : memref<10240x128xf32, #tpu.memory_space<vmem_shared>>) offsets(%dma_start3A_599 : memref<128xi32, #tpu.memory_space<vmem>>) semaphore(%arg13 : memref<!tpu.dma_semaphore, #tpu.memory_space<semaphore_mem>>) {add = true}
    %dma_wait3A_603 = arith.constant 0 : i32
    %dma_wait3A_604 = arith.constant 0 : i32
    %dma_wait3A_605 = arith.constant 0 : i32
    %dma_wait3A_606 = tpu.memref_slice %arg8[%dma_wait3A_603, %dma_wait3A_604, %dma_wait3A_605] : memref<2x8x128xi32, #tpu.memory_space<vmem>> -> memref<1x1x128xi32, #tpu.memory_space<vmem>>
    %dma_wait3A_607 = tpu.memref_squeeze %dma_wait3A_606 : memref<1x1x128xi32, #tpu.memory_space<vmem>> -> memref<128xi32, #tpu.memory_space<vmem>>
    %dma_wait3A_608 = arith.constant 0 : i32
    %dma_wait3A_609 = arith.constant 0 : i32
    %dma_wait3A_610 = tpu.memref_slice %arg6[%dma_wait3A_608, %dma_wait3A_609] : memref<10240x128xf32, #tpu.memory_space<vmem_shared>> -> memref<10240x128xf32, #tpu.memory_space<vmem_shared>>
    tpu.wait_indirect_dma semaphore(%arg13 : memref<!tpu.dma_semaphore, #tpu.memory_space<semaphore_mem>>) src(%arg9 : memref<128x128xf32, #tpu.memory_space<vmem>>) dst(%dma_wait3A_610 : memref<10240x128xf32, #tpu.memory_space<vmem_shared>>)
    %dma_wait3A_611 = arith.constant 0 : i32
    %dma_wait3A_612 = arith.constant 0 : i32
    %dma_wait3A_613 = arith.constant 0 : i32
    %dma_wait3A_614 = tpu.memref_slice %arg7[%dma_wait3A_611, %dma_wait3A_612, %dma_wait3A_613] : memref<2x8x128xi32, #tpu.memory_space<vmem>> -> memref<1x1x128xi32, #tpu.memory_space<vmem>>
    %dma_wait3A_615 = tpu.memref_squeeze %dma_wait3A_614 : memref<1x1x128xi32, #tpu.memory_space<vmem>> -> memref<128xi32, #tpu.memory_space<vmem>>
    %dma_wait3A_616 = arith.constant 0 : i32
    %dma_wait3A_617 = arith.constant 0 : i32
    %dma_wait3A_618 = tpu.memref_slice %arg2[%dma_wait3A_616, %dma_wait3A_617] : memref<10000x128xf32, #tpu.memory_space<hbm>> -> memref<10000x128xf32, #tpu.memory_space<hbm>>
    tpu.wait_indirect_dma semaphore(%arg12 : memref<!tpu.dma_semaphore, #tpu.memory_space<semaphore_mem>>) src(%dma_wait3A_618 : memref<10000x128xf32, #tpu.memory_space<hbm>>) dst(%arg10 : memref<128x128xf32, #tpu.memory_space<vmem>>)
    %dma_start3A_619 = arith.constant 1 : i32
    %dma_start3A_620 = arith.constant 7 : i32
    %dma_start3A_621 = arith.constant 0 : i32
    %dma_start3A_622 = tpu.memref_slice %arg8[%dma_start3A_619, %dma_start3A_620, %dma_start3A_621] : memref<2x8x128xi32, #tpu.memory_space<vmem>> -> memref<1x1x128xi32, #tpu.memory_space<vmem>>
    %dma_start3A_623 = tpu.memref_squeeze %dma_start3A_622 : memref<1x1x128xi32, #tpu.memory_space<vmem>> -> memref<128xi32, #tpu.memory_space<vmem>>
    %dma_start3A_624 = arith.constant 0 : i32
    %dma_start3A_625 = arith.constant 0 : i32
    %dma_start3A_626 = tpu.memref_slice %arg6[%dma_start3A_624, %dma_start3A_625] : memref<10240x128xf32, #tpu.memory_space<vmem_shared>> -> memref<10240x128xf32, #tpu.memory_space<vmem_shared>>
    tpu.enqueue_indirect_dma source(%arg10 : memref<128x128xf32, #tpu.memory_space<vmem>>) target(%dma_start3A_626 : memref<10240x128xf32, #tpu.memory_space<vmem_shared>>) offsets(%dma_start3A_623 : memref<128xi32, #tpu.memory_space<vmem>>) semaphore(%arg14 : memref<!tpu.dma_semaphore, #tpu.memory_space<semaphore_mem>>) {add = true}
    %dma_wait3A_627 = arith.constant 0 : i32
    %dma_wait3A_628 = arith.constant 0 : i32
    %dma_wait3A_629 = arith.constant 0 : i32
    %dma_wait3A_630 = tpu.memref_slice %arg8[%dma_wait3A_627, %dma_wait3A_628, %dma_wait3A_629] : memref<2x8x128xi32, #tpu.memory_space<vmem>> -> memref<1x1x128xi32, #tpu.memory_space<vmem>>
    %dma_wait3A_631 = tpu.memref_squeeze %dma_wait3A_630 : memref<1x1x128xi32, #tpu.memory_space<vmem>> -> memref<128xi32, #tpu.memory_space<vmem>>
    %dma_wait3A_632 = arith.constant 0 : i32
    %dma_wait3A_633 = arith.constant 0 : i32
    %dma_wait3A_634 = tpu.memref_slice %arg6[%dma_wait3A_632, %dma_wait3A_633] : memref<10240x128xf32, #tpu.memory_space<vmem_shared>> -> memref<10240x128xf32, #tpu.memory_space<vmem_shared>>
    tpu.wait_indirect_dma semaphore(%arg14 : memref<!tpu.dma_semaphore, #tpu.memory_space<semaphore_mem>>) src(%arg10 : memref<128x128xf32, #tpu.memory_space<vmem>>) dst(%dma_wait3A_634 : memref<10240x128xf32, #tpu.memory_space<vmem_shared>>)
    "tpu.trace_stop"() : () -> ()
    "tpu.trace_start"() <{level = 10 : i32, message = "post_barrier"}> : () -> ()
    %barrier3A_635 = arith.constant 0 : index
    tpu.barrier barrier_id(%barrier3A_635)
    "tpu.trace_stop"() : () -> ()
    "tpu.trace_start"() <{level = 10 : i32, message = "copy_out"}> : () -> ()
    %mul3A_636 = arith.constant 640 : i32
    %mul3A_637 = arith.muli %arg1, %mul3A_636 : i32
    %mul3A_638 = arith.constant 640 : i32
    %mul3A_639 = arith.muli %arg1, %mul3A_638 : i32
    "tpu.region"() ({
      %run_scoped3A_640 = tpu.sem_alloc : memref<!tpu.dma_semaphore, #tpu.memory_space<semaphore_mem>>
      %dma_start3A_641 = arith.constant 0 : i32
      %dma_start3A_642 = tpu.memref_slice %arg5[%arg0, %mul3A_639, %dma_start3A_641] : memref<2x10240x128xf32, #tpu.memory_space<hbm>> -> memref<1x640x128xf32, #tpu.memory_space<hbm>>
      %dma_start3A_643 = tpu.memref_squeeze %dma_start3A_642 : memref<1x640x128xf32, #tpu.memory_space<hbm>> -> memref<640x128xf32, #tpu.memory_space<hbm>>
      %dma_start3A_644 = arith.constant 0 : i32
      %dma_start3A_645 = tpu.memref_slice %arg6[%mul3A_637, %dma_start3A_644] : memref<10240x128xf32, #tpu.memory_space<vmem_shared>> -> memref<640x128xf32, #tpu.memory_space<vmem_shared>>
      tpu.enqueue_dma source(%dma_start3A_645 : memref<640x128xf32, #tpu.memory_space<vmem_shared>>) target(%dma_start3A_643 : memref<640x128xf32, #tpu.memory_space<hbm>>) target_semaphore(%run_scoped3A_640 : memref<!tpu.dma_semaphore, #tpu.memory_space<semaphore_mem>>)
      %dma_wait3A_646 = arith.constant 0 : i32
      %dma_wait3A_647 = tpu.memref_slice %arg5[%arg0, %mul3A_639, %dma_wait3A_646] : memref<2x10240x128xf32, #tpu.memory_space<hbm>> -> memref<1x640x128xf32, #tpu.memory_space<hbm>>
      %dma_wait3A_648 = tpu.memref_squeeze %dma_wait3A_647 : memref<1x640x128xf32, #tpu.memory_space<hbm>> -> memref<640x128xf32, #tpu.memory_space<hbm>>
      %dma_wait3A_649 = arith.constant 0 : i32
      %dma_wait3A_650 = tpu.memref_slice %arg6[%mul3A_637, %dma_wait3A_649] : memref<10240x128xf32, #tpu.memory_space<vmem_shared>> -> memref<640x128xf32, #tpu.memory_space<vmem_shared>>
      tpu.wait_dma2 semaphore(%run_scoped3A_640 : memref<!tpu.dma_semaphore, #tpu.memory_space<semaphore_mem>>) src(%dma_wait3A_650 : memref<640x128xf32, #tpu.memory_space<vmem_shared>>) dst(%dma_wait3A_648 : memref<640x128xf32, #tpu.memory_space<hbm>>)
      tpu.yield
    }) : () -> ()
    "tpu.trace_stop"() : () -> ()
    return
  }
}

module attributes {stable_mosaic.version = 14 : i64} {
  func.func @body(%arg0: memref<10000x128xf32, #tpu.memory_space<vmem>>, %arg1: memref<2x10240x128xf32, #tpu.memory_space<vmem>>, %arg2: memref<128x128xf32, #tpu.memory_space<vmem>>, %arg3: memref<1x128xf32, #tpu.memory_space<vmem>>, %arg4: memref<1x128xf32, #tpu.memory_space<vmem>>, %arg5: memref<1x128xf32, #tpu.memory_space<vmem>>, %arg6: memref<128x128xf32, #tpu.memory_space<vmem>>, %arg7: memref<1x128xf32, #tpu.memory_space<vmem>>, %arg8: memref<10000x128xf32, #tpu.memory_space<vmem>>) attributes {dimension_semantics = [], scalar_prefetch = 0 : i64, scratch_operands = 0 : i64, tpu.core_type = #tpu.core_type<tc>} {
    %get3A = arith.constant 0 : index
    %get3A_0 = arith.constant 0 : index
    %get3A_1 = vector.load %arg0[%get3A, %get3A_0] : memref<10000x128xf32, #tpu.memory_space<vmem>>, vector<10000x128xf32>
    %get3A_2 = arith.constant 0 : index
    %get3A_3 = arith.constant 0 : index
    %get3A_4 = arith.constant 0 : index
    %get3A_5 = vector.load %arg1[%get3A_2, %get3A_3, %get3A_4] : memref<2x10240x128xf32, #tpu.memory_space<vmem>>, vector<1x10000x128xf32>
    %get3A_6 = vector.shape_cast %get3A_5 : vector<1x10000x128xf32> to vector<10000x128xf32>
    %add3A = arith.addf %get3A_1, %get3A_6 : vector<10000x128xf32>
    %get3A_7 = arith.constant 1 : index
    %get3A_8 = arith.constant 0 : index
    %get3A_9 = arith.constant 0 : index
    %get3A_10 = vector.load %arg1[%get3A_7, %get3A_8, %get3A_9] : memref<2x10240x128xf32, #tpu.memory_space<vmem>>, vector<1x10000x128xf32>
    %get3A_11 = vector.shape_cast %get3A_10 : vector<1x10000x128xf32> to vector<10000x128xf32>
    %add3A_12 = arith.addf %add3A, %get3A_11 : vector<10000x128xf32>
    %get3A_13 = arith.constant 0 : index
    %get3A_14 = arith.constant 0 : index
    %get3A_15 = vector.load %arg2[%get3A_13, %get3A_14] : memref<128x128xf32, #tpu.memory_space<vmem>>, vector<128x128xf32>
    %dot_general3A = arith.constant dense<0.000000e+00> : vector<10000x128xf32>
    %dot_general3A_16 = tpu.matmul %add3A_12, %get3A_15, %dot_general3A {dimension_numbers = #tpu.dot_dimension_numbers<[1], [1], [0], [0], [0, 0, 1, 0], [], []>, transpose_lhs_hint = false} : vector<10000x128xf32>, vector<128x128xf32>, vector<10000x128xf32> -> vector<10000x128xf32>
    %get3A_17 = arith.constant 0 : index
    %get3A_18 = arith.constant 0 : index
    %get3A_19 = vector.load %arg3[%get3A_17, %get3A_18] : memref<1x128xf32, #tpu.memory_space<vmem>>, vector<1x128xf32>
    %add3A_20 = vector.broadcast %get3A_19 : vector<1x128xf32> to vector<10000x128xf32>
    %add3A_21 = arith.addf %dot_general3A_16, %add3A_20 : vector<10000x128xf32>
    %reduce_sum3A = arith.constant dense<0.000000e+00> : vector<128xf32>
    %reduce_sum3A_22 = vector.multi_reduction <add>, %add3A_21, %reduce_sum3A [0] : vector<10000x128xf32> to vector<128xf32>
    %broadcast_in_dim3A = vector.shape_cast %reduce_sum3A_22 : vector<128xf32> to vector<1x128xf32>
    %div3A = arith.constant 1.000000e+04 : f32
    %div3A_23 = vector.broadcast %div3A : f32 to vector<1x128xf32>
    %div3A_24 = arith.divf %broadcast_in_dim3A, %div3A_23 : vector<1x128xf32>
    %mul3A = arith.mulf %add3A_21, %add3A_21 : vector<10000x128xf32>
    %reduce_sum3A_25 = arith.constant dense<0.000000e+00> : vector<128xf32>
    %reduce_sum3A_26 = vector.multi_reduction <add>, %mul3A, %reduce_sum3A_25 [0] : vector<10000x128xf32> to vector<128xf32>
    %broadcast_in_dim3A_27 = vector.shape_cast %reduce_sum3A_26 : vector<128xf32> to vector<1x128xf32>
    %div3A_28 = arith.constant 1.000000e+04 : f32
    %div3A_29 = vector.broadcast %div3A_28 : f32 to vector<1x128xf32>
    %div3A_30 = arith.divf %broadcast_in_dim3A_27, %div3A_29 : vector<1x128xf32>
    %mul3A_31 = arith.mulf %div3A_24, %div3A_24 : vector<1x128xf32>
    %sub3A = arith.subf %div3A_30, %mul3A_31 : vector<1x128xf32>
    %sub3A_32 = vector.broadcast %div3A_24 : vector<1x128xf32> to vector<10000x128xf32>
    %sub3A_33 = arith.subf %add3A_21, %sub3A_32 : vector<10000x128xf32>
    %add3A_34 = arith.constant 9.99999974E-6 : f32
    %add3A_35 = vector.broadcast %add3A_34 : f32 to vector<1x128xf32>
    %add3A_36 = arith.addf %sub3A, %add3A_35 : vector<1x128xf32>
    %rsqrt3A = math.rsqrt %add3A_36 : vector<1x128xf32>
    %mul3A_37 = vector.broadcast %rsqrt3A : vector<1x128xf32> to vector<10000x128xf32>
    %mul3A_38 = arith.mulf %sub3A_33, %mul3A_37 : vector<10000x128xf32>
    %get3A_39 = arith.constant 0 : index
    %get3A_40 = arith.constant 0 : index
    %get3A_41 = vector.load %arg4[%get3A_39, %get3A_40] : memref<1x128xf32, #tpu.memory_space<vmem>>, vector<1x128xf32>
    %mul3A_42 = vector.broadcast %get3A_41 : vector<1x128xf32> to vector<10000x128xf32>
    %mul3A_43 = arith.mulf %mul3A_38, %mul3A_42 : vector<10000x128xf32>
    %get3A_44 = arith.constant 0 : index
    %get3A_45 = arith.constant 0 : index
    %get3A_46 = vector.load %arg5[%get3A_44, %get3A_45] : memref<1x128xf32, #tpu.memory_space<vmem>>, vector<1x128xf32>
    %add3A_47 = vector.broadcast %get3A_46 : vector<1x128xf32> to vector<10000x128xf32>
    %add3A_48 = arith.addf %mul3A_43, %add3A_47 : vector<10000x128xf32>
    %max3A = arith.constant 0.000000e+00 : f32
    %max3A_49 = vector.broadcast %max3A : f32 to vector<10000x128xf32>
    %max3A_50 = arith.maximumf %add3A_48, %max3A_49 : vector<10000x128xf32>
    %get3A_51 = arith.constant 0 : index
    %get3A_52 = arith.constant 0 : index
    %get3A_53 = vector.load %arg6[%get3A_51, %get3A_52] : memref<128x128xf32, #tpu.memory_space<vmem>>, vector<128x128xf32>
    %dot_general3A_54 = arith.constant dense<0.000000e+00> : vector<10000x128xf32>
    %dot_general3A_55 = tpu.matmul %max3A_50, %get3A_53, %dot_general3A_54 {dimension_numbers = #tpu.dot_dimension_numbers<[1], [1], [0], [0], [0, 0, 1, 0], [], []>, transpose_lhs_hint = false} : vector<10000x128xf32>, vector<128x128xf32>, vector<10000x128xf32> -> vector<10000x128xf32>
    %get3A_56 = arith.constant 0 : index
    %get3A_57 = arith.constant 0 : index
    %get3A_58 = vector.load %arg7[%get3A_56, %get3A_57] : memref<1x128xf32, #tpu.memory_space<vmem>>, vector<1x128xf32>
    %add3A_59 = vector.broadcast %get3A_58 : vector<1x128xf32> to vector<10000x128xf32>
    %add3A_60 = arith.addf %dot_general3A_55, %add3A_59 : vector<10000x128xf32>
    %swap3A = arith.constant 0 : index
    %swap3A_61 = arith.constant 0 : index
    %swap3A_62 = vector.load %arg8[%swap3A, %swap3A_61] : memref<10000x128xf32, #tpu.memory_space<vmem>>, vector<10000x128xf32>
    tpu.vector_store %arg8[%swap3A, %swap3A_61], %add3A_60 {strides = array<i32>} : memref<10000x128xf32, #tpu.memory_space<vmem>>, vector<10000x128xf32>,
    return
  }
}

module attributes {stable_mosaic.version = 14 : i64} {
  func.func @body(%arg0: memref<10000x128xf32, #tpu.memory_space<vmem>>, %arg1: memref<2x10240x128xf32, #tpu.memory_space<vmem>>, %arg2: memref<128x128xf32, #tpu.memory_space<vmem>>, %arg3: memref<1x128xf32, #tpu.memory_space<vmem>>, %arg4: memref<1x128xf32, #tpu.memory_space<vmem>>, %arg5: memref<1x128xf32, #tpu.memory_space<vmem>>, %arg6: memref<128x128xf32, #tpu.memory_space<vmem>>, %arg7: memref<1x128xf32, #tpu.memory_space<vmem>>, %arg8: memref<10000x128xf32, #tpu.memory_space<vmem>>) attributes {dimension_semantics = [], scalar_prefetch = 0 : i64, scratch_operands = 0 : i64, tpu.core_type = #tpu.core_type<tc>} {
    %get3A = arith.constant 0 : index
    %get3A_0 = arith.constant 0 : index
    %get3A_1 = vector.load %arg0[%get3A, %get3A_0] : memref<10000x128xf32, #tpu.memory_space<vmem>>, vector<10000x128xf32>
    %get3A_2 = arith.constant 0 : index
    %get3A_3 = arith.constant 0 : index
    %get3A_4 = arith.constant 0 : index
    %get3A_5 = vector.load %arg1[%get3A_2, %get3A_3, %get3A_4] : memref<2x10240x128xf32, #tpu.memory_space<vmem>>, vector<1x10000x128xf32>
    %get3A_6 = vector.shape_cast %get3A_5 : vector<1x10000x128xf32> to vector<10000x128xf32>
    %add3A = arith.addf %get3A_1, %get3A_6 : vector<10000x128xf32>
    %get3A_7 = arith.constant 1 : index
    %get3A_8 = arith.constant 0 : index
    %get3A_9 = arith.constant 0 : index
    %get3A_10 = vector.load %arg1[%get3A_7, %get3A_8, %get3A_9] : memref<2x10240x128xf32, #tpu.memory_space<vmem>>, vector<1x10000x128xf32>
    %get3A_11 = vector.shape_cast %get3A_10 : vector<1x10000x128xf32> to vector<10000x128xf32>
    %add3A_12 = arith.addf %add3A, %get3A_11 : vector<10000x128xf32>
    %get3A_13 = arith.constant 0 : index
    %get3A_14 = arith.constant 0 : index
    %get3A_15 = vector.load %arg2[%get3A_13, %get3A_14] : memref<128x128xf32, #tpu.memory_space<vmem>>, vector<128x128xf32>
    %dot_general3A = arith.constant dense<0.000000e+00> : vector<10000x128xf32>
    %dot_general3A_16 = tpu.matmul %add3A_12, %get3A_15, %dot_general3A {dimension_numbers = #tpu.dot_dimension_numbers<[1], [1], [0], [0], [0, 0, 1, 0], [], []>, transpose_lhs_hint = false} : vector<10000x128xf32>, vector<128x128xf32>, vector<10000x128xf32> -> vector<10000x128xf32>
    %get3A_17 = arith.constant 0 : index
    %get3A_18 = arith.constant 0 : index
    %get3A_19 = vector.load %arg3[%get3A_17, %get3A_18] : memref<1x128xf32, #tpu.memory_space<vmem>>, vector<1x128xf32>
    %add3A_20 = vector.broadcast %get3A_19 : vector<1x128xf32> to vector<10000x128xf32>
    %add3A_21 = arith.addf %dot_general3A_16, %add3A_20 : vector<10000x128xf32>
    %reduce_sum3A = arith.constant dense<0.000000e+00> : vector<128xf32>
    %reduce_sum3A_22 = vector.multi_reduction <add>, %add3A_21, %reduce_sum3A [0] : vector<10000x128xf32> to vector<128xf32>
    %broadcast_in_dim3A = vector.shape_cast %reduce_sum3A_22 : vector<128xf32> to vector<1x128xf32>
    %div3A = arith.constant 1.000000e+04 : f32
    %div3A_23 = vector.broadcast %div3A : f32 to vector<1x128xf32>
    %div3A_24 = arith.divf %broadcast_in_dim3A, %div3A_23 : vector<1x128xf32>
    %mul3A = arith.mulf %add3A_21, %add3A_21 : vector<10000x128xf32>
    %reduce_sum3A_25 = arith.constant dense<0.000000e+00> : vector<128xf32>
    %reduce_sum3A_26 = vector.multi_reduction <add>, %mul3A, %reduce_sum3A_25 [0] : vector<10000x128xf32> to vector<128xf32>
    %broadcast_in_dim3A_27 = vector.shape_cast %reduce_sum3A_26 : vector<128xf32> to vector<1x128xf32>
    %div3A_28 = arith.constant 1.000000e+04 : f32
    %div3A_29 = vector.broadcast %div3A_28 : f32 to vector<1x128xf32>
    %div3A_30 = arith.divf %broadcast_in_dim3A_27, %div3A_29 : vector<1x128xf32>
    %mul3A_31 = arith.mulf %div3A_24, %div3A_24 : vector<1x128xf32>
    %sub3A = arith.subf %div3A_30, %mul3A_31 : vector<1x128xf32>
    %sub3A_32 = vector.broadcast %div3A_24 : vector<1x128xf32> to vector<10000x128xf32>
    %sub3A_33 = arith.subf %add3A_21, %sub3A_32 : vector<10000x128xf32>
    %add3A_34 = arith.constant 9.99999974E-6 : f32
    %add3A_35 = vector.broadcast %add3A_34 : f32 to vector<1x128xf32>
    %add3A_36 = arith.addf %sub3A, %add3A_35 : vector<1x128xf32>
    %rsqrt3A = math.rsqrt %add3A_36 : vector<1x128xf32>
    %mul3A_37 = vector.broadcast %rsqrt3A : vector<1x128xf32> to vector<10000x128xf32>
    %mul3A_38 = arith.mulf %sub3A_33, %mul3A_37 : vector<10000x128xf32>
    %get3A_39 = arith.constant 0 : index
    %get3A_40 = arith.constant 0 : index
    %get3A_41 = vector.load %arg4[%get3A_39, %get3A_40] : memref<1x128xf32, #tpu.memory_space<vmem>>, vector<1x128xf32>
    %mul3A_42 = vector.broadcast %get3A_41 : vector<1x128xf32> to vector<10000x128xf32>
    %mul3A_43 = arith.mulf %mul3A_38, %mul3A_42 : vector<10000x128xf32>
    %get3A_44 = arith.constant 0 : index
    %get3A_45 = arith.constant 0 : index
    %get3A_46 = vector.load %arg5[%get3A_44, %get3A_45] : memref<1x128xf32, #tpu.memory_space<vmem>>, vector<1x128xf32>
    %add3A_47 = vector.broadcast %get3A_46 : vector<1x128xf32> to vector<10000x128xf32>
    %add3A_48 = arith.addf %mul3A_43, %add3A_47 : vector<10000x128xf32>
    %max3A = arith.constant 0.000000e+00 : f32
    %max3A_49 = vector.broadcast %max3A : f32 to vector<10000x128xf32>
    %max3A_50 = arith.maximumf %add3A_48, %max3A_49 : vector<10000x128xf32>
    %get3A_51 = arith.constant 0 : index
    %get3A_52 = arith.constant 0 : index
    %get3A_53 = vector.load %arg6[%get3A_51, %get3A_52] : memref<128x128xf32, #tpu.memory_space<vmem>>, vector<128x128xf32>
    %dot_general3A_54 = arith.constant dense<0.000000e+00> : vector<10000x128xf32>
    %dot_general3A_55 = tpu.matmul %max3A_50, %get3A_53, %dot_general3A_54 {dimension_numbers = #tpu.dot_dimension_numbers<[1], [1], [0], [0], [0, 0, 1, 0], [], []>, transpose_lhs_hint = false} : vector<10000x128xf32>, vector<128x128xf32>, vector<10000x128xf32> -> vector<10000x128xf32>
    %get3A_56 = arith.constant 0 : index
    %get3A_57 = arith.constant 0 : index
    %get3A_58 = vector.load %arg7[%get3A_56, %get3A_57] : memref<1x128xf32, #tpu.memory_space<vmem>>, vector<1x128xf32>
    %add3A_59 = vector.broadcast %get3A_58 : vector<1x128xf32> to vector<10000x128xf32>
    %add3A_60 = arith.addf %dot_general3A_55, %add3A_59 : vector<10000x128xf32>
    %swap3A = arith.constant 0 : index
    %swap3A_61 = arith.constant 0 : index
    %swap3A_62 = vector.load %arg8[%swap3A, %swap3A_61] : memref<10000x128xf32, #tpu.memory_space<vmem>>, vector<10000x128xf32>
    tpu.vector_store %arg8[%swap3A, %swap3A_61], %add3A_60 {strides = array<i32>} : memref<10000x128xf32, #tpu.memory_space<vmem>>, vector<10000x128xf32>,
    return
  }
}

</mosaic_0001>

<sc_bundles>
// kernel: kernel.6.cloned.1.call-start
scs
__scs_entry_jumppad:
0x0: {  	(pc) =	sbr.rel $0x88, $3  }
0x1: {  	(tag) =	ssettag $0x0;
	lr =	simm.s32 $0x1  }
0x2: {  	[smem:$0x3F93] =	sst lr;
	_ =	strace $0xD0000000  }
0x3: {  	_ = 	snop  }
0x4: {  	_ = 	snop  }
0x5: {  	_ = 	snop  }
0x6: {  	_ = 	snop  }
0x7: {  	_ = 	snop  }
__scs_overlays_trampoline_lowered:
0x8: {  	[smem:$0x3FA2] =	sst s0  }
0x9: {  	[smem:$0x3FA3] =	sst s1  }
0xa: {  	[smem:$0x3FA4] =	sst s2  }
0xb: {  	[smem:$0x3FA5] =	sst s3  }
0xc: {  	[smem:$0x3FA6] =	sst s4  }
0xd: {  	[smem:$0x3FA7] =	sst s5  }
0xe: {  	[smem:$0x3FA8] =	sst s6  }
0xf: {  	[smem:$0x3FA9] =	sst s7  }
0x10: {  	[smem:$0x3FAA] =	sst s8  }
0x11: {  	[smem:$0x3FAB] =	sst s9;
	s0 =	simm.s32 @!p0 $0x0  }
0x12: {  	s1 =	sld [smem:$0x3F91];
	s0 =	simm.s32 @p0 $0x1  }
0x13: {  	[smem:$0x3FAC] =	sst s0;
	s0 =	simm.s32 @!p1 $0x0  }
0x14: {  	s2 =	sld [smem:$0x3F90];
	s0 =	simm.s32 @p1 $0x1  }
0x15: {  	[smem:$0x3FAD] =	sst s0;
	s0 =	simm.s32 @!p2 $0x0  }
0x16: {  	s3 =	sld [smem:$0x3FDB];
	s0 =	simm.s32 @p2 $0x1  }
0x17: {  	s4 =	simm.s32 $0x1BF5;
	[smem:$0x3FAF] =	sst s0  }
0x18: {  	s0 =	sld [smem:$0x3F92];
	_ =	swait.ge [sflag:s4], $0x0  }
0x19: {  	s7 =	sld [smem:$0x3F93]  }
0x1a: {  	s8 =	sadd.s32 $0xFFFFE003, lr  }
0x1b: {  	s9 =	sadd.s32 $0xFFFFFEF7, lr;
	s5 =	simm.s32 $0xFFFFFFFF;
	p2 =	slt.u32 s8, $0xFFFFF086  }
0x1c: {  	p1 =	slt.u32 s9, $0xF7A;
	s5 =	simm.s32 @!p2 $0x0  }
0x1d: {  	s5 =	simm.s32 @p1 $0x1;
	p0 =	seq.s32 s7, s2  }
0x1e: {  	s7 =	smul.u32 @!p0 $0xF7A, s2;
	p2 =	seq.s32 @!p0 s5, $0x0  }
0x1f: {  	s9 =	smul.u32 $0xF7A, s1;
	s8 =	simm.s32 @!p0 $0x1BF5;
	p2 =	por !p2, p0  }
0x20: {  	[sflag:s8] =	ssyncset.s32 @!p0 $0xFFFFF086;
	s6 =	sadd.s32 @!p0 s3, s7;
	s7 =	simm.s32 @!p0 $0x108  }
0x21: {  	s3 =	sadd.s32 s3, s9;
	s6 =	sadd.s32 @!p0 $0x88, s6;
	s7 =	simm.s32 @p2 $0x1082  }
0x22: {  	[simem:s7], [sflag:s8] =	dma.local @!p0 [hbm:s6], $0xF7A  }
0x23: {  	s9 =	sor.u32 $0xD0000000, s2;
	s6 =	simm.s32 $0x108;
	_ =	swait.ge @!p0 [sflag:s8], $0x0  }
0x24: {  	s3 =	sadd.s32 $0x88, s3;
	s6 =	simm.s32 @!p1 $0x1082;
	[sflag:s4] =	ssyncset.s32 $0xFFFFF086  }
0x25: {  	[simem:s6], [sflag:s4] =	dma.local [hbm:s3], $0xF7A  }
0x26: {  	[smem:$0x3F93] =	sst s1;
	(tag) =	ssettag s2;
	_ =	strace s9  }
0x27: {  	s1 =	sld [smem:$0x3FA3]  }
0x28: {  	s2 =	sld [smem:$0x3FA4]  }
0x29: {  	s4 =	sld [smem:$0x3FA6]  }
0x2a: {  	p0 =	seq.s32 s5, $0x0;
	s5 =	sld [smem:$0x3FA7]  }
0x2b: {  	s6 =	sld [smem:$0x3FA8]  }
0x2c: {  	s7 =	sld [smem:$0x3FA9]  }
0x2d: {  	s3 =	simm.s32 $0x108;
	s8 =	sld [smem:$0x3FAA]  }
0x2e: {  	s3 =	simm.s32 @!p0 $0x1082;
	s9 =	sld [smem:$0x3FAB]  }
0x2f: {  	lr =	sadd.s32 s0, s3;
	s0 =	sld [smem:$0x3FA2]  }
0x30: {  	s3 =	sld [smem:$0x3FA5]  }
0x31: {  	[smem:$0x3FAE] =	sst s10  }
0x32: {  	s10 =	sld [smem:$0x3FAC];
	_ =	sdelay $0x3  }
0x33: {  	p0 =	seq.s32 s10, $0x1;
	s10 =	sld [smem:$0x3FAE];
	_ =	sdelay $0x3  }
0x34: {  	[smem:$0x3FAE] =	sst s10  }
0x35: {  	s10 =	sld [smem:$0x3FAD];
	_ =	sdelay $0x3  }
0x36: {  	p1 =	seq.s32 s10, $0x1;
	s10 =	sld [smem:$0x3FAE];
	_ =	sdelay $0x3  }
0x37: {  	[smem:$0x3FAE] =	sst s10  }
0x38: {  	s10 =	sld [smem:$0x3FAF]  }
0x39: {  	_ = 	snop;
	(pc) =	sbr.ind lr, $3  }
0x3a: {  	_ = 	snop  }
0x3b: {  	_ = 	snop  }
0x3c: {  	p2 =	seq.s32 s10, $0x1;
	s10 =	sld [smem:$0x3FAE]  }
0x3d: {  	_ =	shalt  }
0x3e: {  	_ =	shalt  }
0x3f: {  	_ =	shalt  }
0x40: {  	_ =	shalt  }
0x41: {  	_ =	shalt  }
0x42: {  	_ =	shalt  }
0x43: {  	_ =	shalt  }
0x44: {  	_ =	shalt  }
0x45: {  	_ =	shalt  }
0x46: {  	_ =	shalt  }
0x47: {  	_ =	shalt  }
0x48: {  	_ =	shalt  }
0x49: {  	_ =	shalt  }
0x4a: {  	_ =	shalt  }
0x4b: {  	_ =	shalt  }
0x4c: {  	_ =	shalt  }
0x4d: {  	_ =	shalt  }
0x4e: {  	_ =	shalt  }
0x4f: {  	_ =	shalt  }
0x50: {  	_ =	shalt  }
0x51: {  	_ =	shalt  }
0x52: {  	_ =	shalt  }
0x53: {  	_ =	shalt  }
0x54: {  	_ =	shalt  }
0x55: {  	_ =	shalt  }
0x56: {  	_ =	shalt  }
0x57: {  	_ =	shalt  }
0x58: {  	_ =	shalt  }
0x59: {  	_ =	shalt  }
0x5a: {  	_ =	shalt  }
0x5b: {  	_ =	shalt  }
0x5c: {  	_ =	shalt  }
0x5d: {  	_ =	shalt  }
0x5e: {  	_ =	shalt  }
0x5f: {  	_ =	shalt  }
0x60: {  	_ =	shalt  }
0x61: {  	_ =	shalt  }
0x62: {  	_ =	shalt  }
0x63: {  	_ =	shalt  }
0x64: {  	_ =	shalt  }
0x65: {  	_ =	shalt  }
0x66: {  	_ =	shalt  }
0x67: {  	_ =	shalt  }
0x68: {  	_ =	shalt  }
0x69: {  	_ =	shalt  }
0x6a: {  	_ =	shalt  }
0x6b: {  	_ =	shalt  }
0x6c: {  	_ =	shalt  }
0x6d: {  	_ =	shalt  }
0x6e: {  	_ =	shalt  }
0x6f: {  	_ =	shalt  }
0x70: {  	_ =	shalt  }
0x71: {  	_ =	shalt  }
0x72: {  	_ =	shalt  }
0x73: {  	_ =	shalt  }
0x74: {  	_ =	shalt  }
0x75: {  	_ =	shalt  }
0x76: {  	_ =	shalt  }
0x77: {  	_ =	shalt  }
0x78: {  	_ =	shalt  }
0x79: {  	_ =	shalt  }
0x7a: {  	_ =	shalt  }
0x7b: {  	_ =	shalt  }
0x7c: {  	_ =	shalt  }
0x7d: {  	_ =	shalt  }
0x7e: {  	_ =	shalt  }
0x7f: {  	_ =	shalt  }
0x80: {  	_ =	shalt  }
0x81: {  	_ =	shalt  }
0x82: {  	_ =	shalt  }
0x83: {  	_ =	shalt  }
0x84: {  	_ =	shalt  }
0x85: {  	_ =	shalt  }
0x86: {  	_ =	shalt  }
0x87: {  	_ =	shalt  }
.Lfunc_end0:
.L_simem_size_0:
called_computation_lowered:
.L_overlay_start_0:
0x88: {  	s2 =	sld [smem:$0x3FD9]  }
0x89: {  	s3 =	sld [smem:$0x3FFE];
	_ =	sdelay $0x1  }
0x8a: {  	s1 =	srdreg.scid  }
0x8b: {  	s0 =	sand.u32 $0x1, s1  }
0x8c: {  	s17 =	sshll.u32 s0, $0xA;
	s2 =	sadd.s32 s3, s2  }
0x8d: {  	s2 =	sadd.s32 s2, s17  }
0x8e: {  	[smem:$0x3FBA] =	sst s2  }
0x8f: {  	_ = 	snop  }
0x90: {  	s2 =	sld [smem:$0x3FC9];
	(tm) =	ssettm $0x1  }
0x91: {  	s18 =	sld [smem:$0x3FFB];
	_ =	sdelay $0x3  }
0x92: {  	_ =	strace s18  }
0x93: {  	s3 =	sld [smem:$0x3FFC];
	_ =	sdelay $0x3  }
0x94: {  	_ =	strace s3  }
0x95: {  	s3 =	sld [smem:$0x3FFD];
	_ =	sdelay $0x3  }
0x96: {  	_ =	strace s3  }
0x97: {  	_ =	strace $0x8FFFFFFF  }
0x98: {  	s19 =	sld [smem:$0x3FDB];
	_ =	sdelay $0x1  }
0x99: {  	s4 =	simm.s32 $_scs_section_size  }
0x9a: {  	s5 =	simm.s32 $_size__tile_overlayer_lowered;
	s6 =	simm.s32 $_tile_overlayer_lowered  }
0x9b: {  	s22 =	simm.s32 $0x1BFF;
	s21 =	sshll.u32 s6, $0x1;
	s3 =	sadd.s32 s4, s19  }
0x9c: {  	s7 =	simm.s32 $0x0;
	s20 =	sshll.u32 s5, $0x1;
	s5 =	sadd.s32 s21, s3  }
0x9d: {  	[timem:s7], [sflag:s22] =	dma.local [hbm:s5], s20  }
0x9e: {  	_ =	swait.ge [sflag:s22], s20  }
0x9f: {  	s4 =	ssub.s32 $0x0, s20;
	[sflag:s22] =	ssyncset.done $0x0  }
0xa0: {  	[sflag:s22] =	ssyncadd.s32 s4;
	_ =	sdelay $0x1  }
0xa1: {  	s23 =	simm.s32 $0x1B8B  }
0xa2: {  	_ =	swait.ge [sflag:s23], $0x1  }
0xa3: {  	[sflag:s23] =	ssyncset.done $0x0  }
0xa4: {  	s25 =	simm.s32 $0x1B8E;
	s24 =	sld [smem:$0x3FFE];
	[sflag:s23] =	ssyncadd.s32 $0xFFFFFFFF  }
0xa5: {  	s26 =	simm.s32 $execute0_lowered;
	[smem:$0x3FD2] =	sst s25  }
0xa6: {  	s5 =	sshll.u32 s26, $0x1;
	_ =	strace $0x80000046;
	[dreg:$0x1] =	wrdreg $0xFFFFFFFF  }
0xa7: {  	s28 =	simm.s32 $_size_execute0_lowered;
	s3 =	sadd.s32 s3, s5;
	[dreg:$0x0] =	wrdreg $0x0  }
0xa8: {  	s5 =	sshll.u32 s28, $0x1;
	[dreg:$0x2] =	wrdreg s3  }
0xa9: {  	[dreg:$0x3] =	wrdreg s5  }
0xaa: {  	[dreg:$0x4] =	wrdreg $0xC0  }
0xab: {  	_ =	task [dreg:s7], $0x5FFFF  }
0xac: {  	[dreg:$0x1] =	wrdreg $0xFFFFFFFF  }
0xad: {  	[dreg:$0x0] =	wrdreg $0x60  }
0xae: {  	[dreg:$0x2] =	wrdreg s2  }
0xaf: {  	[dreg:$0x3] =	wrdreg s24  }
0xb0: {  	[dreg:$0x4] =	wrdreg $0x0  }
0xb1: {  	[dreg:$0x5] =	wrdreg $0x9  }
0xb2: {  	_ =	task.clear_ibuf [dreg:s7], $0x6FFFF;
	_ =	strace $0x90000046  }
0xb3: {  	s29 =	simm.s32 $0x9;
	_ =	strace $0x8000004D  }
0xb4: {  	_ =	swait.ge [sflag:s29], $0x1  }
0xb5: {  	[sflag:s29] =	ssyncadd.s32 $0xFFFFFFFF  }
0xb6: {  	_ =	strace $0x9000004D  }
0xb7: {  	_ =	sfence  }
0xb8: {  	s30 =	sld [smem:$0x0];
	_ =	sdelay $0x2  }
0xb9: {  	s31 =	sshll.u32 s1, $0xD;
	s1 =	sshrl.u32 s1, $0x2  }
0xba: {  	s3 =	sand.u32 $0x4000, s31;
	s1 =	sadd.s32 s1, s30  }
0xbb: {  	s0 =	sor.u32 s3, s0;
	s1 =	sshll.u32 s1, $0x11  }
0xbc: {  	s0 =	sor.u32 s1, s0  }
0xbd: {  	s0 =	sadd.s32 $0x8F2B, s0  }
0xbe: {  	[sflag:s0] =	ssyncadd.remote.s32 $0x1  }
0xbf: {  	_ =	sfence.sel $0xFFFF  }
0xc0: {  	[dreg:$0x0] =	wrdreg $0xFFFFFFFF;
	(pc) =	sbr.abs _section_cstart, $3  }
0xc1: {  	[dreg:$0x1] =	wrdreg $0xFFFFFFFF  }
0xc2: {  	_ =	task.clear_ibuf [dreg:s7], $0x2FFFF;
	_ =	strace $0x9FFFFFFF  }
0xc3: {  	(tm) =	ssettm $0x7FFFFFFF  }
tec
execute0_lowered:
.L_overlay_start_1:
0x0: {  	(tag) =	ssettag $0x1  }
0x1: {  	s0 =	rddreg [dreg:$0x0]  }
0x2: {  	s1 =	rddreg [dreg:$0x1];
	s2 =	srdreg.scid  }
0x3: {  	s3 =	rddreg [dreg:$0x2];
	s11 =	stileid.u32  }
0x4: {  	s4 =	simm.s32 $0x0;
	s28 =	simm.s32 $0x19000;
	s30 =	simm.s32 $0x1  }
0x5: {  	s31 =	simm.s32 $0x3;
	s29 =	simm.s32 $0x5;
	s6 =	smul.u32 $0x14000, s11  }
0x6: {  	s2 =	sand.u32 $0x1, s2;
	[smem:$0x7FF] =	sst s4;
	s20 =	smul.u32 $0x50000, s11  }
0x7: {  	s7 =	sadd.s32 $0x2A00, s1;
	s9 =	sadd.s32 $0xCA00, s1;
	s5 =	smul.u32 $0x140000, s2  }
0x8: {  	_ =	strace $0x80000047;
	s8 =	ssub.s32 $0x2, s2;
	p0 =	seq.s32 s2, $0x0  }
0x9: {  	s10 =	sshrl.u32 s8, $0x1;
	s22 =	sshrl.u32 s20, $0x2;
	s20 =	simm.s32 $0x14000  }
0xa: {  	s5 =	sadd.s32 s6, s5;
	s10 =	ssub.s32 s8, s10;
	s8 =	sadd.s32 s22, s3  }
0xb: {  	s6 =	smul.u32 $0xA, s11;
	s22 =	simm.s32 $0x14800;
	s23 =	sadd.s32 $0x4000, s8  }
0xc: {  	s5 =	sshrl.u32 s5, $0x3;
	s24 =	sadd.s32 $0x8000, s8;
	[dreg:$0x6] =	wrdreg s23  }
0xd: {  	s25 =	sadd.s32 $0xC000, s8;
	s26 =	sadd.s32 $0x10000, s8;
	[dreg:$0x7] =	wrdreg s24  }
0xe: {  	s17 =	smax.u32 s10, $0x1;
	s2 =	sadd.s32 $0xA0, s6;
	[dreg:$0x8] =	wrdreg s25  }
0xf: {  	s1 =	sadd.s32 s5, s1;
	[dreg:$0x9] =	wrdreg s26;
	s23 =	simm.s32 $0x14400  }
0x10: {  	s24 =	simm.s32 $0x14C00;
	s25 =	simm.s32 $0x80;
	s2 =	smov.u32 @p0 s6  }
0x11: {  	s26 =	simm.s32 $0x15000;
	s16 =	sadd.s32 $0x16A00, s1;
	s2 =	sshll.u32 s2, $0x7  }
0x12: {  	s1 =	simm.s32 $0x4;
	s5 =	sadd.s32 s7, s2;
	s21 =	sor.u32 $0x80, s2  }
.Ltmp0:
0x13: {  	s6 =	sadd.s32 s9, s2;
	s2 =	sadd.s32 $0x100, s2;
	(pc) =	sbr.rel .LBB2_1-.Ltmp0, $4  }
0x14: {  	s12 =	sadd.s32 s7, s21;
	s11 =	sadd.s32 s9, s21;
	s7 =	sadd.s32 s7, s2  }
0x15: {  	s15 =	sadd.s32 s9, s2;
	s10 =	sadd.s32 $0x180, s6;
	[dreg:$0x4] =	wrdreg s12  }
0x16: {  	s21 =	simm.s32 $0x6;
	s2 =	simm.s32 $0x2;
	[dreg:$0x5] =	wrdreg s11  }
0x17: {  	v0 =	vimm.f32 $0.0e+00;
	[dreg:$0xa] =	wrdreg s7;
	s11 =	sadd.s32 $0x180, s5;
	s7 =	simm.s32 $0x0  }
.LBB2_6:
0x18: {  	_ =	swait.ge [sflag:s1], $0x4000  }
0x19: {  	[sflag:s1] =	ssyncset.done $0x0  }
0x1a: {  	s9 =	simm.s32 $0x14480;
	[sflag:s1] =	ssyncadd.s32 $0xFFFFC000  }
0x1b: {  	[tilespmem:s28], [sflag:$0x2] =	stream.indirect.gather [hbm4b:s0+s25], $0x80, s9, s25, $0x2000b8;
	[tilespmem:$0x1D000] =	vst v63  }
0x1c: {  	_ =	swait.ge [sflag:s30], $0x4000  }
0x1d: {  	[sflag:s30] =	ssyncset.done $0x0  }
0x1e: {  	[sflag:s30] =	ssyncadd.s32 $0xFFFFC000  }
0x1f: {  	[spmem:s3] =	stream.indirect.scatter.add.f32 [tilespmem:s26], [sflag:$0x3], $0x80, s24, s25, $0x2000b8;
	[tilespmem:$0x1D000] =	vst v63  }
0x20: {  	_ =	swait.ge [sflag:s31], $0x4000  }
0x21: {  	[sflag:s31] =	ssyncset.done $0x0  }
0x22: {  	s13 =	simm.s32 $0x14500;
	[sflag:s31] =	ssyncadd.s32 $0xFFFFC000  }
0x23: {  	[tilespmem:s26], [sflag:$0x1] =	stream.indirect.gather [hbm4b:s0+s25], $0x80, s13, s25, $0x2000b8;
	[tilespmem:$0x1D000] =	vst v63  }
0x24: {  	_ =	swait.ge [sflag:s2], $0x4000  }
0x25: {  	[sflag:s2] =	ssyncset.done $0x0  }
0x26: {  	s14 =	simm.s32 $0x14C80;
	[sflag:s2] =	ssyncadd.s32 $0xFFFFC000  }
0x27: {  	[spmem:s3] =	stream.indirect.scatter.add.f32 [tilespmem:s28], [sflag:$0x4], $0x80, s14, s25, $0x2000b8;
	[tilespmem:$0x1D000] =	vst v63  }
0x28: {  	_ =	swait.ge [sflag:s1], $0x4000  }
0x29: {  	[sflag:s1] =	ssyncset.done $0x0  }
0x2a: {  	s18 =	simm.s32 $0x14580;
	[sflag:s1] =	ssyncadd.s32 $0xFFFFC000  }
0x2b: {  	[tilespmem:s28], [sflag:$0x2] =	stream.indirect.gather [hbm4b:s0+s25], $0x80, s18, s25, $0x2000b8;
	[tilespmem:$0x1D000] =	vst v63  }
0x2c: {  	_ =	swait.ge [sflag:s30], $0x4000  }
0x2d: {  	[sflag:s30] =	ssyncset.done $0x0  }
0x2e: {  	s19 =	simm.s32 $0x14D00;
	[sflag:s30] =	ssyncadd.s32 $0xFFFFC000  }
0x2f: {  	[spmem:s3] =	stream.indirect.scatter.add.f32 [tilespmem:s26], [sflag:$0x3], $0x80, s19, s25, $0x2000b8;
	[tilespmem:$0x1D000] =	vst v63  }
0x30: {  	_ =	swait.ge [sflag:s31], $0x4000  }
0x31: {  	[sflag:s31] =	ssyncset.done $0x0  }
0x32: {  	s12 =	simm.s32 $0x14600;
	[sflag:s31] =	ssyncadd.s32 $0xFFFFC000  }
0x33: {  	[tilespmem:s26], [sflag:$0x1] =	stream.indirect.gather [hbm4b:s0+s25], $0x80, s12, s25, $0x2000b8;
	[tilespmem:$0x1D000] =	vst v63  }
0x34: {  	_ =	swait.ge [sflag:s2], $0x4000  }
0x35: {  	[sflag:s2] =	ssyncset.done $0x0  }
0x36: {  	s13 =	simm.s32 $0x14D80;
	[sflag:s2] =	ssyncadd.s32 $0xFFFFC000  }
0x37: {  	[spmem:s3] =	stream.indirect.scatter.add.f32 [tilespmem:s28], [sflag:$0x4], $0x80, s13, s25, $0x2000b8;
	[tilespmem:$0x1D000] =	vst v63  }
0x38: {  	_ =	swait.ge [sflag:s1], $0x4000  }
0x39: {  	[sflag:s1] =	ssyncset.done $0x0  }
0x3a: {  	s14 =	simm.s32 $0x14680;
	[sflag:s1] =	ssyncadd.s32 $0xFFFFC000  }
0x3b: {  	[tilespmem:s28], [sflag:$0x2] =	stream.indirect.gather [hbm4b:s0+s25], $0x80, s14, s25, $0x2000b8;
	[tilespmem:$0x1D000] =	vst v63  }
0x3c: {  	_ =	swait.ge [sflag:s30], $0x4000  }
0x3d: {  	[sflag:s30] =	ssyncset.done $0x0  }
0x3e: {  	s18 =	simm.s32 $0x14E00;
	[sflag:s30] =	ssyncadd.s32 $0xFFFFC000  }
0x3f: {  	[spmem:s3] =	stream.indirect.scatter.add.f32 [tilespmem:s26], [sflag:$0x3], $0x80, s18, s25, $0x2000b8;
	[tilespmem:$0x1D000] =	vst v63  }
0x40: {  	_ =	swait.ge [sflag:s31], $0x4000  }
0x41: {  	[sflag:s31] =	ssyncset.done $0x0  }
0x42: {  	s19 =	simm.s32 $0x14700;
	[sflag:s31] =	ssyncadd.s32 $0xFFFFC000  }
0x43: {  	[tilespmem:s26], [sflag:$0x1] =	stream.indirect.gather [hbm4b:s0+s25], $0x80, s19, s25, $0x2000b8;
	[tilespmem:$0x1D000] =	vst v63  }
0x44: {  	_ =	swait.ge [sflag:s2], $0x4000  }
0x45: {  	[sflag:s2] =	ssyncset.done $0x0  }
0x46: {  	s12 =	simm.s32 $0x14E80;
	[sflag:s2] =	ssyncadd.s32 $0xFFFFC000  }
0x47: {  	[spmem:s3] =	stream.indirect.scatter.add.f32 [tilespmem:s28], [sflag:$0x4], $0x80, s12, s25, $0x2000b8;
	[tilespmem:$0x1D000] =	vst v63  }
0x48: {  	_ =	swait.ge [sflag:s1], $0x4000  }
0x49: {  	[sflag:s1] =	ssyncset.done $0x0  }
0x4a: {  	s13 =	simm.s32 $0x14780;
	[sflag:s1] =	ssyncadd.s32 $0xFFFFC000  }
0x4b: {  	[tilespmem:s28], [sflag:$0x2] =	stream.indirect.gather [hbm4b:s0+s25], $0x80, s13, s25, $0x2000b8;
	[tilespmem:$0x1D000] =	vst v63  }
0x4c: {  	_ =	swait.ge [sflag:s30], $0x4000  }
0x4d: {  	[sflag:s30] =	ssyncset.done $0x0  }
0x4e: {  	s14 =	simm.s32 $0x14F00;
	[sflag:s30] =	ssyncadd.s32 $0xFFFFC000  }
0x4f: {  	[spmem:s3] =	stream.indirect.scatter.add.f32 [tilespmem:s26], [sflag:$0x3], $0x80, s14, s25, $0x2000b8;
	[tilespmem:$0x1D000] =	vst v63  }
0x50: {  	_ =	swait.ge [sflag:s31], $0x4000  }
0x51: {  	[sflag:s31] =	ssyncset.done $0x0  }
0x52: {  	[sflag:s31] =	ssyncadd.s32 $0xFFFFC000  }
0x53: {  	_ =	swait.ge [sflag:s2], $0x4000  }
0x54: {  	[sflag:s2] =	ssyncset.done $0x0  }
0x55: {  	s18 =	simm.s32 $0x14F80;
	[sflag:s2] =	ssyncadd.s32 $0xFFFFC000  }
0x56: {  	[spmem:s3] =	stream.indirect.scatter.add.f32 [tilespmem:s28], [sflag:$0x4], $0x80, s18, s25, $0x2000b8;
	[tilespmem:$0x1D000] =	vst v63  }
0x57: {  	_ =	swait.ge [sflag:s1], $0x4000  }
0x58: {  	[sflag:s1] =	ssyncset.done $0x0  }
0x59: {  	[sflag:s1] =	ssyncadd.s32 $0xFFFFC000  }
0x5a: {  	_ =	strace $0x9000004A  }
0x5b: {  	_ =	strace $0x8000004B  }
0x5c: {  	s7 =	sadd.s32 $0x1, s7;
	s19 =	stileid.u32;
	[bflag:$0x0] =	sbarrier.arrive $0xFFFF  }
0x5d: {  	p0 =	sne.s32 s7, s17;
	s9 =	sshll.u32 s19, $0x6;
	_ =	strace $0x9000004B  }
0x5e: {  	s9 =	sor.u32 $0x1C06, s9;
	s12 =	sshrl.u32 s8, $0x3;
	_ =	strace $0x8000004C  }
0x5f: {  	[hbm:s16], [sflag:s9] =	dma.local [spmem:s12], $0x2800  }
.Ltmp1:
0x60: {  	_ = 	snop;
	(pc) =	sbr.rel @!p0 .LBB2_7-.Ltmp1, $4  }
0x61: {  	_ =	swait.ge [sflag:s21], $0x2800  }
0x62: {  	[sflag:s21] =	ssyncset.done $0x0  }
0x63: {  	[sflag:s21] =	ssyncadd.s32 $0xFFFFD800  }
0x64: {  	_ =	strace $0x9000004C  }
.LBB2_1:
0x65: {  	_ =	strace $0x80000048  }
0x66: {  	[tilespmem:s20], [sflag:$0x6] =	stream.linear.gather [hbm4b:s5+s4], $0x400, $0x200038;
	[tilespmem:$0x1D000] =	vst v63  }
0x67: {  	_ =	swait.ge [sflag:s21], $0x400  }
0x68: {  	[sflag:s21] =	ssyncset.done $0x0  }
0x69: {  	[sflag:s21] =	ssyncadd.s32 $0xFFFFFC00  }
0x6a: {  	[tilespmem:s22], [sflag:$0x6] =	stream.linear.gather [hbm4b:s6+s4], $0x400, $0x200038;
	[tilespmem:$0x1D000] =	vst v63  }
0x6b: {  	_ =	swait.ge [sflag:s21], $0x400  }
0x6c: {  	[sflag:s21] =	ssyncset.done $0x0  }
0x6d: {  	s9 =	rddreg [dreg:$0x4];
	[sflag:s21] =	ssyncadd.s32 $0xFFFFFC00  }
0x6e: {  	[tilespmem:s23], [sflag:$0x5] =	stream.linear.gather [hbm4b:s9+s4], $0x400, $0x200038;
	[tilespmem:$0x1D000] =	vst v63  }
0x6f: {  	s19 =	rddreg [dreg:$0x5]  }
0x70: {  	[tilespmem:s24], [sflag:$0x5] =	stream.linear.gather [hbm4b:s19+s4], $0x400, $0x200038;
	[tilespmem:$0x1D000] =	vst v63  }
0x71: {  	_ = 	snop  }
0x72: {  	[tilespmem:s26], [sflag:$0x1] =	stream.indirect.gather [hbm4b:s0+s25], $0x80, s20, s25, $0x2000b8;
	[tilespmem:$0x1D000] =	vst v63  }
0x73: {  	_ =	strace $0x90000048  }
0x74: {  	s12 =	simm.s32 $0x200;
	s9 =	simm.s32 $0x0;
	_ =	strace $0x80000049  }
.LBB2_2:
0x75: {  	p0 =	sne.s32 s12, $0xFE00;
	[tilespmem:s9+$0x19070] =	vst v0  }
0x76: {  	[tilespmem:s9+$0x19000] =	vst v0  }
0x77: {  	[tilespmem:s9+$0x19010] =	vst v0  }
.Ltmp2:
0x78: {  	[tilespmem:s9+$0x19020] =	vst v0;
	(pc) =	sbr.rel @p0 .LBB2_2-.Ltmp2, $4  }
0x79: {  	[tilespmem:s9+$0x19030] =	vst v0  }
0x7a: {  	[tilespmem:s9+$0x19040] =	vst v0  }
0x7b: {  	[tilespmem:s9+$0x19050] =	vst v0  }
0x7c: {  	[tilespmem:s9+$0x19060] =	vst v0;
	s9 =	sshra.s32 s12, $0x2;
	s12 =	sadd.s32 $0x200, s12  }
0x7d: {  	[tilespmem:s9+$0x19070] =	vst v0  }
0x7e: {  	[tilespmem:s9+$0x19000] =	vst v0  }
0x7f: {  	[tilespmem:s9+$0x19010] =	vst v0  }
0x80: {  	[tilespmem:s9+$0x19020] =	vst v0  }
0x81: {  	[tilespmem:s9+$0x19030] =	vst v0  }
0x82: {  	[tilespmem:s9+$0x19040] =	vst v0  }
0x83: {  	[tilespmem:s9+$0x19050] =	vst v0  }
0x84: {  	[tilespmem:s9+$0x19060] =	vst v0  }
0x85: {  	[spmem:s8] =	stream.linear.scatter [tilespmem:s28], [sflag:$0x6], $0x4000, $0x200038;
	[tilespmem:$0x1D000] =	vst v63  }
0x86: {  	_ =	swait.ge [sflag:s21], $0x4000  }
0x87: {  	[sflag:s21] =	ssyncset.done $0x0  }
0x88: {  	s13 =	rddreg [dreg:$0x6];
	[sflag:s21] =	ssyncadd.s32 $0xFFFFC000  }
0x89: {  	[spmem:s13] =	stream.linear.scatter [tilespmem:s28], [sflag:$0x6], $0x4000, $0x200038;
	[tilespmem:$0x1D000] =	vst v63  }
0x8a: {  	_ =	swait.ge [sflag:s21], $0x4000  }
0x8b: {  	[sflag:s21] =	ssyncset.done $0x0  }
0x8c: {  	s14 =	rddreg [dreg:$0x7];
	[sflag:s21] =	ssyncadd.s32 $0xFFFFC000  }
0x8d: {  	[spmem:s14] =	stream.linear.scatter [tilespmem:s28], [sflag:$0x6], $0x4000, $0x200038;
	[tilespmem:$0x1D000] =	vst v63  }
0x8e: {  	_ =	swait.ge [sflag:s21], $0x4000  }
0x8f: {  	[sflag:s21] =	ssyncset.done $0x0  }
0x90: {  	s18 =	rddreg [dreg:$0x8];
	[sflag:s21] =	ssyncadd.s32 $0xFFFFC000  }
0x91: {  	[spmem:s18] =	stream.linear.scatter [tilespmem:s28], [sflag:$0x6], $0x4000, $0x200038;
	[tilespmem:$0x1D000] =	vst v63  }
0x92: {  	_ =	swait.ge [sflag:s21], $0x4000  }
0x93: {  	[sflag:s21] =	ssyncset.done $0x0  }
0x94: {  	s19 =	rddreg [dreg:$0x9];
	[sflag:s21] =	ssyncadd.s32 $0xFFFFC000  }
0x95: {  	[spmem:s19] =	stream.linear.scatter [tilespmem:s28], [sflag:$0x6], $0x4000, $0x200038;
	[tilespmem:$0x1D000] =	vst v63  }
0x96: {  	_ =	swait.ge [sflag:s21], $0x4000  }
0x97: {  	[sflag:s21] =	ssyncset.done $0x0  }
0x98: {  	[sflag:s21] =	ssyncadd.s32 $0xFFFFC000  }
0x99: {  	[bflag:$0x0] =	sbarrier.arrive $0xFFFF  }
0x9a: {  	_ =	strace $0x90000049  }
0x9b: {  	s12 =	simm.s32 $0x14080;
	_ =	strace $0x8000004A  }
0x9c: {  	[tilespmem:s28], [sflag:$0x2] =	stream.indirect.gather [hbm4b:s0+s25], $0x80, s12, s25, $0x2000b8;
	[tilespmem:$0x1D000] =	vst v63  }
0x9d: {  	_ =	swait.ge [sflag:s30], $0x4000  }
0x9e: {  	[sflag:s30] =	ssyncset.done $0x0  }
0x9f: {  	[sflag:s30] =	ssyncadd.s32 $0xFFFFC000  }
0xa0: {  	[spmem:s3] =	stream.indirect.scatter.add.f32 [tilespmem:s26], [sflag:$0x3], $0x80, s22, s25, $0x2000b8;
	[tilespmem:$0x1D000] =	vst v63  }
0xa1: {  	_ =	swait.ge [sflag:s31], $0x4000  }
0xa2: {  	[sflag:s31] =	ssyncset.done $0x0  }
0xa3: {  	s13 =	simm.s32 $0x14100;
	[sflag:s31] =	ssyncadd.s32 $0xFFFFC000  }
0xa4: {  	[tilespmem:s26], [sflag:$0x1] =	stream.indirect.gather [hbm4b:s0+s25], $0x80, s13, s25, $0x2000b8;
	[tilespmem:$0x1D000] =	vst v63  }
0xa5: {  	_ =	swait.ge [sflag:s2], $0x4000  }
0xa6: {  	[sflag:s2] =	ssyncset.done $0x0  }
0xa7: {  	s14 =	simm.s32 $0x14880;
	[sflag:s2] =	ssyncadd.s32 $0xFFFFC000  }
0xa8: {  	[spmem:s3] =	stream.indirect.scatter.add.f32 [tilespmem:s28], [sflag:$0x4], $0x80, s14, s25, $0x2000b8;
	[tilespmem:$0x1D000] =	vst v63  }
0xa9: {  	_ =	swait.ge [sflag:s1], $0x4000  }
0xaa: {  	[sflag:s1] =	ssyncset.done $0x0  }
0xab: {  	s18 =	simm.s32 $0x14180;
	[sflag:s1] =	ssyncadd.s32 $0xFFFFC000  }
0xac: {  	[tilespmem:s28], [sflag:$0x2] =	stream.indirect.gather [hbm4b:s0+s25], $0x80, s18, s25, $0x2000b8;
	[tilespmem:$0x1D000] =	vst v63  }
0xad: {  	_ =	swait.ge [sflag:s30], $0x4000  }
0xae: {  	[sflag:s30] =	ssyncset.done $0x0  }
0xaf: {  	s19 =	simm.s32 $0x14900;
	[sflag:s30] =	ssyncadd.s32 $0xFFFFC000  }
0xb0: {  	[spmem:s3] =	stream.indirect.scatter.add.f32 [tilespmem:s26], [sflag:$0x3], $0x80, s19, s25, $0x2000b8;
	[tilespmem:$0x1D000] =	vst v63  }
0xb1: {  	_ =	swait.ge [sflag:s31], $0x4000  }
0xb2: {  	[sflag:s31] =	ssyncset.done $0x0  }
0xb3: {  	s12 =	simm.s32 $0x14200;
	[sflag:s31] =	ssyncadd.s32 $0xFFFFC000  }
0xb4: {  	[tilespmem:s26], [sflag:$0x1] =	stream.indirect.gather [hbm4b:s0+s25], $0x80, s12, s25, $0x2000b8;
	[tilespmem:$0x1D000] =	vst v63  }
0xb5: {  	_ =	swait.ge [sflag:s2], $0x4000  }
0xb6: {  	[sflag:s2] =	ssyncset.done $0x0  }
0xb7: {  	s13 =	simm.s32 $0x14980;
	[sflag:s2] =	ssyncadd.s32 $0xFFFFC000  }
0xb8: {  	[spmem:s3] =	stream.indirect.scatter.add.f32 [tilespmem:s28], [sflag:$0x4], $0x80, s13, s25, $0x2000b8;
	[tilespmem:$0x1D000] =	vst v63  }
0xb9: {  	_ =	swait.ge [sflag:s1], $0x4000  }
0xba: {  	[sflag:s1] =	ssyncset.done $0x0  }
0xbb: {  	s14 =	simm.s32 $0x14280;
	[sflag:s1] =	ssyncadd.s32 $0xFFFFC000  }
0xbc: {  	[tilespmem:s28], [sflag:$0x2] =	stream.indirect.gather [hbm4b:s0+s25], $0x80, s14, s25, $0x2000b8;
	[tilespmem:$0x1D000] =	vst v63  }
0xbd: {  	_ =	swait.ge [sflag:s30], $0x4000  }
0xbe: {  	[sflag:s30] =	ssyncset.done $0x0  }
0xbf: {  	s18 =	simm.s32 $0x14A00;
	[sflag:s30] =	ssyncadd.s32 $0xFFFFC000  }
0xc0: {  	[spmem:s3] =	stream.indirect.scatter.add.f32 [tilespmem:s26], [sflag:$0x3], $0x80, s18, s25, $0x2000b8;
	[tilespmem:$0x1D000] =	vst v63  }
0xc1: {  	_ =	swait.ge [sflag:s31], $0x4000  }
0xc2: {  	[sflag:s31] =	ssyncset.done $0x0  }
0xc3: {  	s19 =	simm.s32 $0x14300;
	[sflag:s31] =	ssyncadd.s32 $0xFFFFC000  }
0xc4: {  	[tilespmem:s26], [sflag:$0x1] =	stream.indirect.gather [hbm4b:s0+s25], $0x80, s19, s25, $0x2000b8;
	[tilespmem:$0x1D000] =	vst v63  }
0xc5: {  	_ =	swait.ge [sflag:s2], $0x4000  }
0xc6: {  	[sflag:s2] =	ssyncset.done $0x0  }
0xc7: {  	s12 =	simm.s32 $0x14A80;
	[sflag:s2] =	ssyncadd.s32 $0xFFFFC000  }
0xc8: {  	[spmem:s3] =	stream.indirect.scatter.add.f32 [tilespmem:s28], [sflag:$0x4], $0x80, s12, s25, $0x2000b8;
	[tilespmem:$0x1D000] =	vst v63  }
0xc9: {  	_ =	swait.ge [sflag:s1], $0x4000  }
0xca: {  	[sflag:s1] =	ssyncset.done $0x0  }
0xcb: {  	s13 =	simm.s32 $0x14380;
	[sflag:s1] =	ssyncadd.s32 $0xFFFFC000  }
0xcc: {  	[tilespmem:s28], [sflag:$0x2] =	stream.indirect.gather [hbm4b:s0+s25], $0x80, s13, s25, $0x2000b8;
	[tilespmem:$0x1D000] =	vst v63  }
0xcd: {  	_ =	swait.ge [sflag:s30], $0x4000  }
0xce: {  	[sflag:s30] =	ssyncset.done $0x0  }
0xcf: {  	s14 =	simm.s32 $0x14B00;
	[sflag:s30] =	ssyncadd.s32 $0xFFFFC000  }
0xd0: {  	[spmem:s3] =	stream.indirect.scatter.add.f32 [tilespmem:s26], [sflag:$0x3], $0x80, s14, s25, $0x2000b8;
	[tilespmem:$0x1D000] =	vst v63  }
0xd1: {  	_ =	swait.ge [sflag:s29], $0x400  }
0xd2: {  	[sflag:s29] =	ssyncset.done $0x0  }
0xd3: {  	[sflag:s29] =	ssyncadd.s32 $0xFFFFFC00  }
0xd4: {  	_ =	swait.ge [sflag:s29], $0x400  }
0xd5: {  	[sflag:s29] =	ssyncset.done $0x0  }
0xd6: {  	[sflag:s29] =	ssyncadd.s32 $0xFFFFFC00  }
0xd7: {  	_ =	swait.ge [sflag:s31], $0x4000  }
0xd8: {  	[sflag:s31] =	ssyncset.done $0x0  }
0xd9: {  	[sflag:s31] =	ssyncadd.s32 $0xFFFFC000  }
0xda: {  	[tilespmem:s26], [sflag:$0x1] =	stream.indirect.gather [hbm4b:s0+s25], $0x80, s23, s25, $0x2000b8;
	[tilespmem:$0x1D000] =	vst v63  }
0xdb: {  	_ =	swait.ge [sflag:s2], $0x4000  }
0xdc: {  	[sflag:s2] =	ssyncset.done $0x0  }
0xdd: {  	s18 =	simm.s32 $0x14B80;
	[sflag:s2] =	ssyncadd.s32 $0xFFFFC000  }
0xde: {  	[spmem:s3] =	stream.indirect.scatter.add.f32 [tilespmem:s28], [sflag:$0x4], $0x80, s18, s25, $0x2000b8;
	[tilespmem:$0x1D000] =	vst v63  }
0xdf: {  	s19 =	rddreg [dreg:$0xa]  }
0xe0: {  	[tilespmem:s20], [sflag:$0x5] =	stream.linear.gather [hbm4b:s19+s4], $0x400, $0x200038;
	[tilespmem:$0x1D000] =	vst v63  }
0xe1: {  	s9 =	simm.s32 $0x400;
	s18 =	smov.u32 s11;
	s19 =	smov.u32 s10  }
0xe2: {  	[tilespmem:s22], [sflag:$0x5] =	stream.linear.gather [hbm4b:s15+s4], $0x400, $0x200038;
	[tilespmem:$0x1D000] =	vst v63  }
.LBB2_4:
0xe3: {  	_ =	swait.ge [sflag:s1], $0x4000  }
0xe4: {  	s12 =	sand.u32 $0x400, s9;
	[sflag:s1] =	ssyncset.done $0x0  }
0xe5: {  	s13 =	sor.u32 $0x14080, s12;
	[sflag:s1] =	ssyncadd.s32 $0xFFFFC000  }
0xe6: {  	[tilespmem:s28], [sflag:$0x2] =	stream.indirect.gather [hbm4b:s0+s25], $0x80, s13, s25, $0x2000b8;
	[tilespmem:$0x1D000] =	vst v63  }
0xe7: {  	_ =	swait.ge [sflag:s30], $0x4000  }
0xe8: {  	[sflag:s30] =	ssyncset.done $0x0  }
0xe9: {  	s13 =	sor.u32 $0x14800, s12;
	[sflag:s30] =	ssyncadd.s32 $0xFFFFC000  }
0xea: {  	[spmem:s3] =	stream.indirect.scatter.add.f32 [tilespmem:s26], [sflag:$0x3], $0x80, s13, s25, $0x2000b8;
	[tilespmem:$0x1D000] =	vst v63  }
0xeb: {  	_ =	swait.ge [sflag:s31], $0x4000  }
0xec: {  	[sflag:s31] =	ssyncset.done $0x0  }
0xed: {  	s14 =	sor.u32 $0x14100, s12;
	[sflag:s31] =	ssyncadd.s32 $0xFFFFC000  }
0xee: {  	[tilespmem:s26], [sflag:$0x1] =	stream.indirect.gather [hbm4b:s0+s25], $0x80, s14, s25, $0x2000b8;
	[tilespmem:$0x1D000] =	vst v63  }
0xef: {  	_ =	swait.ge [sflag:s2], $0x4000  }
0xf0: {  	[sflag:s2] =	ssyncset.done $0x0  }
0xf1: {  	s14 =	sor.u32 $0x14880, s12;
	[sflag:s2] =	ssyncadd.s32 $0xFFFFC000  }
0xf2: {  	[spmem:s3] =	stream.indirect.scatter.add.f32 [tilespmem:s28], [sflag:$0x4], $0x80, s14, s25, $0x2000b8;
	[tilespmem:$0x1D000] =	vst v63  }
0xf3: {  	_ =	swait.ge [sflag:s1], $0x4000  }
0xf4: {  	[sflag:s1] =	ssyncset.done $0x0  }
0xf5: {  	s14 =	sor.u32 $0x14180, s12;
	[sflag:s1] =	ssyncadd.s32 $0xFFFFC000  }
0xf6: {  	[tilespmem:s28], [sflag:$0x2] =	stream.indirect.gather [hbm4b:s0+s25], $0x80, s14, s25, $0x2000b8;
	[tilespmem:$0x1D000] =	vst v63  }
0xf7: {  	_ =	swait.ge [sflag:s30], $0x4000  }
0xf8: {  	[sflag:s30] =	ssyncset.done $0x0  }
0xf9: {  	s14 =	sor.u32 $0x14900, s12;
	[sflag:s30] =	ssyncadd.s32 $0xFFFFC000  }
0xfa: {  	[spmem:s3] =	stream.indirect.scatter.add.f32 [tilespmem:s26], [sflag:$0x3], $0x80, s14, s25, $0x2000b8;
	[tilespmem:$0x1D000] =	vst v63  }
0xfb: {  	_ =	swait.ge [sflag:s31], $0x4000  }
0xfc: {  	[sflag:s31] =	ssyncset.done $0x0  }
0xfd: {  	s14 =	sor.u32 $0x14200, s12;
	[sflag:s31] =	ssyncadd.s32 $0xFFFFC000  }
0xfe: {  	[tilespmem:s26], [sflag:$0x1] =	stream.indirect.gather [hbm4b:s0+s25], $0x80, s14, s25, $0x2000b8;
	[tilespmem:$0x1D000] =	vst v63  }
0xff: {  	_ =	swait.ge [sflag:s2], $0x4000  }
0x100: {  	[sflag:s2] =	ssyncset.done $0x0  }
0x101: {  	s14 =	sor.u32 $0x14980, s12;
	[sflag:s2] =	ssyncadd.s32 $0xFFFFC000  }
0x102: {  	[spmem:s3] =	stream.indirect.scatter.add.f32 [tilespmem:s28], [sflag:$0x4], $0x80, s14, s25, $0x2000b8;
	[tilespmem:$0x1D000] =	vst v63  }
0x103: {  	_ =	swait.ge [sflag:s1], $0x4000  }
0x104: {  	[sflag:s1] =	ssyncset.done $0x0  }
0x105: {  	s14 =	sor.u32 $0x14280, s12;
	[sflag:s1] =	ssyncadd.s32 $0xFFFFC000  }
0x106: {  	[tilespmem:s28], [sflag:$0x2] =	stream.indirect.gather [hbm4b:s0+s25], $0x80, s14, s25, $0x2000b8;
	[tilespmem:$0x1D000] =	vst v63  }
0x107: {  	_ =	swait.ge [sflag:s30], $0x4000  }
0x108: {  	[sflag:s30] =	ssyncset.done $0x0  }
0x109: {  	s14 =	sor.u32 $0x14A00, s12;
	[sflag:s30] =	ssyncadd.s32 $0xFFFFC000  }
0x10a: {  	[spmem:s3] =	stream.indirect.scatter.add.f32 [tilespmem:s26], [sflag:$0x3], $0x80, s14, s25, $0x2000b8;
	[tilespmem:$0x1D000] =	vst v63  }
0x10b: {  	_ =	swait.ge [sflag:s31], $0x4000  }
0x10c: {  	[sflag:s31] =	ssyncset.done $0x0  }
0x10d: {  	s14 =	sor.u32 $0x14300, s12;
	[sflag:s31] =	ssyncadd.s32 $0xFFFFC000  }
0x10e: {  	[tilespmem:s26], [sflag:$0x1] =	stream.indirect.gather [hbm4b:s0+s25], $0x80, s14, s25, $0x2000b8;
	[tilespmem:$0x1D000] =	vst v63  }
0x10f: {  	_ =	swait.ge [sflag:s2], $0x4000  }
0x110: {  	[sflag:s2] =	ssyncset.done $0x0  }
0x111: {  	s14 =	sor.u32 $0x14A80, s12;
	[sflag:s2] =	ssyncadd.s32 $0xFFFFC000  }
0x112: {  	[spmem:s3] =	stream.indirect.scatter.add.f32 [tilespmem:s28], [sflag:$0x4], $0x80, s14, s25, $0x2000b8;
	[tilespmem:$0x1D000] =	vst v63  }
0x113: {  	_ =	swait.ge [sflag:s1], $0x4000  }
0x114: {  	[sflag:s1] =	ssyncset.done $0x0  }
0x115: {  	s14 =	sor.u32 $0x14380, s12;
	[sflag:s1] =	ssyncadd.s32 $0xFFFFC000  }
0x116: {  	[tilespmem:s28], [sflag:$0x2] =	stream.indirect.gather [hbm4b:s0+s25], $0x80, s14, s25, $0x2000b8;
	[tilespmem:$0x1D000] =	vst v63  }
0x117: {  	_ =	swait.ge [sflag:s30], $0x4000  }
0x118: {  	[sflag:s30] =	ssyncset.done $0x0  }
0x119: {  	s14 =	sor.u32 $0x14B00, s12;
	[sflag:s30] =	ssyncadd.s32 $0xFFFFC000  }
0x11a: {  	[spmem:s3] =	stream.indirect.scatter.add.f32 [tilespmem:s26], [sflag:$0x3], $0x80, s14, s25, $0x2000b8;
	[tilespmem:$0x1D000] =	vst v63  }
0x11b: {  	_ =	swait.ge [sflag:s29], $0x400  }
0x11c: {  	[sflag:s29] =	ssyncset.done $0x0  }
0x11d: {  	[sflag:s29] =	ssyncadd.s32 $0xFFFFFC00  }
0x11e: {  	_ =	swait.ge [sflag:s29], $0x400  }
0x11f: {  	[sflag:s29] =	ssyncset.done $0x0  }
0x120: {  	[sflag:s29] =	ssyncadd.s32 $0xFFFFFC00  }
0x121: {  	_ =	swait.ge [sflag:s31], $0x4000  }
0x122: {  	[sflag:s31] =	ssyncset.done $0x0  }
0x123: {  	p0 =	seq.s32 s9, $0x2000;
	s14 =	sxor.u32 $0x14400, s12;
	[sflag:s31] =	ssyncadd.s32 $0xFFFFC000  }
0x124: {  	[tilespmem:s26], [sflag:$0x1] =	stream.indirect.gather [hbm4b:s0+s25], $0x80, s14, s25, $0x2000b8;
	[tilespmem:$0x1D000] =	vst v63  }
.Ltmp3:
0x125: {  	_ = 	snop;
	(pc) =	sbr.rel @p0 .LBB2_6-.Ltmp3, $4  }
0x126: {  	_ =	swait.ge [sflag:s2], $0x4000  }
0x127: {  	[sflag:s2] =	ssyncset.done $0x0  }
0x128: {  	s14 =	sor.u32 $0x14B80, s12;
	[sflag:s2] =	ssyncadd.s32 $0xFFFFC000  }
0x129: {  	[spmem:s3] =	stream.indirect.scatter.add.f32 [tilespmem:s28], [sflag:$0x4], $0x80, s14, s25, $0x2000b8;
	[tilespmem:$0x1D000] =	vst v63  }
.Ltmp4:
0x12a: {  	s12 =	sor.u32 $0x14000, s12;
	(pc) =	sbr.rel .LBB2_4-.Ltmp4, $4  }
0x12b: {  	[tilespmem:s12], [sflag:$0x5] =	stream.linear.gather [hbm4b:s18+s4], $0x400, $0x200038;
	[tilespmem:$0x1D000] =	vst v63  }
0x12c: {  	_ = 	snop  }
0x12d: {  	[tilespmem:s13], [sflag:$0x5] =	stream.linear.gather [hbm4b:s19+s4], $0x400, $0x200038;
	[tilespmem:$0x1D000] =	vst v63  }
0x12e: {  	s9 =	sadd.s32 $0x400, s9;
	s18 =	sadd.s32 $0x80, s18;
	s19 =	sadd.s32 $0x80, s19  }
.LBB2_7:
0x12f: {  	_ =	sfence.sel $0x180000  }
0x130: {  	[bflag:$0x0] =	sbarrier.arrive $0xFFFF  }
0x131: {  	_ =	strace $0x90000047  }
0x132: {  	s0 =	stileid.u32;
	[bflag:$0x2] =	sbarrier.arrive $0xFFFF  }
0x133: {  	p0 =	sne.s32 s0, $0x0;
	s0 =	rddreg [dreg:$0x3]  }
0x134: {  	s0 =	sadd.s32 @!p0 $0x100000, s0  }
0x135: {  	[sflag:s0] =	ssyncadd.tile.s32 @!p0 $0x1;
	_ =	shalt  }
.Lfunc_end2:
_tile_overlayer_lowered:
.L_overlay_start_2:
0x136: {  	(tag) =	ssettag $0x2  }
0x137: {  	s0 =	rddreg [dreg:$0x0];
	s2 =	stileid.u32  }
0x138: {  	s1 =	rddreg [dreg:$0x1];
	p0 =	sne.s32 s2, $0x0  }
0x139: {  	s3 =	rddreg [dreg:$0x2];
	[bflag:$0x3] =	sbarrier.arrive $0xFFFF;
	s2 =	simm.s32 @!p0 $0x1C06  }
0x13a: {  	[timem:s3], [sflag:s2] =	dma.local @!p0 [hbm:s0], s1  }
0x13b: {  	s0 =	simm.s32 @!p0 $0x6  }
0x13c: {  	_ =	swait.ge @!p0 [sflag:s0], s1  }
0x13d: {  	s1 =	ssub.s32 @!p0 $0x0, s1;
	[sflag:s0] =	ssyncset.done @!p0 $0x0  }
0x13e: {  	[sflag:s0] =	ssyncadd.s32 @!p0 s1  }
0x13f: {  	[bflag:$0x3] =	sbarrier.arrive $0xFFFF  }
0x140: {  	_ =	shalt  }

// kernel: kernel.9.cloned.1.call-start
scs
__scs_entry_jumppad:
0x0: {  	(pc) =	sbr.rel $0x88, $3  }
0x1: {  	(tag) =	ssettag $0x0;
	lr =	simm.s32 $0x1  }
0x2: {  	[smem:$0x3F93] =	sst lr;
	_ =	strace $0xD0000000  }
0x3: {  	_ = 	snop  }
0x4: {  	_ = 	snop  }
0x5: {  	_ = 	snop  }
0x6: {  	_ = 	snop  }
0x7: {  	_ = 	snop  }
__scs_overlays_trampoline_lowered:
0x8: {  	[smem:$0x3FA2] =	sst s0  }
0x9: {  	[smem:$0x3FA3] =	sst s1  }
0xa: {  	[smem:$0x3FA4] =	sst s2  }
0xb: {  	[smem:$0x3FA5] =	sst s3  }
0xc: {  	[smem:$0x3FA6] =	sst s4  }
0xd: {  	[smem:$0x3FA7] =	sst s5  }
0xe: {  	[smem:$0x3FA8] =	sst s6  }
0xf: {  	[smem:$0x3FA9] =	sst s7  }
0x10: {  	[smem:$0x3FAA] =	sst s8  }
0x11: {  	[smem:$0x3FAB] =	sst s9;
	s0 =	simm.s32 @!p0 $0x0  }
0x12: {  	s1 =	sld [smem:$0x3F91];
	s0 =	simm.s32 @p0 $0x1  }
0x13: {  	[smem:$0x3FAC] =	sst s0;
	s0 =	simm.s32 @!p1 $0x0  }
0x14: {  	s2 =	sld [smem:$0x3F90];
	s0 =	simm.s32 @p1 $0x1  }
0x15: {  	[smem:$0x3FAD] =	sst s0;
	s0 =	simm.s32 @!p2 $0x0  }
0x16: {  	s3 =	sld [smem:$0x3FDB];
	s0 =	simm.s32 @p2 $0x1  }
0x17: {  	s4 =	simm.s32 $0x1BF5;
	[smem:$0x3FAF] =	sst s0  }
0x18: {  	s0 =	sld [smem:$0x3F92];
	_ =	swait.ge [sflag:s4], $0x0  }
0x19: {  	s7 =	sld [smem:$0x3F93]  }
0x1a: {  	s8 =	sadd.s32 $0xFFFFE003, lr  }
0x1b: {  	s9 =	sadd.s32 $0xFFFFFEF7, lr;
	s5 =	simm.s32 $0xFFFFFFFF;
	p2 =	slt.u32 s8, $0xFFFFF086  }
0x1c: {  	p1 =	slt.u32 s9, $0xF7A;
	s5 =	simm.s32 @!p2 $0x0  }
0x1d: {  	s5 =	simm.s32 @p1 $0x1;
	p0 =	seq.s32 s7, s2  }
0x1e: {  	s7 =	smul.u32 @!p0 $0xF7A, s2;
	p2 =	seq.s32 @!p0 s5, $0x0  }
0x1f: {  	s9 =	smul.u32 $0xF7A, s1;
	s8 =	simm.s32 @!p0 $0x1BF5;
	p2 =	por !p2, p0  }
0x20: {  	[sflag:s8] =	ssyncset.s32 @!p0 $0xFFFFF086;
	s6 =	sadd.s32 @!p0 s3, s7;
	s7 =	simm.s32 @!p0 $0x108  }
0x21: {  	s3 =	sadd.s32 s3, s9;
	s6 =	sadd.s32 @!p0 $0x88, s6;
	s7 =	simm.s32 @p2 $0x1082  }
0x22: {  	[simem:s7], [sflag:s8] =	dma.local @!p0 [hbm:s6], $0xF7A  }
0x23: {  	s9 =	sor.u32 $0xD0000000, s2;
	s6 =	simm.s32 $0x108;
	_ =	swait.ge @!p0 [sflag:s8], $0x0  }
0x24: {  	s3 =	sadd.s32 $0x88, s3;
	s6 =	simm.s32 @!p1 $0x1082;
	[sflag:s4] =	ssyncset.s32 $0xFFFFF086  }
0x25: {  	[simem:s6], [sflag:s4] =	dma.local [hbm:s3], $0xF7A  }
0x26: {  	[smem:$0x3F93] =	sst s1;
	(tag) =	ssettag s2;
	_ =	strace s9  }
0x27: {  	s1 =	sld [smem:$0x3FA3]  }
0x28: {  	s2 =	sld [smem:$0x3FA4]  }
0x29: {  	s4 =	sld [smem:$0x3FA6]  }
0x2a: {  	p0 =	seq.s32 s5, $0x0;
	s5 =	sld [smem:$0x3FA7]  }
0x2b: {  	s6 =	sld [smem:$0x3FA8]  }
0x2c: {  	s7 =	sld [smem:$0x3FA9]  }
0x2d: {  	s3 =	simm.s32 $0x108;
	s8 =	sld [smem:$0x3FAA]  }
0x2e: {  	s3 =	simm.s32 @!p0 $0x1082;
	s9 =	sld [smem:$0x3FAB]  }
0x2f: {  	lr =	sadd.s32 s0, s3;
	s0 =	sld [smem:$0x3FA2]  }
0x30: {  	s3 =	sld [smem:$0x3FA5]  }
0x31: {  	[smem:$0x3FAE] =	sst s10  }
0x32: {  	s10 =	sld [smem:$0x3FAC];
	_ =	sdelay $0x3  }
0x33: {  	p0 =	seq.s32 s10, $0x1;
	s10 =	sld [smem:$0x3FAE];
	_ =	sdelay $0x3  }
0x34: {  	[smem:$0x3FAE] =	sst s10  }
0x35: {  	s10 =	sld [smem:$0x3FAD];
	_ =	sdelay $0x3  }
0x36: {  	p1 =	seq.s32 s10, $0x1;
	s10 =	sld [smem:$0x3FAE];
	_ =	sdelay $0x3  }
0x37: {  	[smem:$0x3FAE] =	sst s10  }
0x38: {  	s10 =	sld [smem:$0x3FAF]  }
0x39: {  	_ = 	snop;
	(pc) =	sbr.ind lr, $3  }
0x3a: {  	_ = 	snop  }
0x3b: {  	_ = 	snop  }
0x3c: {  	p2 =	seq.s32 s10, $0x1;
	s10 =	sld [smem:$0x3FAE]  }
0x3d: {  	_ =	shalt  }
0x3e: {  	_ =	shalt  }
0x3f: {  	_ =	shalt  }
0x40: {  	_ =	shalt  }
0x41: {  	_ =	shalt  }
0x42: {  	_ =	shalt  }
0x43: {  	_ =	shalt  }
0x44: {  	_ =	shalt  }
0x45: {  	_ =	shalt  }
0x46: {  	_ =	shalt  }
0x47: {  	_ =	shalt  }
0x48: {  	_ =	shalt  }
0x49: {  	_ =	shalt  }
0x4a: {  	_ =	shalt  }
0x4b: {  	_ =	shalt  }
0x4c: {  	_ =	shalt  }
0x4d: {  	_ =	shalt  }
0x4e: {  	_ =	shalt  }
0x4f: {  	_ =	shalt  }
0x50: {  	_ =	shalt  }
0x51: {  	_ =	shalt  }
0x52: {  	_ =	shalt  }
0x53: {  	_ =	shalt  }
0x54: {  	_ =	shalt  }
0x55: {  	_ =	shalt  }
0x56: {  	_ =	shalt  }
0x57: {  	_ =	shalt  }
0x58: {  	_ =	shalt  }
0x59: {  	_ =	shalt  }
0x5a: {  	_ =	shalt  }
0x5b: {  	_ =	shalt  }
0x5c: {  	_ =	shalt  }
0x5d: {  	_ =	shalt  }
0x5e: {  	_ =	shalt  }
0x5f: {  	_ =	shalt  }
0x60: {  	_ =	shalt  }
0x61: {  	_ =	shalt  }
0x62: {  	_ =	shalt  }
0x63: {  	_ =	shalt  }
0x64: {  	_ =	shalt  }
0x65: {  	_ =	shalt  }
0x66: {  	_ =	shalt  }
0x67: {  	_ =	shalt  }
0x68: {  	_ =	shalt  }
0x69: {  	_ =	shalt  }
0x6a: {  	_ =	shalt  }
0x6b: {  	_ =	shalt  }
0x6c: {  	_ =	shalt  }
0x6d: {  	_ =	shalt  }
0x6e: {  	_ =	shalt  }
0x6f: {  	_ =	shalt  }
0x70: {  	_ =	shalt  }
0x71: {  	_ =	shalt  }
0x72: {  	_ =	shalt  }
0x73: {  	_ =	shalt  }
0x74: {  	_ =	shalt  }
0x75: {  	_ =	shalt  }
0x76: {  	_ =	shalt  }
0x77: {  	_ =	shalt  }
0x78: {  	_ =	shalt  }
0x79: {  	_ =	shalt  }
0x7a: {  	_ =	shalt  }
0x7b: {  	_ =	shalt  }
0x7c: {  	_ =	shalt  }
0x7d: {  	_ =	shalt  }
0x7e: {  	_ =	shalt  }
0x7f: {  	_ =	shalt  }
0x80: {  	_ =	shalt  }
0x81: {  	_ =	shalt  }
0x82: {  	_ =	shalt  }
0x83: {  	_ =	shalt  }
0x84: {  	_ =	shalt  }
0x85: {  	_ =	shalt  }
0x86: {  	_ =	shalt  }
0x87: {  	_ =	shalt  }
.Lfunc_end0:
.L_simem_size_0:
called_computation.1_lowered:
.L_overlay_start_0:
0x88: {  	s2 =	sld [smem:$0x3FD9]  }
0x89: {  	s3 =	sld [smem:$0x3FFE];
	_ =	sdelay $0x1  }
0x8a: {  	s1 =	srdreg.scid  }
0x8b: {  	s0 =	sand.u32 $0x1, s1  }
0x8c: {  	s17 =	sshll.u32 s0, $0xA;
	s2 =	sadd.s32 s3, s2  }
0x8d: {  	s2 =	sadd.s32 s2, s17  }
0x8e: {  	[smem:$0x3FBA] =	sst s2  }
0x8f: {  	_ = 	snop  }
0x90: {  	s2 =	sld [smem:$0x3FD0];
	(tm) =	ssettm $0x1  }
0x91: {  	s18 =	sld [smem:$0x3FFB];
	_ =	sdelay $0x3  }
0x92: {  	_ =	strace s18  }
0x93: {  	s3 =	sld [smem:$0x3FFC];
	_ =	sdelay $0x3  }
0x94: {  	_ =	strace s3  }
0x95: {  	s3 =	sld [smem:$0x3FFD];
	_ =	sdelay $0x3  }
0x96: {  	_ =	strace s3  }
0x97: {  	_ =	strace $0x8FFFFFFF  }
0x98: {  	s19 =	sld [smem:$0x3FDB];
	_ =	sdelay $0x1  }
0x99: {  	s4 =	simm.s32 $_scs_section_size  }
0x9a: {  	s5 =	simm.s32 $_size__tile_overlayer_lowered;
	s6 =	simm.s32 $_tile_overlayer_lowered  }
0x9b: {  	s22 =	simm.s32 $0x1BFF;
	s21 =	sshll.u32 s6, $0x1;
	s3 =	sadd.s32 s4, s19  }
0x9c: {  	s7 =	simm.s32 $0x0;
	s20 =	sshll.u32 s5, $0x1;
	s5 =	sadd.s32 s21, s3  }
0x9d: {  	[timem:s7], [sflag:s22] =	dma.local [hbm:s5], s20  }
0x9e: {  	_ =	swait.ge [sflag:s22], s20  }
0x9f: {  	s4 =	ssub.s32 $0x0, s20;
	[sflag:s22] =	ssyncset.done $0x0  }
0xa0: {  	[sflag:s22] =	ssyncadd.s32 s4;
	_ =	sdelay $0x1  }
0xa1: {  	s23 =	simm.s32 $0x1B8B  }
0xa2: {  	_ =	swait.ge [sflag:s23], $0x1  }
0xa3: {  	[sflag:s23] =	ssyncset.done $0x0  }
0xa4: {  	s25 =	simm.s32 $0x1B8E;
	s24 =	sld [smem:$0x3FFE];
	[sflag:s23] =	ssyncadd.s32 $0xFFFFFFFF  }
0xa5: {  	s26 =	simm.s32 $execute0_lowered;
	[smem:$0x3FD2] =	sst s25  }
0xa6: {  	s5 =	sshll.u32 s26, $0x1;
	_ =	strace $0x8000004E;
	[dreg:$0x1] =	wrdreg $0xFFFFFFFF  }
0xa7: {  	s28 =	simm.s32 $_size_execute0_lowered;
	s3 =	sadd.s32 s3, s5;
	[dreg:$0x0] =	wrdreg $0x0  }
0xa8: {  	s5 =	sshll.u32 s28, $0x1;
	[dreg:$0x2] =	wrdreg s3  }
0xa9: {  	[dreg:$0x3] =	wrdreg s5  }
0xaa: {  	[dreg:$0x4] =	wrdreg $0xC0  }
0xab: {  	_ =	task [dreg:s7], $0x5FFFF  }
0xac: {  	[dreg:$0x1] =	wrdreg $0xFFFFFFFF  }
0xad: {  	[dreg:$0x0] =	wrdreg $0x60  }
0xae: {  	[dreg:$0x2] =	wrdreg s2  }
0xaf: {  	[dreg:$0x3] =	wrdreg s24  }
0xb0: {  	[dreg:$0x4] =	wrdreg $0x0  }
0xb1: {  	[dreg:$0x5] =	wrdreg $0x9  }
0xb2: {  	_ =	task.clear_ibuf [dreg:s7], $0x6FFFF;
	_ =	strace $0x9000004E  }
0xb3: {  	s29 =	simm.s32 $0x9;
	_ =	strace $0x80000055  }
0xb4: {  	_ =	swait.ge [sflag:s29], $0x1  }
0xb5: {  	[sflag:s29] =	ssyncadd.s32 $0xFFFFFFFF  }
0xb6: {  	_ =	strace $0x90000055  }
0xb7: {  	_ =	sfence  }
0xb8: {  	s30 =	sld [smem:$0x0];
	_ =	sdelay $0x2  }
0xb9: {  	s31 =	sshll.u32 s1, $0xD;
	s1 =	sshrl.u32 s1, $0x2  }
0xba: {  	s3 =	sand.u32 $0x4000, s31;
	s1 =	sadd.s32 s1, s30  }
0xbb: {  	s0 =	sor.u32 s3, s0;
	s1 =	sshll.u32 s1, $0x11  }
0xbc: {  	s0 =	sor.u32 s1, s0  }
0xbd: {  	s0 =	sadd.s32 $0x8F2B, s0  }
0xbe: {  	[sflag:s0] =	ssyncadd.remote.s32 $0x1  }
0xbf: {  	_ =	sfence.sel $0xFFFF  }
0xc0: {  	[dreg:$0x0] =	wrdreg $0xFFFFFFFF;
	(pc) =	sbr.abs _section_cstart, $3  }
0xc1: {  	[dreg:$0x1] =	wrdreg $0xFFFFFFFF  }
0xc2: {  	_ =	task.clear_ibuf [dreg:s7], $0x2FFFF;
	_ =	strace $0x9FFFFFFF  }
0xc3: {  	(tm) =	ssettm $0x7FFFFFFF  }
tec
execute0_lowered:
.L_overlay_start_1:
0x0: {  	(tag) =	ssettag $0x1  }
0x1: {  	s0 =	rddreg [dreg:$0x0]  }
0x2: {  	s1 =	rddreg [dreg:$0x1];
	s2 =	srdreg.scid  }
0x3: {  	s3 =	rddreg [dreg:$0x2];
	s11 =	stileid.u32  }
0x4: {  	s4 =	simm.s32 $0x0;
	s28 =	simm.s32 $0x19000;
	s30 =	simm.s32 $0x1  }
0x5: {  	s31 =	simm.s32 $0x3;
	s29 =	simm.s32 $0x5;
	s6 =	smul.u32 $0x14000, s11  }
0x6: {  	s2 =	sand.u32 $0x1, s2;
	[smem:$0x7FF] =	sst s4;
	s20 =	smul.u32 $0x50000, s11  }
0x7: {  	s7 =	sadd.s32 $0x2A00, s1;
	s9 =	sadd.s32 $0xCA00, s1;
	s5 =	smul.u32 $0x140000, s2  }
0x8: {  	_ =	strace $0x8000004F;
	s8 =	ssub.s32 $0x2, s2;
	p0 =	seq.s32 s2, $0x0  }
0x9: {  	s10 =	sshrl.u32 s8, $0x1;
	s22 =	sshrl.u32 s20, $0x2;
	s20 =	simm.s32 $0x14000  }
0xa: {  	s5 =	sadd.s32 s6, s5;
	s10 =	ssub.s32 s8, s10;
	s8 =	sadd.s32 s22, s3  }
0xb: {  	s6 =	smul.u32 $0xA, s11;
	s22 =	simm.s32 $0x14800;
	s23 =	sadd.s32 $0x4000, s8  }
0xc: {  	s5 =	sshrl.u32 s5, $0x3;
	s24 =	sadd.s32 $0x8000, s8;
	[dreg:$0x6] =	wrdreg s23  }
0xd: {  	s25 =	sadd.s32 $0xC000, s8;
	s26 =	sadd.s32 $0x10000, s8;
	[dreg:$0x7] =	wrdreg s24  }
0xe: {  	s17 =	smax.u32 s10, $0x1;
	s2 =	sadd.s32 $0xA0, s6;
	[dreg:$0x8] =	wrdreg s25  }
0xf: {  	s1 =	sadd.s32 s5, s1;
	[dreg:$0x9] =	wrdreg s26;
	s23 =	simm.s32 $0x14400  }
0x10: {  	s24 =	simm.s32 $0x14C00;
	s25 =	simm.s32 $0x80;
	s2 =	smov.u32 @p0 s6  }
0x11: {  	s26 =	simm.s32 $0x15000;
	s16 =	sadd.s32 $0x16A00, s1;
	s2 =	sshll.u32 s2, $0x7  }
0x12: {  	s1 =	simm.s32 $0x4;
	s5 =	sadd.s32 s7, s2;
	s21 =	sor.u32 $0x80, s2  }
.Ltmp0:
0x13: {  	s6 =	sadd.s32 s9, s2;
	s2 =	sadd.s32 $0x100, s2;
	(pc) =	sbr.rel .LBB2_1-.Ltmp0, $4  }
0x14: {  	s12 =	sadd.s32 s7, s21;
	s11 =	sadd.s32 s9, s21;
	s7 =	sadd.s32 s7, s2  }
0x15: {  	s15 =	sadd.s32 s9, s2;
	s10 =	sadd.s32 $0x180, s6;
	[dreg:$0x4] =	wrdreg s12  }
0x16: {  	s21 =	simm.s32 $0x6;
	s2 =	simm.s32 $0x2;
	[dreg:$0x5] =	wrdreg s11  }
0x17: {  	v0 =	vimm.f32 $0.0e+00;
	[dreg:$0xa] =	wrdreg s7;
	s11 =	sadd.s32 $0x180, s5;
	s7 =	simm.s32 $0x0  }
.LBB2_6:
0x18: {  	_ =	swait.ge [sflag:s1], $0x4000  }
0x19: {  	[sflag:s1] =	ssyncset.done $0x0  }
0x1a: {  	s9 =	simm.s32 $0x14480;
	[sflag:s1] =	ssyncadd.s32 $0xFFFFC000  }
0x1b: {  	[tilespmem:s28], [sflag:$0x2] =	stream.indirect.gather [hbm4b:s0+s25], $0x80, s9, s25, $0x2000b8;
	[tilespmem:$0x1D000] =	vst v63  }
0x1c: {  	_ =	swait.ge [sflag:s30], $0x4000  }
0x1d: {  	[sflag:s30] =	ssyncset.done $0x0  }
0x1e: {  	[sflag:s30] =	ssyncadd.s32 $0xFFFFC000  }
0x1f: {  	[spmem:s3] =	stream.indirect.scatter.add.f32 [tilespmem:s26], [sflag:$0x3], $0x80, s24, s25, $0x2000b8;
	[tilespmem:$0x1D000] =	vst v63  }
0x20: {  	_ =	swait.ge [sflag:s31], $0x4000  }
0x21: {  	[sflag:s31] =	ssyncset.done $0x0  }
0x22: {  	s13 =	simm.s32 $0x14500;
	[sflag:s31] =	ssyncadd.s32 $0xFFFFC000  }
0x23: {  	[tilespmem:s26], [sflag:$0x1] =	stream.indirect.gather [hbm4b:s0+s25], $0x80, s13, s25, $0x2000b8;
	[tilespmem:$0x1D000] =	vst v63  }
0x24: {  	_ =	swait.ge [sflag:s2], $0x4000  }
0x25: {  	[sflag:s2] =	ssyncset.done $0x0  }
0x26: {  	s14 =	simm.s32 $0x14C80;
	[sflag:s2] =	ssyncadd.s32 $0xFFFFC000  }
0x27: {  	[spmem:s3] =	stream.indirect.scatter.add.f32 [tilespmem:s28], [sflag:$0x4], $0x80, s14, s25, $0x2000b8;
	[tilespmem:$0x1D000] =	vst v63  }
0x28: {  	_ =	swait.ge [sflag:s1], $0x4000  }
0x29: {  	[sflag:s1] =	ssyncset.done $0x0  }
0x2a: {  	s18 =	simm.s32 $0x14580;
	[sflag:s1] =	ssyncadd.s32 $0xFFFFC000  }
0x2b: {  	[tilespmem:s28], [sflag:$0x2] =	stream.indirect.gather [hbm4b:s0+s25], $0x80, s18, s25, $0x2000b8;
	[tilespmem:$0x1D000] =	vst v63  }
0x2c: {  	_ =	swait.ge [sflag:s30], $0x4000  }
0x2d: {  	[sflag:s30] =	ssyncset.done $0x0  }
0x2e: {  	s19 =	simm.s32 $0x14D00;
	[sflag:s30] =	ssyncadd.s32 $0xFFFFC000  }
0x2f: {  	[spmem:s3] =	stream.indirect.scatter.add.f32 [tilespmem:s26], [sflag:$0x3], $0x80, s19, s25, $0x2000b8;
	[tilespmem:$0x1D000] =	vst v63  }
0x30: {  	_ =	swait.ge [sflag:s31], $0x4000  }
0x31: {  	[sflag:s31] =	ssyncset.done $0x0  }
0x32: {  	s12 =	simm.s32 $0x14600;
	[sflag:s31] =	ssyncadd.s32 $0xFFFFC000  }
0x33: {  	[tilespmem:s26], [sflag:$0x1] =	stream.indirect.gather [hbm4b:s0+s25], $0x80, s12, s25, $0x2000b8;
	[tilespmem:$0x1D000] =	vst v63  }
0x34: {  	_ =	swait.ge [sflag:s2], $0x4000  }
0x35: {  	[sflag:s2] =	ssyncset.done $0x0  }
0x36: {  	s13 =	simm.s32 $0x14D80;
	[sflag:s2] =	ssyncadd.s32 $0xFFFFC000  }
0x37: {  	[spmem:s3] =	stream.indirect.scatter.add.f32 [tilespmem:s28], [sflag:$0x4], $0x80, s13, s25, $0x2000b8;
	[tilespmem:$0x1D000] =	vst v63  }
0x38: {  	_ =	swait.ge [sflag:s1], $0x4000  }
0x39: {  	[sflag:s1] =	ssyncset.done $0x0  }
0x3a: {  	s14 =	simm.s32 $0x14680;
	[sflag:s1] =	ssyncadd.s32 $0xFFFFC000  }
0x3b: {  	[tilespmem:s28], [sflag:$0x2] =	stream.indirect.gather [hbm4b:s0+s25], $0x80, s14, s25, $0x2000b8;
	[tilespmem:$0x1D000] =	vst v63  }
0x3c: {  	_ =	swait.ge [sflag:s30], $0x4000  }
0x3d: {  	[sflag:s30] =	ssyncset.done $0x0  }
0x3e: {  	s18 =	simm.s32 $0x14E00;
	[sflag:s30] =	ssyncadd.s32 $0xFFFFC000  }
0x3f: {  	[spmem:s3] =	stream.indirect.scatter.add.f32 [tilespmem:s26], [sflag:$0x3], $0x80, s18, s25, $0x2000b8;
	[tilespmem:$0x1D000] =	vst v63  }
0x40: {  	_ =	swait.ge [sflag:s31], $0x4000  }
0x41: {  	[sflag:s31] =	ssyncset.done $0x0  }
0x42: {  	s19 =	simm.s32 $0x14700;
	[sflag:s31] =	ssyncadd.s32 $0xFFFFC000  }
0x43: {  	[tilespmem:s26], [sflag:$0x1] =	stream.indirect.gather [hbm4b:s0+s25], $0x80, s19, s25, $0x2000b8;
	[tilespmem:$0x1D000] =	vst v63  }
0x44: {  	_ =	swait.ge [sflag:s2], $0x4000  }
0x45: {  	[sflag:s2] =	ssyncset.done $0x0  }
0x46: {  	s12 =	simm.s32 $0x14E80;
	[sflag:s2] =	ssyncadd.s32 $0xFFFFC000  }
0x47: {  	[spmem:s3] =	stream.indirect.scatter.add.f32 [tilespmem:s28], [sflag:$0x4], $0x80, s12, s25, $0x2000b8;
	[tilespmem:$0x1D000] =	vst v63  }
0x48: {  	_ =	swait.ge [sflag:s1], $0x4000  }
0x49: {  	[sflag:s1] =	ssyncset.done $0x0  }
0x4a: {  	s13 =	simm.s32 $0x14780;
	[sflag:s1] =	ssyncadd.s32 $0xFFFFC000  }
0x4b: {  	[tilespmem:s28], [sflag:$0x2] =	stream.indirect.gather [hbm4b:s0+s25], $0x80, s13, s25, $0x2000b8;
	[tilespmem:$0x1D000] =	vst v63  }
0x4c: {  	_ =	swait.ge [sflag:s30], $0x4000  }
0x4d: {  	[sflag:s30] =	ssyncset.done $0x0  }
0x4e: {  	s14 =	simm.s32 $0x14F00;
	[sflag:s30] =	ssyncadd.s32 $0xFFFFC000  }
0x4f: {  	[spmem:s3] =	stream.indirect.scatter.add.f32 [tilespmem:s26], [sflag:$0x3], $0x80, s14, s25, $0x2000b8;
	[tilespmem:$0x1D000] =	vst v63  }
0x50: {  	_ =	swait.ge [sflag:s31], $0x4000  }
0x51: {  	[sflag:s31] =	ssyncset.done $0x0  }
0x52: {  	[sflag:s31] =	ssyncadd.s32 $0xFFFFC000  }
0x53: {  	_ =	swait.ge [sflag:s2], $0x4000  }
0x54: {  	[sflag:s2] =	ssyncset.done $0x0  }
0x55: {  	s18 =	simm.s32 $0x14F80;
	[sflag:s2] =	ssyncadd.s32 $0xFFFFC000  }
0x56: {  	[spmem:s3] =	stream.indirect.scatter.add.f32 [tilespmem:s28], [sflag:$0x4], $0x80, s18, s25, $0x2000b8;
	[tilespmem:$0x1D000] =	vst v63  }
0x57: {  	_ =	swait.ge [sflag:s1], $0x4000  }
0x58: {  	[sflag:s1] =	ssyncset.done $0x0  }
0x59: {  	[sflag:s1] =	ssyncadd.s32 $0xFFFFC000  }
0x5a: {  	_ =	strace $0x90000052  }
0x5b: {  	_ =	strace $0x80000053  }
0x5c: {  	s7 =	sadd.s32 $0x1, s7;
	s19 =	stileid.u32;
	[bflag:$0x0] =	sbarrier.arrive $0xFFFF  }
0x5d: {  	p0 =	sne.s32 s7, s17;
	s9 =	sshll.u32 s19, $0x6;
	_ =	strace $0x90000053  }
0x5e: {  	s9 =	sor.u32 $0x1C06, s9;
	s12 =	sshrl.u32 s8, $0x3;
	_ =	strace $0x80000054  }
0x5f: {  	[hbm:s16], [sflag:s9] =	dma.local [spmem:s12], $0x2800  }
.Ltmp1:
0x60: {  	_ = 	snop;
	(pc) =	sbr.rel @!p0 .LBB2_7-.Ltmp1, $4  }
0x61: {  	_ =	swait.ge [sflag:s21], $0x2800  }
0x62: {  	[sflag:s21] =	ssyncset.done $0x0  }
0x63: {  	[sflag:s21] =	ssyncadd.s32 $0xFFFFD800  }
0x64: {  	_ =	strace $0x90000054  }
.LBB2_1:
0x65: {  	_ =	strace $0x80000050  }
0x66: {  	[tilespmem:s20], [sflag:$0x6] =	stream.linear.gather [hbm4b:s5+s4], $0x400, $0x200038;
	[tilespmem:$0x1D000] =	vst v63  }
0x67: {  	_ =	swait.ge [sflag:s21], $0x400  }
0x68: {  	[sflag:s21] =	ssyncset.done $0x0  }
0x69: {  	[sflag:s21] =	ssyncadd.s32 $0xFFFFFC00  }
0x6a: {  	[tilespmem:s22], [sflag:$0x6] =	stream.linear.gather [hbm4b:s6+s4], $0x400, $0x200038;
	[tilespmem:$0x1D000] =	vst v63  }
0x6b: {  	_ =	swait.ge [sflag:s21], $0x400  }
0x6c: {  	[sflag:s21] =	ssyncset.done $0x0  }
0x6d: {  	s9 =	rddreg [dreg:$0x4];
	[sflag:s21] =	ssyncadd.s32 $0xFFFFFC00  }
0x6e: {  	[tilespmem:s23], [sflag:$0x5] =	stream.linear.gather [hbm4b:s9+s4], $0x400, $0x200038;
	[tilespmem:$0x1D000] =	vst v63  }
0x6f: {  	s19 =	rddreg [dreg:$0x5]  }
0x70: {  	[tilespmem:s24], [sflag:$0x5] =	stream.linear.gather [hbm4b:s19+s4], $0x400, $0x200038;
	[tilespmem:$0x1D000] =	vst v63  }
0x71: {  	_ = 	snop  }
0x72: {  	[tilespmem:s26], [sflag:$0x1] =	stream.indirect.gather [hbm4b:s0+s25], $0x80, s20, s25, $0x2000b8;
	[tilespmem:$0x1D000] =	vst v63  }
0x73: {  	_ =	strace $0x90000050  }
0x74: {  	s12 =	simm.s32 $0x200;
	s9 =	simm.s32 $0x0;
	_ =	strace $0x80000051  }
.LBB2_2:
0x75: {  	p0 =	sne.s32 s12, $0xFE00;
	[tilespmem:s9+$0x19070] =	vst v0  }
0x76: {  	[tilespmem:s9+$0x19000] =	vst v0  }
0x77: {  	[tilespmem:s9+$0x19010] =	vst v0  }
.Ltmp2:
0x78: {  	[tilespmem:s9+$0x19020] =	vst v0;
	(pc) =	sbr.rel @p0 .LBB2_2-.Ltmp2, $4  }
0x79: {  	[tilespmem:s9+$0x19030] =	vst v0  }
0x7a: {  	[tilespmem:s9+$0x19040] =	vst v0  }
0x7b: {  	[tilespmem:s9+$0x19050] =	vst v0  }
0x7c: {  	[tilespmem:s9+$0x19060] =	vst v0;
	s9 =	sshra.s32 s12, $0x2;
	s12 =	sadd.s32 $0x200, s12  }
0x7d: {  	[tilespmem:s9+$0x19070] =	vst v0  }
0x7e: {  	[tilespmem:s9+$0x19000] =	vst v0  }
0x7f: {  	[tilespmem:s9+$0x19010] =	vst v0  }
0x80: {  	[tilespmem:s9+$0x19020] =	vst v0  }
0x81: {  	[tilespmem:s9+$0x19030] =	vst v0  }
0x82: {  	[tilespmem:s9+$0x19040] =	vst v0  }
0x83: {  	[tilespmem:s9+$0x19050] =	vst v0  }
0x84: {  	[tilespmem:s9+$0x19060] =	vst v0  }
0x85: {  	[spmem:s8] =	stream.linear.scatter [tilespmem:s28], [sflag:$0x6], $0x4000, $0x200038;
	[tilespmem:$0x1D000] =	vst v63  }
0x86: {  	_ =	swait.ge [sflag:s21], $0x4000  }
0x87: {  	[sflag:s21] =	ssyncset.done $0x0  }
0x88: {  	s13 =	rddreg [dreg:$0x6];
	[sflag:s21] =	ssyncadd.s32 $0xFFFFC000  }
0x89: {  	[spmem:s13] =	stream.linear.scatter [tilespmem:s28], [sflag:$0x6], $0x4000, $0x200038;
	[tilespmem:$0x1D000] =	vst v63  }
0x8a: {  	_ =	swait.ge [sflag:s21], $0x4000  }
0x8b: {  	[sflag:s21] =	ssyncset.done $0x0  }
0x8c: {  	s14 =	rddreg [dreg:$0x7];
	[sflag:s21] =	ssyncadd.s32 $0xFFFFC000  }
0x8d: {  	[spmem:s14] =	stream.linear.scatter [tilespmem:s28], [sflag:$0x6], $0x4000, $0x200038;
	[tilespmem:$0x1D000] =	vst v63  }
0x8e: {  	_ =	swait.ge [sflag:s21], $0x4000  }
0x8f: {  	[sflag:s21] =	ssyncset.done $0x0  }
0x90: {  	s18 =	rddreg [dreg:$0x8];
	[sflag:s21] =	ssyncadd.s32 $0xFFFFC000  }
0x91: {  	[spmem:s18] =	stream.linear.scatter [tilespmem:s28], [sflag:$0x6], $0x4000, $0x200038;
	[tilespmem:$0x1D000] =	vst v63  }
0x92: {  	_ =	swait.ge [sflag:s21], $0x4000  }
0x93: {  	[sflag:s21] =	ssyncset.done $0x0  }
0x94: {  	s19 =	rddreg [dreg:$0x9];
	[sflag:s21] =	ssyncadd.s32 $0xFFFFC000  }
0x95: {  	[spmem:s19] =	stream.linear.scatter [tilespmem:s28], [sflag:$0x6], $0x4000, $0x200038;
	[tilespmem:$0x1D000] =	vst v63  }
0x96: {  	_ =	swait.ge [sflag:s21], $0x4000  }
0x97: {  	[sflag:s21] =	ssyncset.done $0x0  }
0x98: {  	[sflag:s21] =	ssyncadd.s32 $0xFFFFC000  }
0x99: {  	[bflag:$0x0] =	sbarrier.arrive $0xFFFF  }
0x9a: {  	_ =	strace $0x90000051  }
0x9b: {  	s12 =	simm.s32 $0x14080;
	_ =	strace $0x80000052  }
0x9c: {  	[tilespmem:s28], [sflag:$0x2] =	stream.indirect.gather [hbm4b:s0+s25], $0x80, s12, s25, $0x2000b8;
	[tilespmem:$0x1D000] =	vst v63  }
0x9d: {  	_ =	swait.ge [sflag:s30], $0x4000  }
0x9e: {  	[sflag:s30] =	ssyncset.done $0x0  }
0x9f: {  	[sflag:s30] =	ssyncadd.s32 $0xFFFFC000  }
0xa0: {  	[spmem:s3] =	stream.indirect.scatter.add.f32 [tilespmem:s26], [sflag:$0x3], $0x80, s22, s25, $0x2000b8;
	[tilespmem:$0x1D000] =	vst v63  }
0xa1: {  	_ =	swait.ge [sflag:s31], $0x4000  }
0xa2: {  	[sflag:s31] =	ssyncset.done $0x0  }
0xa3: {  	s13 =	simm.s32 $0x14100;
	[sflag:s31] =	ssyncadd.s32 $0xFFFFC000  }
0xa4: {  	[tilespmem:s26], [sflag:$0x1] =	stream.indirect.gather [hbm4b:s0+s25], $0x80, s13, s25, $0x2000b8;
	[tilespmem:$0x1D000] =	vst v63  }
0xa5: {  	_ =	swait.ge [sflag:s2], $0x4000  }
0xa6: {  	[sflag:s2] =	ssyncset.done $0x0  }
0xa7: {  	s14 =	simm.s32 $0x14880;
	[sflag:s2] =	ssyncadd.s32 $0xFFFFC000  }
0xa8: {  	[spmem:s3] =	stream.indirect.scatter.add.f32 [tilespmem:s28], [sflag:$0x4], $0x80, s14, s25, $0x2000b8;
	[tilespmem:$0x1D000] =	vst v63  }
0xa9: {  	_ =	swait.ge [sflag:s1], $0x4000  }
0xaa: {  	[sflag:s1] =	ssyncset.done $0x0  }
0xab: {  	s18 =	simm.s32 $0x14180;
	[sflag:s1] =	ssyncadd.s32 $0xFFFFC000  }
0xac: {  	[tilespmem:s28], [sflag:$0x2] =	stream.indirect.gather [hbm4b:s0+s25], $0x80, s18, s25, $0x2000b8;
	[tilespmem:$0x1D000] =	vst v63  }
0xad: {  	_ =	swait.ge [sflag:s30], $0x4000  }
0xae: {  	[sflag:s30] =	ssyncset.done $0x0  }
0xaf: {  	s19 =	simm.s32 $0x14900;
	[sflag:s30] =	ssyncadd.s32 $0xFFFFC000  }
0xb0: {  	[spmem:s3] =	stream.indirect.scatter.add.f32 [tilespmem:s26], [sflag:$0x3], $0x80, s19, s25, $0x2000b8;
	[tilespmem:$0x1D000] =	vst v63  }
0xb1: {  	_ =	swait.ge [sflag:s31], $0x4000  }
0xb2: {  	[sflag:s31] =	ssyncset.done $0x0  }
0xb3: {  	s12 =	simm.s32 $0x14200;
	[sflag:s31] =	ssyncadd.s32 $0xFFFFC000  }
0xb4: {  	[tilespmem:s26], [sflag:$0x1] =	stream.indirect.gather [hbm4b:s0+s25], $0x80, s12, s25, $0x2000b8;
	[tilespmem:$0x1D000] =	vst v63  }
0xb5: {  	_ =	swait.ge [sflag:s2], $0x4000  }
0xb6: {  	[sflag:s2] =	ssyncset.done $0x0  }
0xb7: {  	s13 =	simm.s32 $0x14980;
	[sflag:s2] =	ssyncadd.s32 $0xFFFFC000  }
0xb8: {  	[spmem:s3] =	stream.indirect.scatter.add.f32 [tilespmem:s28], [sflag:$0x4], $0x80, s13, s25, $0x2000b8;
	[tilespmem:$0x1D000] =	vst v63  }
0xb9: {  	_ =	swait.ge [sflag:s1], $0x4000  }
0xba: {  	[sflag:s1] =	ssyncset.done $0x0  }
0xbb: {  	s14 =	simm.s32 $0x14280;
	[sflag:s1] =	ssyncadd.s32 $0xFFFFC000  }
0xbc: {  	[tilespmem:s28], [sflag:$0x2] =	stream.indirect.gather [hbm4b:s0+s25], $0x80, s14, s25, $0x2000b8;
	[tilespmem:$0x1D000] =	vst v63  }
0xbd: {  	_ =	swait.ge [sflag:s30], $0x4000  }
0xbe: {  	[sflag:s30] =	ssyncset.done $0x0  }
0xbf: {  	s18 =	simm.s32 $0x14A00;
	[sflag:s30] =	ssyncadd.s32 $0xFFFFC000  }
0xc0: {  	[spmem:s3] =	stream.indirect.scatter.add.f32 [tilespmem:s26], [sflag:$0x3], $0x80, s18, s25, $0x2000b8;
	[tilespmem:$0x1D000] =	vst v63  }
0xc1: {  	_ =	swait.ge [sflag:s31], $0x4000  }
0xc2: {  	[sflag:s31] =	ssyncset.done $0x0  }
0xc3: {  	s19 =	simm.s32 $0x14300;
	[sflag:s31] =	ssyncadd.s32 $0xFFFFC000  }
0xc4: {  	[tilespmem:s26], [sflag:$0x1] =	stream.indirect.gather [hbm4b:s0+s25], $0x80, s19, s25, $0x2000b8;
	[tilespmem:$0x1D000] =	vst v63  }
0xc5: {  	_ =	swait.ge [sflag:s2], $0x4000  }
0xc6: {  	[sflag:s2] =	ssyncset.done $0x0  }
0xc7: {  	s12 =	simm.s32 $0x14A80;
	[sflag:s2] =	ssyncadd.s32 $0xFFFFC000  }
0xc8: {  	[spmem:s3] =	stream.indirect.scatter.add.f32 [tilespmem:s28], [sflag:$0x4], $0x80, s12, s25, $0x2000b8;
	[tilespmem:$0x1D000] =	vst v63  }
0xc9: {  	_ =	swait.ge [sflag:s1], $0x4000  }
0xca: {  	[sflag:s1] =	ssyncset.done $0x0  }
0xcb: {  	s13 =	simm.s32 $0x14380;
	[sflag:s1] =	ssyncadd.s32 $0xFFFFC000  }
0xcc: {  	[tilespmem:s28], [sflag:$0x2] =	stream.indirect.gather [hbm4b:s0+s25], $0x80, s13, s25, $0x2000b8;
	[tilespmem:$0x1D000] =	vst v63  }
0xcd: {  	_ =	swait.ge [sflag:s30], $0x4000  }
0xce: {  	[sflag:s30] =	ssyncset.done $0x0  }
0xcf: {  	s14 =	simm.s32 $0x14B00;
	[sflag:s30] =	ssyncadd.s32 $0xFFFFC000  }
0xd0: {  	[spmem:s3] =	stream.indirect.scatter.add.f32 [tilespmem:s26], [sflag:$0x3], $0x80, s14, s25, $0x2000b8;
	[tilespmem:$0x1D000] =	vst v63  }
0xd1: {  	_ =	swait.ge [sflag:s29], $0x400  }
0xd2: {  	[sflag:s29] =	ssyncset.done $0x0  }
0xd3: {  	[sflag:s29] =	ssyncadd.s32 $0xFFFFFC00  }
0xd4: {  	_ =	swait.ge [sflag:s29], $0x400  }
0xd5: {  	[sflag:s29] =	ssyncset.done $0x0  }
0xd6: {  	[sflag:s29] =	ssyncadd.s32 $0xFFFFFC00  }
0xd7: {  	_ =	swait.ge [sflag:s31], $0x4000  }
0xd8: {  	[sflag:s31] =	ssyncset.done $0x0  }
0xd9: {  	[sflag:s31] =	ssyncadd.s32 $0xFFFFC000  }
0xda: {  	[tilespmem:s26], [sflag:$0x1] =	stream.indirect.gather [hbm4b:s0+s25], $0x80, s23, s25, $0x2000b8;
	[tilespmem:$0x1D000] =	vst v63  }
0xdb: {  	_ =	swait.ge [sflag:s2], $0x4000  }
0xdc: {  	[sflag:s2] =	ssyncset.done $0x0  }
0xdd: {  	s18 =	simm.s32 $0x14B80;
	[sflag:s2] =	ssyncadd.s32 $0xFFFFC000  }
0xde: {  	[spmem:s3] =	stream.indirect.scatter.add.f32 [tilespmem:s28], [sflag:$0x4], $0x80, s18, s25, $0x2000b8;
	[tilespmem:$0x1D000] =	vst v63  }
0xdf: {  	s19 =	rddreg [dreg:$0xa]  }
0xe0: {  	[tilespmem:s20], [sflag:$0x5] =	stream.linear.gather [hbm4b:s19+s4], $0x400, $0x200038;
	[tilespmem:$0x1D000] =	vst v63  }
0xe1: {  	s9 =	simm.s32 $0x400;
	s18 =	smov.u32 s11;
	s19 =	smov.u32 s10  }
0xe2: {  	[tilespmem:s22], [sflag:$0x5] =	stream.linear.gather [hbm4b:s15+s4], $0x400, $0x200038;
	[tilespmem:$0x1D000] =	vst v63  }
.LBB2_4:
0xe3: {  	_ =	swait.ge [sflag:s1], $0x4000  }
0xe4: {  	s12 =	sand.u32 $0x400, s9;
	[sflag:s1] =	ssyncset.done $0x0  }
0xe5: {  	s13 =	sor.u32 $0x14080, s12;
	[sflag:s1] =	ssyncadd.s32 $0xFFFFC000  }
0xe6: {  	[tilespmem:s28], [sflag:$0x2] =	stream.indirect.gather [hbm4b:s0+s25], $0x80, s13, s25, $0x2000b8;
	[tilespmem:$0x1D000] =	vst v63  }
0xe7: {  	_ =	swait.ge [sflag:s30], $0x4000  }
0xe8: {  	[sflag:s30] =	ssyncset.done $0x0  }
0xe9: {  	s13 =	sor.u32 $0x14800, s12;
	[sflag:s30] =	ssyncadd.s32 $0xFFFFC000  }
0xea: {  	[spmem:s3] =	stream.indirect.scatter.add.f32 [tilespmem:s26], [sflag:$0x3], $0x80, s13, s25, $0x2000b8;
	[tilespmem:$0x1D000] =	vst v63  }
0xeb: {  	_ =	swait.ge [sflag:s31], $0x4000  }
0xec: {  	[sflag:s31] =	ssyncset.done $0x0  }
0xed: {  	s14 =	sor.u32 $0x14100, s12;
	[sflag:s31] =	ssyncadd.s32 $0xFFFFC000  }
0xee: {  	[tilespmem:s26], [sflag:$0x1] =	stream.indirect.gather [hbm4b:s0+s25], $0x80, s14, s25, $0x2000b8;
	[tilespmem:$0x1D000] =	vst v63  }
0xef: {  	_ =	swait.ge [sflag:s2], $0x4000  }
0xf0: {  	[sflag:s2] =	ssyncset.done $0x0  }
0xf1: {  	s14 =	sor.u32 $0x14880, s12;
	[sflag:s2] =	ssyncadd.s32 $0xFFFFC000  }
0xf2: {  	[spmem:s3] =	stream.indirect.scatter.add.f32 [tilespmem:s28], [sflag:$0x4], $0x80, s14, s25, $0x2000b8;
	[tilespmem:$0x1D000] =	vst v63  }
0xf3: {  	_ =	swait.ge [sflag:s1], $0x4000  }
0xf4: {  	[sflag:s1] =	ssyncset.done $0x0  }
0xf5: {  	s14 =	sor.u32 $0x14180, s12;
	[sflag:s1] =	ssyncadd.s32 $0xFFFFC000  }
0xf6: {  	[tilespmem:s28], [sflag:$0x2] =	stream.indirect.gather [hbm4b:s0+s25], $0x80, s14, s25, $0x2000b8;
	[tilespmem:$0x1D000] =	vst v63  }
0xf7: {  	_ =	swait.ge [sflag:s30], $0x4000  }
0xf8: {  	[sflag:s30] =	ssyncset.done $0x0  }
0xf9: {  	s14 =	sor.u32 $0x14900, s12;
	[sflag:s30] =	ssyncadd.s32 $0xFFFFC000  }
0xfa: {  	[spmem:s3] =	stream.indirect.scatter.add.f32 [tilespmem:s26], [sflag:$0x3], $0x80, s14, s25, $0x2000b8;
	[tilespmem:$0x1D000] =	vst v63  }
0xfb: {  	_ =	swait.ge [sflag:s31], $0x4000  }
0xfc: {  	[sflag:s31] =	ssyncset.done $0x0  }
0xfd: {  	s14 =	sor.u32 $0x14200, s12;
	[sflag:s31] =	ssyncadd.s32 $0xFFFFC000  }
0xfe: {  	[tilespmem:s26], [sflag:$0x1] =	stream.indirect.gather [hbm4b:s0+s25], $0x80, s14, s25, $0x2000b8;
	[tilespmem:$0x1D000] =	vst v63  }
0xff: {  	_ =	swait.ge [sflag:s2], $0x4000  }
0x100: {  	[sflag:s2] =	ssyncset.done $0x0  }
0x101: {  	s14 =	sor.u32 $0x14980, s12;
	[sflag:s2] =	ssyncadd.s32 $0xFFFFC000  }
0x102: {  	[spmem:s3] =	stream.indirect.scatter.add.f32 [tilespmem:s28], [sflag:$0x4], $0x80, s14, s25, $0x2000b8;
	[tilespmem:$0x1D000] =	vst v63  }
0x103: {  	_ =	swait.ge [sflag:s1], $0x4000  }
0x104: {  	[sflag:s1] =	ssyncset.done $0x0  }
0x105: {  	s14 =	sor.u32 $0x14280, s12;
	[sflag:s1] =	ssyncadd.s32 $0xFFFFC000  }
0x106: {  	[tilespmem:s28], [sflag:$0x2] =	stream.indirect.gather [hbm4b:s0+s25], $0x80, s14, s25, $0x2000b8;
	[tilespmem:$0x1D000] =	vst v63  }
0x107: {  	_ =	swait.ge [sflag:s30], $0x4000  }
0x108: {  	[sflag:s30] =	ssyncset.done $0x0  }
0x109: {  	s14 =	sor.u32 $0x14A00, s12;
	[sflag:s30] =	ssyncadd.s32 $0xFFFFC000  }
0x10a: {  	[spmem:s3] =	stream.indirect.scatter.add.f32 [tilespmem:s26], [sflag:$0x3], $0x80, s14, s25, $0x2000b8;
	[tilespmem:$0x1D000] =	vst v63  }
0x10b: {  	_ =	swait.ge [sflag:s31], $0x4000  }
0x10c: {  	[sflag:s31] =	ssyncset.done $0x0  }
0x10d: {  	s14 =	sor.u32 $0x14300, s12;
	[sflag:s31] =	ssyncadd.s32 $0xFFFFC000  }
0x10e: {  	[tilespmem:s26], [sflag:$0x1] =	stream.indirect.gather [hbm4b:s0+s25], $0x80, s14, s25, $0x2000b8;
	[tilespmem:$0x1D000] =	vst v63  }
0x10f: {  	_ =	swait.ge [sflag:s2], $0x4000  }
0x110: {  	[sflag:s2] =	ssyncset.done $0x0  }
0x111: {  	s14 =	sor.u32 $0x14A80, s12;
	[sflag:s2] =	ssyncadd.s32 $0xFFFFC000  }
0x112: {  	[spmem:s3] =	stream.indirect.scatter.add.f32 [tilespmem:s28], [sflag:$0x4], $0x80, s14, s25, $0x2000b8;
	[tilespmem:$0x1D000] =	vst v63  }
0x113: {  	_ =	swait.ge [sflag:s1], $0x4000  }
0x114: {  	[sflag:s1] =	ssyncset.done $0x0  }
0x115: {  	s14 =	sor.u32 $0x14380, s12;
	[sflag:s1] =	ssyncadd.s32 $0xFFFFC000  }
0x116: {  	[tilespmem:s28], [sflag:$0x2] =	stream.indirect.gather [hbm4b:s0+s25], $0x80, s14, s25, $0x2000b8;
	[tilespmem:$0x1D000] =	vst v63  }
0x117: {  	_ =	swait.ge [sflag:s30], $0x4000  }
0x118: {  	[sflag:s30] =	ssyncset.done $0x0  }
0x119: {  	s14 =	sor.u32 $0x14B00, s12;
	[sflag:s30] =	ssyncadd.s32 $0xFFFFC000  }
0x11a: {  	[spmem:s3] =	stream.indirect.scatter.add.f32 [tilespmem:s26], [sflag:$0x3], $0x80, s14, s25, $0x2000b8;
	[tilespmem:$0x1D000] =	vst v63  }
0x11b: {  	_ =	swait.ge [sflag:s29], $0x400  }
0x11c: {  	[sflag:s29] =	ssyncset.done $0x0  }
0x11d: {  	[sflag:s29] =	ssyncadd.s32 $0xFFFFFC00  }
0x11e: {  	_ =	swait.ge [sflag:s29], $0x400  }
0x11f: {  	[sflag:s29] =	ssyncset.done $0x0  }
0x120: {  	[sflag:s29] =	ssyncadd.s32 $0xFFFFFC00  }
0x121: {  	_ =	swait.ge [sflag:s31], $0x4000  }
0x122: {  	[sflag:s31] =	ssyncset.done $0x0  }
0x123: {  	p0 =	seq.s32 s9, $0x2000;
	s14 =	sxor.u32 $0x14400, s12;
	[sflag:s31] =	ssyncadd.s32 $0xFFFFC000  }
0x124: {  	[tilespmem:s26], [sflag:$0x1] =	stream.indirect.gather [hbm4b:s0+s25], $0x80, s14, s25, $0x2000b8;
	[tilespmem:$0x1D000] =	vst v63  }
.Ltmp3:
0x125: {  	_ = 	snop;
	(pc) =	sbr.rel @p0 .LBB2_6-.Ltmp3, $4  }
0x126: {  	_ =	swait.ge [sflag:s2], $0x4000  }
0x127: {  	[sflag:s2] =	ssyncset.done $0x0  }
0x128: {  	s14 =	sor.u32 $0x14B80, s12;
	[sflag:s2] =	ssyncadd.s32 $0xFFFFC000  }
0x129: {  	[spmem:s3] =	stream.indirect.scatter.add.f32 [tilespmem:s28], [sflag:$0x4], $0x80, s14, s25, $0x2000b8;
	[tilespmem:$0x1D000] =	vst v63  }
.Ltmp4:
0x12a: {  	s12 =	sor.u32 $0x14000, s12;
	(pc) =	sbr.rel .LBB2_4-.Ltmp4, $4  }
0x12b: {  	[tilespmem:s12], [sflag:$0x5] =	stream.linear.gather [hbm4b:s18+s4], $0x400, $0x200038;
	[tilespmem:$0x1D000] =	vst v63  }
0x12c: {  	_ = 	snop  }
0x12d: {  	[tilespmem:s13], [sflag:$0x5] =	stream.linear.gather [hbm4b:s19+s4], $0x400, $0x200038;
	[tilespmem:$0x1D000] =	vst v63  }
0x12e: {  	s9 =	sadd.s32 $0x400, s9;
	s18 =	sadd.s32 $0x80, s18;
	s19 =	sadd.s32 $0x80, s19  }
.LBB2_7:
0x12f: {  	_ =	sfence.sel $0x180000  }
0x130: {  	[bflag:$0x0] =	sbarrier.arrive $0xFFFF  }
0x131: {  	_ =	strace $0x9000004F  }
0x132: {  	s0 =	stileid.u32;
	[bflag:$0x2] =	sbarrier.arrive $0xFFFF  }
0x133: {  	p0 =	sne.s32 s0, $0x0;
	s0 =	rddreg [dreg:$0x3]  }
0x134: {  	s0 =	sadd.s32 @!p0 $0x100000, s0  }
0x135: {  	[sflag:s0] =	ssyncadd.tile.s32 @!p0 $0x1;
	_ =	shalt  }
.Lfunc_end2:
_tile_overlayer_lowered:
.L_overlay_start_2:
0x136: {  	(tag) =	ssettag $0x2  }
0x137: {  	s0 =	rddreg [dreg:$0x0];
	s2 =	stileid.u32  }
0x138: {  	s1 =	rddreg [dreg:$0x1];
	p0 =	sne.s32 s2, $0x0  }
0x139: {  	s3 =	rddreg [dreg:$0x2];
	[bflag:$0x3] =	sbarrier.arrive $0xFFFF;
	s2 =	simm.s32 @!p0 $0x1C06  }
0x13a: {  	[timem:s3], [sflag:s2] =	dma.local @!p0 [hbm:s0], s1  }
0x13b: {  	s0 =	simm.s32 @!p0 $0x6  }
0x13c: {  	_ =	swait.ge @!p0 [sflag:s0], s1  }
0x13d: {  	s1 =	ssub.s32 @!p0 $0x0, s1;
	[sflag:s0] =	ssyncset.done @!p0 $0x0  }
0x13e: {  	[sflag:s0] =	ssyncadd.s32 @!p0 s1  }
0x13f: {  	[bflag:$0x3] =	sbarrier.arrive $0xFFFF  }
0x140: {  	_ =	shalt  }

</sc_bundles>
